<compile_context>
chip_gen: v7x
topology: tpu7x:2x2x1
jax: 0.10.2.dev20260603
libtpu: 0.0.44.dev20260713+nightly
codegen_flags: <defaults>
</compile_context>

<pallas_src>
import functools

import jax
import jax.numpy as jnp
from jax import lax
from jax.experimental import pallas as pl
from jax.experimental.pallas import tpu as pltpu
from jax.experimental.pallas import tpu_sc as plsc

B, C, H, W = 16, 3, 512, 512
N = B * H * W
NSUB = 32
PER_SUB = N // NSUB
CHUNK = 16384
NCHUNK = PER_SUB // CHUNK
L = 16
UNROLL = 8
NHIST = 4
NB = 1024
SHIFT1 = 20
SHIFT2 = 10
H1_STRIDE = NB * L
H2_BINS = 1032
H2_STRIDE = H2_BINS * L
R_HIGH = 10486
R_LOW = 10487

_mesh = plsc.VectorSubcoreMesh(
    core_axis_name="c", subcore_axis_name="s", num_cores=2, num_subcores=16
)
_sc_params = pltpu.CompilerParams(needs_layout_passes=False)


def _gray_body(img_ref, out_ref):
  r = img_ref[0, 0]
  g = img_ref[0, 1]
  b = img_ref[0, 2]
  out_ref[...] = (0.2989 * r + 0.587 * g + 0.114 * b).reshape(H * W)


def _grayscale(img):
  return pl.pallas_call(
      _gray_body,
      out_shape=jax.ShapeDtypeStruct((N,), jnp.float32),
      grid=(B,),
      in_specs=[pl.BlockSpec((1, C, H, W), lambda i: (i, 0, 0, 0))],
      out_specs=pl.BlockSpec((H * W,), lambda i: (i,)),
  )(img)


def _zero_hist(hist, nwords):
  zeros = jnp.zeros((L,), jnp.int32)

  @plsc.parallel_loop(0, nwords, step=L * UNROLL, unroll=4)
  def _(i):
    for u in range(UNROLL):
      hist[pl.ds(i + u * L, L)] = zeros


def _reduce_hists(hist, out, stride, nwords):

  @plsc.parallel_loop(0, nwords, step=L, unroll=4)
  def _(i):
    acc = hist[pl.ds(i, L)]
    for h in range(1, NHIST):
      acc = acc + hist[pl.ds(h * stride + i, L)]
    out[pl.ds(i, L)] = acc


def _stream_chunks(gray_hbm, base, buf0, buf1, sem0, sem1, process, carry):
  pltpu.async_copy(gray_hbm.at[pl.ds(base, CHUNK)], buf0, sem0)
  pltpu.async_copy(gray_hbm.at[pl.ds(base + CHUNK, CHUNK)], buf1, sem1)

  def wait(buf, sem):
    pltpu.make_async_copy(gray_hbm.at[pl.ds(0, CHUNK)], buf, sem).wait()

  def body(i, c2):
    c = 2 * i
    wait(buf0, sem0)
    c2 = process(buf0, c2)
    pltpu.async_copy(
        gray_hbm.at[pl.ds(base + (c + 2) * CHUNK, CHUNK)], buf0, sem0)
    wait(buf1, sem1)
    c2 = process(buf1, c2)
    pltpu.async_copy(
        gray_hbm.at[pl.ds(base + (c + 3) * CHUNK, CHUNK)], buf1, sem1)
    return c2

  carry = lax.fori_loop(0, NCHUNK // 2 - 1, body, carry)
  wait(buf0, sem0)
  carry = process(buf0, carry)
  wait(buf1, sem1)
  carry = process(buf1, carry)
  return carry


@functools.partial(
    pl.kernel,
    mesh=_mesh,
    out_type=jax.ShapeDtypeStruct((NSUB, H1_STRIDE), jnp.int32),
    scratch_types=[
        pltpu.VMEM((CHUNK,), jnp.float32),
        pltpu.VMEM((CHUNK,), jnp.float32),
        pltpu.VMEM((NHIST * H1_STRIDE,), jnp.int32),
        pltpu.VMEM((H1_STRIDE,), jnp.int32),
        pltpu.SemaphoreType.DMA,
        pltpu.SemaphoreType.DMA,
    ],
    compiler_params=_sc_params,
)
def _sc_round1(gray_hbm, out_hbm, buf0, buf1, hist, red, sem0, sem1):
  wid = lax.axis_index("s") * 2 + lax.axis_index("c")
  _zero_hist(hist, NHIST * H1_STRIDE)
  lane = lax.iota(jnp.int32, L)
  lanes = [lane + h * H1_STRIDE for h in range(NHIST)]
  ones = jnp.ones((L,), jnp.int32)

  def process(buf, carry):
    @plsc.parallel_loop(0, CHUNK, step=L * NHIST, unroll=2)
    def _(i):
      for h in range(NHIST):
        x = buf[pl.ds(i + h * L, L)]
        bits = plsc.bitcast(x, jnp.int32)
        idx = lax.shift_left(
            lax.shift_right_logical(bits, SHIFT1), 4) + lanes[h]
        plsc.addupdate_scatter(hist, [idx], ones)

    return carry

  _stream_chunks(gray_hbm, wid * PER_SUB, buf0, buf1, sem0, sem1, process, 0)
  _reduce_hists(hist, red, H1_STRIDE, H1_STRIDE)
  pltpu.sync_copy(red, out_hbm.at[wid])


@functools.partial(
    pl.kernel,
    mesh=_mesh,
    out_type=jax.ShapeDtypeStruct((NSUB, H2_STRIDE), jnp.int32),
    scratch_types=[
        pltpu.VMEM((CHUNK,), jnp.float32),
        pltpu.VMEM((CHUNK,), jnp.float32),
        pltpu.VMEM((L,), jnp.int32),
        pltpu.VMEM((NHIST * H2_STRIDE,), jnp.int32),
        pltpu.VMEM((H2_STRIDE,), jnp.int32),
        pltpu.SemaphoreType.DMA,
        pltpu.SemaphoreType.DMA,
    ],
    compiler_params=_sc_params,
)
def _sc_round2(gray_hbm, lo_hbm, out_hbm,
               buf0, buf1, lov, hist, red, sem0, sem1):
  wid = lax.axis_index("s") * 2 + lax.axis_index("c")
  pltpu.sync_copy(lo_hbm, lov)
  _zero_hist(hist, NHIST * H2_STRIDE)
  lo = lov[...]
  lane = lax.iota(jnp.int32, L)
  lanes = [lane + h * H2_STRIDE for h in range(NHIST)]
  ones = jnp.ones((L,), jnp.int32)
  junk = jnp.full((L,), NB, jnp.int32)

  def process(buf, carry):
    @plsc.parallel_loop(0, CHUNK, step=L * NHIST, unroll=2)
    def _(i):
      for h in range(NHIST):
        x = buf[pl.ds(i + h * L, L)]
        d = plsc.bitcast(x, jnp.int32) - lo
        b = jnp.minimum(lax.shift_right_logical(d, SHIFT2), junk)
        idx = lax.shift_left(b, 4) + lanes[h]
        plsc.addupdate_scatter(hist, [idx], ones)

    return carry

  _stream_chunks(gray_hbm, wid * PER_SUB, buf0, buf1, sem0, sem1, process, 0)
  _reduce_hists(hist, red, H2_STRIDE, H2_STRIDE)
  pltpu.sync_copy(red, out_hbm.at[wid])


@functools.partial(
    pl.kernel,
    mesh=_mesh,
    out_type=(
        jax.ShapeDtypeStruct((NSUB, H2_STRIDE), jnp.int32),
        jax.ShapeDtypeStruct((NSUB, L), jnp.uint32),
    ),
    scratch_types=[
        pltpu.VMEM((CHUNK,), jnp.float32),
        pltpu.VMEM((CHUNK,), jnp.float32),
        pltpu.VMEM((L,), jnp.int32),
        pltpu.VMEM((NHIST * H2_STRIDE,), jnp.int32),
        pltpu.VMEM((H2_STRIDE,), jnp.int32),
        pltpu.VMEM((L,), jnp.uint32),
        pltpu.SemaphoreType.DMA,
        pltpu.SemaphoreType.DMA,
    ],
    compiler_params=_sc_params,
)
def _sc_round3(gray_hbm, lo_hbm, out_hbm, min_hbm,
               buf0, buf1, lov, hist, red, minv, sem0, sem1):
  wid = lax.axis_index("s") * 2 + lax.axis_index("c")
  pltpu.sync_copy(lo_hbm, lov)
  _zero_hist(hist, NHIST * H2_STRIDE)
  lo = plsc.bitcast(lov[...], jnp.uint32)
  lane = lax.iota(jnp.int32, L)
  lanes = [lane + h * H2_STRIDE for h in range(NHIST)]
  ones = jnp.ones((L,), jnp.int32)
  junk = jnp.full((L,), NB, jnp.uint32)
  u_init = jnp.full((L,), 0xFFFFFFFF, jnp.uint32)

  def process(buf, acc):
    @plsc.parallel_loop(0, CHUNK, step=L * NHIST, unroll=2, carry=acc)
    def body(i, acc2):
      for h in range(NHIST):
        x = buf[pl.ds(i + h * L, L)]
        d = plsc.bitcast(x, jnp.uint32) - lo
        b = plsc.bitcast(jnp.minimum(d, junk), jnp.int32)
        idx = lax.shift_left(b, 4) + lanes[h]
        plsc.addupdate_scatter(hist, [idx], ones)
        acc2 = jnp.minimum(acc2, d - junk)
      return acc2

    return body

  acc = _stream_chunks(
      gray_hbm, wid * PER_SUB, buf0, buf1, sem0, sem1, process, u_init)
  minv[...] = acc
  _reduce_hists(hist, red, H2_STRIDE, H2_STRIDE)
  pltpu.sync_copy(red, out_hbm.at[wid])
  pltpu.sync_copy(minv, min_hbm.at[wid])


def _cmp_body(t_ref, gray_ref, out_ref):
  mask = (gray_ref[...] >= t_ref[0, 0]).astype(jnp.int32)
  out_ref[...] = mask.reshape(1, 1, H, W)


def _compare(gray, t):
  return pl.pallas_call(
      _cmp_body,
      out_shape=jax.ShapeDtypeStruct((B, 1, H, W), jnp.int32),
      grid=(B,),
      in_specs=[
          pl.BlockSpec(memory_space=pltpu.SMEM),
          pl.BlockSpec((H * W,), lambda i: (i,)),
      ],
      out_specs=pl.BlockSpec((1, 1, H, W), lambda i: (i, 0, 0, 0)),
  )(t.reshape(1, 1), gray)


def _suffix_count(hist):
  s = jnp.cumsum(hist[::-1])[::-1]
  return jnp.concatenate([s, jnp.zeros((1,), s.dtype)])


def _bcast(v):
  return jnp.full((L,), v, dtype=jnp.int32)


def kernel(img):
  flat = _grayscale(img)

  h1 = jnp.sum(_sc_round1(flat).reshape(NSUB, NB, L), axis=(0, 2))
  s1 = _suffix_count(h1)
  b1 = jnp.sum((s1[:NB] >= R_LOW).astype(jnp.int32)) - 1
  above1 = s1[b1 + 1]
  lo1 = b1 << SHIFT1

  h2 = jnp.sum(
      _sc_round2(flat, _bcast(lo1)).reshape(NSUB, H2_BINS, L), axis=(0, 2)
  )[:NB]
  s2 = _suffix_count(h2)
  b2 = jnp.sum((s2[:NB] >= (R_LOW - above1)).astype(jnp.int32)) - 1
  above2 = above1 + s2[b2 + 1]
  lo2 = lo1 + (b2 << SHIFT2)

  hist3, mins = _sc_round3(flat, _bcast(lo2))
  h3 = jnp.sum(hist3.reshape(NSUB, H2_BINS, L), axis=(0, 2))[:NB]
  s3 = _suffix_count(h3)

  p_lo = jnp.sum((s3[:NB] >= (R_LOW - above2)).astype(jnp.int32)) - 1
  v_low = lax.bitcast_convert_type((lo2 + p_lo).astype(jnp.int32), jnp.float32)
  p_hi = jnp.sum((s3[:NB] >= (R_HIGH - above2)).astype(jnp.int32)) - 1
  min_above_bits = (lo2 + NB).astype(jnp.uint32) + jnp.min(mins)
  v_high = jnp.where(
      above2 >= R_HIGH,
      lax.bitcast_convert_type(min_above_bits, jnp.float32),
      lax.bitcast_convert_type((lo2 + p_hi).astype(jnp.int32), jnp.float32))
  t = v_low * 0.75 + v_high * 0.25

  return _compare(flat, t)

# --- scband reference (transcript-rebuilt; emitter-appended) ---
"""Pipeline reference for scband-binary-filter-78030965834364 (READ-ONLY COPY).

The authoritative reference and input builder live on the scoring server;
editing this copy changes nothing except your own understanding.
"""

import jax, jax.numpy as jnp
import numpy as np


def rgb_to_grayscale(img):
    # torchvision-style grayscale: weights applied on the channel dim (..., 3, H, W)
    r = img[..., 0, :, :]
    g = img[..., 1, :, :]
    b = img[..., 2, :, :]
    gray = 0.2989 * r + 0.587 * g + 0.114 * b
    return gray[..., None, :, :]


def setup_inputs(seed: int = 0) -> dict:
    key = jax.random.key(seed)
    img = jax.random.uniform(key, (16, 3, 512, 512), dtype=jnp.float32)
    return {"img": img}


def reference(img):
    top_percent = 0.25
    gray_img = rgb_to_grayscale(img)
    # torch.Tensor.quantile with a scalar q flattens the whole tensor
    threshold = jnp.quantile(gray_img, (100.0 - top_percent) / 100.0)
    res = (gray_img >= threshold).astype(jnp.int32)
    return res

if __name__ == "__main__":
    import jax
    _d = setup_inputs()
    print(jax.jit(kernel)(*tuple(_d.values())))

</pallas_src>

<mosaic_0001>
#map = affine_map<(d0, d1) -> (0)>
#map1 = affine_map<(d0, d1) -> (0, 0)>
module attributes {stable_mosaic.version = 14 : i64} {
  func.func @_sc_round1(%arg0: i32, %arg1: i32, %arg2: memref<4194304xf32, #tpu.memory_space<hbm>>, %arg3: memref<32x16384xi32, #tpu.memory_space<hbm>>, %arg4: memref<16384xf32, #tpu.memory_space<vmem>>, %arg5: memref<16384xf32, #tpu.memory_space<vmem>>, %arg6: memref<65536xi32, #tpu.memory_space<vmem>>, %arg7: memref<16384xi32, #tpu.memory_space<vmem>>, %arg8: memref<!tpu.dma_semaphore, #tpu.memory_space<semaphore_mem>>, %arg9: memref<!tpu.dma_semaphore, #tpu.memory_space<semaphore_mem>>) attributes {dimension_semantics = [#tpu.dimension_semantics<core_parallel>, #tpu.dimension_semantics<subcore_parallel>], iteration_bounds = array<i64: 2, 16>, scalar_prefetch = 0 : i64, scratch_operands = 6 : i64, tpu.core_type = #tpu.core_type<sc_vector_subcore>, window_params = [{transform_indices = #map}, {transform_indices = #map1}]} {
    %mul3A = arith.constant 2 : i32
    %mul3A_0 = arith.muli %arg1, %mul3A : i32
    %add3A = arith.addi %mul3A_0, %arg0 : i32
    %broadcast_in_dim3A = arith.constant 0 : i32
    %broadcast_in_dim3A_1 = vector.broadcast %broadcast_in_dim3A : i32 to vector<16xi32>
    %parallel_loop3A = arith.constant 0 : i32
    %parallel_loop3A_2 = arith.constant 65536 : i32
    %parallel_loop3A_3 = arith.constant 128 : i32
    scf.for %parallel_loop3A_46 = %parallel_loop3A to %parallel_loop3A_2 step %parallel_loop3A_3  : i32 {
      %parallel_loop3A_47 = arith.constant 0 : i32
      %parallel_loop3A_48 = arith.addi %parallel_loop3A_46, %parallel_loop3A_47 : i32
      %parallel_loop3A_49 = arith.index_cast %parallel_loop3A_48 : i32 to index
      %parallel_loop3A_50 = tpu.vector_load %arg6[%parallel_loop3A_49] {strides = array<i32>} : memref<65536xi32, #tpu.memory_space<vmem>>, vector<16xi32>,
      tpu.vector_store %arg6[%parallel_loop3A_49], %broadcast_in_dim3A_1 {strides = array<i32>} : memref<65536xi32, #tpu.memory_space<vmem>>, vector<16xi32>,
      %parallel_loop3A_51 = arith.constant 16 : i32
      %parallel_loop3A_52 = arith.addi %parallel_loop3A_46, %parallel_loop3A_51 : i32
      %parallel_loop3A_53 = arith.index_cast %parallel_loop3A_52 : i32 to index
      %parallel_loop3A_54 = tpu.vector_load %arg6[%parallel_loop3A_53] {strides = array<i32>} : memref<65536xi32, #tpu.memory_space<vmem>>, vector<16xi32>,
      tpu.vector_store %arg6[%parallel_loop3A_53], %broadcast_in_dim3A_1 {strides = array<i32>} : memref<65536xi32, #tpu.memory_space<vmem>>, vector<16xi32>,
      %parallel_loop3A_55 = arith.constant 32 : i32
      %parallel_loop3A_56 = arith.addi %parallel_loop3A_46, %parallel_loop3A_55 : i32
      %parallel_loop3A_57 = arith.index_cast %parallel_loop3A_56 : i32 to index
      %parallel_loop3A_58 = tpu.vector_load %arg6[%parallel_loop3A_57] {strides = array<i32>} : memref<65536xi32, #tpu.memory_space<vmem>>, vector<16xi32>,
      tpu.vector_store %arg6[%parallel_loop3A_57], %broadcast_in_dim3A_1 {strides = array<i32>} : memref<65536xi32, #tpu.memory_space<vmem>>, vector<16xi32>,
      %parallel_loop3A_59 = arith.constant 48 : i32
      %parallel_loop3A_60 = arith.addi %parallel_loop3A_46, %parallel_loop3A_59 : i32
      %parallel_loop3A_61 = arith.index_cast %parallel_loop3A_60 : i32 to index
      %parallel_loop3A_62 = tpu.vector_load %arg6[%parallel_loop3A_61] {strides = array<i32>} : memref<65536xi32, #tpu.memory_space<vmem>>, vector<16xi32>,
      tpu.vector_store %arg6[%parallel_loop3A_61], %broadcast_in_dim3A_1 {strides = array<i32>} : memref<65536xi32, #tpu.memory_space<vmem>>, vector<16xi32>,
      %parallel_loop3A_63 = arith.constant 64 : i32
      %parallel_loop3A_64 = arith.addi %parallel_loop3A_46, %parallel_loop3A_63 : i32
      %parallel_loop3A_65 = arith.index_cast %parallel_loop3A_64 : i32 to index
      %parallel_loop3A_66 = tpu.vector_load %arg6[%parallel_loop3A_65] {strides = array<i32>} : memref<65536xi32, #tpu.memory_space<vmem>>, vector<16xi32>,
      tpu.vector_store %arg6[%parallel_loop3A_65], %broadcast_in_dim3A_1 {strides = array<i32>} : memref<65536xi32, #tpu.memory_space<vmem>>, vector<16xi32>,
      %parallel_loop3A_67 = arith.constant 80 : i32
      %parallel_loop3A_68 = arith.addi %parallel_loop3A_46, %parallel_loop3A_67 : i32
      %parallel_loop3A_69 = arith.index_cast %parallel_loop3A_68 : i32 to index
      %parallel_loop3A_70 = tpu.vector_load %arg6[%parallel_loop3A_69] {strides = array<i32>} : memref<65536xi32, #tpu.memory_space<vmem>>, vector<16xi32>,
      tpu.vector_store %arg6[%parallel_loop3A_69], %broadcast_in_dim3A_1 {strides = array<i32>} : memref<65536xi32, #tpu.memory_space<vmem>>, vector<16xi32>,
      %parallel_loop3A_71 = arith.constant 96 : i32
      %parallel_loop3A_72 = arith.addi %parallel_loop3A_46, %parallel_loop3A_71 : i32
      %parallel_loop3A_73 = arith.index_cast %parallel_loop3A_72 : i32 to index
      %parallel_loop3A_74 = tpu.vector_load %arg6[%parallel_loop3A_73] {strides = array<i32>} : memref<65536xi32, #tpu.memory_space<vmem>>, vector<16xi32>,
      tpu.vector_store %arg6[%parallel_loop3A_73], %broadcast_in_dim3A_1 {strides = array<i32>} : memref<65536xi32, #tpu.memory_space<vmem>>, vector<16xi32>,
      %parallel_loop3A_75 = arith.constant 112 : i32
      %parallel_loop3A_76 = arith.addi %parallel_loop3A_46, %parallel_loop3A_75 : i32
      %parallel_loop3A_77 = arith.index_cast %parallel_loop3A_76 : i32 to index
      %parallel_loop3A_78 = tpu.vector_load %arg6[%parallel_loop3A_77] {strides = array<i32>} : memref<65536xi32, #tpu.memory_space<vmem>>, vector<16xi32>,
      tpu.vector_store %arg6[%parallel_loop3A_77], %broadcast_in_dim3A_1 {strides = array<i32>} : memref<65536xi32, #tpu.memory_space<vmem>>, vector<16xi32>,
    } {sc.loop_unroll_factor = 4 : i64, sc.parallel_access}
    %iota3A = tpu.iota {dimensions = array<i32: 0>} : vector<16xi32>
    %add3A_4 = arith.constant 0 : i32
    %add3A_5 = vector.broadcast %add3A_4 : i32 to vector<16xi32>
    %add3A_6 = arith.addi %iota3A, %add3A_5 : vector<16xi32>
    %add3A_7 = arith.constant 16384 : i32
    %add3A_8 = vector.broadcast %add3A_7 : i32 to vector<16xi32>
    %add3A_9 = arith.addi %iota3A, %add3A_8 : vector<16xi32>
    %add3A_10 = arith.constant 32768 : i32
    %add3A_11 = vector.broadcast %add3A_10 : i32 to vector<16xi32>
    %add3A_12 = arith.addi %iota3A, %add3A_11 : vector<16xi32>
    %add3A_13 = arith.constant 49152 : i32
    %add3A_14 = vector.broadcast %add3A_13 : i32 to vector<16xi32>
    %add3A_15 = arith.addi %iota3A, %add3A_14 : vector<16xi32>
    %broadcast_in_dim3A_16 = arith.constant 1 : i32
    %broadcast_in_dim3A_17 = vector.broadcast %broadcast_in_dim3A_16 : i32 to vector<16xi32>
    %mul3A_18 = arith.constant 131072 : i32
    %mul3A_19 = arith.muli %add3A, %mul3A_18 : i32
    %dma_start3A = tpu.memref_slice %arg2[%mul3A_19] : memref<4194304xf32, #tpu.memory_space<hbm>> -> memref<16384xf32, #tpu.memory_space<hbm>>
    %dma_start3A_20 = tpu.memref_slice %arg2[%mul3A_19] : memref<4194304xf32, #tpu.memory_space<hbm>> -> memref<16384xf32, #tpu.memory_space<hbm>>
    tpu.enqueue_dma source(%dma_start3A_20 : memref<16384xf32, #tpu.memory_space<hbm>>) target(%arg4 : memref<16384xf32, #tpu.memory_space<vmem>>) target_semaphore(%arg8 : memref<!tpu.dma_semaphore, #tpu.memory_space<semaphore_mem>>)
    %add3A_21 = arith.constant 16384 : i32
    %add3A_22 = arith.addi %mul3A_19, %add3A_21 : i32
    %dma_start3A_23 = tpu.memref_slice %arg2[%add3A_22] : memref<4194304xf32, #tpu.memory_space<hbm>> -> memref<16384xf32, #tpu.memory_space<hbm>>
    %dma_start3A_24 = tpu.memref_slice %arg2[%add3A_22] : memref<4194304xf32, #tpu.memory_space<hbm>> -> memref<16384xf32, #tpu.memory_space<hbm>>
    tpu.enqueue_dma source(%dma_start3A_24 : memref<16384xf32, #tpu.memory_space<hbm>>) target(%arg5 : memref<16384xf32, #tpu.memory_space<vmem>>) target_semaphore(%arg9 : memref<!tpu.dma_semaphore, #tpu.memory_space<semaphore_mem>>)
    %scan3A = arith.constant 0 : i32
    %scan3A_25 = arith.constant 0 : i32
    %scan3A_26 = arith.constant 3 : i32
    %scan3A_27 = arith.addi %scan3A_25, %scan3A_26 : i32
    %scan3A_28 = arith.constant 1 : i32
    scf.for %scan3A_46 = %scan3A_25 to %scan3A_27 step %scan3A_28  : i32 {
      %mul3A_47 = arith.constant 2 : i32
      %mul3A_48 = arith.muli %mul3A_47, %scan3A_46 : i32
      %dma_wait3A_49 = arith.constant 0 : i32
      %dma_wait3A_50 = tpu.memref_slice %arg2[%dma_wait3A_49] : memref<4194304xf32, #tpu.memory_space<hbm>> -> memref<16384xf32, #tpu.memory_space<hbm>>
      %dma_wait3A_51 = arith.constant 0 : i32
      %dma_wait3A_52 = tpu.memref_slice %arg2[%dma_wait3A_51] : memref<4194304xf32, #tpu.memory_space<hbm>> -> memref<16384xf32, #tpu.memory_space<hbm>>
      tpu.wait_dma2 semaphore(%arg8 : memref<!tpu.dma_semaphore, #tpu.memory_space<semaphore_mem>>) src(%dma_wait3A_52 : memref<16384xf32, #tpu.memory_space<hbm>>) dst(%arg4 : memref<16384xf32, #tpu.memory_space<vmem>>)
      %parallel_loop3A_53 = arith.constant 0 : i32
      %parallel_loop3A_54 = arith.constant 16384 : i32
      %parallel_loop3A_55 = arith.constant 64 : i32
      scf.for %parallel_loop3A_77 = %parallel_loop3A_53 to %parallel_loop3A_54 step %parallel_loop3A_55  : i32 {
        %parallel_loop3A_78 = arith.constant 0 : i32
        %parallel_loop3A_79 = arith.addi %parallel_loop3A_77, %parallel_loop3A_78 : i32
        %parallel_loop3A_80 = arith.index_cast %parallel_loop3A_79 : i32 to index
        %parallel_loop3A_81 = tpu.vector_load %arg4[%parallel_loop3A_80] {strides = array<i32>} : memref<16384xf32, #tpu.memory_space<vmem>>, vector<16xf32>,
        %parallel_loop3A_82 = vector.bitcast %parallel_loop3A_81 : vector<16xf32> to vector<16xi32>
        %parallel_loop3A_83 = arith.constant 20 : i32
        %parallel_loop3A_84 = vector.broadcast %parallel_loop3A_83 : i32 to vector<16xi32>
        %parallel_loop3A_85 = arith.shrui %parallel_loop3A_82, %parallel_loop3A_84 : vector<16xi32>
        %parallel_loop3A_86 = arith.constant 4 : i32
        %parallel_loop3A_87 = vector.broadcast %parallel_loop3A_86 : i32 to vector<16xi32>
        %parallel_loop3A_88 = arith.shli %parallel_loop3A_85, %parallel_loop3A_87 : vector<16xi32>
        %parallel_loop3A_89 = arith.addi %parallel_loop3A_88, %add3A_6 : vector<16xi32>
        tpu.vector_store_idx %arg6[%parallel_loop3A_89], %broadcast_in_dim3A_17 {add = true} : memref<65536xi32, #tpu.memory_space<vmem>>[vector<16xi32>], vector<16xi32>,
        %parallel_loop3A_90 = arith.constant 16 : i32
        %parallel_loop3A_91 = arith.addi %parallel_loop3A_77, %parallel_loop3A_90 : i32
        %parallel_loop3A_92 = arith.index_cast %parallel_loop3A_91 : i32 to index
        %parallel_loop3A_93 = tpu.vector_load %arg4[%parallel_loop3A_92] {strides = array<i32>} : memref<16384xf32, #tpu.memory_space<vmem>>, vector<16xf32>,
        %parallel_loop3A_94 = vector.bitcast %parallel_loop3A_93 : vector<16xf32> to vector<16xi32>
        %parallel_loop3A_95 = arith.constant 20 : i32
        %parallel_loop3A_96 = vector.broadcast %parallel_loop3A_95 : i32 to vector<16xi32>
        %parallel_loop3A_97 = arith.shrui %parallel_loop3A_94, %parallel_loop3A_96 : vector<16xi32>
        %parallel_loop3A_98 = arith.constant 4 : i32
        %parallel_loop3A_99 = vector.broadcast %parallel_loop3A_98 : i32 to vector<16xi32>
        %parallel_loop3A_100 = arith.shli %parallel_loop3A_97, %parallel_loop3A_99 : vector<16xi32>
        %parallel_loop3A_101 = arith.addi %parallel_loop3A_100, %add3A_9 : vector<16xi32>
        tpu.vector_store_idx %arg6[%parallel_loop3A_101], %broadcast_in_dim3A_17 {add = true} : memref<65536xi32, #tpu.memory_space<vmem>>[vector<16xi32>], vector<16xi32>,
        %parallel_loop3A_102 = arith.constant 32 : i32
        %parallel_loop3A_103 = arith.addi %parallel_loop3A_77, %parallel_loop3A_102 : i32
        %parallel_loop3A_104 = arith.index_cast %parallel_loop3A_103 : i32 to index
        %parallel_loop3A_105 = tpu.vector_load %arg4[%parallel_loop3A_104] {strides = array<i32>} : memref<16384xf32, #tpu.memory_space<vmem>>, vector<16xf32>,
        %parallel_loop3A_106 = vector.bitcast %parallel_loop3A_105 : vector<16xf32> to vector<16xi32>
        %parallel_loop3A_107 = arith.constant 20 : i32
        %parallel_loop3A_108 = vector.broadcast %parallel_loop3A_107 : i32 to vector<16xi32>
        %parallel_loop3A_109 = arith.shrui %parallel_loop3A_106, %parallel_loop3A_108 : vector<16xi32>
        %parallel_loop3A_110 = arith.constant 4 : i32
        %parallel_loop3A_111 = vector.broadcast %parallel_loop3A_110 : i32 to vector<16xi32>
        %parallel_loop3A_112 = arith.shli %parallel_loop3A_109, %parallel_loop3A_111 : vector<16xi32>
        %parallel_loop3A_113 = arith.addi %parallel_loop3A_112, %add3A_12 : vector<16xi32>
        tpu.vector_store_idx %arg6[%parallel_loop3A_113], %broadcast_in_dim3A_17 {add = true} : memref<65536xi32, #tpu.memory_space<vmem>>[vector<16xi32>], vector<16xi32>,
        %parallel_loop3A_114 = arith.constant 48 : i32
        %parallel_loop3A_115 = arith.addi %parallel_loop3A_77, %parallel_loop3A_114 : i32
        %parallel_loop3A_116 = arith.index_cast %parallel_loop3A_115 : i32 to index
        %parallel_loop3A_117 = tpu.vector_load %arg4[%parallel_loop3A_116] {strides = array<i32>} : memref<16384xf32, #tpu.memory_space<vmem>>, vector<16xf32>,
        %parallel_loop3A_118 = vector.bitcast %parallel_loop3A_117 : vector<16xf32> to vector<16xi32>
        %parallel_loop3A_119 = arith.constant 20 : i32
        %parallel_loop3A_120 = vector.broadcast %parallel_loop3A_119 : i32 to vector<16xi32>
        %parallel_loop3A_121 = arith.shrui %parallel_loop3A_118, %parallel_loop3A_120 : vector<16xi32>
        %parallel_loop3A_122 = arith.constant 4 : i32
        %parallel_loop3A_123 = vector.broadcast %parallel_loop3A_122 : i32 to vector<16xi32>
        %parallel_loop3A_124 = arith.shli %parallel_loop3A_121, %parallel_loop3A_123 : vector<16xi32>
        %parallel_loop3A_125 = arith.addi %parallel_loop3A_124, %add3A_15 : vector<16xi32>
        tpu.vector_store_idx %arg6[%parallel_loop3A_125], %broadcast_in_dim3A_17 {add = true} : memref<65536xi32, #tpu.memory_space<vmem>>[vector<16xi32>], vector<16xi32>,
      } {sc.loop_unroll_factor = 2 : i64, sc.parallel_access}
      %add3A_56 = arith.constant 2 : i32
      %add3A_57 = arith.addi %mul3A_48, %add3A_56 : i32
      %mul3A_58 = arith.constant 16384 : i32
      %mul3A_59 = arith.muli %add3A_57, %mul3A_58 : i32
      %add3A_60 = arith.addi %mul3A_19, %mul3A_59 : i32
      %dma_start3A_61 = tpu.memref_slice %arg2[%add3A_60] : memref<4194304xf32, #tpu.memory_space<hbm>> -> memref<16384xf32, #tpu.memory_space<hbm>>
      %dma_start3A_62 = tpu.memref_slice %arg2[%add3A_60] : memref<4194304xf32, #tpu.memory_space<hbm>> -> memref<16384xf32, #tpu.memory_space<hbm>>
      tpu.enqueue_dma source(%dma_start3A_62 : memref<16384xf32, #tpu.memory_space<hbm>>) target(%arg4 : memref<16384xf32, #tpu.memory_space<vmem>>) target_semaphore(%arg8 : memref<!tpu.dma_semaphore, #tpu.memory_space<semaphore_mem>>)
      %dma_wait3A_63 = arith.constant 0 : i32
      %dma_wait3A_64 = tpu.memref_slice %arg2[%dma_wait3A_63] : memref<4194304xf32, #tpu.memory_space<hbm>> -> memref<16384xf32, #tpu.memory_space<hbm>>
      %dma_wait3A_65 = arith.constant 0 : i32
      %dma_wait3A_66 = tpu.memref_slice %arg2[%dma_wait3A_65] : memref<4194304xf32, #tpu.memory_space<hbm>> -> memref<16384xf32, #tpu.memory_space<hbm>>
      tpu.wait_dma2 semaphore(%arg9 : memref<!tpu.dma_semaphore, #tpu.memory_space<semaphore_mem>>) src(%dma_wait3A_66 : memref<16384xf32, #tpu.memory_space<hbm>>) dst(%arg5 : memref<16384xf32, #tpu.memory_space<vmem>>)
      %parallel_loop3A_67 = arith.constant 0 : i32
      %parallel_loop3A_68 = arith.constant 16384 : i32
      %parallel_loop3A_69 = arith.constant 64 : i32
      scf.for %parallel_loop3A_77 = %parallel_loop3A_67 to %parallel_loop3A_68 step %parallel_loop3A_69  : i32 {
        %parallel_loop3A_78 = arith.constant 0 : i32
        %parallel_loop3A_79 = arith.addi %parallel_loop3A_77, %parallel_loop3A_78 : i32
        %parallel_loop3A_80 = arith.index_cast %parallel_loop3A_79 : i32 to index
        %parallel_loop3A_81 = tpu.vector_load %arg5[%parallel_loop3A_80] {strides = array<i32>} : memref<16384xf32, #tpu.memory_space<vmem>>, vector<16xf32>,
        %parallel_loop3A_82 = vector.bitcast %parallel_loop3A_81 : vector<16xf32> to vector<16xi32>
        %parallel_loop3A_83 = arith.constant 20 : i32
        %parallel_loop3A_84 = vector.broadcast %parallel_loop3A_83 : i32 to vector<16xi32>
        %parallel_loop3A_85 = arith.shrui %parallel_loop3A_82, %parallel_loop3A_84 : vector<16xi32>
        %parallel_loop3A_86 = arith.constant 4 : i32
        %parallel_loop3A_87 = vector.broadcast %parallel_loop3A_86 : i32 to vector<16xi32>
        %parallel_loop3A_88 = arith.shli %parallel_loop3A_85, %parallel_loop3A_87 : vector<16xi32>
        %parallel_loop3A_89 = arith.addi %parallel_loop3A_88, %add3A_6 : vector<16xi32>
        tpu.vector_store_idx %arg6[%parallel_loop3A_89], %broadcast_in_dim3A_17 {add = true} : memref<65536xi32, #tpu.memory_space<vmem>>[vector<16xi32>], vector<16xi32>,
        %parallel_loop3A_90 = arith.constant 16 : i32
        %parallel_loop3A_91 = arith.addi %parallel_loop3A_77, %parallel_loop3A_90 : i32
        %parallel_loop3A_92 = arith.index_cast %parallel_loop3A_91 : i32 to index
        %parallel_loop3A_93 = tpu.vector_load %arg5[%parallel_loop3A_92] {strides = array<i32>} : memref<16384xf32, #tpu.memory_space<vmem>>, vector<16xf32>,
        %parallel_loop3A_94 = vector.bitcast %parallel_loop3A_93 : vector<16xf32> to vector<16xi32>
        %parallel_loop3A_95 = arith.constant 20 : i32
        %parallel_loop3A_96 = vector.broadcast %parallel_loop3A_95 : i32 to vector<16xi32>
        %parallel_loop3A_97 = arith.shrui %parallel_loop3A_94, %parallel_loop3A_96 : vector<16xi32>
        %parallel_loop3A_98 = arith.constant 4 : i32
        %parallel_loop3A_99 = vector.broadcast %parallel_loop3A_98 : i32 to vector<16xi32>
        %parallel_loop3A_100 = arith.shli %parallel_loop3A_97, %parallel_loop3A_99 : vector<16xi32>
        %parallel_loop3A_101 = arith.addi %parallel_loop3A_100, %add3A_9 : vector<16xi32>
        tpu.vector_store_idx %arg6[%parallel_loop3A_101], %broadcast_in_dim3A_17 {add = true} : memref<65536xi32, #tpu.memory_space<vmem>>[vector<16xi32>], vector<16xi32>,
        %parallel_loop3A_102 = arith.constant 32 : i32
        %parallel_loop3A_103 = arith.addi %parallel_loop3A_77, %parallel_loop3A_102 : i32
        %parallel_loop3A_104 = arith.index_cast %parallel_loop3A_103 : i32 to index
        %parallel_loop3A_105 = tpu.vector_load %arg5[%parallel_loop3A_104] {strides = array<i32>} : memref<16384xf32, #tpu.memory_space<vmem>>, vector<16xf32>,
        %parallel_loop3A_106 = vector.bitcast %parallel_loop3A_105 : vector<16xf32> to vector<16xi32>
        %parallel_loop3A_107 = arith.constant 20 : i32
        %parallel_loop3A_108 = vector.broadcast %parallel_loop3A_107 : i32 to vector<16xi32>
        %parallel_loop3A_109 = arith.shrui %parallel_loop3A_106, %parallel_loop3A_108 : vector<16xi32>
        %parallel_loop3A_110 = arith.constant 4 : i32
        %parallel_loop3A_111 = vector.broadcast %parallel_loop3A_110 : i32 to vector<16xi32>
        %parallel_loop3A_112 = arith.shli %parallel_loop3A_109, %parallel_loop3A_111 : vector<16xi32>
        %parallel_loop3A_113 = arith.addi %parallel_loop3A_112, %add3A_12 : vector<16xi32>
        tpu.vector_store_idx %arg6[%parallel_loop3A_113], %broadcast_in_dim3A_17 {add = true} : memref<65536xi32, #tpu.memory_space<vmem>>[vector<16xi32>], vector<16xi32>,
        %parallel_loop3A_114 = arith.constant 48 : i32
        %parallel_loop3A_115 = arith.addi %parallel_loop3A_77, %parallel_loop3A_114 : i32
        %parallel_loop3A_116 = arith.index_cast %parallel_loop3A_115 : i32 to index
        %parallel_loop3A_117 = tpu.vector_load %arg5[%parallel_loop3A_116] {strides = array<i32>} : memref<16384xf32, #tpu.memory_space<vmem>>, vector<16xf32>,
        %parallel_loop3A_118 = vector.bitcast %parallel_loop3A_117 : vector<16xf32> to vector<16xi32>
        %parallel_loop3A_119 = arith.constant 20 : i32
        %parallel_loop3A_120 = vector.broadcast %parallel_loop3A_119 : i32 to vector<16xi32>
        %parallel_loop3A_121 = arith.shrui %parallel_loop3A_118, %parallel_loop3A_120 : vector<16xi32>
        %parallel_loop3A_122 = arith.constant 4 : i32
        %parallel_loop3A_123 = vector.broadcast %parallel_loop3A_122 : i32 to vector<16xi32>
        %parallel_loop3A_124 = arith.shli %parallel_loop3A_121, %parallel_loop3A_123 : vector<16xi32>
        %parallel_loop3A_125 = arith.addi %parallel_loop3A_124, %add3A_15 : vector<16xi32>
        tpu.vector_store_idx %arg6[%parallel_loop3A_125], %broadcast_in_dim3A_17 {add = true} : memref<65536xi32, #tpu.memory_space<vmem>>[vector<16xi32>], vector<16xi32>,
      } {sc.loop_unroll_factor = 2 : i64, sc.parallel_access}
      %add3A_70 = arith.constant 3 : i32
      %add3A_71 = arith.addi %mul3A_48, %add3A_70 : i32
      %mul3A_72 = arith.constant 16384 : i32
      %mul3A_73 = arith.muli %add3A_71, %mul3A_72 : i32
      %add3A_74 = arith.addi %mul3A_19, %mul3A_73 : i32
      %dma_start3A_75 = tpu.memref_slice %arg2[%add3A_74] : memref<4194304xf32, #tpu.memory_space<hbm>> -> memref<16384xf32, #tpu.memory_space<hbm>>
      %dma_start3A_76 = tpu.memref_slice %arg2[%add3A_74] : memref<4194304xf32, #tpu.memory_space<hbm>> -> memref<16384xf32, #tpu.memory_space<hbm>>
      tpu.enqueue_dma source(%dma_start3A_76 : memref<16384xf32, #tpu.memory_space<hbm>>) target(%arg5 : memref<16384xf32, #tpu.memory_space<vmem>>) target_semaphore(%arg9 : memref<!tpu.dma_semaphore, #tpu.memory_space<semaphore_mem>>)
    }
    %scan3A_29 = arith.constant 3 : i32
    %dma_wait3A = arith.constant 0 : i32
    %dma_wait3A_30 = tpu.memref_slice %arg2[%dma_wait3A] : memref<4194304xf32, #tpu.memory_space<hbm>> -> memref<16384xf32, #tpu.memory_space<hbm>>
    %dma_wait3A_31 = arith.constant 0 : i32
    %dma_wait3A_32 = tpu.memref_slice %arg2[%dma_wait3A_31] : memref<4194304xf32, #tpu.memory_space<hbm>> -> memref<16384xf32, #tpu.memory_space<hbm>>
    tpu.wait_dma2 semaphore(%arg8 : memref<!tpu.dma_semaphore, #tpu.memory_space<semaphore_mem>>) src(%dma_wait3A_32 : memref<16384xf32, #tpu.memory_space<hbm>>) dst(%arg4 : memref<16384xf32, #tpu.memory_space<vmem>>)
    %parallel_loop3A_33 = arith.constant 0 : i32
    %parallel_loop3A_34 = arith.constant 16384 : i32
    %parallel_loop3A_35 = arith.constant 64 : i32
    scf.for %parallel_loop3A_46 = %parallel_loop3A_33 to %parallel_loop3A_34 step %parallel_loop3A_35  : i32 {
      %parallel_loop3A_47 = arith.constant 0 : i32
      %parallel_loop3A_48 = arith.addi %parallel_loop3A_46, %parallel_loop3A_47 : i32
      %parallel_loop3A_49 = arith.index_cast %parallel_loop3A_48 : i32 to index
      %parallel_loop3A_50 = tpu.vector_load %arg4[%parallel_loop3A_49] {strides = array<i32>} : memref<16384xf32, #tpu.memory_space<vmem>>, vector<16xf32>,
      %parallel_loop3A_51 = vector.bitcast %parallel_loop3A_50 : vector<16xf32> to vector<16xi32>
      %parallel_loop3A_52 = arith.constant 20 : i32
      %parallel_loop3A_53 = vector.broadcast %parallel_loop3A_52 : i32 to vector<16xi32>
      %parallel_loop3A_54 = arith.shrui %parallel_loop3A_51, %parallel_loop3A_53 : vector<16xi32>
      %parallel_loop3A_55 = arith.constant 4 : i32
      %parallel_loop3A_56 = vector.broadcast %parallel_loop3A_55 : i32 to vector<16xi32>
      %parallel_loop3A_57 = arith.shli %parallel_loop3A_54, %parallel_loop3A_56 : vector<16xi32>
      %parallel_loop3A_58 = arith.addi %parallel_loop3A_57, %add3A_6 : vector<16xi32>
      tpu.vector_store_idx %arg6[%parallel_loop3A_58], %broadcast_in_dim3A_17 {add = true} : memref<65536xi32, #tpu.memory_space<vmem>>[vector<16xi32>], vector<16xi32>,
      %parallel_loop3A_59 = arith.constant 16 : i32
      %parallel_loop3A_60 = arith.addi %parallel_loop3A_46, %parallel_loop3A_59 : i32
      %parallel_loop3A_61 = arith.index_cast %parallel_loop3A_60 : i32 to index
      %parallel_loop3A_62 = tpu.vector_load %arg4[%parallel_loop3A_61] {strides = array<i32>} : memref<16384xf32, #tpu.memory_space<vmem>>, vector<16xf32>,
      %parallel_loop3A_63 = vector.bitcast %parallel_loop3A_62 : vector<16xf32> to vector<16xi32>
      %parallel_loop3A_64 = arith.constant 20 : i32
      %parallel_loop3A_65 = vector.broadcast %parallel_loop3A_64 : i32 to vector<16xi32>
      %parallel_loop3A_66 = arith.shrui %parallel_loop3A_63, %parallel_loop3A_65 : vector<16xi32>
      %parallel_loop3A_67 = arith.constant 4 : i32
      %parallel_loop3A_68 = vector.broadcast %parallel_loop3A_67 : i32 to vector<16xi32>
      %parallel_loop3A_69 = arith.shli %parallel_loop3A_66, %parallel_loop3A_68 : vector<16xi32>
      %parallel_loop3A_70 = arith.addi %parallel_loop3A_69, %add3A_9 : vector<16xi32>
      tpu.vector_store_idx %arg6[%parallel_loop3A_70], %broadcast_in_dim3A_17 {add = true} : memref<65536xi32, #tpu.memory_space<vmem>>[vector<16xi32>], vector<16xi32>,
      %parallel_loop3A_71 = arith.constant 32 : i32
      %parallel_loop3A_72 = arith.addi %parallel_loop3A_46, %parallel_loop3A_71 : i32
      %parallel_loop3A_73 = arith.index_cast %parallel_loop3A_72 : i32 to index
      %parallel_loop3A_74 = tpu.vector_load %arg4[%parallel_loop3A_73] {strides = array<i32>} : memref<16384xf32, #tpu.memory_space<vmem>>, vector<16xf32>,
      %parallel_loop3A_75 = vector.bitcast %parallel_loop3A_74 : vector<16xf32> to vector<16xi32>
      %parallel_loop3A_76 = arith.constant 20 : i32
      %parallel_loop3A_77 = vector.broadcast %parallel_loop3A_76 : i32 to vector<16xi32>
      %parallel_loop3A_78 = arith.shrui %parallel_loop3A_75, %parallel_loop3A_77 : vector<16xi32>
      %parallel_loop3A_79 = arith.constant 4 : i32
      %parallel_loop3A_80 = vector.broadcast %parallel_loop3A_79 : i32 to vector<16xi32>
      %parallel_loop3A_81 = arith.shli %parallel_loop3A_78, %parallel_loop3A_80 : vector<16xi32>
      %parallel_loop3A_82 = arith.addi %parallel_loop3A_81, %add3A_12 : vector<16xi32>
      tpu.vector_store_idx %arg6[%parallel_loop3A_82], %broadcast_in_dim3A_17 {add = true} : memref<65536xi32, #tpu.memory_space<vmem>>[vector<16xi32>], vector<16xi32>,
      %parallel_loop3A_83 = arith.constant 48 : i32
      %parallel_loop3A_84 = arith.addi %parallel_loop3A_46, %parallel_loop3A_83 : i32
      %parallel_loop3A_85 = arith.index_cast %parallel_loop3A_84 : i32 to index
      %parallel_loop3A_86 = tpu.vector_load %arg4[%parallel_loop3A_85] {strides = array<i32>} : memref<16384xf32, #tpu.memory_space<vmem>>, vector<16xf32>,
      %parallel_loop3A_87 = vector.bitcast %parallel_loop3A_86 : vector<16xf32> to vector<16xi32>
      %parallel_loop3A_88 = arith.constant 20 : i32
      %parallel_loop3A_89 = vector.broadcast %parallel_loop3A_88 : i32 to vector<16xi32>
      %parallel_loop3A_90 = arith.shrui %parallel_loop3A_87, %parallel_loop3A_89 : vector<16xi32>
      %parallel_loop3A_91 = arith.constant 4 : i32
      %parallel_loop3A_92 = vector.broadcast %parallel_loop3A_91 : i32 to vector<16xi32>
      %parallel_loop3A_93 = arith.shli %parallel_loop3A_90, %parallel_loop3A_92 : vector<16xi32>
      %parallel_loop3A_94 = arith.addi %parallel_loop3A_93, %add3A_15 : vector<16xi32>
      tpu.vector_store_idx %arg6[%parallel_loop3A_94], %broadcast_in_dim3A_17 {add = true} : memref<65536xi32, #tpu.memory_space<vmem>>[vector<16xi32>], vector<16xi32>,
    } {sc.loop_unroll_factor = 2 : i64, sc.parallel_access}
    %dma_wait3A_36 = arith.constant 0 : i32
    %dma_wait3A_37 = tpu.memref_slice %arg2[%dma_wait3A_36] : memref<4194304xf32, #tpu.memory_space<hbm>> -> memref<16384xf32, #tpu.memory_space<hbm>>
    %dma_wait3A_38 = arith.constant 0 : i32
    %dma_wait3A_39 = tpu.memref_slice %arg2[%dma_wait3A_38] : memref<4194304xf32, #tpu.memory_space<hbm>> -> memref<16384xf32, #tpu.memory_space<hbm>>
    tpu.wait_dma2 semaphore(%arg9 : memref<!tpu.dma_semaphore, #tpu.memory_space<semaphore_mem>>) src(%dma_wait3A_39 : memref<16384xf32, #tpu.memory_space<hbm>>) dst(%arg5 : memref<16384xf32, #tpu.memory_space<vmem>>)
    %parallel_loop3A_40 = arith.constant 0 : i32
    %parallel_loop3A_41 = arith.constant 16384 : i32
    %parallel_loop3A_42 = arith.constant 64 : i32
    scf.for %parallel_loop3A_46 = %parallel_loop3A_40 to %parallel_loop3A_41 step %parallel_loop3A_42  : i32 {
      %parallel_loop3A_47 = arith.constant 0 : i32
      %parallel_loop3A_48 = arith.addi %parallel_loop3A_46, %parallel_loop3A_47 : i32
      %parallel_loop3A_49 = arith.index_cast %parallel_loop3A_48 : i32 to index
      %parallel_loop3A_50 = tpu.vector_load %arg5[%parallel_loop3A_49] {strides = array<i32>} : memref<16384xf32, #tpu.memory_space<vmem>>, vector<16xf32>,
      %parallel_loop3A_51 = vector.bitcast %parallel_loop3A_50 : vector<16xf32> to vector<16xi32>
      %parallel_loop3A_52 = arith.constant 20 : i32
      %parallel_loop3A_53 = vector.broadcast %parallel_loop3A_52 : i32 to vector<16xi32>
      %parallel_loop3A_54 = arith.shrui %parallel_loop3A_51, %parallel_loop3A_53 : vector<16xi32>
      %parallel_loop3A_55 = arith.constant 4 : i32
      %parallel_loop3A_56 = vector.broadcast %parallel_loop3A_55 : i32 to vector<16xi32>
      %parallel_loop3A_57 = arith.shli %parallel_loop3A_54, %parallel_loop3A_56 : vector<16xi32>
      %parallel_loop3A_58 = arith.addi %parallel_loop3A_57, %add3A_6 : vector<16xi32>
      tpu.vector_store_idx %arg6[%parallel_loop3A_58], %broadcast_in_dim3A_17 {add = true} : memref<65536xi32, #tpu.memory_space<vmem>>[vector<16xi32>], vector<16xi32>,
      %parallel_loop3A_59 = arith.constant 16 : i32
      %parallel_loop3A_60 = arith.addi %parallel_loop3A_46, %parallel_loop3A_59 : i32
      %parallel_loop3A_61 = arith.index_cast %parallel_loop3A_60 : i32 to index
      %parallel_loop3A_62 = tpu.vector_load %arg5[%parallel_loop3A_61] {strides = array<i32>} : memref<16384xf32, #tpu.memory_space<vmem>>, vector<16xf32>,
      %parallel_loop3A_63 = vector.bitcast %parallel_loop3A_62 : vector<16xf32> to vector<16xi32>
      %parallel_loop3A_64 = arith.constant 20 : i32
      %parallel_loop3A_65 = vector.broadcast %parallel_loop3A_64 : i32 to vector<16xi32>
      %parallel_loop3A_66 = arith.shrui %parallel_loop3A_63, %parallel_loop3A_65 : vector<16xi32>
      %parallel_loop3A_67 = arith.constant 4 : i32
      %parallel_loop3A_68 = vector.broadcast %parallel_loop3A_67 : i32 to vector<16xi32>
      %parallel_loop3A_69 = arith.shli %parallel_loop3A_66, %parallel_loop3A_68 : vector<16xi32>
      %parallel_loop3A_70 = arith.addi %parallel_loop3A_69, %add3A_9 : vector<16xi32>
      tpu.vector_store_idx %arg6[%parallel_loop3A_70], %broadcast_in_dim3A_17 {add = true} : memref<65536xi32, #tpu.memory_space<vmem>>[vector<16xi32>], vector<16xi32>,
      %parallel_loop3A_71 = arith.constant 32 : i32
      %parallel_loop3A_72 = arith.addi %parallel_loop3A_46, %parallel_loop3A_71 : i32
      %parallel_loop3A_73 = arith.index_cast %parallel_loop3A_72 : i32 to index
      %parallel_loop3A_74 = tpu.vector_load %arg5[%parallel_loop3A_73] {strides = array<i32>} : memref<16384xf32, #tpu.memory_space<vmem>>, vector<16xf32>,
      %parallel_loop3A_75 = vector.bitcast %parallel_loop3A_74 : vector<16xf32> to vector<16xi32>
      %parallel_loop3A_76 = arith.constant 20 : i32
      %parallel_loop3A_77 = vector.broadcast %parallel_loop3A_76 : i32 to vector<16xi32>
      %parallel_loop3A_78 = arith.shrui %parallel_loop3A_75, %parallel_loop3A_77 : vector<16xi32>
      %parallel_loop3A_79 = arith.constant 4 : i32
      %parallel_loop3A_80 = vector.broadcast %parallel_loop3A_79 : i32 to vector<16xi32>
      %parallel_loop3A_81 = arith.shli %parallel_loop3A_78, %parallel_loop3A_80 : vector<16xi32>
      %parallel_loop3A_82 = arith.addi %parallel_loop3A_81, %add3A_12 : vector<16xi32>
      tpu.vector_store_idx %arg6[%parallel_loop3A_82], %broadcast_in_dim3A_17 {add = true} : memref<65536xi32, #tpu.memory_space<vmem>>[vector<16xi32>], vector<16xi32>,
      %parallel_loop3A_83 = arith.constant 48 : i32
      %parallel_loop3A_84 = arith.addi %parallel_loop3A_46, %parallel_loop3A_83 : i32
      %parallel_loop3A_85 = arith.index_cast %parallel_loop3A_84 : i32 to index
      %parallel_loop3A_86 = tpu.vector_load %arg5[%parallel_loop3A_85] {strides = array<i32>} : memref<16384xf32, #tpu.memory_space<vmem>>, vector<16xf32>,
      %parallel_loop3A_87 = vector.bitcast %parallel_loop3A_86 : vector<16xf32> to vector<16xi32>
      %parallel_loop3A_88 = arith.constant 20 : i32
      %parallel_loop3A_89 = vector.broadcast %parallel_loop3A_88 : i32 to vector<16xi32>
      %parallel_loop3A_90 = arith.shrui %parallel_loop3A_87, %parallel_loop3A_89 : vector<16xi32>
      %parallel_loop3A_91 = arith.constant 4 : i32
      %parallel_loop3A_92 = vector.broadcast %parallel_loop3A_91 : i32 to vector<16xi32>
      %parallel_loop3A_93 = arith.shli %parallel_loop3A_90, %parallel_loop3A_92 : vector<16xi32>
      %parallel_loop3A_94 = arith.addi %parallel_loop3A_93, %add3A_15 : vector<16xi32>
      tpu.vector_store_idx %arg6[%parallel_loop3A_94], %broadcast_in_dim3A_17 {add = true} : memref<65536xi32, #tpu.memory_space<vmem>>[vector<16xi32>], vector<16xi32>,
    } {sc.loop_unroll_factor = 2 : i64, sc.parallel_access}
    %parallel_loop3A_43 = arith.constant 0 : i32
    %parallel_loop3A_44 = arith.constant 16384 : i32
    %parallel_loop3A_45 = arith.constant 16 : i32
    scf.for %parallel_loop3A_46 = %parallel_loop3A_43 to %parallel_loop3A_44 step %parallel_loop3A_45  : i32 {
      %parallel_loop3A_47 = arith.index_cast %parallel_loop3A_46 : i32 to index
      %parallel_loop3A_48 = tpu.vector_load %arg6[%parallel_loop3A_47] {strides = array<i32>} : memref<65536xi32, #tpu.memory_space<vmem>>, vector<16xi32>,
      %parallel_loop3A_49 = arith.constant 16384 : i32
      %parallel_loop3A_50 = arith.addi %parallel_loop3A_49, %parallel_loop3A_46 : i32
      %parallel_loop3A_51 = arith.index_cast %parallel_loop3A_50 : i32 to index
      %parallel_loop3A_52 = tpu.vector_load %arg6[%parallel_loop3A_51] {strides = array<i32>} : memref<65536xi32, #tpu.memory_space<vmem>>, vector<16xi32>,
      %parallel_loop3A_53 = arith.addi %parallel_loop3A_48, %parallel_loop3A_52 : vector<16xi32>
      %parallel_loop3A_54 = arith.constant 32768 : i32
      %parallel_loop3A_55 = arith.addi %parallel_loop3A_54, %parallel_loop3A_46 : i32
      %parallel_loop3A_56 = arith.index_cast %parallel_loop3A_55 : i32 to index
      %parallel_loop3A_57 = tpu.vector_load %arg6[%parallel_loop3A_56] {strides = array<i32>} : memref<65536xi32, #tpu.memory_space<vmem>>, vector<16xi32>,
      %parallel_loop3A_58 = arith.addi %parallel_loop3A_53, %parallel_loop3A_57 : vector<16xi32>
      %parallel_loop3A_59 = arith.constant 49152 : i32
      %parallel_loop3A_60 = arith.addi %parallel_loop3A_59, %parallel_loop3A_46 : i32
      %parallel_loop3A_61 = arith.index_cast %parallel_loop3A_60 : i32 to index
      %parallel_loop3A_62 = tpu.vector_load %arg6[%parallel_loop3A_61] {strides = array<i32>} : memref<65536xi32, #tpu.memory_space<vmem>>, vector<16xi32>,
      %parallel_loop3A_63 = arith.addi %parallel_loop3A_58, %parallel_loop3A_62 : vector<16xi32>
      %parallel_loop3A_64 = arith.index_cast %parallel_loop3A_46 : i32 to index
      %parallel_loop3A_65 = tpu.vector_load %arg7[%parallel_loop3A_64] {strides = array<i32>} : memref<16384xi32, #tpu.memory_space<vmem>>, vector<16xi32>,
      tpu.vector_store %arg7[%parallel_loop3A_64], %parallel_loop3A_63 {strides = array<i32>} : memref<16384xi32, #tpu.memory_space<vmem>>, vector<16xi32>,
    } {sc.loop_unroll_factor = 4 : i64, sc.parallel_access}
    "tpu.region"() ({
      %run_scoped3A = tpu.sem_alloc : memref<!tpu.dma_semaphore, #tpu.memory_space<semaphore_mem>>
      %dma_start3A_46 = arith.constant 0 : i32
      %dma_start3A_47 = tpu.memref_slice %arg3[%add3A, %dma_start3A_46] : memref<32x16384xi32, #tpu.memory_space<hbm>> -> memref<1x16384xi32, #tpu.memory_space<hbm>>
      %dma_start3A_48 = tpu.memref_squeeze %dma_start3A_47 : memref<1x16384xi32, #tpu.memory_space<hbm>> -> memref<16384xi32, #tpu.memory_space<hbm>>
      %dma_start3A_49 = arith.constant 0 : i32
      %dma_start3A_50 = tpu.memref_slice %arg3[%add3A, %dma_start3A_49] : memref<32x16384xi32, #tpu.memory_space<hbm>> -> memref<1x16384xi32, #tpu.memory_space<hbm>>
      %dma_start3A_51 = tpu.memref_squeeze %dma_start3A_50 : memref<1x16384xi32, #tpu.memory_space<hbm>> -> memref<16384xi32, #tpu.memory_space<hbm>>
      tpu.enqueue_dma source(%arg7 : memref<16384xi32, #tpu.memory_space<vmem>>) target(%dma_start3A_51 : memref<16384xi32, #tpu.memory_space<hbm>>) target_semaphore(%run_scoped3A : memref<!tpu.dma_semaphore, #tpu.memory_space<semaphore_mem>>)
      %dma_wait3A_52 = arith.constant 0 : i32
      %dma_wait3A_53 = tpu.memref_slice %arg3[%add3A, %dma_wait3A_52] : memref<32x16384xi32, #tpu.memory_space<hbm>> -> memref<1x16384xi32, #tpu.memory_space<hbm>>
      %dma_wait3A_54 = tpu.memref_squeeze %dma_wait3A_53 : memref<1x16384xi32, #tpu.memory_space<hbm>> -> memref<16384xi32, #tpu.memory_space<hbm>>
      %dma_wait3A_55 = arith.constant 0 : i32
      %dma_wait3A_56 = tpu.memref_slice %arg3[%add3A, %dma_wait3A_55] : memref<32x16384xi32, #tpu.memory_space<hbm>> -> memref<1x16384xi32, #tpu.memory_space<hbm>>
      %dma_wait3A_57 = tpu.memref_squeeze %dma_wait3A_56 : memref<1x16384xi32, #tpu.memory_space<hbm>> -> memref<16384xi32, #tpu.memory_space<hbm>>
      tpu.wait_dma2 semaphore(%run_scoped3A : memref<!tpu.dma_semaphore, #tpu.memory_space<semaphore_mem>>) src(%arg7 : memref<16384xi32, #tpu.memory_space<vmem>>) dst(%dma_wait3A_57 : memref<16384xi32, #tpu.memory_space<hbm>>)
      tpu.yield
    }) : () -> ()
    return
  }
}

#map = affine_map<(d0, d1) -> (0)>
#map1 = affine_map<(d0, d1) -> (0, 0)>
module attributes {stable_mosaic.version = 14 : i64} {
  func.func @_sc_round3(%arg0: i32, %arg1: i32, %arg2: memref<4194304xf32, #tpu.memory_space<hbm>>, %arg3: memref<16xi32, #tpu.memory_space<hbm>>, %arg4: memref<32x16512xi32, #tpu.memory_space<hbm>>, %arg5: memref<32x16xi32, #tpu.memory_space<hbm>>, %arg6: memref<16384xf32, #tpu.memory_space<vmem>>, %arg7: memref<16384xf32, #tpu.memory_space<vmem>>, %arg8: memref<16xi32, #tpu.memory_space<vmem>>, %arg9: memref<66048xi32, #tpu.memory_space<vmem>>, %arg10: memref<16512xi32, #tpu.memory_space<vmem>>, %arg11: memref<16xi32, #tpu.memory_space<vmem>>, %arg12: memref<!tpu.dma_semaphore, #tpu.memory_space<semaphore_mem>>, %arg13: memref<!tpu.dma_semaphore, #tpu.memory_space<semaphore_mem>>) attributes {dimension_semantics = [#tpu.dimension_semantics<core_parallel>, #tpu.dimension_semantics<subcore_parallel>], iteration_bounds = array<i64: 2, 16>, scalar_prefetch = 0 : i64, scratch_operands = 8 : i64, tpu.core_type = #tpu.core_type<sc_vector_subcore>, window_params = [{transform_indices = #map}, {transform_indices = #map}, {transform_indices = #map1}, {transform_indices = #map1}]} {
    %mul3A = arith.constant 2 : i32
    %mul3A_0 = arith.muli %arg1, %mul3A : i32
    %add3A = arith.addi %mul3A_0, %arg0 : i32
    "tpu.region"() ({
      %run_scoped3A = tpu.sem_alloc : memref<!tpu.dma_semaphore, #tpu.memory_space<semaphore_mem>>
      tpu.enqueue_dma source(%arg3 : memref<16xi32, #tpu.memory_space<hbm>>) target(%arg8 : memref<16xi32, #tpu.memory_space<vmem>>) target_semaphore(%run_scoped3A : memref<!tpu.dma_semaphore, #tpu.memory_space<semaphore_mem>>)
      tpu.wait_dma2 semaphore(%run_scoped3A : memref<!tpu.dma_semaphore, #tpu.memory_space<semaphore_mem>>) src(%arg3 : memref<16xi32, #tpu.memory_space<hbm>>) dst(%arg8 : memref<16xi32, #tpu.memory_space<vmem>>)
      tpu.yield
    }) : () -> ()
    %broadcast_in_dim3A = arith.constant 0 : i32
    %broadcast_in_dim3A_1 = vector.broadcast %broadcast_in_dim3A : i32 to vector<16xi32>
    %parallel_loop3A = arith.constant 0 : i32
    %parallel_loop3A_2 = arith.constant 66048 : i32
    %parallel_loop3A_3 = arith.constant 128 : i32
    scf.for %parallel_loop3A_54 = %parallel_loop3A to %parallel_loop3A_2 step %parallel_loop3A_3  : i32 {
      %parallel_loop3A_55 = arith.constant 0 : i32
      %parallel_loop3A_56 = arith.addi %parallel_loop3A_54, %parallel_loop3A_55 : i32
      %parallel_loop3A_57 = arith.index_cast %parallel_loop3A_56 : i32 to index
      %parallel_loop3A_58 = tpu.vector_load %arg9[%parallel_loop3A_57] {strides = array<i32>} : memref<66048xi32, #tpu.memory_space<vmem>>, vector<16xi32>,
      tpu.vector_store %arg9[%parallel_loop3A_57], %broadcast_in_dim3A_1 {strides = array<i32>} : memref<66048xi32, #tpu.memory_space<vmem>>, vector<16xi32>,
      %parallel_loop3A_59 = arith.constant 16 : i32
      %parallel_loop3A_60 = arith.addi %parallel_loop3A_54, %parallel_loop3A_59 : i32
      %parallel_loop3A_61 = arith.index_cast %parallel_loop3A_60 : i32 to index
      %parallel_loop3A_62 = tpu.vector_load %arg9[%parallel_loop3A_61] {strides = array<i32>} : memref<66048xi32, #tpu.memory_space<vmem>>, vector<16xi32>,
      tpu.vector_store %arg9[%parallel_loop3A_61], %broadcast_in_dim3A_1 {strides = array<i32>} : memref<66048xi32, #tpu.memory_space<vmem>>, vector<16xi32>,
      %parallel_loop3A_63 = arith.constant 32 : i32
      %parallel_loop3A_64 = arith.addi %parallel_loop3A_54, %parallel_loop3A_63 : i32
      %parallel_loop3A_65 = arith.index_cast %parallel_loop3A_64 : i32 to index
      %parallel_loop3A_66 = tpu.vector_load %arg9[%parallel_loop3A_65] {strides = array<i32>} : memref<66048xi32, #tpu.memory_space<vmem>>, vector<16xi32>,
      tpu.vector_store %arg9[%parallel_loop3A_65], %broadcast_in_dim3A_1 {strides = array<i32>} : memref<66048xi32, #tpu.memory_space<vmem>>, vector<16xi32>,
      %parallel_loop3A_67 = arith.constant 48 : i32
      %parallel_loop3A_68 = arith.addi %parallel_loop3A_54, %parallel_loop3A_67 : i32
      %parallel_loop3A_69 = arith.index_cast %parallel_loop3A_68 : i32 to index
      %parallel_loop3A_70 = tpu.vector_load %arg9[%parallel_loop3A_69] {strides = array<i32>} : memref<66048xi32, #tpu.memory_space<vmem>>, vector<16xi32>,
      tpu.vector_store %arg9[%parallel_loop3A_69], %broadcast_in_dim3A_1 {strides = array<i32>} : memref<66048xi32, #tpu.memory_space<vmem>>, vector<16xi32>,
      %parallel_loop3A_71 = arith.constant 64 : i32
      %parallel_loop3A_72 = arith.addi %parallel_loop3A_54, %parallel_loop3A_71 : i32
      %parallel_loop3A_73 = arith.index_cast %parallel_loop3A_72 : i32 to index
      %parallel_loop3A_74 = tpu.vector_load %arg9[%parallel_loop3A_73] {strides = array<i32>} : memref<66048xi32, #tpu.memory_space<vmem>>, vector<16xi32>,
      tpu.vector_store %arg9[%parallel_loop3A_73], %broadcast_in_dim3A_1 {strides = array<i32>} : memref<66048xi32, #tpu.memory_space<vmem>>, vector<16xi32>,
      %parallel_loop3A_75 = arith.constant 80 : i32
      %parallel_loop3A_76 = arith.addi %parallel_loop3A_54, %parallel_loop3A_75 : i32
      %parallel_loop3A_77 = arith.index_cast %parallel_loop3A_76 : i32 to index
      %parallel_loop3A_78 = tpu.vector_load %arg9[%parallel_loop3A_77] {strides = array<i32>} : memref<66048xi32, #tpu.memory_space<vmem>>, vector<16xi32>,
      tpu.vector_store %arg9[%parallel_loop3A_77], %broadcast_in_dim3A_1 {strides = array<i32>} : memref<66048xi32, #tpu.memory_space<vmem>>, vector<16xi32>,
      %parallel_loop3A_79 = arith.constant 96 : i32
      %parallel_loop3A_80 = arith.addi %parallel_loop3A_54, %parallel_loop3A_79 : i32
      %parallel_loop3A_81 = arith.index_cast %parallel_loop3A_80 : i32 to index
      %parallel_loop3A_82 = tpu.vector_load %arg9[%parallel_loop3A_81] {strides = array<i32>} : memref<66048xi32, #tpu.memory_space<vmem>>, vector<16xi32>,
      tpu.vector_store %arg9[%parallel_loop3A_81], %broadcast_in_dim3A_1 {strides = array<i32>} : memref<66048xi32, #tpu.memory_space<vmem>>, vector<16xi32>,
      %parallel_loop3A_83 = arith.constant 112 : i32
      %parallel_loop3A_84 = arith.addi %parallel_loop3A_54, %parallel_loop3A_83 : i32
      %parallel_loop3A_85 = arith.index_cast %parallel_loop3A_84 : i32 to index
      %parallel_loop3A_86 = tpu.vector_load %arg9[%parallel_loop3A_85] {strides = array<i32>} : memref<66048xi32, #tpu.memory_space<vmem>>, vector<16xi32>,
      tpu.vector_store %arg9[%parallel_loop3A_85], %broadcast_in_dim3A_1 {strides = array<i32>} : memref<66048xi32, #tpu.memory_space<vmem>>, vector<16xi32>,
    } {sc.loop_unroll_factor = 4 : i64, sc.parallel_access}
    %get3A = arith.constant 0 : index
    %get3A_4 = tpu.vector_load %arg8[%get3A] {strides = array<i32>} : memref<16xi32, #tpu.memory_space<vmem>>, vector<16xi32>,
    %bitcast3A = vector.bitcast %get3A_4 : vector<16xi32> to vector<16xi32>
    %iota3A = tpu.iota {dimensions = array<i32: 0>} : vector<16xi32>
    %add3A_5 = arith.constant 0 : i32
    %add3A_6 = vector.broadcast %add3A_5 : i32 to vector<16xi32>
    %add3A_7 = arith.addi %iota3A, %add3A_6 : vector<16xi32>
    %add3A_8 = arith.constant 16512 : i32
    %add3A_9 = vector.broadcast %add3A_8 : i32 to vector<16xi32>
    %add3A_10 = arith.addi %iota3A, %add3A_9 : vector<16xi32>
    %add3A_11 = arith.constant 33024 : i32
    %add3A_12 = vector.broadcast %add3A_11 : i32 to vector<16xi32>
    %add3A_13 = arith.addi %iota3A, %add3A_12 : vector<16xi32>
    %add3A_14 = arith.constant 49536 : i32
    %add3A_15 = vector.broadcast %add3A_14 : i32 to vector<16xi32>
    %add3A_16 = arith.addi %iota3A, %add3A_15 : vector<16xi32>
    %broadcast_in_dim3A_17 = arith.constant 1 : i32
    %broadcast_in_dim3A_18 = vector.broadcast %broadcast_in_dim3A_17 : i32 to vector<16xi32>
    %broadcast_in_dim3A_19 = arith.constant 1024 : i32
    %broadcast_in_dim3A_20 = vector.broadcast %broadcast_in_dim3A_19 : i32 to vector<16xi32>
    %broadcast_in_dim3A_21 = arith.constant -1 : i32
    %broadcast_in_dim3A_22 = vector.broadcast %broadcast_in_dim3A_21 : i32 to vector<16xi32>
    %mul3A_23 = arith.constant 131072 : i32
    %mul3A_24 = arith.muli %add3A, %mul3A_23 : i32
    %dma_start3A = tpu.memref_slice %arg2[%mul3A_24] : memref<4194304xf32, #tpu.memory_space<hbm>> -> memref<16384xf32, #tpu.memory_space<hbm>>
    %dma_start3A_25 = tpu.memref_slice %arg2[%mul3A_24] : memref<4194304xf32, #tpu.memory_space<hbm>> -> memref<16384xf32, #tpu.memory_space<hbm>>
    tpu.enqueue_dma source(%dma_start3A_25 : memref<16384xf32, #tpu.memory_space<hbm>>) target(%arg6 : memref<16384xf32, #tpu.memory_space<vmem>>) target_semaphore(%arg12 : memref<!tpu.dma_semaphore, #tpu.memory_space<semaphore_mem>>)
    %add3A_26 = arith.constant 16384 : i32
    %add3A_27 = arith.addi %mul3A_24, %add3A_26 : i32
    %dma_start3A_28 = tpu.memref_slice %arg2[%add3A_27] : memref<4194304xf32, #tpu.memory_space<hbm>> -> memref<16384xf32, #tpu.memory_space<hbm>>
    %dma_start3A_29 = tpu.memref_slice %arg2[%add3A_27] : memref<4194304xf32, #tpu.memory_space<hbm>> -> memref<16384xf32, #tpu.memory_space<hbm>>
    tpu.enqueue_dma source(%dma_start3A_29 : memref<16384xf32, #tpu.memory_space<hbm>>) target(%arg7 : memref<16384xf32, #tpu.memory_space<vmem>>) target_semaphore(%arg13 : memref<!tpu.dma_semaphore, #tpu.memory_space<semaphore_mem>>)
    %scan3A = arith.constant 0 : i32
    %scan3A_30 = arith.constant 3 : i32
    %scan3A_31 = arith.addi %scan3A, %scan3A_30 : i32
    %scan3A_32 = arith.constant 1 : i32
    %scan3A_33 = scf.for %scan3A_54 = %scan3A to %scan3A_31 step %scan3A_32 iter_args(%scan3A_55 = %broadcast_in_dim3A_22) -> (vector<16xi32>)  : i32 {
      %mul3A_56 = arith.constant 2 : i32
      %mul3A_57 = arith.muli %mul3A_56, %scan3A_54 : i32
      %dma_wait3A_58 = arith.constant 0 : i32
      %dma_wait3A_59 = tpu.memref_slice %arg2[%dma_wait3A_58] : memref<4194304xf32, #tpu.memory_space<hbm>> -> memref<16384xf32, #tpu.memory_space<hbm>>
      %dma_wait3A_60 = arith.constant 0 : i32
      %dma_wait3A_61 = tpu.memref_slice %arg2[%dma_wait3A_60] : memref<4194304xf32, #tpu.memory_space<hbm>> -> memref<16384xf32, #tpu.memory_space<hbm>>
      tpu.wait_dma2 semaphore(%arg12 : memref<!tpu.dma_semaphore, #tpu.memory_space<semaphore_mem>>) src(%dma_wait3A_61 : memref<16384xf32, #tpu.memory_space<hbm>>) dst(%arg6 : memref<16384xf32, #tpu.memory_space<vmem>>)
      %parallel_loop3A_62 = arith.constant 0 : i32
      %parallel_loop3A_63 = arith.constant 16384 : i32
      %parallel_loop3A_64 = arith.constant 64 : i32
      %parallel_loop3A_65 = scf.for %parallel_loop3A_88 = %parallel_loop3A_62 to %parallel_loop3A_63 step %parallel_loop3A_64 iter_args(%parallel_loop3A_89 = %scan3A_55) -> (vector<16xi32>)  : i32 {
        %parallel_loop3A_90 = arith.constant 0 : i32
        %parallel_loop3A_91 = arith.addi %parallel_loop3A_88, %parallel_loop3A_90 : i32
        %parallel_loop3A_92 = arith.index_cast %parallel_loop3A_91 : i32 to index
        %parallel_loop3A_93 = tpu.vector_load %arg6[%parallel_loop3A_92] {strides = array<i32>} : memref<16384xf32, #tpu.memory_space<vmem>>, vector<16xf32>,
        %parallel_loop3A_94 = vector.bitcast %parallel_loop3A_93 : vector<16xf32> to vector<16xi32>
        %parallel_loop3A_95 = arith.subi %parallel_loop3A_94, %bitcast3A : vector<16xi32>
        %parallel_loop3A_96 = arith.minui %parallel_loop3A_95, %broadcast_in_dim3A_20 : vector<16xi32>
        %parallel_loop3A_97 = vector.bitcast %parallel_loop3A_96 : vector<16xi32> to vector<16xi32>
        %parallel_loop3A_98 = arith.constant 4 : i32
        %parallel_loop3A_99 = vector.broadcast %parallel_loop3A_98 : i32 to vector<16xi32>
        %parallel_loop3A_100 = arith.shli %parallel_loop3A_97, %parallel_loop3A_99 : vector<16xi32>
        %parallel_loop3A_101 = arith.addi %parallel_loop3A_100, %add3A_7 : vector<16xi32>
        tpu.vector_store_idx %arg9[%parallel_loop3A_101], %broadcast_in_dim3A_18 {add = true} : memref<66048xi32, #tpu.memory_space<vmem>>[vector<16xi32>], vector<16xi32>,
        %parallel_loop3A_102 = arith.subi %parallel_loop3A_95, %broadcast_in_dim3A_20 : vector<16xi32>
        %parallel_loop3A_103 = arith.minui %parallel_loop3A_89, %parallel_loop3A_102 : vector<16xi32>
        %parallel_loop3A_104 = arith.constant 16 : i32
        %parallel_loop3A_105 = arith.addi %parallel_loop3A_88, %parallel_loop3A_104 : i32
        %parallel_loop3A_106 = arith.index_cast %parallel_loop3A_105 : i32 to index
        %parallel_loop3A_107 = tpu.vector_load %arg6[%parallel_loop3A_106] {strides = array<i32>} : memref<16384xf32, #tpu.memory_space<vmem>>, vector<16xf32>,
        %parallel_loop3A_108 = vector.bitcast %parallel_loop3A_107 : vector<16xf32> to vector<16xi32>
        %parallel_loop3A_109 = arith.subi %parallel_loop3A_108, %bitcast3A : vector<16xi32>
        %parallel_loop3A_110 = arith.minui %parallel_loop3A_109, %broadcast_in_dim3A_20 : vector<16xi32>
        %parallel_loop3A_111 = vector.bitcast %parallel_loop3A_110 : vector<16xi32> to vector<16xi32>
        %parallel_loop3A_112 = arith.constant 4 : i32
        %parallel_loop3A_113 = vector.broadcast %parallel_loop3A_112 : i32 to vector<16xi32>
        %parallel_loop3A_114 = arith.shli %parallel_loop3A_111, %parallel_loop3A_113 : vector<16xi32>
        %parallel_loop3A_115 = arith.addi %parallel_loop3A_114, %add3A_10 : vector<16xi32>
        tpu.vector_store_idx %arg9[%parallel_loop3A_115], %broadcast_in_dim3A_18 {add = true} : memref<66048xi32, #tpu.memory_space<vmem>>[vector<16xi32>], vector<16xi32>,
        %parallel_loop3A_116 = arith.subi %parallel_loop3A_109, %broadcast_in_dim3A_20 : vector<16xi32>
        %parallel_loop3A_117 = arith.minui %parallel_loop3A_103, %parallel_loop3A_116 : vector<16xi32>
        %parallel_loop3A_118 = arith.constant 32 : i32
        %parallel_loop3A_119 = arith.addi %parallel_loop3A_88, %parallel_loop3A_118 : i32
        %parallel_loop3A_120 = arith.index_cast %parallel_loop3A_119 : i32 to index
        %parallel_loop3A_121 = tpu.vector_load %arg6[%parallel_loop3A_120] {strides = array<i32>} : memref<16384xf32, #tpu.memory_space<vmem>>, vector<16xf32>,
        %parallel_loop3A_122 = vector.bitcast %parallel_loop3A_121 : vector<16xf32> to vector<16xi32>
        %parallel_loop3A_123 = arith.subi %parallel_loop3A_122, %bitcast3A : vector<16xi32>
        %parallel_loop3A_124 = arith.minui %parallel_loop3A_123, %broadcast_in_dim3A_20 : vector<16xi32>
        %parallel_loop3A_125 = vector.bitcast %parallel_loop3A_124 : vector<16xi32> to vector<16xi32>
        %parallel_loop3A_126 = arith.constant 4 : i32
        %parallel_loop3A_127 = vector.broadcast %parallel_loop3A_126 : i32 to vector<16xi32>
        %parallel_loop3A_128 = arith.shli %parallel_loop3A_125, %parallel_loop3A_127 : vector<16xi32>
        %parallel_loop3A_129 = arith.addi %parallel_loop3A_128, %add3A_13 : vector<16xi32>
        tpu.vector_store_idx %arg9[%parallel_loop3A_129], %broadcast_in_dim3A_18 {add = true} : memref<66048xi32, #tpu.memory_space<vmem>>[vector<16xi32>], vector<16xi32>,
        %parallel_loop3A_130 = arith.subi %parallel_loop3A_123, %broadcast_in_dim3A_20 : vector<16xi32>
        %parallel_loop3A_131 = arith.minui %parallel_loop3A_117, %parallel_loop3A_130 : vector<16xi32>
        %parallel_loop3A_132 = arith.constant 48 : i32
        %parallel_loop3A_133 = arith.addi %parallel_loop3A_88, %parallel_loop3A_132 : i32
        %parallel_loop3A_134 = arith.index_cast %parallel_loop3A_133 : i32 to index
        %parallel_loop3A_135 = tpu.vector_load %arg6[%parallel_loop3A_134] {strides = array<i32>} : memref<16384xf32, #tpu.memory_space<vmem>>, vector<16xf32>,
        %parallel_loop3A_136 = vector.bitcast %parallel_loop3A_135 : vector<16xf32> to vector<16xi32>
        %parallel_loop3A_137 = arith.subi %parallel_loop3A_136, %bitcast3A : vector<16xi32>
        %parallel_loop3A_138 = arith.minui %parallel_loop3A_137, %broadcast_in_dim3A_20 : vector<16xi32>
        %parallel_loop3A_139 = vector.bitcast %parallel_loop3A_138 : vector<16xi32> to vector<16xi32>
        %parallel_loop3A_140 = arith.constant 4 : i32
        %parallel_loop3A_141 = vector.broadcast %parallel_loop3A_140 : i32 to vector<16xi32>
        %parallel_loop3A_142 = arith.shli %parallel_loop3A_139, %parallel_loop3A_141 : vector<16xi32>
        %parallel_loop3A_143 = arith.addi %parallel_loop3A_142, %add3A_16 : vector<16xi32>
        tpu.vector_store_idx %arg9[%parallel_loop3A_143], %broadcast_in_dim3A_18 {add = true} : memref<66048xi32, #tpu.memory_space<vmem>>[vector<16xi32>], vector<16xi32>,
        %parallel_loop3A_144 = arith.subi %parallel_loop3A_137, %broadcast_in_dim3A_20 : vector<16xi32>
        %parallel_loop3A_145 = arith.minui %parallel_loop3A_131, %parallel_loop3A_144 : vector<16xi32>
        scf.yield %parallel_loop3A_145 : vector<16xi32>
      } {sc.loop_unroll_factor = 2 : i64, sc.parallel_access}
      %add3A_66 = arith.constant 2 : i32
      %add3A_67 = arith.addi %mul3A_57, %add3A_66 : i32
      %mul3A_68 = arith.constant 16384 : i32
      %mul3A_69 = arith.muli %add3A_67, %mul3A_68 : i32
      %add3A_70 = arith.addi %mul3A_24, %mul3A_69 : i32
      %dma_start3A_71 = tpu.memref_slice %arg2[%add3A_70] : memref<4194304xf32, #tpu.memory_space<hbm>> -> memref<16384xf32, #tpu.memory_space<hbm>>
      %dma_start3A_72 = tpu.memref_slice %arg2[%add3A_70] : memref<4194304xf32, #tpu.memory_space<hbm>> -> memref<16384xf32, #tpu.memory_space<hbm>>
      tpu.enqueue_dma source(%dma_start3A_72 : memref<16384xf32, #tpu.memory_space<hbm>>) target(%arg6 : memref<16384xf32, #tpu.memory_space<vmem>>) target_semaphore(%arg12 : memref<!tpu.dma_semaphore, #tpu.memory_space<semaphore_mem>>)
      %dma_wait3A_73 = arith.constant 0 : i32
      %dma_wait3A_74 = tpu.memref_slice %arg2[%dma_wait3A_73] : memref<4194304xf32, #tpu.memory_space<hbm>> -> memref<16384xf32, #tpu.memory_space<hbm>>
      %dma_wait3A_75 = arith.constant 0 : i32
      %dma_wait3A_76 = tpu.memref_slice %arg2[%dma_wait3A_75] : memref<4194304xf32, #tpu.memory_space<hbm>> -> memref<16384xf32, #tpu.memory_space<hbm>>
      tpu.wait_dma2 semaphore(%arg13 : memref<!tpu.dma_semaphore, #tpu.memory_space<semaphore_mem>>) src(%dma_wait3A_76 : memref<16384xf32, #tpu.memory_space<hbm>>) dst(%arg7 : memref<16384xf32, #tpu.memory_space<vmem>>)
      %parallel_loop3A_77 = arith.constant 0 : i32
      %parallel_loop3A_78 = arith.constant 16384 : i32
      %parallel_loop3A_79 = arith.constant 64 : i32
      %parallel_loop3A_80 = scf.for %parallel_loop3A_88 = %parallel_loop3A_77 to %parallel_loop3A_78 step %parallel_loop3A_79 iter_args(%parallel_loop3A_89 = %parallel_loop3A_65) -> (vector<16xi32>)  : i32 {
        %parallel_loop3A_90 = arith.constant 0 : i32
        %parallel_loop3A_91 = arith.addi %parallel_loop3A_88, %parallel_loop3A_90 : i32
        %parallel_loop3A_92 = arith.index_cast %parallel_loop3A_91 : i32 to index
        %parallel_loop3A_93 = tpu.vector_load %arg7[%parallel_loop3A_92] {strides = array<i32>} : memref<16384xf32, #tpu.memory_space<vmem>>, vector<16xf32>,
        %parallel_loop3A_94 = vector.bitcast %parallel_loop3A_93 : vector<16xf32> to vector<16xi32>
        %parallel_loop3A_95 = arith.subi %parallel_loop3A_94, %bitcast3A : vector<16xi32>
        %parallel_loop3A_96 = arith.minui %parallel_loop3A_95, %broadcast_in_dim3A_20 : vector<16xi32>
        %parallel_loop3A_97 = vector.bitcast %parallel_loop3A_96 : vector<16xi32> to vector<16xi32>
        %parallel_loop3A_98 = arith.constant 4 : i32
        %parallel_loop3A_99 = vector.broadcast %parallel_loop3A_98 : i32 to vector<16xi32>
        %parallel_loop3A_100 = arith.shli %parallel_loop3A_97, %parallel_loop3A_99 : vector<16xi32>
        %parallel_loop3A_101 = arith.addi %parallel_loop3A_100, %add3A_7 : vector<16xi32>
        tpu.vector_store_idx %arg9[%parallel_loop3A_101], %broadcast_in_dim3A_18 {add = true} : memref<66048xi32, #tpu.memory_space<vmem>>[vector<16xi32>], vector<16xi32>,
        %parallel_loop3A_102 = arith.subi %parallel_loop3A_95, %broadcast_in_dim3A_20 : vector<16xi32>
        %parallel_loop3A_103 = arith.minui %parallel_loop3A_89, %parallel_loop3A_102 : vector<16xi32>
        %parallel_loop3A_104 = arith.constant 16 : i32
        %parallel_loop3A_105 = arith.addi %parallel_loop3A_88, %parallel_loop3A_104 : i32
        %parallel_loop3A_106 = arith.index_cast %parallel_loop3A_105 : i32 to index
        %parallel_loop3A_107 = tpu.vector_load %arg7[%parallel_loop3A_106] {strides = array<i32>} : memref<16384xf32, #tpu.memory_space<vmem>>, vector<16xf32>,
        %parallel_loop3A_108 = vector.bitcast %parallel_loop3A_107 : vector<16xf32> to vector<16xi32>
        %parallel_loop3A_109 = arith.subi %parallel_loop3A_108, %bitcast3A : vector<16xi32>
        %parallel_loop3A_110 = arith.minui %parallel_loop3A_109, %broadcast_in_dim3A_20 : vector<16xi32>
        %parallel_loop3A_111 = vector.bitcast %parallel_loop3A_110 : vector<16xi32> to vector<16xi32>
        %parallel_loop3A_112 = arith.constant 4 : i32
        %parallel_loop3A_113 = vector.broadcast %parallel_loop3A_112 : i32 to vector<16xi32>
        %parallel_loop3A_114 = arith.shli %parallel_loop3A_111, %parallel_loop3A_113 : vector<16xi32>
        %parallel_loop3A_115 = arith.addi %parallel_loop3A_114, %add3A_10 : vector<16xi32>
        tpu.vector_store_idx %arg9[%parallel_loop3A_115], %broadcast_in_dim3A_18 {add = true} : memref<66048xi32, #tpu.memory_space<vmem>>[vector<16xi32>], vector<16xi32>,
        %parallel_loop3A_116 = arith.subi %parallel_loop3A_109, %broadcast_in_dim3A_20 : vector<16xi32>
        %parallel_loop3A_117 = arith.minui %parallel_loop3A_103, %parallel_loop3A_116 : vector<16xi32>
        %parallel_loop3A_118 = arith.constant 32 : i32
        %parallel_loop3A_119 = arith.addi %parallel_loop3A_88, %parallel_loop3A_118 : i32
        %parallel_loop3A_120 = arith.index_cast %parallel_loop3A_119 : i32 to index
        %parallel_loop3A_121 = tpu.vector_load %arg7[%parallel_loop3A_120] {strides = array<i32>} : memref<16384xf32, #tpu.memory_space<vmem>>, vector<16xf32>,
        %parallel_loop3A_122 = vector.bitcast %parallel_loop3A_121 : vector<16xf32> to vector<16xi32>
        %parallel_loop3A_123 = arith.subi %parallel_loop3A_122, %bitcast3A : vector<16xi32>
        %parallel_loop3A_124 = arith.minui %parallel_loop3A_123, %broadcast_in_dim3A_20 : vector<16xi32>
        %parallel_loop3A_125 = vector.bitcast %parallel_loop3A_124 : vector<16xi32> to vector<16xi32>
        %parallel_loop3A_126 = arith.constant 4 : i32
        %parallel_loop3A_127 = vector.broadcast %parallel_loop3A_126 : i32 to vector<16xi32>
        %parallel_loop3A_128 = arith.shli %parallel_loop3A_125, %parallel_loop3A_127 : vector<16xi32>
        %parallel_loop3A_129 = arith.addi %parallel_loop3A_128, %add3A_13 : vector<16xi32>
        tpu.vector_store_idx %arg9[%parallel_loop3A_129], %broadcast_in_dim3A_18 {add = true} : memref<66048xi32, #tpu.memory_space<vmem>>[vector<16xi32>], vector<16xi32>,
        %parallel_loop3A_130 = arith.subi %parallel_loop3A_123, %broadcast_in_dim3A_20 : vector<16xi32>
        %parallel_loop3A_131 = arith.minui %parallel_loop3A_117, %parallel_loop3A_130 : vector<16xi32>
        %parallel_loop3A_132 = arith.constant 48 : i32
        %parallel_loop3A_133 = arith.addi %parallel_loop3A_88, %parallel_loop3A_132 : i32
        %parallel_loop3A_134 = arith.index_cast %parallel_loop3A_133 : i32 to index
        %parallel_loop3A_135 = tpu.vector_load %arg7[%parallel_loop3A_134] {strides = array<i32>} : memref<16384xf32, #tpu.memory_space<vmem>>, vector<16xf32>,
        %parallel_loop3A_136 = vector.bitcast %parallel_loop3A_135 : vector<16xf32> to vector<16xi32>
        %parallel_loop3A_137 = arith.subi %parallel_loop3A_136, %bitcast3A : vector<16xi32>
        %parallel_loop3A_138 = arith.minui %parallel_loop3A_137, %broadcast_in_dim3A_20 : vector<16xi32>
        %parallel_loop3A_139 = vector.bitcast %parallel_loop3A_138 : vector<16xi32> to vector<16xi32>
        %parallel_loop3A_140 = arith.constant 4 : i32
        %parallel_loop3A_141 = vector.broadcast %parallel_loop3A_140 : i32 to vector<16xi32>
        %parallel_loop3A_142 = arith.shli %parallel_loop3A_139, %parallel_loop3A_141 : vector<16xi32>
        %parallel_loop3A_143 = arith.addi %parallel_loop3A_142, %add3A_16 : vector<16xi32>
        tpu.vector_store_idx %arg9[%parallel_loop3A_143], %broadcast_in_dim3A_18 {add = true} : memref<66048xi32, #tpu.memory_space<vmem>>[vector<16xi32>], vector<16xi32>,
        %parallel_loop3A_144 = arith.subi %parallel_loop3A_137, %broadcast_in_dim3A_20 : vector<16xi32>
        %parallel_loop3A_145 = arith.minui %parallel_loop3A_131, %parallel_loop3A_144 : vector<16xi32>
        scf.yield %parallel_loop3A_145 : vector<16xi32>
      } {sc.loop_unroll_factor = 2 : i64, sc.parallel_access}
      %add3A_81 = arith.constant 3 : i32
      %add3A_82 = arith.addi %mul3A_57, %add3A_81 : i32
      %mul3A_83 = arith.constant 16384 : i32
      %mul3A_84 = arith.muli %add3A_82, %mul3A_83 : i32
      %add3A_85 = arith.addi %mul3A_24, %mul3A_84 : i32
      %dma_start3A_86 = tpu.memref_slice %arg2[%add3A_85] : memref<4194304xf32, #tpu.memory_space<hbm>> -> memref<16384xf32, #tpu.memory_space<hbm>>
      %dma_start3A_87 = tpu.memref_slice %arg2[%add3A_85] : memref<4194304xf32, #tpu.memory_space<hbm>> -> memref<16384xf32, #tpu.memory_space<hbm>>
      tpu.enqueue_dma source(%dma_start3A_87 : memref<16384xf32, #tpu.memory_space<hbm>>) target(%arg7 : memref<16384xf32, #tpu.memory_space<vmem>>) target_semaphore(%arg13 : memref<!tpu.dma_semaphore, #tpu.memory_space<semaphore_mem>>)
      scf.yield %parallel_loop3A_80 : vector<16xi32>
    }
    %scan3A_34 = arith.constant 3 : i32
    %dma_wait3A = arith.constant 0 : i32
    %dma_wait3A_35 = tpu.memref_slice %arg2[%dma_wait3A] : memref<4194304xf32, #tpu.memory_space<hbm>> -> memref<16384xf32, #tpu.memory_space<hbm>>
    %dma_wait3A_36 = arith.constant 0 : i32
    %dma_wait3A_37 = tpu.memref_slice %arg2[%dma_wait3A_36] : memref<4194304xf32, #tpu.memory_space<hbm>> -> memref<16384xf32, #tpu.memory_space<hbm>>
    tpu.wait_dma2 semaphore(%arg12 : memref<!tpu.dma_semaphore, #tpu.memory_space<semaphore_mem>>) src(%dma_wait3A_37 : memref<16384xf32, #tpu.memory_space<hbm>>) dst(%arg6 : memref<16384xf32, #tpu.memory_space<vmem>>)
    %parallel_loop3A_38 = arith.constant 0 : i32
    %parallel_loop3A_39 = arith.constant 16384 : i32
    %parallel_loop3A_40 = arith.constant 64 : i32
    %parallel_loop3A_41 = scf.for %parallel_loop3A_54 = %parallel_loop3A_38 to %parallel_loop3A_39 step %parallel_loop3A_40 iter_args(%parallel_loop3A_55 = %scan3A_33) -> (vector<16xi32>)  : i32 {
      %parallel_loop3A_56 = arith.constant 0 : i32
      %parallel_loop3A_57 = arith.addi %parallel_loop3A_54, %parallel_loop3A_56 : i32
      %parallel_loop3A_58 = arith.index_cast %parallel_loop3A_57 : i32 to index
      %parallel_loop3A_59 = tpu.vector_load %arg6[%parallel_loop3A_58] {strides = array<i32>} : memref<16384xf32, #tpu.memory_space<vmem>>, vector<16xf32>,
      %parallel_loop3A_60 = vector.bitcast %parallel_loop3A_59 : vector<16xf32> to vector<16xi32>
      %parallel_loop3A_61 = arith.subi %parallel_loop3A_60, %bitcast3A : vector<16xi32>
      %parallel_loop3A_62 = arith.minui %parallel_loop3A_61, %broadcast_in_dim3A_20 : vector<16xi32>
      %parallel_loop3A_63 = vector.bitcast %parallel_loop3A_62 : vector<16xi32> to vector<16xi32>
      %parallel_loop3A_64 = arith.constant 4 : i32
      %parallel_loop3A_65 = vector.broadcast %parallel_loop3A_64 : i32 to vector<16xi32>
      %parallel_loop3A_66 = arith.shli %parallel_loop3A_63, %parallel_loop3A_65 : vector<16xi32>
      %parallel_loop3A_67 = arith.addi %parallel_loop3A_66, %add3A_7 : vector<16xi32>
      tpu.vector_store_idx %arg9[%parallel_loop3A_67], %broadcast_in_dim3A_18 {add = true} : memref<66048xi32, #tpu.memory_space<vmem>>[vector<16xi32>], vector<16xi32>,
      %parallel_loop3A_68 = arith.subi %parallel_loop3A_61, %broadcast_in_dim3A_20 : vector<16xi32>
      %parallel_loop3A_69 = arith.minui %parallel_loop3A_55, %parallel_loop3A_68 : vector<16xi32>
      %parallel_loop3A_70 = arith.constant 16 : i32
      %parallel_loop3A_71 = arith.addi %parallel_loop3A_54, %parallel_loop3A_70 : i32
      %parallel_loop3A_72 = arith.index_cast %parallel_loop3A_71 : i32 to index
      %parallel_loop3A_73 = tpu.vector_load %arg6[%parallel_loop3A_72] {strides = array<i32>} : memref<16384xf32, #tpu.memory_space<vmem>>, vector<16xf32>,
      %parallel_loop3A_74 = vector.bitcast %parallel_loop3A_73 : vector<16xf32> to vector<16xi32>
      %parallel_loop3A_75 = arith.subi %parallel_loop3A_74, %bitcast3A : vector<16xi32>
      %parallel_loop3A_76 = arith.minui %parallel_loop3A_75, %broadcast_in_dim3A_20 : vector<16xi32>
      %parallel_loop3A_77 = vector.bitcast %parallel_loop3A_76 : vector<16xi32> to vector<16xi32>
      %parallel_loop3A_78 = arith.constant 4 : i32
      %parallel_loop3A_79 = vector.broadcast %parallel_loop3A_78 : i32 to vector<16xi32>
      %parallel_loop3A_80 = arith.shli %parallel_loop3A_77, %parallel_loop3A_79 : vector<16xi32>
      %parallel_loop3A_81 = arith.addi %parallel_loop3A_80, %add3A_10 : vector<16xi32>
      tpu.vector_store_idx %arg9[%parallel_loop3A_81], %broadcast_in_dim3A_18 {add = true} : memref<66048xi32, #tpu.memory_space<vmem>>[vector<16xi32>], vector<16xi32>,
      %parallel_loop3A_82 = arith.subi %parallel_loop3A_75, %broadcast_in_dim3A_20 : vector<16xi32>
      %parallel_loop3A_83 = arith.minui %parallel_loop3A_69, %parallel_loop3A_82 : vector<16xi32>
      %parallel_loop3A_84 = arith.constant 32 : i32
      %parallel_loop3A_85 = arith.addi %parallel_loop3A_54, %parallel_loop3A_84 : i32
      %parallel_loop3A_86 = arith.index_cast %parallel_loop3A_85 : i32 to index
      %parallel_loop3A_87 = tpu.vector_load %arg6[%parallel_loop3A_86] {strides = array<i32>} : memref<16384xf32, #tpu.memory_space<vmem>>, vector<16xf32>,
      %parallel_loop3A_88 = vector.bitcast %parallel_loop3A_87 : vector<16xf32> to vector<16xi32>
      %parallel_loop3A_89 = arith.subi %parallel_loop3A_88, %bitcast3A : vector<16xi32>
      %parallel_loop3A_90 = arith.minui %parallel_loop3A_89, %broadcast_in_dim3A_20 : vector<16xi32>
      %parallel_loop3A_91 = vector.bitcast %parallel_loop3A_90 : vector<16xi32> to vector<16xi32>
      %parallel_loop3A_92 = arith.constant 4 : i32
      %parallel_loop3A_93 = vector.broadcast %parallel_loop3A_92 : i32 to vector<16xi32>
      %parallel_loop3A_94 = arith.shli %parallel_loop3A_91, %parallel_loop3A_93 : vector<16xi32>
      %parallel_loop3A_95 = arith.addi %parallel_loop3A_94, %add3A_13 : vector<16xi32>
      tpu.vector_store_idx %arg9[%parallel_loop3A_95], %broadcast_in_dim3A_18 {add = true} : memref<66048xi32, #tpu.memory_space<vmem>>[vector<16xi32>], vector<16xi32>,
      %parallel_loop3A_96 = arith.subi %parallel_loop3A_89, %broadcast_in_dim3A_20 : vector<16xi32>
      %parallel_loop3A_97 = arith.minui %parallel_loop3A_83, %parallel_loop3A_96 : vector<16xi32>
      %parallel_loop3A_98 = arith.constant 48 : i32
      %parallel_loop3A_99 = arith.addi %parallel_loop3A_54, %parallel_loop3A_98 : i32
      %parallel_loop3A_100 = arith.index_cast %parallel_loop3A_99 : i32 to index
      %parallel_loop3A_101 = tpu.vector_load %arg6[%parallel_loop3A_100] {strides = array<i32>} : memref<16384xf32, #tpu.memory_space<vmem>>, vector<16xf32>,
      %parallel_loop3A_102 = vector.bitcast %parallel_loop3A_101 : vector<16xf32> to vector<16xi32>
      %parallel_loop3A_103 = arith.subi %parallel_loop3A_102, %bitcast3A : vector<16xi32>
      %parallel_loop3A_104 = arith.minui %parallel_loop3A_103, %broadcast_in_dim3A_20 : vector<16xi32>
      %parallel_loop3A_105 = vector.bitcast %parallel_loop3A_104 : vector<16xi32> to vector<16xi32>
      %parallel_loop3A_106 = arith.constant 4 : i32
      %parallel_loop3A_107 = vector.broadcast %parallel_loop3A_106 : i32 to vector<16xi32>
      %parallel_loop3A_108 = arith.shli %parallel_loop3A_105, %parallel_loop3A_107 : vector<16xi32>
      %parallel_loop3A_109 = arith.addi %parallel_loop3A_108, %add3A_16 : vector<16xi32>
      tpu.vector_store_idx %arg9[%parallel_loop3A_109], %broadcast_in_dim3A_18 {add = true} : memref<66048xi32, #tpu.memory_space<vmem>>[vector<16xi32>], vector<16xi32>,
      %parallel_loop3A_110 = arith.subi %parallel_loop3A_103, %broadcast_in_dim3A_20 : vector<16xi32>
      %parallel_loop3A_111 = arith.minui %parallel_loop3A_97, %parallel_loop3A_110 : vector<16xi32>
      scf.yield %parallel_loop3A_111 : vector<16xi32>
    } {sc.loop_unroll_factor = 2 : i64, sc.parallel_access}
    %dma_wait3A_42 = arith.constant 0 : i32
    %dma_wait3A_43 = tpu.memref_slice %arg2[%dma_wait3A_42] : memref<4194304xf32, #tpu.memory_space<hbm>> -> memref<16384xf32, #tpu.memory_space<hbm>>
    %dma_wait3A_44 = arith.constant 0 : i32
    %dma_wait3A_45 = tpu.memref_slice %arg2[%dma_wait3A_44] : memref<4194304xf32, #tpu.memory_space<hbm>> -> memref<16384xf32, #tpu.memory_space<hbm>>
    tpu.wait_dma2 semaphore(%arg13 : memref<!tpu.dma_semaphore, #tpu.memory_space<semaphore_mem>>) src(%dma_wait3A_45 : memref<16384xf32, #tpu.memory_space<hbm>>) dst(%arg7 : memref<16384xf32, #tpu.memory_space<vmem>>)
    %parallel_loop3A_46 = arith.constant 0 : i32
    %parallel_loop3A_47 = arith.constant 16384 : i32
    %parallel_loop3A_48 = arith.constant 64 : i32
    %parallel_loop3A_49 = scf.for %parallel_loop3A_54 = %parallel_loop3A_46 to %parallel_loop3A_47 step %parallel_loop3A_48 iter_args(%parallel_loop3A_55 = %parallel_loop3A_41) -> (vector<16xi32>)  : i32 {
      %parallel_loop3A_56 = arith.constant 0 : i32
      %parallel_loop3A_57 = arith.addi %parallel_loop3A_54, %parallel_loop3A_56 : i32
      %parallel_loop3A_58 = arith.index_cast %parallel_loop3A_57 : i32 to index
      %parallel_loop3A_59 = tpu.vector_load %arg7[%parallel_loop3A_58] {strides = array<i32>} : memref<16384xf32, #tpu.memory_space<vmem>>, vector<16xf32>,
      %parallel_loop3A_60 = vector.bitcast %parallel_loop3A_59 : vector<16xf32> to vector<16xi32>
      %parallel_loop3A_61 = arith.subi %parallel_loop3A_60, %bitcast3A : vector<16xi32>
      %parallel_loop3A_62 = arith.minui %parallel_loop3A_61, %broadcast_in_dim3A_20 : vector<16xi32>
      %parallel_loop3A_63 = vector.bitcast %parallel_loop3A_62 : vector<16xi32> to vector<16xi32>
      %parallel_loop3A_64 = arith.constant 4 : i32
      %parallel_loop3A_65 = vector.broadcast %parallel_loop3A_64 : i32 to vector<16xi32>
      %parallel_loop3A_66 = arith.shli %parallel_loop3A_63, %parallel_loop3A_65 : vector<16xi32>
      %parallel_loop3A_67 = arith.addi %parallel_loop3A_66, %add3A_7 : vector<16xi32>
      tpu.vector_store_idx %arg9[%parallel_loop3A_67], %broadcast_in_dim3A_18 {add = true} : memref<66048xi32, #tpu.memory_space<vmem>>[vector<16xi32>], vector<16xi32>,
      %parallel_loop3A_68 = arith.subi %parallel_loop3A_61, %broadcast_in_dim3A_20 : vector<16xi32>
      %parallel_loop3A_69 = arith.minui %parallel_loop3A_55, %parallel_loop3A_68 : vector<16xi32>
      %parallel_loop3A_70 = arith.constant 16 : i32
      %parallel_loop3A_71 = arith.addi %parallel_loop3A_54, %parallel_loop3A_70 : i32
      %parallel_loop3A_72 = arith.index_cast %parallel_loop3A_71 : i32 to index
      %parallel_loop3A_73 = tpu.vector_load %arg7[%parallel_loop3A_72] {strides = array<i32>} : memref<16384xf32, #tpu.memory_space<vmem>>, vector<16xf32>,
      %parallel_loop3A_74 = vector.bitcast %parallel_loop3A_73 : vector<16xf32> to vector<16xi32>
      %parallel_loop3A_75 = arith.subi %parallel_loop3A_74, %bitcast3A : vector<16xi32>
      %parallel_loop3A_76 = arith.minui %parallel_loop3A_75, %broadcast_in_dim3A_20 : vector<16xi32>
      %parallel_loop3A_77 = vector.bitcast %parallel_loop3A_76 : vector<16xi32> to vector<16xi32>
      %parallel_loop3A_78 = arith.constant 4 : i32
      %parallel_loop3A_79 = vector.broadcast %parallel_loop3A_78 : i32 to vector<16xi32>
      %parallel_loop3A_80 = arith.shli %parallel_loop3A_77, %parallel_loop3A_79 : vector<16xi32>
      %parallel_loop3A_81 = arith.addi %parallel_loop3A_80, %add3A_10 : vector<16xi32>
      tpu.vector_store_idx %arg9[%parallel_loop3A_81], %broadcast_in_dim3A_18 {add = true} : memref<66048xi32, #tpu.memory_space<vmem>>[vector<16xi32>], vector<16xi32>,
      %parallel_loop3A_82 = arith.subi %parallel_loop3A_75, %broadcast_in_dim3A_20 : vector<16xi32>
      %parallel_loop3A_83 = arith.minui %parallel_loop3A_69, %parallel_loop3A_82 : vector<16xi32>
      %parallel_loop3A_84 = arith.constant 32 : i32
      %parallel_loop3A_85 = arith.addi %parallel_loop3A_54, %parallel_loop3A_84 : i32
      %parallel_loop3A_86 = arith.index_cast %parallel_loop3A_85 : i32 to index
      %parallel_loop3A_87 = tpu.vector_load %arg7[%parallel_loop3A_86] {strides = array<i32>} : memref<16384xf32, #tpu.memory_space<vmem>>, vector<16xf32>,
      %parallel_loop3A_88 = vector.bitcast %parallel_loop3A_87 : vector<16xf32> to vector<16xi32>
      %parallel_loop3A_89 = arith.subi %parallel_loop3A_88, %bitcast3A : vector<16xi32>
      %parallel_loop3A_90 = arith.minui %parallel_loop3A_89, %broadcast_in_dim3A_20 : vector<16xi32>
      %parallel_loop3A_91 = vector.bitcast %parallel_loop3A_90 : vector<16xi32> to vector<16xi32>
      %parallel_loop3A_92 = arith.constant 4 : i32
      %parallel_loop3A_93 = vector.broadcast %parallel_loop3A_92 : i32 to vector<16xi32>
      %parallel_loop3A_94 = arith.shli %parallel_loop3A_91, %parallel_loop3A_93 : vector<16xi32>
      %parallel_loop3A_95 = arith.addi %parallel_loop3A_94, %add3A_13 : vector<16xi32>
      tpu.vector_store_idx %arg9[%parallel_loop3A_95], %broadcast_in_dim3A_18 {add = true} : memref<66048xi32, #tpu.memory_space<vmem>>[vector<16xi32>], vector<16xi32>,
      %parallel_loop3A_96 = arith.subi %parallel_loop3A_89, %broadcast_in_dim3A_20 : vector<16xi32>
      %parallel_loop3A_97 = arith.minui %parallel_loop3A_83, %parallel_loop3A_96 : vector<16xi32>
      %parallel_loop3A_98 = arith.constant 48 : i32
      %parallel_loop3A_99 = arith.addi %parallel_loop3A_54, %parallel_loop3A_98 : i32
      %parallel_loop3A_100 = arith.index_cast %parallel_loop3A_99 : i32 to index
      %parallel_loop3A_101 = tpu.vector_load %arg7[%parallel_loop3A_100] {strides = array<i32>} : memref<16384xf32, #tpu.memory_space<vmem>>, vector<16xf32>,
      %parallel_loop3A_102 = vector.bitcast %parallel_loop3A_101 : vector<16xf32> to vector<16xi32>
      %parallel_loop3A_103 = arith.subi %parallel_loop3A_102, %bitcast3A : vector<16xi32>
      %parallel_loop3A_104 = arith.minui %parallel_loop3A_103, %broadcast_in_dim3A_20 : vector<16xi32>
      %parallel_loop3A_105 = vector.bitcast %parallel_loop3A_104 : vector<16xi32> to vector<16xi32>
      %parallel_loop3A_106 = arith.constant 4 : i32
      %parallel_loop3A_107 = vector.broadcast %parallel_loop3A_106 : i32 to vector<16xi32>
      %parallel_loop3A_108 = arith.shli %parallel_loop3A_105, %parallel_loop3A_107 : vector<16xi32>
      %parallel_loop3A_109 = arith.addi %parallel_loop3A_108, %add3A_16 : vector<16xi32>
      tpu.vector_store_idx %arg9[%parallel_loop3A_109], %broadcast_in_dim3A_18 {add = true} : memref<66048xi32, #tpu.memory_space<vmem>>[vector<16xi32>], vector<16xi32>,
      %parallel_loop3A_110 = arith.subi %parallel_loop3A_103, %broadcast_in_dim3A_20 : vector<16xi32>
      %parallel_loop3A_111 = arith.minui %parallel_loop3A_97, %parallel_loop3A_110 : vector<16xi32>
      scf.yield %parallel_loop3A_111 : vector<16xi32>
    } {sc.loop_unroll_factor = 2 : i64, sc.parallel_access}
    %swap3A = arith.constant 0 : index
    %swap3A_50 = tpu.vector_load %arg11[%swap3A] {strides = array<i32>} : memref<16xi32, #tpu.memory_space<vmem>>, vector<16xi32>,
    tpu.vector_store %arg11[%swap3A], %parallel_loop3A_49 {strides = array<i32>} : memref<16xi32, #tpu.memory_space<vmem>>, vector<16xi32>,
    %parallel_loop3A_51 = arith.constant 0 : i32
    %parallel_loop3A_52 = arith.constant 16512 : i32
    %parallel_loop3A_53 = arith.constant 16 : i32
    scf.for %parallel_loop3A_54 = %parallel_loop3A_51 to %parallel_loop3A_52 step %parallel_loop3A_53  : i32 {
      %parallel_loop3A_55 = arith.index_cast %parallel_loop3A_54 : i32 to index
      %parallel_loop3A_56 = tpu.vector_load %arg9[%parallel_loop3A_55] {strides = array<i32>} : memref<66048xi32, #tpu.memory_space<vmem>>, vector<16xi32>,
      %parallel_loop3A_57 = arith.constant 16512 : i32
      %parallel_loop3A_58 = arith.addi %parallel_loop3A_57, %parallel_loop3A_54 : i32
      %parallel_loop3A_59 = arith.index_cast %parallel_loop3A_58 : i32 to index
      %parallel_loop3A_60 = tpu.vector_load %arg9[%parallel_loop3A_59] {strides = array<i32>} : memref<66048xi32, #tpu.memory_space<vmem>>, vector<16xi32>,
      %parallel_loop3A_61 = arith.addi %parallel_loop3A_56, %parallel_loop3A_60 : vector<16xi32>
      %parallel_loop3A_62 = arith.constant 33024 : i32
      %parallel_loop3A_63 = arith.addi %parallel_loop3A_62, %parallel_loop3A_54 : i32
      %parallel_loop3A_64 = arith.index_cast %parallel_loop3A_63 : i32 to index
      %parallel_loop3A_65 = tpu.vector_load %arg9[%parallel_loop3A_64] {strides = array<i32>} : memref<66048xi32, #tpu.memory_space<vmem>>, vector<16xi32>,
      %parallel_loop3A_66 = arith.addi %parallel_loop3A_61, %parallel_loop3A_65 : vector<16xi32>
      %parallel_loop3A_67 = arith.constant 49536 : i32
      %parallel_loop3A_68 = arith.addi %parallel_loop3A_67, %parallel_loop3A_54 : i32
      %parallel_loop3A_69 = arith.index_cast %parallel_loop3A_68 : i32 to index
      %parallel_loop3A_70 = tpu.vector_load %arg9[%parallel_loop3A_69] {strides = array<i32>} : memref<66048xi32, #tpu.memory_space<vmem>>, vector<16xi32>,
      %parallel_loop3A_71 = arith.addi %parallel_loop3A_66, %parallel_loop3A_70 : vector<16xi32>
      %parallel_loop3A_72 = arith.index_cast %parallel_loop3A_54 : i32 to index
      %parallel_loop3A_73 = tpu.vector_load %arg10[%parallel_loop3A_72] {strides = array<i32>} : memref<16512xi32, #tpu.memory_space<vmem>>, vector<16xi32>,
      tpu.vector_store %arg10[%parallel_loop3A_72], %parallel_loop3A_71 {strides = array<i32>} : memref<16512xi32, #tpu.memory_space<vmem>>, vector<16xi32>,
    } {sc.loop_unroll_factor = 4 : i64, sc.parallel_access}
    "tpu.region"() ({
      %run_scoped3A = tpu.sem_alloc : memref<!tpu.dma_semaphore, #tpu.memory_space<semaphore_mem>>
      %dma_start3A_54 = arith.constant 0 : i32
      %dma_start3A_55 = tpu.memref_slice %arg4[%add3A, %dma_start3A_54] : memref<32x16512xi32, #tpu.memory_space<hbm>> -> memref<1x16512xi32, #tpu.memory_space<hbm>>
      %dma_start3A_56 = tpu.memref_squeeze %dma_start3A_55 : memref<1x16512xi32, #tpu.memory_space<hbm>> -> memref<16512xi32, #tpu.memory_space<hbm>>
      %dma_start3A_57 = arith.constant 0 : i32
      %dma_start3A_58 = tpu.memref_slice %arg4[%add3A, %dma_start3A_57] : memref<32x16512xi32, #tpu.memory_space<hbm>> -> memref<1x16512xi32, #tpu.memory_space<hbm>>
      %dma_start3A_59 = tpu.memref_squeeze %dma_start3A_58 : memref<1x16512xi32, #tpu.memory_space<hbm>> -> memref<16512xi32, #tpu.memory_space<hbm>>
      tpu.enqueue_dma source(%arg10 : memref<16512xi32, #tpu.memory_space<vmem>>) target(%dma_start3A_59 : memref<16512xi32, #tpu.memory_space<hbm>>) target_semaphore(%run_scoped3A : memref<!tpu.dma_semaphore, #tpu.memory_space<semaphore_mem>>)
      %dma_wait3A_60 = arith.constant 0 : i32
      %dma_wait3A_61 = tpu.memref_slice %arg4[%add3A, %dma_wait3A_60] : memref<32x16512xi32, #tpu.memory_space<hbm>> -> memref<1x16512xi32, #tpu.memory_space<hbm>>
      %dma_wait3A_62 = tpu.memref_squeeze %dma_wait3A_61 : memref<1x16512xi32, #tpu.memory_space<hbm>> -> memref<16512xi32, #tpu.memory_space<hbm>>
      %dma_wait3A_63 = arith.constant 0 : i32
      %dma_wait3A_64 = tpu.memref_slice %arg4[%add3A, %dma_wait3A_63] : memref<32x16512xi32, #tpu.memory_space<hbm>> -> memref<1x16512xi32, #tpu.memory_space<hbm>>
      %dma_wait3A_65 = tpu.memref_squeeze %dma_wait3A_64 : memref<1x16512xi32, #tpu.memory_space<hbm>> -> memref<16512xi32, #tpu.memory_space<hbm>>
      tpu.wait_dma2 semaphore(%run_scoped3A : memref<!tpu.dma_semaphore, #tpu.memory_space<semaphore_mem>>) src(%arg10 : memref<16512xi32, #tpu.memory_space<vmem>>) dst(%dma_wait3A_65 : memref<16512xi32, #tpu.memory_space<hbm>>)
      tpu.yield
    }) : () -> ()
    "tpu.region"() ({
      %run_scoped3A = tpu.sem_alloc : memref<!tpu.dma_semaphore, #tpu.memory_space<semaphore_mem>>
      %dma_start3A_54 = arith.constant 0 : i32
      %dma_start3A_55 = tpu.memref_slice %arg5[%add3A, %dma_start3A_54] : memref<32x16xi32, #tpu.memory_space<hbm>> -> memref<1x16xi32, #tpu.memory_space<hbm>>
      %dma_start3A_56 = tpu.memref_squeeze %dma_start3A_55 : memref<1x16xi32, #tpu.memory_space<hbm>> -> memref<16xi32, #tpu.memory_space<hbm>>
      %dma_start3A_57 = arith.constant 0 : i32
      %dma_start3A_58 = tpu.memref_slice %arg5[%add3A, %dma_start3A_57] : memref<32x16xi32, #tpu.memory_space<hbm>> -> memref<1x16xi32, #tpu.memory_space<hbm>>
      %dma_start3A_59 = tpu.memref_squeeze %dma_start3A_58 : memref<1x16xi32, #tpu.memory_space<hbm>> -> memref<16xi32, #tpu.memory_space<hbm>>
      tpu.enqueue_dma source(%arg11 : memref<16xi32, #tpu.memory_space<vmem>>) target(%dma_start3A_59 : memref<16xi32, #tpu.memory_space<hbm>>) target_semaphore(%run_scoped3A : memref<!tpu.dma_semaphore, #tpu.memory_space<semaphore_mem>>)
      %dma_wait3A_60 = arith.constant 0 : i32
      %dma_wait3A_61 = tpu.memref_slice %arg5[%add3A, %dma_wait3A_60] : memref<32x16xi32, #tpu.memory_space<hbm>> -> memref<1x16xi32, #tpu.memory_space<hbm>>
      %dma_wait3A_62 = tpu.memref_squeeze %dma_wait3A_61 : memref<1x16xi32, #tpu.memory_space<hbm>> -> memref<16xi32, #tpu.memory_space<hbm>>
      %dma_wait3A_63 = arith.constant 0 : i32
      %dma_wait3A_64 = tpu.memref_slice %arg5[%add3A, %dma_wait3A_63] : memref<32x16xi32, #tpu.memory_space<hbm>> -> memref<1x16xi32, #tpu.memory_space<hbm>>
      %dma_wait3A_65 = tpu.memref_squeeze %dma_wait3A_64 : memref<1x16xi32, #tpu.memory_space<hbm>> -> memref<16xi32, #tpu.memory_space<hbm>>
      tpu.wait_dma2 semaphore(%run_scoped3A : memref<!tpu.dma_semaphore, #tpu.memory_space<semaphore_mem>>) src(%arg11 : memref<16xi32, #tpu.memory_space<vmem>>) dst(%dma_wait3A_65 : memref<16xi32, #tpu.memory_space<hbm>>)
      tpu.yield
    }) : () -> ()
    return
  }
}

#map = affine_map<(d0, d1) -> (0)>
#map1 = affine_map<(d0, d1) -> (0, 0)>
module attributes {stable_mosaic.version = 14 : i64} {
  func.func @_sc_round2(%arg0: i32, %arg1: i32, %arg2: memref<4194304xf32, #tpu.memory_space<hbm>>, %arg3: memref<16xi32, #tpu.memory_space<hbm>>, %arg4: memref<32x16512xi32, #tpu.memory_space<hbm>>, %arg5: memref<16384xf32, #tpu.memory_space<vmem>>, %arg6: memref<16384xf32, #tpu.memory_space<vmem>>, %arg7: memref<16xi32, #tpu.memory_space<vmem>>, %arg8: memref<66048xi32, #tpu.memory_space<vmem>>, %arg9: memref<16512xi32, #tpu.memory_space<vmem>>, %arg10: memref<!tpu.dma_semaphore, #tpu.memory_space<semaphore_mem>>, %arg11: memref<!tpu.dma_semaphore, #tpu.memory_space<semaphore_mem>>) attributes {dimension_semantics = [#tpu.dimension_semantics<core_parallel>, #tpu.dimension_semantics<subcore_parallel>], iteration_bounds = array<i64: 2, 16>, scalar_prefetch = 0 : i64, scratch_operands = 7 : i64, tpu.core_type = #tpu.core_type<sc_vector_subcore>, window_params = [{transform_indices = #map}, {transform_indices = #map}, {transform_indices = #map1}]} {
    %mul3A = arith.constant 2 : i32
    %mul3A_0 = arith.muli %arg1, %mul3A : i32
    %add3A = arith.addi %mul3A_0, %arg0 : i32
    "tpu.region"() ({
      %run_scoped3A = tpu.sem_alloc : memref<!tpu.dma_semaphore, #tpu.memory_space<semaphore_mem>>
      tpu.enqueue_dma source(%arg3 : memref<16xi32, #tpu.memory_space<hbm>>) target(%arg7 : memref<16xi32, #tpu.memory_space<vmem>>) target_semaphore(%run_scoped3A : memref<!tpu.dma_semaphore, #tpu.memory_space<semaphore_mem>>)
      tpu.wait_dma2 semaphore(%run_scoped3A : memref<!tpu.dma_semaphore, #tpu.memory_space<semaphore_mem>>) src(%arg3 : memref<16xi32, #tpu.memory_space<hbm>>) dst(%arg7 : memref<16xi32, #tpu.memory_space<vmem>>)
      tpu.yield
    }) : () -> ()
    %broadcast_in_dim3A = arith.constant 0 : i32
    %broadcast_in_dim3A_1 = vector.broadcast %broadcast_in_dim3A : i32 to vector<16xi32>
    %parallel_loop3A = arith.constant 0 : i32
    %parallel_loop3A_2 = arith.constant 66048 : i32
    %parallel_loop3A_3 = arith.constant 128 : i32
    scf.for %parallel_loop3A_49 = %parallel_loop3A to %parallel_loop3A_2 step %parallel_loop3A_3  : i32 {
      %parallel_loop3A_50 = arith.constant 0 : i32
      %parallel_loop3A_51 = arith.addi %parallel_loop3A_49, %parallel_loop3A_50 : i32
      %parallel_loop3A_52 = arith.index_cast %parallel_loop3A_51 : i32 to index
      %parallel_loop3A_53 = tpu.vector_load %arg8[%parallel_loop3A_52] {strides = array<i32>} : memref<66048xi32, #tpu.memory_space<vmem>>, vector<16xi32>,
      tpu.vector_store %arg8[%parallel_loop3A_52], %broadcast_in_dim3A_1 {strides = array<i32>} : memref<66048xi32, #tpu.memory_space<vmem>>, vector<16xi32>,
      %parallel_loop3A_54 = arith.constant 16 : i32
      %parallel_loop3A_55 = arith.addi %parallel_loop3A_49, %parallel_loop3A_54 : i32
      %parallel_loop3A_56 = arith.index_cast %parallel_loop3A_55 : i32 to index
      %parallel_loop3A_57 = tpu.vector_load %arg8[%parallel_loop3A_56] {strides = array<i32>} : memref<66048xi32, #tpu.memory_space<vmem>>, vector<16xi32>,
      tpu.vector_store %arg8[%parallel_loop3A_56], %broadcast_in_dim3A_1 {strides = array<i32>} : memref<66048xi32, #tpu.memory_space<vmem>>, vector<16xi32>,
      %parallel_loop3A_58 = arith.constant 32 : i32
      %parallel_loop3A_59 = arith.addi %parallel_loop3A_49, %parallel_loop3A_58 : i32
      %parallel_loop3A_60 = arith.index_cast %parallel_loop3A_59 : i32 to index
      %parallel_loop3A_61 = tpu.vector_load %arg8[%parallel_loop3A_60] {strides = array<i32>} : memref<66048xi32, #tpu.memory_space<vmem>>, vector<16xi32>,
      tpu.vector_store %arg8[%parallel_loop3A_60], %broadcast_in_dim3A_1 {strides = array<i32>} : memref<66048xi32, #tpu.memory_space<vmem>>, vector<16xi32>,
      %parallel_loop3A_62 = arith.constant 48 : i32
      %parallel_loop3A_63 = arith.addi %parallel_loop3A_49, %parallel_loop3A_62 : i32
      %parallel_loop3A_64 = arith.index_cast %parallel_loop3A_63 : i32 to index
      %parallel_loop3A_65 = tpu.vector_load %arg8[%parallel_loop3A_64] {strides = array<i32>} : memref<66048xi32, #tpu.memory_space<vmem>>, vector<16xi32>,
      tpu.vector_store %arg8[%parallel_loop3A_64], %broadcast_in_dim3A_1 {strides = array<i32>} : memref<66048xi32, #tpu.memory_space<vmem>>, vector<16xi32>,
      %parallel_loop3A_66 = arith.constant 64 : i32
      %parallel_loop3A_67 = arith.addi %parallel_loop3A_49, %parallel_loop3A_66 : i32
      %parallel_loop3A_68 = arith.index_cast %parallel_loop3A_67 : i32 to index
      %parallel_loop3A_69 = tpu.vector_load %arg8[%parallel_loop3A_68] {strides = array<i32>} : memref<66048xi32, #tpu.memory_space<vmem>>, vector<16xi32>,
      tpu.vector_store %arg8[%parallel_loop3A_68], %broadcast_in_dim3A_1 {strides = array<i32>} : memref<66048xi32, #tpu.memory_space<vmem>>, vector<16xi32>,
      %parallel_loop3A_70 = arith.constant 80 : i32
      %parallel_loop3A_71 = arith.addi %parallel_loop3A_49, %parallel_loop3A_70 : i32
      %parallel_loop3A_72 = arith.index_cast %parallel_loop3A_71 : i32 to index
      %parallel_loop3A_73 = tpu.vector_load %arg8[%parallel_loop3A_72] {strides = array<i32>} : memref<66048xi32, #tpu.memory_space<vmem>>, vector<16xi32>,
      tpu.vector_store %arg8[%parallel_loop3A_72], %broadcast_in_dim3A_1 {strides = array<i32>} : memref<66048xi32, #tpu.memory_space<vmem>>, vector<16xi32>,
      %parallel_loop3A_74 = arith.constant 96 : i32
      %parallel_loop3A_75 = arith.addi %parallel_loop3A_49, %parallel_loop3A_74 : i32
      %parallel_loop3A_76 = arith.index_cast %parallel_loop3A_75 : i32 to index
      %parallel_loop3A_77 = tpu.vector_load %arg8[%parallel_loop3A_76] {strides = array<i32>} : memref<66048xi32, #tpu.memory_space<vmem>>, vector<16xi32>,
      tpu.vector_store %arg8[%parallel_loop3A_76], %broadcast_in_dim3A_1 {strides = array<i32>} : memref<66048xi32, #tpu.memory_space<vmem>>, vector<16xi32>,
      %parallel_loop3A_78 = arith.constant 112 : i32
      %parallel_loop3A_79 = arith.addi %parallel_loop3A_49, %parallel_loop3A_78 : i32
      %parallel_loop3A_80 = arith.index_cast %parallel_loop3A_79 : i32 to index
      %parallel_loop3A_81 = tpu.vector_load %arg8[%parallel_loop3A_80] {strides = array<i32>} : memref<66048xi32, #tpu.memory_space<vmem>>, vector<16xi32>,
      tpu.vector_store %arg8[%parallel_loop3A_80], %broadcast_in_dim3A_1 {strides = array<i32>} : memref<66048xi32, #tpu.memory_space<vmem>>, vector<16xi32>,
    } {sc.loop_unroll_factor = 4 : i64, sc.parallel_access}
    %get3A = arith.constant 0 : index
    %get3A_4 = tpu.vector_load %arg7[%get3A] {strides = array<i32>} : memref<16xi32, #tpu.memory_space<vmem>>, vector<16xi32>,
    %iota3A = tpu.iota {dimensions = array<i32: 0>} : vector<16xi32>
    %add3A_5 = arith.constant 0 : i32
    %add3A_6 = vector.broadcast %add3A_5 : i32 to vector<16xi32>
    %add3A_7 = arith.addi %iota3A, %add3A_6 : vector<16xi32>
    %add3A_8 = arith.constant 16512 : i32
    %add3A_9 = vector.broadcast %add3A_8 : i32 to vector<16xi32>
    %add3A_10 = arith.addi %iota3A, %add3A_9 : vector<16xi32>
    %add3A_11 = arith.constant 33024 : i32
    %add3A_12 = vector.broadcast %add3A_11 : i32 to vector<16xi32>
    %add3A_13 = arith.addi %iota3A, %add3A_12 : vector<16xi32>
    %add3A_14 = arith.constant 49536 : i32
    %add3A_15 = vector.broadcast %add3A_14 : i32 to vector<16xi32>
    %add3A_16 = arith.addi %iota3A, %add3A_15 : vector<16xi32>
    %broadcast_in_dim3A_17 = arith.constant 1 : i32
    %broadcast_in_dim3A_18 = vector.broadcast %broadcast_in_dim3A_17 : i32 to vector<16xi32>
    %broadcast_in_dim3A_19 = arith.constant 1024 : i32
    %broadcast_in_dim3A_20 = vector.broadcast %broadcast_in_dim3A_19 : i32 to vector<16xi32>
    %mul3A_21 = arith.constant 131072 : i32
    %mul3A_22 = arith.muli %add3A, %mul3A_21 : i32
    %dma_start3A = tpu.memref_slice %arg2[%mul3A_22] : memref<4194304xf32, #tpu.memory_space<hbm>> -> memref<16384xf32, #tpu.memory_space<hbm>>
    %dma_start3A_23 = tpu.memref_slice %arg2[%mul3A_22] : memref<4194304xf32, #tpu.memory_space<hbm>> -> memref<16384xf32, #tpu.memory_space<hbm>>
    tpu.enqueue_dma source(%dma_start3A_23 : memref<16384xf32, #tpu.memory_space<hbm>>) target(%arg5 : memref<16384xf32, #tpu.memory_space<vmem>>) target_semaphore(%arg10 : memref<!tpu.dma_semaphore, #tpu.memory_space<semaphore_mem>>)
    %add3A_24 = arith.constant 16384 : i32
    %add3A_25 = arith.addi %mul3A_22, %add3A_24 : i32
    %dma_start3A_26 = tpu.memref_slice %arg2[%add3A_25] : memref<4194304xf32, #tpu.memory_space<hbm>> -> memref<16384xf32, #tpu.memory_space<hbm>>
    %dma_start3A_27 = tpu.memref_slice %arg2[%add3A_25] : memref<4194304xf32, #tpu.memory_space<hbm>> -> memref<16384xf32, #tpu.memory_space<hbm>>
    tpu.enqueue_dma source(%dma_start3A_27 : memref<16384xf32, #tpu.memory_space<hbm>>) target(%arg6 : memref<16384xf32, #tpu.memory_space<vmem>>) target_semaphore(%arg11 : memref<!tpu.dma_semaphore, #tpu.memory_space<semaphore_mem>>)
    %scan3A = arith.constant 0 : i32
    %scan3A_28 = arith.constant 0 : i32
    %scan3A_29 = arith.constant 3 : i32
    %scan3A_30 = arith.addi %scan3A_28, %scan3A_29 : i32
    %scan3A_31 = arith.constant 1 : i32
    scf.for %scan3A_49 = %scan3A_28 to %scan3A_30 step %scan3A_31  : i32 {
      %mul3A_50 = arith.constant 2 : i32
      %mul3A_51 = arith.muli %mul3A_50, %scan3A_49 : i32
      %dma_wait3A_52 = arith.constant 0 : i32
      %dma_wait3A_53 = tpu.memref_slice %arg2[%dma_wait3A_52] : memref<4194304xf32, #tpu.memory_space<hbm>> -> memref<16384xf32, #tpu.memory_space<hbm>>
      %dma_wait3A_54 = arith.constant 0 : i32
      %dma_wait3A_55 = tpu.memref_slice %arg2[%dma_wait3A_54] : memref<4194304xf32, #tpu.memory_space<hbm>> -> memref<16384xf32, #tpu.memory_space<hbm>>
      tpu.wait_dma2 semaphore(%arg10 : memref<!tpu.dma_semaphore, #tpu.memory_space<semaphore_mem>>) src(%dma_wait3A_55 : memref<16384xf32, #tpu.memory_space<hbm>>) dst(%arg5 : memref<16384xf32, #tpu.memory_space<vmem>>)
      %parallel_loop3A_56 = arith.constant 0 : i32
      %parallel_loop3A_57 = arith.constant 16384 : i32
      %parallel_loop3A_58 = arith.constant 64 : i32
      scf.for %parallel_loop3A_80 = %parallel_loop3A_56 to %parallel_loop3A_57 step %parallel_loop3A_58  : i32 {
        %parallel_loop3A_81 = arith.constant 0 : i32
        %parallel_loop3A_82 = arith.addi %parallel_loop3A_80, %parallel_loop3A_81 : i32
        %parallel_loop3A_83 = arith.index_cast %parallel_loop3A_82 : i32 to index
        %parallel_loop3A_84 = tpu.vector_load %arg5[%parallel_loop3A_83] {strides = array<i32>} : memref<16384xf32, #tpu.memory_space<vmem>>, vector<16xf32>,
        %parallel_loop3A_85 = vector.bitcast %parallel_loop3A_84 : vector<16xf32> to vector<16xi32>
        %parallel_loop3A_86 = arith.subi %parallel_loop3A_85, %get3A_4 : vector<16xi32>
        %parallel_loop3A_87 = arith.constant 10 : i32
        %parallel_loop3A_88 = vector.broadcast %parallel_loop3A_87 : i32 to vector<16xi32>
        %parallel_loop3A_89 = arith.shrui %parallel_loop3A_86, %parallel_loop3A_88 : vector<16xi32>
        %parallel_loop3A_90 = arith.minsi %parallel_loop3A_89, %broadcast_in_dim3A_20 : vector<16xi32>
        %parallel_loop3A_91 = arith.constant 4 : i32
        %parallel_loop3A_92 = vector.broadcast %parallel_loop3A_91 : i32 to vector<16xi32>
        %parallel_loop3A_93 = arith.shli %parallel_loop3A_90, %parallel_loop3A_92 : vector<16xi32>
        %parallel_loop3A_94 = arith.addi %parallel_loop3A_93, %add3A_7 : vector<16xi32>
        tpu.vector_store_idx %arg8[%parallel_loop3A_94], %broadcast_in_dim3A_18 {add = true} : memref<66048xi32, #tpu.memory_space<vmem>>[vector<16xi32>], vector<16xi32>,
        %parallel_loop3A_95 = arith.constant 16 : i32
        %parallel_loop3A_96 = arith.addi %parallel_loop3A_80, %parallel_loop3A_95 : i32
        %parallel_loop3A_97 = arith.index_cast %parallel_loop3A_96 : i32 to index
        %parallel_loop3A_98 = tpu.vector_load %arg5[%parallel_loop3A_97] {strides = array<i32>} : memref<16384xf32, #tpu.memory_space<vmem>>, vector<16xf32>,
        %parallel_loop3A_99 = vector.bitcast %parallel_loop3A_98 : vector<16xf32> to vector<16xi32>
        %parallel_loop3A_100 = arith.subi %parallel_loop3A_99, %get3A_4 : vector<16xi32>
        %parallel_loop3A_101 = arith.constant 10 : i32
        %parallel_loop3A_102 = vector.broadcast %parallel_loop3A_101 : i32 to vector<16xi32>
        %parallel_loop3A_103 = arith.shrui %parallel_loop3A_100, %parallel_loop3A_102 : vector<16xi32>
        %parallel_loop3A_104 = arith.minsi %parallel_loop3A_103, %broadcast_in_dim3A_20 : vector<16xi32>
        %parallel_loop3A_105 = arith.constant 4 : i32
        %parallel_loop3A_106 = vector.broadcast %parallel_loop3A_105 : i32 to vector<16xi32>
        %parallel_loop3A_107 = arith.shli %parallel_loop3A_104, %parallel_loop3A_106 : vector<16xi32>
        %parallel_loop3A_108 = arith.addi %parallel_loop3A_107, %add3A_10 : vector<16xi32>
        tpu.vector_store_idx %arg8[%parallel_loop3A_108], %broadcast_in_dim3A_18 {add = true} : memref<66048xi32, #tpu.memory_space<vmem>>[vector<16xi32>], vector<16xi32>,
        %parallel_loop3A_109 = arith.constant 32 : i32
        %parallel_loop3A_110 = arith.addi %parallel_loop3A_80, %parallel_loop3A_109 : i32
        %parallel_loop3A_111 = arith.index_cast %parallel_loop3A_110 : i32 to index
        %parallel_loop3A_112 = tpu.vector_load %arg5[%parallel_loop3A_111] {strides = array<i32>} : memref<16384xf32, #tpu.memory_space<vmem>>, vector<16xf32>,
        %parallel_loop3A_113 = vector.bitcast %parallel_loop3A_112 : vector<16xf32> to vector<16xi32>
        %parallel_loop3A_114 = arith.subi %parallel_loop3A_113, %get3A_4 : vector<16xi32>
        %parallel_loop3A_115 = arith.constant 10 : i32
        %parallel_loop3A_116 = vector.broadcast %parallel_loop3A_115 : i32 to vector<16xi32>
        %parallel_loop3A_117 = arith.shrui %parallel_loop3A_114, %parallel_loop3A_116 : vector<16xi32>
        %parallel_loop3A_118 = arith.minsi %parallel_loop3A_117, %broadcast_in_dim3A_20 : vector<16xi32>
        %parallel_loop3A_119 = arith.constant 4 : i32
        %parallel_loop3A_120 = vector.broadcast %parallel_loop3A_119 : i32 to vector<16xi32>
        %parallel_loop3A_121 = arith.shli %parallel_loop3A_118, %parallel_loop3A_120 : vector<16xi32>
        %parallel_loop3A_122 = arith.addi %parallel_loop3A_121, %add3A_13 : vector<16xi32>
        tpu.vector_store_idx %arg8[%parallel_loop3A_122], %broadcast_in_dim3A_18 {add = true} : memref<66048xi32, #tpu.memory_space<vmem>>[vector<16xi32>], vector<16xi32>,
        %parallel_loop3A_123 = arith.constant 48 : i32
        %parallel_loop3A_124 = arith.addi %parallel_loop3A_80, %parallel_loop3A_123 : i32
        %parallel_loop3A_125 = arith.index_cast %parallel_loop3A_124 : i32 to index
        %parallel_loop3A_126 = tpu.vector_load %arg5[%parallel_loop3A_125] {strides = array<i32>} : memref<16384xf32, #tpu.memory_space<vmem>>, vector<16xf32>,
        %parallel_loop3A_127 = vector.bitcast %parallel_loop3A_126 : vector<16xf32> to vector<16xi32>
        %parallel_loop3A_128 = arith.subi %parallel_loop3A_127, %get3A_4 : vector<16xi32>
        %parallel_loop3A_129 = arith.constant 10 : i32
        %parallel_loop3A_130 = vector.broadcast %parallel_loop3A_129 : i32 to vector<16xi32>
        %parallel_loop3A_131 = arith.shrui %parallel_loop3A_128, %parallel_loop3A_130 : vector<16xi32>
        %parallel_loop3A_132 = arith.minsi %parallel_loop3A_131, %broadcast_in_dim3A_20 : vector<16xi32>
        %parallel_loop3A_133 = arith.constant 4 : i32
        %parallel_loop3A_134 = vector.broadcast %parallel_loop3A_133 : i32 to vector<16xi32>
        %parallel_loop3A_135 = arith.shli %parallel_loop3A_132, %parallel_loop3A_134 : vector<16xi32>
        %parallel_loop3A_136 = arith.addi %parallel_loop3A_135, %add3A_16 : vector<16xi32>
        tpu.vector_store_idx %arg8[%parallel_loop3A_136], %broadcast_in_dim3A_18 {add = true} : memref<66048xi32, #tpu.memory_space<vmem>>[vector<16xi32>], vector<16xi32>,
      } {sc.loop_unroll_factor = 2 : i64, sc.parallel_access}
      %add3A_59 = arith.constant 2 : i32
      %add3A_60 = arith.addi %mul3A_51, %add3A_59 : i32
      %mul3A_61 = arith.constant 16384 : i32
      %mul3A_62 = arith.muli %add3A_60, %mul3A_61 : i32
      %add3A_63 = arith.addi %mul3A_22, %mul3A_62 : i32
      %dma_start3A_64 = tpu.memref_slice %arg2[%add3A_63] : memref<4194304xf32, #tpu.memory_space<hbm>> -> memref<16384xf32, #tpu.memory_space<hbm>>
      %dma_start3A_65 = tpu.memref_slice %arg2[%add3A_63] : memref<4194304xf32, #tpu.memory_space<hbm>> -> memref<16384xf32, #tpu.memory_space<hbm>>
      tpu.enqueue_dma source(%dma_start3A_65 : memref<16384xf32, #tpu.memory_space<hbm>>) target(%arg5 : memref<16384xf32, #tpu.memory_space<vmem>>) target_semaphore(%arg10 : memref<!tpu.dma_semaphore, #tpu.memory_space<semaphore_mem>>)
      %dma_wait3A_66 = arith.constant 0 : i32
      %dma_wait3A_67 = tpu.memref_slice %arg2[%dma_wait3A_66] : memref<4194304xf32, #tpu.memory_space<hbm>> -> memref<16384xf32, #tpu.memory_space<hbm>>
      %dma_wait3A_68 = arith.constant 0 : i32
      %dma_wait3A_69 = tpu.memref_slice %arg2[%dma_wait3A_68] : memref<4194304xf32, #tpu.memory_space<hbm>> -> memref<16384xf32, #tpu.memory_space<hbm>>
      tpu.wait_dma2 semaphore(%arg11 : memref<!tpu.dma_semaphore, #tpu.memory_space<semaphore_mem>>) src(%dma_wait3A_69 : memref<16384xf32, #tpu.memory_space<hbm>>) dst(%arg6 : memref<16384xf32, #tpu.memory_space<vmem>>)
      %parallel_loop3A_70 = arith.constant 0 : i32
      %parallel_loop3A_71 = arith.constant 16384 : i32
      %parallel_loop3A_72 = arith.constant 64 : i32
      scf.for %parallel_loop3A_80 = %parallel_loop3A_70 to %parallel_loop3A_71 step %parallel_loop3A_72  : i32 {
        %parallel_loop3A_81 = arith.constant 0 : i32
        %parallel_loop3A_82 = arith.addi %parallel_loop3A_80, %parallel_loop3A_81 : i32
        %parallel_loop3A_83 = arith.index_cast %parallel_loop3A_82 : i32 to index
        %parallel_loop3A_84 = tpu.vector_load %arg6[%parallel_loop3A_83] {strides = array<i32>} : memref<16384xf32, #tpu.memory_space<vmem>>, vector<16xf32>,
        %parallel_loop3A_85 = vector.bitcast %parallel_loop3A_84 : vector<16xf32> to vector<16xi32>
        %parallel_loop3A_86 = arith.subi %parallel_loop3A_85, %get3A_4 : vector<16xi32>
        %parallel_loop3A_87 = arith.constant 10 : i32
        %parallel_loop3A_88 = vector.broadcast %parallel_loop3A_87 : i32 to vector<16xi32>
        %parallel_loop3A_89 = arith.shrui %parallel_loop3A_86, %parallel_loop3A_88 : vector<16xi32>
        %parallel_loop3A_90 = arith.minsi %parallel_loop3A_89, %broadcast_in_dim3A_20 : vector<16xi32>
        %parallel_loop3A_91 = arith.constant 4 : i32
        %parallel_loop3A_92 = vector.broadcast %parallel_loop3A_91 : i32 to vector<16xi32>
        %parallel_loop3A_93 = arith.shli %parallel_loop3A_90, %parallel_loop3A_92 : vector<16xi32>
        %parallel_loop3A_94 = arith.addi %parallel_loop3A_93, %add3A_7 : vector<16xi32>
        tpu.vector_store_idx %arg8[%parallel_loop3A_94], %broadcast_in_dim3A_18 {add = true} : memref<66048xi32, #tpu.memory_space<vmem>>[vector<16xi32>], vector<16xi32>,
        %parallel_loop3A_95 = arith.constant 16 : i32
        %parallel_loop3A_96 = arith.addi %parallel_loop3A_80, %parallel_loop3A_95 : i32
        %parallel_loop3A_97 = arith.index_cast %parallel_loop3A_96 : i32 to index
        %parallel_loop3A_98 = tpu.vector_load %arg6[%parallel_loop3A_97] {strides = array<i32>} : memref<16384xf32, #tpu.memory_space<vmem>>, vector<16xf32>,
        %parallel_loop3A_99 = vector.bitcast %parallel_loop3A_98 : vector<16xf32> to vector<16xi32>
        %parallel_loop3A_100 = arith.subi %parallel_loop3A_99, %get3A_4 : vector<16xi32>
        %parallel_loop3A_101 = arith.constant 10 : i32
        %parallel_loop3A_102 = vector.broadcast %parallel_loop3A_101 : i32 to vector<16xi32>
        %parallel_loop3A_103 = arith.shrui %parallel_loop3A_100, %parallel_loop3A_102 : vector<16xi32>
        %parallel_loop3A_104 = arith.minsi %parallel_loop3A_103, %broadcast_in_dim3A_20 : vector<16xi32>
        %parallel_loop3A_105 = arith.constant 4 : i32
        %parallel_loop3A_106 = vector.broadcast %parallel_loop3A_105 : i32 to vector<16xi32>
        %parallel_loop3A_107 = arith.shli %parallel_loop3A_104, %parallel_loop3A_106 : vector<16xi32>
        %parallel_loop3A_108 = arith.addi %parallel_loop3A_107, %add3A_10 : vector<16xi32>
        tpu.vector_store_idx %arg8[%parallel_loop3A_108], %broadcast_in_dim3A_18 {add = true} : memref<66048xi32, #tpu.memory_space<vmem>>[vector<16xi32>], vector<16xi32>,
        %parallel_loop3A_109 = arith.constant 32 : i32
        %parallel_loop3A_110 = arith.addi %parallel_loop3A_80, %parallel_loop3A_109 : i32
        %parallel_loop3A_111 = arith.index_cast %parallel_loop3A_110 : i32 to index
        %parallel_loop3A_112 = tpu.vector_load %arg6[%parallel_loop3A_111] {strides = array<i32>} : memref<16384xf32, #tpu.memory_space<vmem>>, vector<16xf32>,
        %parallel_loop3A_113 = vector.bitcast %parallel_loop3A_112 : vector<16xf32> to vector<16xi32>
        %parallel_loop3A_114 = arith.subi %parallel_loop3A_113, %get3A_4 : vector<16xi32>
        %parallel_loop3A_115 = arith.constant 10 : i32
        %parallel_loop3A_116 = vector.broadcast %parallel_loop3A_115 : i32 to vector<16xi32>
        %parallel_loop3A_117 = arith.shrui %parallel_loop3A_114, %parallel_loop3A_116 : vector<16xi32>
        %parallel_loop3A_118 = arith.minsi %parallel_loop3A_117, %broadcast_in_dim3A_20 : vector<16xi32>
        %parallel_loop3A_119 = arith.constant 4 : i32
        %parallel_loop3A_120 = vector.broadcast %parallel_loop3A_119 : i32 to vector<16xi32>
        %parallel_loop3A_121 = arith.shli %parallel_loop3A_118, %parallel_loop3A_120 : vector<16xi32>
        %parallel_loop3A_122 = arith.addi %parallel_loop3A_121, %add3A_13 : vector<16xi32>
        tpu.vector_store_idx %arg8[%parallel_loop3A_122], %broadcast_in_dim3A_18 {add = true} : memref<66048xi32, #tpu.memory_space<vmem>>[vector<16xi32>], vector<16xi32>,
        %parallel_loop3A_123 = arith.constant 48 : i32
        %parallel_loop3A_124 = arith.addi %parallel_loop3A_80, %parallel_loop3A_123 : i32
        %parallel_loop3A_125 = arith.index_cast %parallel_loop3A_124 : i32 to index
        %parallel_loop3A_126 = tpu.vector_load %arg6[%parallel_loop3A_125] {strides = array<i32>} : memref<16384xf32, #tpu.memory_space<vmem>>, vector<16xf32>,
        %parallel_loop3A_127 = vector.bitcast %parallel_loop3A_126 : vector<16xf32> to vector<16xi32>
        %parallel_loop3A_128 = arith.subi %parallel_loop3A_127, %get3A_4 : vector<16xi32>
        %parallel_loop3A_129 = arith.constant 10 : i32
        %parallel_loop3A_130 = vector.broadcast %parallel_loop3A_129 : i32 to vector<16xi32>
        %parallel_loop3A_131 = arith.shrui %parallel_loop3A_128, %parallel_loop3A_130 : vector<16xi32>
        %parallel_loop3A_132 = arith.minsi %parallel_loop3A_131, %broadcast_in_dim3A_20 : vector<16xi32>
        %parallel_loop3A_133 = arith.constant 4 : i32
        %parallel_loop3A_134 = vector.broadcast %parallel_loop3A_133 : i32 to vector<16xi32>
        %parallel_loop3A_135 = arith.shli %parallel_loop3A_132, %parallel_loop3A_134 : vector<16xi32>
        %parallel_loop3A_136 = arith.addi %parallel_loop3A_135, %add3A_16 : vector<16xi32>
        tpu.vector_store_idx %arg8[%parallel_loop3A_136], %broadcast_in_dim3A_18 {add = true} : memref<66048xi32, #tpu.memory_space<vmem>>[vector<16xi32>], vector<16xi32>,
      } {sc.loop_unroll_factor = 2 : i64, sc.parallel_access}
      %add3A_73 = arith.constant 3 : i32
      %add3A_74 = arith.addi %mul3A_51, %add3A_73 : i32
      %mul3A_75 = arith.constant 16384 : i32
      %mul3A_76 = arith.muli %add3A_74, %mul3A_75 : i32
      %add3A_77 = arith.addi %mul3A_22, %mul3A_76 : i32
      %dma_start3A_78 = tpu.memref_slice %arg2[%add3A_77] : memref<4194304xf32, #tpu.memory_space<hbm>> -> memref<16384xf32, #tpu.memory_space<hbm>>
      %dma_start3A_79 = tpu.memref_slice %arg2[%add3A_77] : memref<4194304xf32, #tpu.memory_space<hbm>> -> memref<16384xf32, #tpu.memory_space<hbm>>
      tpu.enqueue_dma source(%dma_start3A_79 : memref<16384xf32, #tpu.memory_space<hbm>>) target(%arg6 : memref<16384xf32, #tpu.memory_space<vmem>>) target_semaphore(%arg11 : memref<!tpu.dma_semaphore, #tpu.memory_space<semaphore_mem>>)
    }
    %scan3A_32 = arith.constant 3 : i32
    %dma_wait3A = arith.constant 0 : i32
    %dma_wait3A_33 = tpu.memref_slice %arg2[%dma_wait3A] : memref<4194304xf32, #tpu.memory_space<hbm>> -> memref<16384xf32, #tpu.memory_space<hbm>>
    %dma_wait3A_34 = arith.constant 0 : i32
    %dma_wait3A_35 = tpu.memref_slice %arg2[%dma_wait3A_34] : memref<4194304xf32, #tpu.memory_space<hbm>> -> memref<16384xf32, #tpu.memory_space<hbm>>
    tpu.wait_dma2 semaphore(%arg10 : memref<!tpu.dma_semaphore, #tpu.memory_space<semaphore_mem>>) src(%dma_wait3A_35 : memref<16384xf32, #tpu.memory_space<hbm>>) dst(%arg5 : memref<16384xf32, #tpu.memory_space<vmem>>)
    %parallel_loop3A_36 = arith.constant 0 : i32
    %parallel_loop3A_37 = arith.constant 16384 : i32
    %parallel_loop3A_38 = arith.constant 64 : i32
    scf.for %parallel_loop3A_49 = %parallel_loop3A_36 to %parallel_loop3A_37 step %parallel_loop3A_38  : i32 {
      %parallel_loop3A_50 = arith.constant 0 : i32
      %parallel_loop3A_51 = arith.addi %parallel_loop3A_49, %parallel_loop3A_50 : i32
      %parallel_loop3A_52 = arith.index_cast %parallel_loop3A_51 : i32 to index
      %parallel_loop3A_53 = tpu.vector_load %arg5[%parallel_loop3A_52] {strides = array<i32>} : memref<16384xf32, #tpu.memory_space<vmem>>, vector<16xf32>,
      %parallel_loop3A_54 = vector.bitcast %parallel_loop3A_53 : vector<16xf32> to vector<16xi32>
      %parallel_loop3A_55 = arith.subi %parallel_loop3A_54, %get3A_4 : vector<16xi32>
      %parallel_loop3A_56 = arith.constant 10 : i32
      %parallel_loop3A_57 = vector.broadcast %parallel_loop3A_56 : i32 to vector<16xi32>
      %parallel_loop3A_58 = arith.shrui %parallel_loop3A_55, %parallel_loop3A_57 : vector<16xi32>
      %parallel_loop3A_59 = arith.minsi %parallel_loop3A_58, %broadcast_in_dim3A_20 : vector<16xi32>
      %parallel_loop3A_60 = arith.constant 4 : i32
      %parallel_loop3A_61 = vector.broadcast %parallel_loop3A_60 : i32 to vector<16xi32>
      %parallel_loop3A_62 = arith.shli %parallel_loop3A_59, %parallel_loop3A_61 : vector<16xi32>
      %parallel_loop3A_63 = arith.addi %parallel_loop3A_62, %add3A_7 : vector<16xi32>
      tpu.vector_store_idx %arg8[%parallel_loop3A_63], %broadcast_in_dim3A_18 {add = true} : memref<66048xi32, #tpu.memory_space<vmem>>[vector<16xi32>], vector<16xi32>,
      %parallel_loop3A_64 = arith.constant 16 : i32
      %parallel_loop3A_65 = arith.addi %parallel_loop3A_49, %parallel_loop3A_64 : i32
      %parallel_loop3A_66 = arith.index_cast %parallel_loop3A_65 : i32 to index
      %parallel_loop3A_67 = tpu.vector_load %arg5[%parallel_loop3A_66] {strides = array<i32>} : memref<16384xf32, #tpu.memory_space<vmem>>, vector<16xf32>,
      %parallel_loop3A_68 = vector.bitcast %parallel_loop3A_67 : vector<16xf32> to vector<16xi32>
      %parallel_loop3A_69 = arith.subi %parallel_loop3A_68, %get3A_4 : vector<16xi32>
      %parallel_loop3A_70 = arith.constant 10 : i32
      %parallel_loop3A_71 = vector.broadcast %parallel_loop3A_70 : i32 to vector<16xi32>
      %parallel_loop3A_72 = arith.shrui %parallel_loop3A_69, %parallel_loop3A_71 : vector<16xi32>
      %parallel_loop3A_73 = arith.minsi %parallel_loop3A_72, %broadcast_in_dim3A_20 : vector<16xi32>
      %parallel_loop3A_74 = arith.constant 4 : i32
      %parallel_loop3A_75 = vector.broadcast %parallel_loop3A_74 : i32 to vector<16xi32>
      %parallel_loop3A_76 = arith.shli %parallel_loop3A_73, %parallel_loop3A_75 : vector<16xi32>
      %parallel_loop3A_77 = arith.addi %parallel_loop3A_76, %add3A_10 : vector<16xi32>
      tpu.vector_store_idx %arg8[%parallel_loop3A_77], %broadcast_in_dim3A_18 {add = true} : memref<66048xi32, #tpu.memory_space<vmem>>[vector<16xi32>], vector<16xi32>,
      %parallel_loop3A_78 = arith.constant 32 : i32
      %parallel_loop3A_79 = arith.addi %parallel_loop3A_49, %parallel_loop3A_78 : i32
      %parallel_loop3A_80 = arith.index_cast %parallel_loop3A_79 : i32 to index
      %parallel_loop3A_81 = tpu.vector_load %arg5[%parallel_loop3A_80] {strides = array<i32>} : memref<16384xf32, #tpu.memory_space<vmem>>, vector<16xf32>,
      %parallel_loop3A_82 = vector.bitcast %parallel_loop3A_81 : vector<16xf32> to vector<16xi32>
      %parallel_loop3A_83 = arith.subi %parallel_loop3A_82, %get3A_4 : vector<16xi32>
      %parallel_loop3A_84 = arith.constant 10 : i32
      %parallel_loop3A_85 = vector.broadcast %parallel_loop3A_84 : i32 to vector<16xi32>
      %parallel_loop3A_86 = arith.shrui %parallel_loop3A_83, %parallel_loop3A_85 : vector<16xi32>
      %parallel_loop3A_87 = arith.minsi %parallel_loop3A_86, %broadcast_in_dim3A_20 : vector<16xi32>
      %parallel_loop3A_88 = arith.constant 4 : i32
      %parallel_loop3A_89 = vector.broadcast %parallel_loop3A_88 : i32 to vector<16xi32>
      %parallel_loop3A_90 = arith.shli %parallel_loop3A_87, %parallel_loop3A_89 : vector<16xi32>
      %parallel_loop3A_91 = arith.addi %parallel_loop3A_90, %add3A_13 : vector<16xi32>
      tpu.vector_store_idx %arg8[%parallel_loop3A_91], %broadcast_in_dim3A_18 {add = true} : memref<66048xi32, #tpu.memory_space<vmem>>[vector<16xi32>], vector<16xi32>,
      %parallel_loop3A_92 = arith.constant 48 : i32
      %parallel_loop3A_93 = arith.addi %parallel_loop3A_49, %parallel_loop3A_92 : i32
      %parallel_loop3A_94 = arith.index_cast %parallel_loop3A_93 : i32 to index
      %parallel_loop3A_95 = tpu.vector_load %arg5[%parallel_loop3A_94] {strides = array<i32>} : memref<16384xf32, #tpu.memory_space<vmem>>, vector<16xf32>,
      %parallel_loop3A_96 = vector.bitcast %parallel_loop3A_95 : vector<16xf32> to vector<16xi32>
      %parallel_loop3A_97 = arith.subi %parallel_loop3A_96, %get3A_4 : vector<16xi32>
      %parallel_loop3A_98 = arith.constant 10 : i32
      %parallel_loop3A_99 = vector.broadcast %parallel_loop3A_98 : i32 to vector<16xi32>
      %parallel_loop3A_100 = arith.shrui %parallel_loop3A_97, %parallel_loop3A_99 : vector<16xi32>
      %parallel_loop3A_101 = arith.minsi %parallel_loop3A_100, %broadcast_in_dim3A_20 : vector<16xi32>
      %parallel_loop3A_102 = arith.constant 4 : i32
      %parallel_loop3A_103 = vector.broadcast %parallel_loop3A_102 : i32 to vector<16xi32>
      %parallel_loop3A_104 = arith.shli %parallel_loop3A_101, %parallel_loop3A_103 : vector<16xi32>
      %parallel_loop3A_105 = arith.addi %parallel_loop3A_104, %add3A_16 : vector<16xi32>
      tpu.vector_store_idx %arg8[%parallel_loop3A_105], %broadcast_in_dim3A_18 {add = true} : memref<66048xi32, #tpu.memory_space<vmem>>[vector<16xi32>], vector<16xi32>,
    } {sc.loop_unroll_factor = 2 : i64, sc.parallel_access}
    %dma_wait3A_39 = arith.constant 0 : i32
    %dma_wait3A_40 = tpu.memref_slice %arg2[%dma_wait3A_39] : memref<4194304xf32, #tpu.memory_space<hbm>> -> memref<16384xf32, #tpu.memory_space<hbm>>
    %dma_wait3A_41 = arith.constant 0 : i32
    %dma_wait3A_42 = tpu.memref_slice %arg2[%dma_wait3A_41] : memref<4194304xf32, #tpu.memory_space<hbm>> -> memref<16384xf32, #tpu.memory_space<hbm>>
    tpu.wait_dma2 semaphore(%arg11 : memref<!tpu.dma_semaphore, #tpu.memory_space<semaphore_mem>>) src(%dma_wait3A_42 : memref<16384xf32, #tpu.memory_space<hbm>>) dst(%arg6 : memref<16384xf32, #tpu.memory_space<vmem>>)
    %parallel_loop3A_43 = arith.constant 0 : i32
    %parallel_loop3A_44 = arith.constant 16384 : i32
    %parallel_loop3A_45 = arith.constant 64 : i32
    scf.for %parallel_loop3A_49 = %parallel_loop3A_43 to %parallel_loop3A_44 step %parallel_loop3A_45  : i32 {
      %parallel_loop3A_50 = arith.constant 0 : i32
      %parallel_loop3A_51 = arith.addi %parallel_loop3A_49, %parallel_loop3A_50 : i32
      %parallel_loop3A_52 = arith.index_cast %parallel_loop3A_51 : i32 to index
      %parallel_loop3A_53 = tpu.vector_load %arg6[%parallel_loop3A_52] {strides = array<i32>} : memref<16384xf32, #tpu.memory_space<vmem>>, vector<16xf32>,
      %parallel_loop3A_54 = vector.bitcast %parallel_loop3A_53 : vector<16xf32> to vector<16xi32>
      %parallel_loop3A_55 = arith.subi %parallel_loop3A_54, %get3A_4 : vector<16xi32>
      %parallel_loop3A_56 = arith.constant 10 : i32
      %parallel_loop3A_57 = vector.broadcast %parallel_loop3A_56 : i32 to vector<16xi32>
      %parallel_loop3A_58 = arith.shrui %parallel_loop3A_55, %parallel_loop3A_57 : vector<16xi32>
      %parallel_loop3A_59 = arith.minsi %parallel_loop3A_58, %broadcast_in_dim3A_20 : vector<16xi32>
      %parallel_loop3A_60 = arith.constant 4 : i32
      %parallel_loop3A_61 = vector.broadcast %parallel_loop3A_60 : i32 to vector<16xi32>
      %parallel_loop3A_62 = arith.shli %parallel_loop3A_59, %parallel_loop3A_61 : vector<16xi32>
      %parallel_loop3A_63 = arith.addi %parallel_loop3A_62, %add3A_7 : vector<16xi32>
      tpu.vector_store_idx %arg8[%parallel_loop3A_63], %broadcast_in_dim3A_18 {add = true} : memref<66048xi32, #tpu.memory_space<vmem>>[vector<16xi32>], vector<16xi32>,
      %parallel_loop3A_64 = arith.constant 16 : i32
      %parallel_loop3A_65 = arith.addi %parallel_loop3A_49, %parallel_loop3A_64 : i32
      %parallel_loop3A_66 = arith.index_cast %parallel_loop3A_65 : i32 to index
      %parallel_loop3A_67 = tpu.vector_load %arg6[%parallel_loop3A_66] {strides = array<i32>} : memref<16384xf32, #tpu.memory_space<vmem>>, vector<16xf32>,
      %parallel_loop3A_68 = vector.bitcast %parallel_loop3A_67 : vector<16xf32> to vector<16xi32>
      %parallel_loop3A_69 = arith.subi %parallel_loop3A_68, %get3A_4 : vector<16xi32>
      %parallel_loop3A_70 = arith.constant 10 : i32
      %parallel_loop3A_71 = vector.broadcast %parallel_loop3A_70 : i32 to vector<16xi32>
      %parallel_loop3A_72 = arith.shrui %parallel_loop3A_69, %parallel_loop3A_71 : vector<16xi32>
      %parallel_loop3A_73 = arith.minsi %parallel_loop3A_72, %broadcast_in_dim3A_20 : vector<16xi32>
      %parallel_loop3A_74 = arith.constant 4 : i32
      %parallel_loop3A_75 = vector.broadcast %parallel_loop3A_74 : i32 to vector<16xi32>
      %parallel_loop3A_76 = arith.shli %parallel_loop3A_73, %parallel_loop3A_75 : vector<16xi32>
      %parallel_loop3A_77 = arith.addi %parallel_loop3A_76, %add3A_10 : vector<16xi32>
      tpu.vector_store_idx %arg8[%parallel_loop3A_77], %broadcast_in_dim3A_18 {add = true} : memref<66048xi32, #tpu.memory_space<vmem>>[vector<16xi32>], vector<16xi32>,
      %parallel_loop3A_78 = arith.constant 32 : i32
      %parallel_loop3A_79 = arith.addi %parallel_loop3A_49, %parallel_loop3A_78 : i32
      %parallel_loop3A_80 = arith.index_cast %parallel_loop3A_79 : i32 to index
      %parallel_loop3A_81 = tpu.vector_load %arg6[%parallel_loop3A_80] {strides = array<i32>} : memref<16384xf32, #tpu.memory_space<vmem>>, vector<16xf32>,
      %parallel_loop3A_82 = vector.bitcast %parallel_loop3A_81 : vector<16xf32> to vector<16xi32>
      %parallel_loop3A_83 = arith.subi %parallel_loop3A_82, %get3A_4 : vector<16xi32>
      %parallel_loop3A_84 = arith.constant 10 : i32
      %parallel_loop3A_85 = vector.broadcast %parallel_loop3A_84 : i32 to vector<16xi32>
      %parallel_loop3A_86 = arith.shrui %parallel_loop3A_83, %parallel_loop3A_85 : vector<16xi32>
      %parallel_loop3A_87 = arith.minsi %parallel_loop3A_86, %broadcast_in_dim3A_20 : vector<16xi32>
      %parallel_loop3A_88 = arith.constant 4 : i32
      %parallel_loop3A_89 = vector.broadcast %parallel_loop3A_88 : i32 to vector<16xi32>
      %parallel_loop3A_90 = arith.shli %parallel_loop3A_87, %parallel_loop3A_89 : vector<16xi32>
      %parallel_loop3A_91 = arith.addi %parallel_loop3A_90, %add3A_13 : vector<16xi32>
      tpu.vector_store_idx %arg8[%parallel_loop3A_91], %broadcast_in_dim3A_18 {add = true} : memref<66048xi32, #tpu.memory_space<vmem>>[vector<16xi32>], vector<16xi32>,
      %parallel_loop3A_92 = arith.constant 48 : i32
      %parallel_loop3A_93 = arith.addi %parallel_loop3A_49, %parallel_loop3A_92 : i32
      %parallel_loop3A_94 = arith.index_cast %parallel_loop3A_93 : i32 to index
      %parallel_loop3A_95 = tpu.vector_load %arg6[%parallel_loop3A_94] {strides = array<i32>} : memref<16384xf32, #tpu.memory_space<vmem>>, vector<16xf32>,
      %parallel_loop3A_96 = vector.bitcast %parallel_loop3A_95 : vector<16xf32> to vector<16xi32>
      %parallel_loop3A_97 = arith.subi %parallel_loop3A_96, %get3A_4 : vector<16xi32>
      %parallel_loop3A_98 = arith.constant 10 : i32
      %parallel_loop3A_99 = vector.broadcast %parallel_loop3A_98 : i32 to vector<16xi32>
      %parallel_loop3A_100 = arith.shrui %parallel_loop3A_97, %parallel_loop3A_99 : vector<16xi32>
      %parallel_loop3A_101 = arith.minsi %parallel_loop3A_100, %broadcast_in_dim3A_20 : vector<16xi32>
      %parallel_loop3A_102 = arith.constant 4 : i32
      %parallel_loop3A_103 = vector.broadcast %parallel_loop3A_102 : i32 to vector<16xi32>
      %parallel_loop3A_104 = arith.shli %parallel_loop3A_101, %parallel_loop3A_103 : vector<16xi32>
      %parallel_loop3A_105 = arith.addi %parallel_loop3A_104, %add3A_16 : vector<16xi32>
      tpu.vector_store_idx %arg8[%parallel_loop3A_105], %broadcast_in_dim3A_18 {add = true} : memref<66048xi32, #tpu.memory_space<vmem>>[vector<16xi32>], vector<16xi32>,
    } {sc.loop_unroll_factor = 2 : i64, sc.parallel_access}
    %parallel_loop3A_46 = arith.constant 0 : i32
    %parallel_loop3A_47 = arith.constant 16512 : i32
    %parallel_loop3A_48 = arith.constant 16 : i32
    scf.for %parallel_loop3A_49 = %parallel_loop3A_46 to %parallel_loop3A_47 step %parallel_loop3A_48  : i32 {
      %parallel_loop3A_50 = arith.index_cast %parallel_loop3A_49 : i32 to index
      %parallel_loop3A_51 = tpu.vector_load %arg8[%parallel_loop3A_50] {strides = array<i32>} : memref<66048xi32, #tpu.memory_space<vmem>>, vector<16xi32>,
      %parallel_loop3A_52 = arith.constant 16512 : i32
      %parallel_loop3A_53 = arith.addi %parallel_loop3A_52, %parallel_loop3A_49 : i32
      %parallel_loop3A_54 = arith.index_cast %parallel_loop3A_53 : i32 to index
      %parallel_loop3A_55 = tpu.vector_load %arg8[%parallel_loop3A_54] {strides = array<i32>} : memref<66048xi32, #tpu.memory_space<vmem>>, vector<16xi32>,
      %parallel_loop3A_56 = arith.addi %parallel_loop3A_51, %parallel_loop3A_55 : vector<16xi32>
      %parallel_loop3A_57 = arith.constant 33024 : i32
      %parallel_loop3A_58 = arith.addi %parallel_loop3A_57, %parallel_loop3A_49 : i32
      %parallel_loop3A_59 = arith.index_cast %parallel_loop3A_58 : i32 to index
      %parallel_loop3A_60 = tpu.vector_load %arg8[%parallel_loop3A_59] {strides = array<i32>} : memref<66048xi32, #tpu.memory_space<vmem>>, vector<16xi32>,
      %parallel_loop3A_61 = arith.addi %parallel_loop3A_56, %parallel_loop3A_60 : vector<16xi32>
      %parallel_loop3A_62 = arith.constant 49536 : i32
      %parallel_loop3A_63 = arith.addi %parallel_loop3A_62, %parallel_loop3A_49 : i32
      %parallel_loop3A_64 = arith.index_cast %parallel_loop3A_63 : i32 to index
      %parallel_loop3A_65 = tpu.vector_load %arg8[%parallel_loop3A_64] {strides = array<i32>} : memref<66048xi32, #tpu.memory_space<vmem>>, vector<16xi32>,
      %parallel_loop3A_66 = arith.addi %parallel_loop3A_61, %parallel_loop3A_65 : vector<16xi32>
      %parallel_loop3A_67 = arith.index_cast %parallel_loop3A_49 : i32 to index
      %parallel_loop3A_68 = tpu.vector_load %arg9[%parallel_loop3A_67] {strides = array<i32>} : memref<16512xi32, #tpu.memory_space<vmem>>, vector<16xi32>,
      tpu.vector_store %arg9[%parallel_loop3A_67], %parallel_loop3A_66 {strides = array<i32>} : memref<16512xi32, #tpu.memory_space<vmem>>, vector<16xi32>,
    } {sc.loop_unroll_factor = 4 : i64, sc.parallel_access}
    "tpu.region"() ({
      %run_scoped3A = tpu.sem_alloc : memref<!tpu.dma_semaphore, #tpu.memory_space<semaphore_mem>>
      %dma_start3A_49 = arith.constant 0 : i32
      %dma_start3A_50 = tpu.memref_slice %arg4[%add3A, %dma_start3A_49] : memref<32x16512xi32, #tpu.memory_space<hbm>> -> memref<1x16512xi32, #tpu.memory_space<hbm>>
      %dma_start3A_51 = tpu.memref_squeeze %dma_start3A_50 : memref<1x16512xi32, #tpu.memory_space<hbm>> -> memref<16512xi32, #tpu.memory_space<hbm>>
      %dma_start3A_52 = arith.constant 0 : i32
      %dma_start3A_53 = tpu.memref_slice %arg4[%add3A, %dma_start3A_52] : memref<32x16512xi32, #tpu.memory_space<hbm>> -> memref<1x16512xi32, #tpu.memory_space<hbm>>
      %dma_start3A_54 = tpu.memref_squeeze %dma_start3A_53 : memref<1x16512xi32, #tpu.memory_space<hbm>> -> memref<16512xi32, #tpu.memory_space<hbm>>
      tpu.enqueue_dma source(%arg9 : memref<16512xi32, #tpu.memory_space<vmem>>) target(%dma_start3A_54 : memref<16512xi32, #tpu.memory_space<hbm>>) target_semaphore(%run_scoped3A : memref<!tpu.dma_semaphore, #tpu.memory_space<semaphore_mem>>)
      %dma_wait3A_55 = arith.constant 0 : i32
      %dma_wait3A_56 = tpu.memref_slice %arg4[%add3A, %dma_wait3A_55] : memref<32x16512xi32, #tpu.memory_space<hbm>> -> memref<1x16512xi32, #tpu.memory_space<hbm>>
      %dma_wait3A_57 = tpu.memref_squeeze %dma_wait3A_56 : memref<1x16512xi32, #tpu.memory_space<hbm>> -> memref<16512xi32, #tpu.memory_space<hbm>>
      %dma_wait3A_58 = arith.constant 0 : i32
      %dma_wait3A_59 = tpu.memref_slice %arg4[%add3A, %dma_wait3A_58] : memref<32x16512xi32, #tpu.memory_space<hbm>> -> memref<1x16512xi32, #tpu.memory_space<hbm>>
      %dma_wait3A_60 = tpu.memref_squeeze %dma_wait3A_59 : memref<1x16512xi32, #tpu.memory_space<hbm>> -> memref<16512xi32, #tpu.memory_space<hbm>>
      tpu.wait_dma2 semaphore(%run_scoped3A : memref<!tpu.dma_semaphore, #tpu.memory_space<semaphore_mem>>) src(%arg9 : memref<16512xi32, #tpu.memory_space<vmem>>) dst(%dma_wait3A_60 : memref<16512xi32, #tpu.memory_space<hbm>>)
      tpu.yield
    }) : () -> ()
    return
  }
}

module attributes {stable_mosaic.version = 14 : i64} {
  func.func @_gray_body(%arg0: i32, %arg1: memref<1x3x512x512xf32, #tpu.memory_space<vmem>>, %arg2: memref<262144xf32, #tpu.memory_space<vmem>>) attributes {dimension_semantics = [#tpu.dimension_semantics<arbitrary>], iteration_bounds = array<i64: 16>, scalar_prefetch = 0 : i64, scratch_operands = 0 : i64, tpu.core_type = #tpu.core_type<tc>, window_params = [{transform_indices = @transform_0, window_bounds = array<i64: 1, 3, 512, 512>}, {transform_indices = @transform_1, window_bounds = array<i64: 262144>}]} {
    %get3A = arith.constant 0 : index
    %get3A_0 = arith.constant 0 : index
    %get3A_1 = arith.constant 0 : index
    %get3A_2 = arith.constant 0 : index
    %get3A_3 = vector.load %arg1[%get3A, %get3A_0, %get3A_1, %get3A_2] : memref<1x3x512x512xf32, #tpu.memory_space<vmem>>, vector<1x1x512x512xf32>
    %get3A_4 = vector.shape_cast %get3A_3 : vector<1x1x512x512xf32> to vector<512x512xf32>
    %get3A_5 = arith.constant 0 : index
    %get3A_6 = arith.constant 1 : index
    %get3A_7 = arith.constant 0 : index
    %get3A_8 = arith.constant 0 : index
    %get3A_9 = vector.load %arg1[%get3A_5, %get3A_6, %get3A_7, %get3A_8] : memref<1x3x512x512xf32, #tpu.memory_space<vmem>>, vector<1x1x512x512xf32>
    %get3A_10 = vector.shape_cast %get3A_9 : vector<1x1x512x512xf32> to vector<512x512xf32>
    %get3A_11 = arith.constant 0 : index
    %get3A_12 = arith.constant 2 : index
    %get3A_13 = arith.constant 0 : index
    %get3A_14 = arith.constant 0 : index
    %get3A_15 = vector.load %arg1[%get3A_11, %get3A_12, %get3A_13, %get3A_14] : memref<1x3x512x512xf32, #tpu.memory_space<vmem>>, vector<1x1x512x512xf32>
    %get3A_16 = vector.shape_cast %get3A_15 : vector<1x1x512x512xf32> to vector<512x512xf32>
    %mul3A = arith.constant 2.989000e-01 : f32
    %mul3A_17 = vector.broadcast %mul3A : f32 to vector<512x512xf32>
    %mul3A_18 = arith.mulf %mul3A_17, %get3A_4 : vector<512x512xf32>
    %mul3A_19 = arith.constant 5.870000e-01 : f32
    %mul3A_20 = vector.broadcast %mul3A_19 : f32 to vector<512x512xf32>
    %mul3A_21 = arith.mulf %mul3A_20, %get3A_10 : vector<512x512xf32>
    %add3A = arith.addf %mul3A_18, %mul3A_21 : vector<512x512xf32>
    %mul3A_22 = arith.constant 1.140000e-01 : f32
    %mul3A_23 = vector.broadcast %mul3A_22 : f32 to vector<512x512xf32>
    %mul3A_24 = arith.mulf %mul3A_23, %get3A_16 : vector<512x512xf32>
    %add3A_25 = arith.addf %add3A, %mul3A_24 : vector<512x512xf32>
    %reshape3A = vector.shape_cast %add3A_25 : vector<512x512xf32> to vector<262144xf32>
    %swap3A = arith.constant 0 : index
    %swap3A_26 = vector.load %arg2[%swap3A] : memref<262144xf32, #tpu.memory_space<vmem>>, vector<262144xf32>
    tpu.vector_store %arg2[%swap3A], %reshape3A {strides = array<i32>} : memref<262144xf32, #tpu.memory_space<vmem>>, vector<262144xf32>,
    return
  }
  func.func @transform_0(%arg0: i32) -> (i32, i32, i32, i32) {
    %c0_i32 = arith.constant 0 : i32
    %c0_i32_0 = arith.constant 0 : i32
    %c0_i32_1 = arith.constant 0 : i32
    %c0_i32_2 = arith.constant 0 : i32
    return %arg0, %c0_i32, %c0_i32_0, %c0_i32_1 : i32, i32, i32, i32
  }
  func.func @transform_1(%arg0: i32) -> i32 {
    %c0_i32 = arith.constant 0 : i32
    return %arg0 : i32
  }
}

module attributes {stable_mosaic.version = 14 : i64} {
  func.func @_cmp_body(%arg0: i32, %arg1: memref<1x1xf32, #tpu.memory_space<smem>>, %arg2: memref<262144xf32, #tpu.memory_space<vmem>>, %arg3: memref<1x1x512x512xi32, #tpu.memory_space<vmem>>) attributes {dimension_semantics = [#tpu.dimension_semantics<arbitrary>], iteration_bounds = array<i64: 16>, scalar_prefetch = 0 : i64, scratch_operands = 0 : i64, tpu.core_type = #tpu.core_type<tc>, window_params = [{transform_indices = @transform_0, window_bounds = array<i64: 1, 1>}, {transform_indices = @transform_1, window_bounds = array<i64: 262144>}, {transform_indices = @transform_2, window_bounds = array<i64: 1, 1, 512, 512>}]} {
    %get3A = arith.constant 0 : index
    %get3A_0 = vector.load %arg2[%get3A] : memref<262144xf32, #tpu.memory_space<vmem>>, vector<262144xf32>
    %get3A_1 = arith.constant 0 : index
    %get3A_2 = arith.constant 0 : index
    %get3A_3 = memref.load %arg1[%get3A_1, %get3A_2] : memref<1x1xf32, #tpu.memory_space<smem>>
    %ge3A = vector.broadcast %get3A_3 : f32 to vector<262144xf32>
    %ge3A_4 = arith.cmpf oge, %get3A_0, %ge3A : vector<262144xf32>
    %convert_element_type3A = arith.extui %ge3A_4 : vector<262144xi1> to vector<262144xi32>
    %reshape3A = vector.shape_cast %convert_element_type3A : vector<262144xi32> to vector<1x1x512x512xi32>
    %swap3A = arith.constant 0 : index
    %swap3A_5 = arith.constant 0 : index
    %swap3A_6 = arith.constant 0 : index
    %swap3A_7 = arith.constant 0 : index
    %swap3A_8 = vector.load %arg3[%swap3A, %swap3A_5, %swap3A_6, %swap3A_7] : memref<1x1x512x512xi32, #tpu.memory_space<vmem>>, vector<1x1x512x512xi32>
    tpu.vector_store %arg3[%swap3A, %swap3A_5, %swap3A_6, %swap3A_7], %reshape3A {strides = array<i32>} : memref<1x1x512x512xi32, #tpu.memory_space<vmem>>, vector<1x1x512x512xi32>,
    return
  }
  func.func @transform_0(%arg0: i32) -> (i32, i32) {
    %c0_i32 = arith.constant 0 : i32
    %c0_i32_0 = arith.constant 0 : i32
    %c0_i32_1 = arith.constant 0 : i32
    return %c0_i32, %c0_i32_0 : i32, i32
  }
  func.func @transform_1(%arg0: i32) -> i32 {
    %c0_i32 = arith.constant 0 : i32
    return %arg0 : i32
  }
  func.func @transform_2(%arg0: i32) -> (i32, i32, i32, i32) {
    %c0_i32 = arith.constant 0 : i32
    %c0_i32_0 = arith.constant 0 : i32
    %c0_i32_1 = arith.constant 0 : i32
    %c0_i32_2 = arith.constant 0 : i32
    return %arg0, %c0_i32, %c0_i32_0, %c0_i32_1 : i32, i32, i32, i32
  }
}

</mosaic_0001>

<sc_bundles>
// kernel: kernel.10.cloned.1.call-start
scs
__scs_entry_jumppad:
0x0: {  	(pc) =	sbr.rel $0x88, $3  }
0x1: {  	(tag) =	ssettag $0x0;
	lr =	simm.s32 $0x1  }
0x2: {  	[smem:$0x3FA0] =	sst lr;
	_ =	strace $0xD0000000  }
0x3: {  	_ = 	snop  }
0x4: {  	_ = 	snop  }
0x5: {  	_ = 	snop  }
0x6: {  	_ = 	snop  }
0x7: {  	_ = 	snop  }
__scs_overlays_trampoline_lowered:
0x8: {  	[smem:$0x3FAF] =	sst s0  }
0x9: {  	[smem:$0x3FB0] =	sst s1  }
0xa: {  	[smem:$0x3FB1] =	sst s2  }
0xb: {  	[smem:$0x3FB2] =	sst s3  }
0xc: {  	[smem:$0x3FB3] =	sst s4  }
0xd: {  	[smem:$0x3FB4] =	sst s5  }
0xe: {  	[smem:$0x3FB5] =	sst s6  }
0xf: {  	[smem:$0x3FB6] =	sst s7  }
0x10: {  	[smem:$0x3FB7] =	sst s8  }
0x11: {  	[smem:$0x3FB8] =	sst s9;
	s0 =	simm.s32 @!p0 $0x0  }
0x12: {  	s1 =	sld [smem:$0x3F9E];
	s0 =	simm.s32 @p0 $0x1  }
0x13: {  	[smem:$0x3FB9] =	sst s0;
	s0 =	simm.s32 @!p1 $0x0  }
0x14: {  	s2 =	sld [smem:$0x3F9D];
	s0 =	simm.s32 @p1 $0x1  }
0x15: {  	[smem:$0x3FBA] =	sst s0;
	s0 =	simm.s32 @!p2 $0x0  }
0x16: {  	s3 =	sld [smem:$0x3FDB];
	s0 =	simm.s32 @p2 $0x1  }
0x17: {  	s4 =	simm.s32 $0x1BF5;
	[smem:$0x3FBC] =	sst s0  }
0x18: {  	s0 =	sld [smem:$0x3F9F];
	_ =	swait.ge [sflag:s4], $0x0  }
0x19: {  	s7 =	sld [smem:$0x3FA0]  }
0x1a: {  	s8 =	sadd.s32 $0xFFFFE003, lr  }
0x1b: {  	s9 =	sadd.s32 $0xFFFFFEF7, lr;
	s5 =	simm.s32 $0xFFFFFFFF;
	p2 =	slt.u32 s8, $0xFFFFF086  }
0x1c: {  	p1 =	slt.u32 s9, $0xF7A;
	s5 =	simm.s32 @!p2 $0x0  }
0x1d: {  	s5 =	simm.s32 @p1 $0x1;
	p0 =	seq.s32 s7, s2  }
0x1e: {  	s7 =	smul.u32 @!p0 $0xF7A, s2;
	p2 =	seq.s32 @!p0 s5, $0x0  }
0x1f: {  	s9 =	smul.u32 $0xF7A, s1;
	s8 =	simm.s32 @!p0 $0x1BF5;
	p2 =	por !p2, p0  }
0x20: {  	[sflag:s8] =	ssyncset.s32 @!p0 $0xFFFFF086;
	s6 =	sadd.s32 @!p0 s3, s7;
	s7 =	simm.s32 @!p0 $0x108  }
0x21: {  	s3 =	sadd.s32 s3, s9;
	s6 =	sadd.s32 @!p0 $0x88, s6;
	s7 =	simm.s32 @p2 $0x1082  }
0x22: {  	[simem:s7], [sflag:s8] =	dma.local @!p0 [hbm:s6], $0xF7A  }
0x23: {  	s9 =	sor.u32 $0xD0000000, s2;
	s6 =	simm.s32 $0x108;
	_ =	swait.ge @!p0 [sflag:s8], $0x0  }
0x24: {  	s3 =	sadd.s32 $0x88, s3;
	s6 =	simm.s32 @!p1 $0x1082;
	[sflag:s4] =	ssyncset.s32 $0xFFFFF086  }
0x25: {  	[simem:s6], [sflag:s4] =	dma.local [hbm:s3], $0xF7A  }
0x26: {  	[smem:$0x3FA0] =	sst s1;
	(tag) =	ssettag s2;
	_ =	strace s9  }
0x27: {  	s1 =	sld [smem:$0x3FB0]  }
0x28: {  	s2 =	sld [smem:$0x3FB1]  }
0x29: {  	s4 =	sld [smem:$0x3FB3]  }
0x2a: {  	p0 =	seq.s32 s5, $0x0;
	s5 =	sld [smem:$0x3FB4]  }
0x2b: {  	s6 =	sld [smem:$0x3FB5]  }
0x2c: {  	s7 =	sld [smem:$0x3FB6]  }
0x2d: {  	s3 =	simm.s32 $0x108;
	s8 =	sld [smem:$0x3FB7]  }
0x2e: {  	s3 =	simm.s32 @!p0 $0x1082;
	s9 =	sld [smem:$0x3FB8]  }
0x2f: {  	lr =	sadd.s32 s0, s3;
	s0 =	sld [smem:$0x3FAF]  }
0x30: {  	s3 =	sld [smem:$0x3FB2]  }
0x31: {  	[smem:$0x3FBB] =	sst s10  }
0x32: {  	s10 =	sld [smem:$0x3FB9];
	_ =	sdelay $0x3  }
0x33: {  	p0 =	seq.s32 s10, $0x1;
	s10 =	sld [smem:$0x3FBB];
	_ =	sdelay $0x3  }
0x34: {  	[smem:$0x3FBB] =	sst s10  }
0x35: {  	s10 =	sld [smem:$0x3FBA];
	_ =	sdelay $0x3  }
0x36: {  	p1 =	seq.s32 s10, $0x1;
	s10 =	sld [smem:$0x3FBB];
	_ =	sdelay $0x3  }
0x37: {  	[smem:$0x3FBB] =	sst s10  }
0x38: {  	s10 =	sld [smem:$0x3FBC]  }
0x39: {  	_ = 	snop;
	(pc) =	sbr.ind lr, $3  }
0x3a: {  	_ = 	snop  }
0x3b: {  	_ = 	snop  }
0x3c: {  	p2 =	seq.s32 s10, $0x1;
	s10 =	sld [smem:$0x3FBB]  }
0x3d: {  	_ =	shalt  }
0x3e: {  	_ =	shalt  }
0x3f: {  	_ =	shalt  }
0x40: {  	_ =	shalt  }
0x41: {  	_ =	shalt  }
0x42: {  	_ =	shalt  }
0x43: {  	_ =	shalt  }
0x44: {  	_ =	shalt  }
0x45: {  	_ =	shalt  }
0x46: {  	_ =	shalt  }
0x47: {  	_ =	shalt  }
0x48: {  	_ =	shalt  }
0x49: {  	_ =	shalt  }
0x4a: {  	_ =	shalt  }
0x4b: {  	_ =	shalt  }
0x4c: {  	_ =	shalt  }
0x4d: {  	_ =	shalt  }
0x4e: {  	_ =	shalt  }
0x4f: {  	_ =	shalt  }
0x50: {  	_ =	shalt  }
0x51: {  	_ =	shalt  }
0x52: {  	_ =	shalt  }
0x53: {  	_ =	shalt  }
0x54: {  	_ =	shalt  }
0x55: {  	_ =	shalt  }
0x56: {  	_ =	shalt  }
0x57: {  	_ =	shalt  }
0x58: {  	_ =	shalt  }
0x59: {  	_ =	shalt  }
0x5a: {  	_ =	shalt  }
0x5b: {  	_ =	shalt  }
0x5c: {  	_ =	shalt  }
0x5d: {  	_ =	shalt  }
0x5e: {  	_ =	shalt  }
0x5f: {  	_ =	shalt  }
0x60: {  	_ =	shalt  }
0x61: {  	_ =	shalt  }
0x62: {  	_ =	shalt  }
0x63: {  	_ =	shalt  }
0x64: {  	_ =	shalt  }
0x65: {  	_ =	shalt  }
0x66: {  	_ =	shalt  }
0x67: {  	_ =	shalt  }
0x68: {  	_ =	shalt  }
0x69: {  	_ =	shalt  }
0x6a: {  	_ =	shalt  }
0x6b: {  	_ =	shalt  }
0x6c: {  	_ =	shalt  }
0x6d: {  	_ =	shalt  }
0x6e: {  	_ =	shalt  }
0x6f: {  	_ =	shalt  }
0x70: {  	_ =	shalt  }
0x71: {  	_ =	shalt  }
0x72: {  	_ =	shalt  }
0x73: {  	_ =	shalt  }
0x74: {  	_ =	shalt  }
0x75: {  	_ =	shalt  }
0x76: {  	_ =	shalt  }
0x77: {  	_ =	shalt  }
0x78: {  	_ =	shalt  }
0x79: {  	_ =	shalt  }
0x7a: {  	_ =	shalt  }
0x7b: {  	_ =	shalt  }
0x7c: {  	_ =	shalt  }
0x7d: {  	_ =	shalt  }
0x7e: {  	_ =	shalt  }
0x7f: {  	_ =	shalt  }
0x80: {  	_ =	shalt  }
0x81: {  	_ =	shalt  }
0x82: {  	_ =	shalt  }
0x83: {  	_ =	shalt  }
0x84: {  	_ =	shalt  }
0x85: {  	_ =	shalt  }
0x86: {  	_ =	shalt  }
0x87: {  	_ =	shalt  }
.Lfunc_end0:
.L_simem_size_0:
called_computation.1_lowered:
.L_overlay_start_0:
0x88: {  	s2 =	sld [smem:$0x3FD9]  }
0x89: {  	s3 =	sld [smem:$0x3FFE];
	_ =	sdelay $0x1  }
0x8a: {  	s1 =	srdreg.scid  }
0x8b: {  	s0 =	sand.u32 $0x1, s1  }
0x8c: {  	s17 =	sshll.u32 s0, $0xA;
	s2 =	sadd.s32 s3, s2  }
0x8d: {  	s2 =	sadd.s32 s2, s17  }
0x8e: {  	[smem:$0x3FC7] =	sst s2  }
0x8f: {  	_ = 	snop  }
0x90: {  	s2 =	sld [smem:$0x3FD0];
	(tm) =	ssettm $0x1  }
0x91: {  	s18 =	sld [smem:$0x3FFB];
	_ =	sdelay $0x3  }
0x92: {  	_ =	strace s18  }
0x93: {  	s3 =	sld [smem:$0x3FFC];
	_ =	sdelay $0x3  }
0x94: {  	_ =	strace s3  }
0x95: {  	s3 =	sld [smem:$0x3FFD];
	_ =	sdelay $0x3  }
0x96: {  	_ =	strace s3  }
0x97: {  	_ =	strace $0x8FFFFFFF  }
0x98: {  	s19 =	sld [smem:$0x3FDB];
	_ =	sdelay $0x1  }
0x99: {  	s4 =	simm.s32 $_scs_section_size  }
0x9a: {  	s5 =	simm.s32 $_size__tile_overlayer_lowered;
	s6 =	simm.s32 $_tile_overlayer_lowered  }
0x9b: {  	s22 =	simm.s32 $0x1BFF;
	s21 =	sshll.u32 s6, $0x1;
	s3 =	sadd.s32 s4, s19  }
0x9c: {  	s7 =	simm.s32 $0x0;
	s20 =	sshll.u32 s5, $0x1;
	s5 =	sadd.s32 s21, s3  }
0x9d: {  	[timem:s7], [sflag:s22] =	dma.local [hbm:s5], s20  }
0x9e: {  	_ =	swait.ge [sflag:s22], s20  }
0x9f: {  	s4 =	ssub.s32 $0x0, s20;
	[sflag:s22] =	ssyncset.done $0x0  }
0xa0: {  	[sflag:s22] =	ssyncadd.s32 s4;
	_ =	sdelay $0x1  }
0xa1: {  	s23 =	simm.s32 $0x1B8B  }
0xa2: {  	_ =	swait.ge [sflag:s23], $0x1  }
0xa3: {  	[sflag:s23] =	ssyncset.done $0x0  }
0xa4: {  	s25 =	simm.s32 $0x1B8E;
	s24 =	sld [smem:$0x3FFE];
	[sflag:s23] =	ssyncadd.s32 $0xFFFFFFFF  }
0xa5: {  	s26 =	simm.s32 $execute0_lowered;
	[smem:$0x3FD2] =	sst s25  }
0xa6: {  	s5 =	sshll.u32 s26, $0x1;
	_ =	strace $0x80000049;
	[dreg:$0x1] =	wrdreg $0xFFFFFFFF  }
0xa7: {  	s28 =	simm.s32 $_size_execute0_lowered;
	s3 =	sadd.s32 s3, s5;
	[dreg:$0x0] =	wrdreg $0x0  }
0xa8: {  	s5 =	sshll.u32 s28, $0x1;
	[dreg:$0x2] =	wrdreg s3  }
0xa9: {  	[dreg:$0x3] =	wrdreg s5  }
0xaa: {  	[dreg:$0x4] =	wrdreg $0xC0  }
0xab: {  	_ =	task [dreg:s7], $0x5FFFF  }
0xac: {  	[dreg:$0x1] =	wrdreg $0xFFFFFFFF  }
0xad: {  	[dreg:$0x0] =	wrdreg $0x60  }
0xae: {  	[dreg:$0x2] =	wrdreg s2  }
0xaf: {  	[dreg:$0x3] =	wrdreg s24  }
0xb0: {  	[dreg:$0x4] =	wrdreg $0x9  }
0xb1: {  	_ =	task.clear_ibuf [dreg:s7], $0x5FFFF;
	_ =	strace $0x90000049  }
0xb2: {  	s29 =	simm.s32 $0x9;
	_ =	strace $0x8000004B  }
0xb3: {  	_ =	swait.ge [sflag:s29], $0x1  }
0xb4: {  	[sflag:s29] =	ssyncadd.s32 $0xFFFFFFFF  }
0xb5: {  	_ =	strace $0x9000004B  }
0xb6: {  	_ =	sfence  }
0xb7: {  	s30 =	sld [smem:$0x0];
	_ =	sdelay $0x2  }
0xb8: {  	s31 =	sshll.u32 s1, $0xD;
	s1 =	sshrl.u32 s1, $0x2  }
0xb9: {  	s3 =	sand.u32 $0x4000, s31;
	s1 =	sadd.s32 s1, s30  }
0xba: {  	s0 =	sor.u32 s3, s0;
	s1 =	sshll.u32 s1, $0x11  }
0xbb: {  	s0 =	sor.u32 s1, s0  }
0xbc: {  	s0 =	sadd.s32 $0x8F2B, s0  }
0xbd: {  	[sflag:s0] =	ssyncadd.remote.s32 $0x1  }
0xbe: {  	_ =	sfence.sel $0xFFFF  }
0xbf: {  	[dreg:$0x0] =	wrdreg $0xFFFFFFFF;
	(pc) =	sbr.abs _section_cstart, $3  }
0xc0: {  	[dreg:$0x1] =	wrdreg $0xFFFFFFFF  }
0xc1: {  	_ =	task.clear_ibuf [dreg:s7], $0x2FFFF;
	_ =	strace $0x9FFFFFFF  }
0xc2: {  	(tm) =	ssettm $0x7FFFFFFF  }
0xc3: {  	_ =	shalt  }
tec
execute0_lowered:
.L_overlay_start_1:
0x0: {  	(tag) =	ssettag $0x1  }
0x1: {  	s2 =	rddreg [dreg:$0x0];
	s1 =	srdreg.scid  }
0x2: {  	s0 =	stileid.u32;
	s5 =	rddreg [dreg:$0x1]  }
0x3: {  	s12 =	simm.s32 $0x3;
	s13 =	simm.s32 $0x4000;
	s14 =	simm.s32 $0x1  }
0x4: {  	s15 =	simm.s32 $0x8080;
	s16 =	simm.s32 $0x2;
	s17 =	simm.s32 $0x80  }
0x5: {  	s18 =	simm.s32 $0x400;
	s19 =	simm.s32 $0x18280;
	s20 =	simm.s32 $0x0  }
0x6: {  	s6 =	sand.u32 $0x1, s1;
	s3 =	sshll.u32 s0, $0x1;
	s1 =	rddreg [dreg:$0x2]  }
0x7: {  	s4 =	sshrl.u32 s0, $0x2;
	s7 =	sor.u32 s6, s3;
	s3 =	simm.s32 $0x0  }
0x8: {  	s4 =	smul.u32 $0x20400, s4;
	s6 =	ssub.s32 $0x2, s6;
	s8 =	sshll.u32 s7, $0x7  }
0x9: {  	[smem:$0x7FF] =	sst s3;
	s30 =	sshrl.u32 s6, $0x1;
	s31 =	sshll.u32 s7, $0xE  }
0xa: {  	s11 =	sshll.u32 s7, $0x11;
	s8 =	sand.u32 $0x380, s8;
	_ =	strace $0x8000004A  }
0xb: {  	s10 =	ssub.s32 s6, s30;
	s7 =	sor.u32 $0x8000, s11;
	s8 =	sor.u32 s4, s8  }
0xc: {  	s4 =	sadd.s32 $0x200, s5;
	s10 =	smax.u32 s10, $0x1;
	s8 =	sshrl.u32 s8, $0x3  }
0xd: {  	v0 =	vimm.s32 $0x0;
	v1 =	vlaneseq.u32;
	v2 =	vimm.s32 $0x1;
	s9 =	sadd.s32 s8, s5;
	s5 =	sadd.s32 s2, s31;
	s8 =	sor.u32 $0xC000, s11  }
0xe: {  	v3 =	vor.u32 $0x4080, v1;
	v4 =	vor.u32 $0x8100, v1;
	v5 =	vor.u32 $0xC180, v1;
	s11 =	simm.s32 $0x8000;
	s6 =	sadd.s32 $0x800, s5;
	s9 =	sadd.s32 $0x400, s9  }
.LBB2_1:
0xf: {  	[tilespmem:s11], [sflag:$0x3] =	stream.linear.gather [hbm4b:s4+s3], $0x80, $0x38;
	[tilespmem:$0x1C300] =	vst v63  }
0x10: {  	_ =	swait.ge [sflag:s12], $0x80  }
0x11: {  	[sflag:s12] =	ssyncset.done $0x0  }
0x12: {  	s21 =	simm.s32 $0x8180;
	[sflag:s12] =	ssyncadd.s32 $0xFFFFFF80  }
0x13: {  	[tilespmem:s21+$0xFFFFFF00] =	vst v0  }
0x14: {  	[tilespmem:s21+$0xF0] =	vst v0  }
0x15: {  	[tilespmem:s21+$0xE0] =	vst v0  }
0x16: {  	[tilespmem:s21+$0xD0] =	vst v0  }
0x17: {  	[tilespmem:s21+$0xC0] =	vst v0  }
0x18: {  	[tilespmem:s21+$0xB0] =	vst v0  }
0x19: {  	[tilespmem:s21+$0xA0] =	vst v0  }
0x1a: {  	[tilespmem:s21+$0x90] =	vst v0  }
0x1b: {  	[tilespmem:s21+$0x80] =	vst v0  }
0x1c: {  	[tilespmem:s21+$0x70] =	vst v0  }
0x1d: {  	[tilespmem:s21+$0x60] =	vst v0  }
0x1e: {  	[tilespmem:s21+$0x50] =	vst v0  }
0x1f: {  	[tilespmem:s21+$0x40] =	vst v0  }
0x20: {  	[tilespmem:s21+$0x30] =	vst v0  }
0x21: {  	[tilespmem:s21+$0x20] =	vst v0  }
0x22: {  	[tilespmem:s21+$0x10] =	vst v0  }
0x23: {  	[tilespmem:s21+$0x0] =	vst v0  }
0x24: {  	[tilespmem:s21+$0xFFFFFFF0] =	vst v0  }
0x25: {  	[tilespmem:s21+$0xFFFFFFE0] =	vst v0  }
0x26: {  	[tilespmem:s21+$0xFFFFFFD0] =	vst v0  }
0x27: {  	[tilespmem:s21+$0xFFFFFFC0] =	vst v0  }
0x28: {  	[tilespmem:s21+$0xFFFFFFB0] =	vst v0  }
0x29: {  	[tilespmem:s21+$0xFFFFFFA0] =	vst v0  }
0x2a: {  	[tilespmem:s21+$0xFFFFFF90] =	vst v0  }
0x2b: {  	[tilespmem:s21+$0xFFFFFF80] =	vst v0  }
0x2c: {  	[tilespmem:s21+$0xFFFFFF70] =	vst v0  }
0x2d: {  	[tilespmem:s21+$0xFFFFFF60] =	vst v0  }
0x2e: {  	[tilespmem:s21+$0xFFFFFF50] =	vst v0  }
0x2f: {  	[tilespmem:s21+$0xFFFFFF40] =	vst v0  }
0x30: {  	[tilespmem:s21+$0xFFFFFF30] =	vst v0  }
0x31: {  	s22 =	simm.s32 $0x0;
	[tilespmem:s21+$0xFFFFFF20] =	vst v0  }
.LBB2_2:
0x32: {  	s22 =	sadd.s32 $0x200, s22;
	[tilespmem:s21+$0xFFFFFF10] =	vst v0;
	s21 =	sadd.s32 $0x200, s21  }
0x33: {  	[tilespmem:s21+$0xFFFFFF00] =	vst v0;
	p0 =	slt.u32 s22, $0x10000  }
0x34: {  	[tilespmem:s21+$0xF0] =	vst v0  }
0x35: {  	[tilespmem:s21+$0xE0] =	vst v0  }
0x36: {  	[tilespmem:s21+$0xD0] =	vst v0  }
0x37: {  	[tilespmem:s21+$0xC0] =	vst v0  }
0x38: {  	[tilespmem:s21+$0xB0] =	vst v0  }
0x39: {  	[tilespmem:s21+$0xA0] =	vst v0  }
0x3a: {  	[tilespmem:s21+$0x90] =	vst v0  }
0x3b: {  	[tilespmem:s21+$0x80] =	vst v0  }
0x3c: {  	[tilespmem:s21+$0x70] =	vst v0  }
0x3d: {  	[tilespmem:s21+$0x60] =	vst v0  }
0x3e: {  	[tilespmem:s21+$0x50] =	vst v0  }
0x3f: {  	[tilespmem:s21+$0x40] =	vst v0  }
0x40: {  	[tilespmem:s21+$0x30] =	vst v0  }
0x41: {  	[tilespmem:s21+$0x20] =	vst v0  }
0x42: {  	[tilespmem:s21+$0x10] =	vst v0  }
0x43: {  	[tilespmem:s21+$0x0] =	vst v0  }
0x44: {  	[tilespmem:s21+$0xFFFFFFF0] =	vst v0  }
0x45: {  	[tilespmem:s21+$0xFFFFFFE0] =	vst v0  }
0x46: {  	[tilespmem:s21+$0xFFFFFFD0] =	vst v0  }
0x47: {  	[tilespmem:s21+$0xFFFFFFC0] =	vst v0  }
0x48: {  	[tilespmem:s21+$0xFFFFFFB0] =	vst v0  }
0x49: {  	[tilespmem:s21+$0xFFFFFFA0] =	vst v0  }
0x4a: {  	[tilespmem:s21+$0xFFFFFF90] =	vst v0  }
0x4b: {  	[tilespmem:s21+$0xFFFFFF80] =	vst v0  }
0x4c: {  	[tilespmem:s21+$0xFFFFFF70] =	vst v0  }
.Ltmp0:
0x4d: {  	[tilespmem:s21+$0xFFFFFF60] =	vst v0;
	(pc) =	sbr.rel @p0 .LBB2_2-.Ltmp0, $4  }
0x4e: {  	[tilespmem:s21+$0xFFFFFF50] =	vst v0  }
0x4f: {  	[tilespmem:s21+$0xFFFFFF40] =	vst v0  }
0x50: {  	[tilespmem:s21+$0xFFFFFF30] =	vst v0  }
0x51: {  	[tilespmem:s21+$0xFFFFFF20] =	vst v0  }
0x52: {  	[tilespmem:s21+$0xFFFFFF10] =	vst v0  }
0x53: {  	v6 =	vld [tilespmem:$0x8000]  }
0x54: {  	s21 =	simm.s32 $0x0  }
0x55: {  	[tilespmem:s21], [sflag:$0x1] =	stream.linear.gather [hbm4b:s5+s21], $0x4000, $0x38;
	[tilespmem:$0x1C300] =	vst v63  }
0x56: {  	_ = 	snop  }
0x57: {  	[tilespmem:s13], [sflag:$0x2] =	stream.linear.gather [hbm4b:s6+s21], $0x4000, $0x38;
	[tilespmem:$0x1C300] =	vst v63  }
.LBB2_4:
0x58: {  	_ =	swait.ge [sflag:s14], $0x4000  }
0x59: {  	[sflag:s14] =	ssyncset.done $0x0  }
0x5a: {  	s25 =	simm.s32 $0x40;
	[sflag:s14] =	ssyncadd.s32 $0xFFFFC000  }
0x5b: {  	v7 =	vld [tilespmem:s25+$0x0];
	_ =	sdelay $0x4  }
0x5c: {  	v7 =	vsub.s32 v7, v6  }
0x5d: {  	v7 =	vshrl.u32 v7, $0xA  }
0x5e: {  	v7 =	vmin.u32 v7, $0x400  }
0x5f: {  	v8 =	vld [tilespmem:s25+$0xFFFFFFC0];
	v7 =	vshll.u32 v7, $0x4  }
0x60: {  	v7 =	vor.u32 v1, v7;
	_ =	sdelay $0x2  }
0x61: {  	s22 =	simm.s32 $0xC0  }
0x62: {  	v9 =	vld [tilespmem:s22+$0x0];
	v8 =	vsub.s32 v8, v6  }
0x63: {  	[tilespmem:v7+s15+$0x0] =	vst.idx.add.s32.msk $0xffff, v2;
	v7 =	vshrl.u32 v8, $0xA  }
0x64: {  	v8 =	vld [tilespmem:s25+$0x10];
	v7 =	vmin.u32 v7, $0x400  }
0x65: {  	v7 =	vshll.u32 v7, $0x4  }
0x66: {  	v7 =	vor.u32 v1, v7  }
0x67: {  	v9 =	vsub.s32 v9, v6  }
0x68: {  	v9 =	vshrl.u32 v9, $0xA  }
0x69: {  	v9 =	vmin.u32 v9, $0x400;
	v8 =	vsub.s32 v8, v6  }
0x6a: {  	v10 =	vld [tilespmem:s22+$0xFFFFFFC0];
	v9 =	vshll.u32 v9, $0x4;
	v8 =	vshrl.u32 v8, $0xA  }
0x6b: {  	v9 =	vor.u32 v1, v9;
	v8 =	vmin.u32 v8, $0x400;
	[tilespmem:v7+s15+$0x0] =	vst.idx.add.s32.msk $0xffff, v2  }
0x6c: {  	v7 =	vshll.u32 v8, $0x4;
	v8 =	vld [tilespmem:s25+$0xFFFFFFD0]  }
0x6d: {  	v7 =	vadd.s32 v3, v7  }
0x6e: {  	s23 =	simm.s32 $0x140  }
0x6f: {  	v11 =	vld [tilespmem:s23+$0x0];
	v10 =	vsub.s32 v10, v6  }
0x70: {  	[tilespmem:v9+s15+$0x0] =	vst.idx.add.s32.msk $0xffff, v2;
	v9 =	vshrl.u32 v10, $0xA  }
0x71: {  	v10 =	vld [tilespmem:s22+$0x10];
	v9 =	vmin.u32 v9, $0x400;
	v8 =	vsub.s32 v8, v6  }
0x72: {  	[tilespmem:v7+s15+$0x0] =	vst.idx.add.s32.msk $0xffff, v2;
	v7 =	vshrl.u32 v8, $0xA;
	v8 =	vshll.u32 v9, $0x4  }
0x73: {  	v9 =	vld [tilespmem:s25+$0x20];
	v7 =	vmin.u32 v7, $0x400;
	v8 =	vor.u32 v1, v8  }
0x74: {  	v7 =	vshll.u32 v7, $0x4  }
0x75: {  	v11 =	vsub.s32 v11, v6;
	v7 =	vadd.s32 v3, v7  }
0x76: {  	v11 =	vshrl.u32 v11, $0xA  }
0x77: {  	v12 =	vld [tilespmem:s23+$0xFFFFFFC0];
	v11 =	vmin.u32 v11, $0x400;
	v10 =	vsub.s32 v10, v6  }
0x78: {  	v11 =	vshll.u32 v11, $0x4;
	v10 =	vshrl.u32 v10, $0xA;
	v9 =	vsub.s32 v9, v6;
	[tilespmem:v8+s15+$0x0] =	vst.idx.add.s32.msk $0xffff, v2  }
0x79: {  	v10 =	vmin.u32 v10, $0x400;
	v8 =	vor.u32 v1, v11;
	v9 =	vshrl.u32 v9, $0xA;
	v11 =	vld [tilespmem:s22+$0xFFFFFFD0]  }
0x7a: {  	v10 =	vshll.u32 v10, $0x4;
	v9 =	vmin.u32 v9, $0x400;
	[tilespmem:v7+s15+$0x0] =	vst.idx.add.s32.msk $0xffff, v2  }
0x7b: {  	v7 =	vadd.s32 v3, v10;
	v9 =	vshll.u32 v9, $0x4;
	v10 =	vld [tilespmem:s25+$0xFFFFFFE0]  }
0x7c: {  	s24 =	simm.s32 $0x1C0;
	v12 =	vsub.s32 v12, v6;
	v9 =	vadd.s32 v4, v9  }
0x7d: {  	v13 =	vld [tilespmem:s24+$0x0];
	v12 =	vshrl.u32 v12, $0xA  }
0x7e: {  	[tilespmem:v8+s15+$0x0] =	vst.idx.add.s32.msk $0xffff, v2;
	v8 =	vsub.s32 v11, v6;
	v11 =	vmin.u32 v12, $0x400  }
0x7f: {  	v12 =	vld [tilespmem:s23+$0x10];
	v8 =	vshrl.u32 v8, $0xA;
	v11 =	vshll.u32 v11, $0x4  }
0x80: {  	[tilespmem:v7+s15+$0x0] =	vst.idx.add.s32.msk $0xffff, v2;
	v7 =	vsub.s32 v10, v6;
	v8 =	vmin.u32 v8, $0x400;
	v10 =	vor.u32 v1, v11  }
0x81: {  	[tilespmem:v9+s15+$0x0] =	vst.idx.add.s32.msk $0xffff, v2;
	v8 =	vshll.u32 v8, $0x4  }
0x82: {  	v7 =	vshrl.u32 v7, $0xA;
	v9 =	vld [tilespmem:s25+$0x30];
	v8 =	vadd.s32 v3, v8  }
0x83: {  	v11 =	vsub.s32 v13, v6;
	v13 =	vld [tilespmem:s22+$0x20];
	v7 =	vmin.u32 v7, $0x400  }
0x84: {  	v14 =	vld [tilespmem:s24+$0xFFFFFFC0];
	v11 =	vshrl.u32 v11, $0xA;
	v7 =	vshll.u32 v7, $0x4  }
0x85: {  	v11 =	vmin.u32 v11, $0x400;
	v7 =	vadd.s32 v4, v7;
	[tilespmem:v10+s15+$0x0] =	vst.idx.add.s32.msk $0xffff, v2  }
0x86: {  	v11 =	vshll.u32 v11, $0x4;
	v15 =	vsub.s32 v12, v6;
	v10 =	vld [tilespmem:s23+$0xFFFFFFD0]  }
0x87: {  	v12 =	vor.u32 v1, v11;
	v11 =	vshrl.u32 v15, $0xA;
	v9 =	vsub.s32 v9, v6;
	[tilespmem:v8+s15+$0x0] =	vst.idx.add.s32.msk $0xffff, v2  }
0x88: {  	v8 =	vmin.u32 v11, $0x400;
	v11 =	vsub.s32 v13, v6;
	v13 =	vshrl.u32 v9, $0xA;
	v9 =	vld [tilespmem:s22+$0xFFFFFFE0]  }
0x89: {  	v8 =	vshll.u32 v8, $0x4;
	v15 =	vshrl.u32 v11, $0xA;
	v13 =	vmin.u32 v13, $0x400  }
0x8a: {  	[tilespmem:v7+s15+$0x0] =	vst.idx.add.s32.msk $0xffff, v2;
	v11 =	vadd.s32 v3, v8;
	v7 =	vmin.u32 v15, $0x400;
	v15 =	vshll.u32 v13, $0x4  }
0x8b: {  	s26 =	simm.s32 $0x180;
	v14 =	vsub.s32 v14, v6;
	v8 =	vld [tilespmem:s25+$0xFFFFFFF0];
	s25 =	simm.s32 $0x240;
	v13 =	vshll.u32 v7, $0x4;
	v7 =	vadd.s32 v5, v15  }
.LBB2_5:
0x8c: {  	v15 =	vld [tilespmem:s25+$0x0];
	v14 =	vshrl.u32 v14, $0xA;
	v10 =	vsub.s32 v10, v6;
	v13 =	vadd.s32 v4, v13  }
0x8d: {  	v14 =	vmin.u32 v14, $0x400;
	[tilespmem:v12+s15+$0x0] =	vst.idx.add.s32.msk $0xffff, v2;
	v10 =	vshrl.u32 v10, $0xA;
	v9 =	vsub.s32 v9, v6  }
0x8e: {  	v12 =	vshll.u32 v14, $0x4;
	v14 =	vld [tilespmem:s24+$0x10];
	v10 =	vmin.u32 v10, $0x400;
	v9 =	vshrl.u32 v9, $0xA  }
0x8f: {  	v12 =	vor.u32 v1, v12;
	v10 =	vshll.u32 v10, $0x4;
	[tilespmem:v11+s15+$0x0] =	vst.idx.add.s32.msk $0xffff, v2;
	v9 =	vmin.u32 v9, $0x400  }
0x90: {  	v8 =	vsub.s32 v8, v6;
	v11 =	vadd.s32 v3, v10;
	v9 =	vshll.u32 v9, $0x4;
	[tilespmem:v7+s15+$0x0] =	vst.idx.add.s32.msk $0xffff, v2  }
0x91: {  	v8 =	vshrl.u32 v8, $0xA;
	v7 =	vadd.s32 v4, v9;
	[tilespmem:v13+s15+$0x0] =	vst.idx.add.s32.msk $0xffff, v2  }
0x92: {  	v8 =	vmin.u32 v8, $0x400;
	v9 =	vld [tilespmem:s22+$0x30]  }
0x93: {  	v10 =	vsub.s32 v15, v6;
	v8 =	vshll.u32 v8, $0x4;
	v13 =	vld [tilespmem:s23+$0x20]  }
0x94: {  	v10 =	vshrl.u32 v10, $0xA;
	v16 =	vadd.s32 v5, v8;
	v15 =	vld [tilespmem:s25+$0xFFFFFFC0]  }
0x95: {  	s26 =	sadd.s32 $0x80, s26;
	v8 =	vmin.u32 v10, $0x400;
	[tilespmem:v12+s15+$0x0] =	vst.idx.add.s32.msk $0xffff, v2  }
0x96: {  	p0 =	slt.u32 s26, $0x3F80;
	v14 =	vsub.s32 v14, v6;
	v8 =	vshll.u32 v8, $0x4;
	v10 =	vld [tilespmem:s24+$0xFFFFFFD0]  }
.Ltmp1:
0x97: {  	v12 =	vor.u32 v1, v8;
	v8 =	vshrl.u32 v14, $0xA;
	[tilespmem:v11+s15+$0x0] =	vst.idx.add.s32.msk $0xffff, v2;
	v11 =	vsub.s32 v9, v6;
	(pc) =	sbr.rel @p0 .LBB2_5-.Ltmp1, $4  }
0x98: {  	v8 =	vmin.u32 v8, $0x400;
	v9 =	vld [tilespmem:s23+$0xFFFFFFE0];
	v13 =	vsub.s32 v13, v6;
	v11 =	vshrl.u32 v11, $0xA  }
0x99: {  	v8 =	vshll.u32 v8, $0x4;
	v13 =	vshrl.u32 v13, $0xA;
	[tilespmem:v7+s15+$0x0] =	vst.idx.add.s32.msk $0xffff, v2;
	v7 =	vmin.u32 v11, $0x400  }
0x9a: {  	v11 =	vadd.s32 v3, v8;
	v13 =	vmin.u32 v13, $0x400;
	v8 =	vld [tilespmem:s22+$0xFFFFFFF0];
	v7 =	vshll.u32 v7, $0x4;
	s22 =	smov.u32 s23;
	s23 =	smov.u32 s24;
	s24 =	smov.u32 s25  }
0x9b: {  	v14 =	vsub.s32 v15, v6;
	s25 =	sadd.s32 $0x80, s25;
	v13 =	vshll.u32 v13, $0x4;
	v7 =	vadd.s32 v5, v7;
	[tilespmem:v16+s15+$0x0] =	vst.idx.add.s32.msk $0xffff, v2  }
0x9c: {  	v14 =	vshrl.u32 v14, $0xA  }
0x9d: {  	v14 =	vmin.u32 v14, $0x400  }
0x9e: {  	v14 =	vshll.u32 v14, $0x4  }
0x9f: {  	v14 =	vor.u32 v1, v14;
	_ =	sdelay $0x1  }
0xa0: {  	[tilespmem:v12+s15+$0x0] =	vst.idx.add.s32.msk $0xffff, v2  }
0xa1: {  	v10 =	vsub.s32 v10, v6;
	v12 =	vld [tilespmem:s24+$0x10]  }
0xa2: {  	v10 =	vshrl.u32 v10, $0xA  }
0xa3: {  	v10 =	vmin.u32 v10, $0x400;
	[tilespmem:v14+s15+$0x0] =	vst.idx.add.s32.msk $0xffff, v2  }
0xa4: {  	v10 =	vshll.u32 v10, $0x4;
	v14 =	vld [tilespmem:s24+$0xFFFFFFD0]  }
0xa5: {  	v10 =	vadd.s32 v3, v10  }
0xa6: {  	v12 =	vsub.s32 v12, v6  }
0xa7: {  	v12 =	vshrl.u32 v12, $0xA  }
0xa8: {  	v12 =	vmin.u32 v12, $0x400  }
0xa9: {  	v12 =	vshll.u32 v12, $0x4;
	v14 =	vsub.s32 v14, v6  }
0xaa: {  	[tilespmem:v10+s15+$0x0] =	vst.idx.add.s32.msk $0xffff, v2;
	v12 =	vadd.s32 v3, v12;
	v14 =	vshrl.u32 v14, $0xA  }
0xab: {  	v10 =	vld [tilespmem:s23+$0xFFFFFFE0];
	v14 =	vmin.u32 v14, $0x400  }
0xac: {  	[tilespmem:v11+s15+$0x0] =	vst.idx.add.s32.msk $0xffff, v2;
	v11 =	vshll.u32 v14, $0x4  }
0xad: {  	v14 =	vld [tilespmem:s23+$0x20];
	v11 =	vadd.s32 v3, v11;
	_ =	sdelay $0x1  }
0xae: {  	v9 =	vsub.s32 v9, v6;
	[tilespmem:v12+s15+$0x0] =	vst.idx.add.s32.msk $0xffff, v2  }
0xaf: {  	v9 =	vshrl.u32 v9, $0xA;
	v10 =	vsub.s32 v10, v6;
	v12 =	vld [tilespmem:s24+$0x20]  }
0xb0: {  	v13 =	vadd.s32 v4, v13;
	v9 =	vmin.u32 v9, $0x400;
	v10 =	vshrl.u32 v10, $0xA  }
0xb1: {  	v9 =	vshll.u32 v9, $0x4;
	v10 =	vmin.u32 v10, $0x400;
	v14 =	vsub.s32 v14, v6;
	[tilespmem:v11+s15+$0x0] =	vst.idx.add.s32.msk $0xffff, v2  }
0xb2: {  	v9 =	vadd.s32 v4, v9;
	v10 =	vshll.u32 v10, $0x4;
	v11 =	vshrl.u32 v14, $0xA;
	v14 =	vld [tilespmem:s24+$0xFFFFFFE0]  }
0xb3: {  	v10 =	vadd.s32 v4, v10;
	v11 =	vmin.u32 v11, $0x400  }
0xb4: {  	v12 =	vsub.s32 v12, v6;
	v11 =	vshll.u32 v11, $0x4  }
0xb5: {  	[tilespmem:v13+s15+$0x0] =	vst.idx.add.s32.msk $0xffff, v2;
	v12 =	vshrl.u32 v12, $0xA;
	v11 =	vadd.s32 v4, v11  }
0xb6: {  	v13 =	vld [tilespmem:s22+$0x30];
	v12 =	vmin.u32 v12, $0x400  }
0xb7: {  	[tilespmem:v9+s15+$0x0] =	vst.idx.add.s32.msk $0xffff, v2;
	v9 =	vshll.u32 v12, $0x4;
	v14 =	vsub.s32 v14, v6  }
0xb8: {  	[tilespmem:v10+s15+$0x0] =	vst.idx.add.s32.msk $0xffff, v2;
	v9 =	vadd.s32 v4, v9;
	v12 =	vshrl.u32 v14, $0xA  }
0xb9: {  	v10 =	vld [tilespmem:s23+$0xFFFFFFF0];
	v12 =	vmin.u32 v12, $0x400  }
0xba: {  	[tilespmem:v11+s15+$0x0] =	vst.idx.add.s32.msk $0xffff, v2;
	v11 =	vshll.u32 v12, $0x4  }
0xbb: {  	v14 =	vld [tilespmem:s22+$0xFFFFFFF0];
	v11 =	vadd.s32 v4, v11  }
0xbc: {  	v8 =	vsub.s32 v8, v6  }
0xbd: {  	v8 =	vshrl.u32 v8, $0xA;
	[tilespmem:v9+s15+$0x0] =	vst.idx.add.s32.msk $0xffff, v2  }
0xbe: {  	v8 =	vmin.u32 v8, $0x400;
	v9 =	vsub.s32 v13, v6;
	v13 =	vld [tilespmem:s24+$0x30]  }
0xbf: {  	v8 =	vshll.u32 v8, $0x4;
	v12 =	vld [tilespmem:s23+$0x30]  }
0xc0: {  	v10 =	vsub.s32 v10, v6;
	v9 =	vshrl.u32 v9, $0xA;
	v14 =	vsub.s32 v14, v6;
	[tilespmem:v11+s15+$0x0] =	vst.idx.add.s32.msk $0xffff, v2  }
0xc1: {  	v10 =	vshrl.u32 v10, $0xA;
	v9 =	vmin.u32 v9, $0x400;
	v11 =	vshrl.u32 v14, $0xA;
	v14 =	vld [tilespmem:s24+$0xFFFFFFF0]  }
0xc2: {  	v8 =	vadd.s32 v5, v8;
	v10 =	vmin.u32 v10, $0x400;
	v9 =	vshll.u32 v9, $0x4  }
0xc3: {  	v10 =	vshll.u32 v10, $0x4;
	v9 =	vadd.s32 v5, v9;
	v13 =	vsub.s32 v13, v6  }
0xc4: {  	[tilespmem:v7+s15+$0x0] =	vst.idx.add.s32.msk $0xffff, v2;
	v7 =	vadd.s32 v5, v10;
	v12 =	vsub.s32 v12, v6;
	v13 =	vshrl.u32 v13, $0xA  }
0xc5: {  	v12 =	vshrl.u32 v12, $0xA;
	v13 =	vmin.u32 v13, $0x400;
	v11 =	vmin.u32 v11, $0x400  }
0xc6: {  	v12 =	vmin.u32 v12, $0x400;
	v10 =	vshll.u32 v13, $0x4;
	v14 =	vsub.s32 v14, v6  }
0xc7: {  	[tilespmem:v8+s15+$0x0] =	vst.idx.add.s32.msk $0xffff, v2;
	v11 =	vshll.u32 v11, $0x4;
	v8 =	vadd.s32 v5, v10;
	v14 =	vshrl.u32 v14, $0xA  }
0xc8: {  	v12 =	vshll.u32 v12, $0x4;
	v11 =	vadd.s32 v5, v11;
	v13 =	vmin.u32 v14, $0x400  }
0xc9: {  	v12 =	vadd.s32 v5, v12;
	v10 =	vshll.u32 v13, $0x4  }
0xca: {  	[tilespmem:v9+s15+$0x0] =	vst.idx.add.s32.msk $0xffff, v2;
	v9 =	vadd.s32 v5, v10  }
0xcb: {  	[tilespmem:v7+s15+$0x0] =	vst.idx.add.s32.msk $0xffff, v2  }
0xcc: {  	s22 =	sshll.u32 s21, $0xF;
	[tilespmem:v8+s15+$0x0] =	vst.idx.add.s32.msk $0xffff, v2  }
0xcd: {  	s31 =	sadd.s32 s22, s7;
	[tilespmem:v11+s15+$0x0] =	vst.idx.add.s32.msk $0xffff, v2  }
0xce: {  	s23 =	sshrl.u32 s31, $0x3;
	[tilespmem:v12+s15+$0x0] =	vst.idx.add.s32.msk $0xffff, v2  }
0xcf: {  	s23 =	sadd.s32 s2, s23;
	[tilespmem:v9+s15+$0x0] =	vst.idx.add.s32.msk $0xffff, v2  }
0xd0: {  	[tilespmem:s3], [sflag:$0x1] =	stream.linear.gather [hbm4b:s23+s3], $0x4000, $0x38;
	[tilespmem:$0x1C300] =	vst v63  }
0xd1: {  	_ =	swait.ge [sflag:s16], $0x4000  }
0xd2: {  	[sflag:s16] =	ssyncset.done $0x0  }
0xd3: {  	s26 =	simm.s32 $0x4040;
	[sflag:s16] =	ssyncadd.s32 $0xFFFFC000  }
0xd4: {  	v7 =	vld [tilespmem:s26+$0x0];
	_ =	sdelay $0x4  }
0xd5: {  	v7 =	vsub.s32 v7, v6  }
0xd6: {  	v7 =	vshrl.u32 v7, $0xA  }
0xd7: {  	v7 =	vmin.u32 v7, $0x400  }
0xd8: {  	v8 =	vld [tilespmem:s26+$0xFFFFFFC0];
	v7 =	vshll.u32 v7, $0x4  }
0xd9: {  	v7 =	vor.u32 v1, v7;
	_ =	sdelay $0x2  }
0xda: {  	s23 =	simm.s32 $0x40C0  }
0xdb: {  	v9 =	vld [tilespmem:s23+$0x0];
	v8 =	vsub.s32 v8, v6  }
0xdc: {  	[tilespmem:v7+s15+$0x0] =	vst.idx.add.s32.msk $0xffff, v2;
	v7 =	vshrl.u32 v8, $0xA  }
0xdd: {  	v8 =	vld [tilespmem:s26+$0x10];
	v7 =	vmin.u32 v7, $0x400  }
0xde: {  	v7 =	vshll.u32 v7, $0x4  }
0xdf: {  	v7 =	vor.u32 v1, v7  }
0xe0: {  	v9 =	vsub.s32 v9, v6  }
0xe1: {  	v9 =	vshrl.u32 v9, $0xA  }
0xe2: {  	v9 =	vmin.u32 v9, $0x400;
	v8 =	vsub.s32 v8, v6  }
0xe3: {  	v10 =	vld [tilespmem:s23+$0xFFFFFFC0];
	v9 =	vshll.u32 v9, $0x4;
	v8 =	vshrl.u32 v8, $0xA  }
0xe4: {  	v9 =	vor.u32 v1, v9;
	v8 =	vmin.u32 v8, $0x400;
	[tilespmem:v7+s15+$0x0] =	vst.idx.add.s32.msk $0xffff, v2  }
0xe5: {  	v7 =	vshll.u32 v8, $0x4;
	v8 =	vld [tilespmem:s26+$0xFFFFFFD0]  }
0xe6: {  	v7 =	vadd.s32 v3, v7  }
0xe7: {  	s24 =	simm.s32 $0x4140  }
0xe8: {  	v11 =	vld [tilespmem:s24+$0x0];
	v10 =	vsub.s32 v10, v6  }
0xe9: {  	[tilespmem:v9+s15+$0x0] =	vst.idx.add.s32.msk $0xffff, v2;
	v9 =	vshrl.u32 v10, $0xA  }
0xea: {  	v10 =	vld [tilespmem:s23+$0x10];
	v9 =	vmin.u32 v9, $0x400;
	v8 =	vsub.s32 v8, v6  }
0xeb: {  	[tilespmem:v7+s15+$0x0] =	vst.idx.add.s32.msk $0xffff, v2;
	v7 =	vshrl.u32 v8, $0xA;
	v8 =	vshll.u32 v9, $0x4  }
0xec: {  	v9 =	vld [tilespmem:s26+$0x20];
	v7 =	vmin.u32 v7, $0x400;
	v8 =	vor.u32 v1, v8  }
0xed: {  	v7 =	vshll.u32 v7, $0x4  }
0xee: {  	v11 =	vsub.s32 v11, v6;
	v7 =	vadd.s32 v3, v7  }
0xef: {  	v11 =	vshrl.u32 v11, $0xA  }
0xf0: {  	v12 =	vld [tilespmem:s24+$0xFFFFFFC0];
	v11 =	vmin.u32 v11, $0x400;
	v10 =	vsub.s32 v10, v6  }
0xf1: {  	v11 =	vshll.u32 v11, $0x4;
	v10 =	vshrl.u32 v10, $0xA;
	v9 =	vsub.s32 v9, v6;
	[tilespmem:v8+s15+$0x0] =	vst.idx.add.s32.msk $0xffff, v2  }
0xf2: {  	v10 =	vmin.u32 v10, $0x400;
	v8 =	vor.u32 v1, v11;
	v9 =	vshrl.u32 v9, $0xA;
	v11 =	vld [tilespmem:s23+$0xFFFFFFD0]  }
0xf3: {  	v10 =	vshll.u32 v10, $0x4;
	v9 =	vmin.u32 v9, $0x400;
	[tilespmem:v7+s15+$0x0] =	vst.idx.add.s32.msk $0xffff, v2  }
0xf4: {  	v7 =	vadd.s32 v3, v10;
	v9 =	vshll.u32 v9, $0x4;
	v10 =	vld [tilespmem:s26+$0xFFFFFFE0]  }
0xf5: {  	s25 =	simm.s32 $0x41C0;
	v12 =	vsub.s32 v12, v6;
	v9 =	vadd.s32 v4, v9  }
0xf6: {  	v13 =	vld [tilespmem:s25+$0x0];
	v12 =	vshrl.u32 v12, $0xA  }
0xf7: {  	[tilespmem:v8+s15+$0x0] =	vst.idx.add.s32.msk $0xffff, v2;
	v8 =	vsub.s32 v11, v6;
	v11 =	vmin.u32 v12, $0x400  }
0xf8: {  	v12 =	vld [tilespmem:s24+$0x10];
	v8 =	vshrl.u32 v8, $0xA;
	v11 =	vshll.u32 v11, $0x4  }
0xf9: {  	[tilespmem:v7+s15+$0x0] =	vst.idx.add.s32.msk $0xffff, v2;
	v7 =	vsub.s32 v10, v6;
	v8 =	vmin.u32 v8, $0x400;
	v10 =	vor.u32 v1, v11  }
0xfa: {  	[tilespmem:v9+s15+$0x0] =	vst.idx.add.s32.msk $0xffff, v2;
	v8 =	vshll.u32 v8, $0x4  }
0xfb: {  	v7 =	vshrl.u32 v7, $0xA;
	v9 =	vld [tilespmem:s26+$0x30];
	v8 =	vadd.s32 v3, v8  }
0xfc: {  	v11 =	vsub.s32 v13, v6;
	v13 =	vld [tilespmem:s23+$0x20];
	v7 =	vmin.u32 v7, $0x400  }
0xfd: {  	v14 =	vld [tilespmem:s25+$0xFFFFFFC0];
	v11 =	vshrl.u32 v11, $0xA;
	v7 =	vshll.u32 v7, $0x4  }
0xfe: {  	v11 =	vmin.u32 v11, $0x400;
	v7 =	vadd.s32 v4, v7;
	[tilespmem:v10+s15+$0x0] =	vst.idx.add.s32.msk $0xffff, v2  }
0xff: {  	v11 =	vshll.u32 v11, $0x4;
	v15 =	vsub.s32 v12, v6;
	v10 =	vld [tilespmem:s24+$0xFFFFFFD0]  }
0x100: {  	v12 =	vor.u32 v1, v11;
	v11 =	vshrl.u32 v15, $0xA;
	v9 =	vsub.s32 v9, v6;
	[tilespmem:v8+s15+$0x0] =	vst.idx.add.s32.msk $0xffff, v2  }
0x101: {  	v8 =	vmin.u32 v11, $0x400;
	v11 =	vsub.s32 v13, v6;
	v13 =	vshrl.u32 v9, $0xA;
	v9 =	vld [tilespmem:s23+$0xFFFFFFE0]  }
0x102: {  	v8 =	vshll.u32 v8, $0x4;
	v15 =	vshrl.u32 v11, $0xA;
	v13 =	vmin.u32 v13, $0x400  }
0x103: {  	[tilespmem:v7+s15+$0x0] =	vst.idx.add.s32.msk $0xffff, v2;
	v11 =	vadd.s32 v3, v8;
	v7 =	vmin.u32 v15, $0x400;
	v15 =	vshll.u32 v13, $0x4  }
0x104: {  	s28 =	simm.s32 $0x180;
	v14 =	vsub.s32 v14, v6;
	v8 =	vld [tilespmem:s26+$0xFFFFFFF0];
	s26 =	simm.s32 $0x4240;
	v13 =	vshll.u32 v7, $0x4;
	v7 =	vadd.s32 v5, v15  }
.LBB2_7:
0x105: {  	v15 =	vld [tilespmem:s26+$0x0];
	v14 =	vshrl.u32 v14, $0xA;
	v10 =	vsub.s32 v10, v6;
	v13 =	vadd.s32 v4, v13  }
0x106: {  	v14 =	vmin.u32 v14, $0x400;
	[tilespmem:v12+s15+$0x0] =	vst.idx.add.s32.msk $0xffff, v2;
	v10 =	vshrl.u32 v10, $0xA;
	v9 =	vsub.s32 v9, v6  }
0x107: {  	v12 =	vshll.u32 v14, $0x4;
	v14 =	vld [tilespmem:s25+$0x10];
	v10 =	vmin.u32 v10, $0x400;
	v9 =	vshrl.u32 v9, $0xA  }
0x108: {  	v12 =	vor.u32 v1, v12;
	v10 =	vshll.u32 v10, $0x4;
	[tilespmem:v11+s15+$0x0] =	vst.idx.add.s32.msk $0xffff, v2;
	v9 =	vmin.u32 v9, $0x400  }
0x109: {  	v8 =	vsub.s32 v8, v6;
	v11 =	vadd.s32 v3, v10;
	v9 =	vshll.u32 v9, $0x4;
	[tilespmem:v7+s15+$0x0] =	vst.idx.add.s32.msk $0xffff, v2  }
0x10a: {  	v8 =	vshrl.u32 v8, $0xA;
	v7 =	vadd.s32 v4, v9;
	[tilespmem:v13+s15+$0x0] =	vst.idx.add.s32.msk $0xffff, v2  }
0x10b: {  	v8 =	vmin.u32 v8, $0x400;
	v9 =	vld [tilespmem:s23+$0x30]  }
0x10c: {  	v10 =	vsub.s32 v15, v6;
	v8 =	vshll.u32 v8, $0x4;
	v13 =	vld [tilespmem:s24+$0x20]  }
0x10d: {  	v10 =	vshrl.u32 v10, $0xA;
	v16 =	vadd.s32 v5, v8;
	v15 =	vld [tilespmem:s26+$0xFFFFFFC0]  }
0x10e: {  	s28 =	sadd.s32 $0x80, s28;
	v8 =	vmin.u32 v10, $0x400;
	[tilespmem:v12+s15+$0x0] =	vst.idx.add.s32.msk $0xffff, v2  }
0x10f: {  	p0 =	slt.u32 s28, $0x3F80;
	v14 =	vsub.s32 v14, v6;
	v8 =	vshll.u32 v8, $0x4;
	v10 =	vld [tilespmem:s25+$0xFFFFFFD0]  }
.Ltmp2:
0x110: {  	v12 =	vor.u32 v1, v8;
	v8 =	vshrl.u32 v14, $0xA;
	[tilespmem:v11+s15+$0x0] =	vst.idx.add.s32.msk $0xffff, v2;
	v11 =	vsub.s32 v9, v6;
	(pc) =	sbr.rel @p0 .LBB2_7-.Ltmp2, $4  }
0x111: {  	v8 =	vmin.u32 v8, $0x400;
	v9 =	vld [tilespmem:s24+$0xFFFFFFE0];
	v13 =	vsub.s32 v13, v6;
	v11 =	vshrl.u32 v11, $0xA  }
0x112: {  	v8 =	vshll.u32 v8, $0x4;
	v13 =	vshrl.u32 v13, $0xA;
	[tilespmem:v7+s15+$0x0] =	vst.idx.add.s32.msk $0xffff, v2;
	v7 =	vmin.u32 v11, $0x400  }
0x113: {  	v11 =	vadd.s32 v3, v8;
	v13 =	vmin.u32 v13, $0x400;
	v8 =	vld [tilespmem:s23+$0xFFFFFFF0];
	v7 =	vshll.u32 v7, $0x4;
	s23 =	smov.u32 s24;
	s24 =	smov.u32 s25;
	s25 =	smov.u32 s26  }
0x114: {  	v14 =	vsub.s32 v15, v6;
	s26 =	sadd.s32 $0x80, s26;
	v13 =	vshll.u32 v13, $0x4;
	v7 =	vadd.s32 v5, v7;
	[tilespmem:v16+s15+$0x0] =	vst.idx.add.s32.msk $0xffff, v2  }
0x115: {  	v14 =	vshrl.u32 v14, $0xA  }
0x116: {  	v14 =	vmin.u32 v14, $0x400  }
0x117: {  	v14 =	vshll.u32 v14, $0x4  }
0x118: {  	v14 =	vor.u32 v1, v14;
	_ =	sdelay $0x1  }
0x119: {  	[tilespmem:v12+s15+$0x0] =	vst.idx.add.s32.msk $0xffff, v2  }
0x11a: {  	v12 =	vld [tilespmem:s25+$0x10]  }
0x11b: {  	v10 =	vsub.s32 v10, v6  }
0x11c: {  	v10 =	vshrl.u32 v10, $0xA;
	[tilespmem:v14+s15+$0x0] =	vst.idx.add.s32.msk $0xffff, v2  }
0x11d: {  	v10 =	vmin.u32 v10, $0x400;
	v14 =	vld [tilespmem:s25+$0xFFFFFFD0]  }
0x11e: {  	v10 =	vshll.u32 v10, $0x4  }
0x11f: {  	v10 =	vadd.s32 v3, v10;
	v12 =	vsub.s32 v12, v6  }
0x120: {  	v12 =	vshrl.u32 v12, $0xA  }
0x121: {  	v12 =	vmin.u32 v12, $0x400  }
0x122: {  	v12 =	vshll.u32 v12, $0x4;
	v14 =	vsub.s32 v14, v6  }
0x123: {  	v12 =	vadd.s32 v3, v12;
	v14 =	vshrl.u32 v14, $0xA  }
0x124: {  	[tilespmem:v10+s15+$0x0] =	vst.idx.add.s32.msk $0xffff, v2;
	v14 =	vmin.u32 v14, $0x400  }
0x125: {  	v10 =	vld [tilespmem:s24+$0xFFFFFFE0];
	v47 =	vshll.u32 v14, $0x4  }
0x126: {  	[tilespmem:v11+s15+$0x0] =	vst.idx.add.s32.msk $0xffff, v2;
	v11 =	vadd.s32 v3, v47  }
0x127: {  	v48 =	vld [tilespmem:s24+$0x20]  }
0x128: {  	[tilespmem:v12+s15+$0x0] =	vst.idx.add.s32.msk $0xffff, v2  }
0x129: {  	v9 =	vsub.s32 v9, v6;
	v12 =	vld [tilespmem:s25+$0x20]  }
0x12a: {  	v9 =	vshrl.u32 v9, $0xA;
	v10 =	vsub.s32 v10, v6  }
0x12b: {  	v13 =	vadd.s32 v4, v13;
	v9 =	vmin.u32 v9, $0x400;
	v10 =	vshrl.u32 v10, $0xA;
	[tilespmem:v11+s15+$0x0] =	vst.idx.add.s32.msk $0xffff, v2  }
0x12c: {  	v9 =	vshll.u32 v9, $0x4;
	v14 =	vsub.s32 v48, v6;
	v10 =	vmin.u32 v10, $0x400;
	v50 =	vld [tilespmem:s25+$0xFFFFFFE0]  }
0x12d: {  	v9 =	vadd.s32 v4, v9;
	v49 =	vshrl.u32 v14, $0xA;
	v10 =	vshll.u32 v10, $0x4  }
0x12e: {  	v10 =	vadd.s32 v4, v10;
	v12 =	vsub.s32 v12, v6;
	v11 =	vmin.u32 v49, $0x400  }
0x12f: {  	v12 =	vshrl.u32 v12, $0xA;
	v11 =	vshll.u32 v11, $0x4  }
0x130: {  	[tilespmem:v13+s15+$0x0] =	vst.idx.add.s32.msk $0xffff, v2;
	v12 =	vmin.u32 v12, $0x400;
	v11 =	vadd.s32 v4, v11  }
0x131: {  	v13 =	vld [tilespmem:s23+$0x30];
	v51 =	vshll.u32 v12, $0x4;
	v14 =	vsub.s32 v50, v6  }
0x132: {  	[tilespmem:v9+s15+$0x0] =	vst.idx.add.s32.msk $0xffff, v2;
	v9 =	vadd.s32 v4, v51;
	v52 =	vshrl.u32 v14, $0xA  }
0x133: {  	[tilespmem:v10+s15+$0x0] =	vst.idx.add.s32.msk $0xffff, v2;
	v12 =	vmin.u32 v52, $0x400  }
0x134: {  	v10 =	vld [tilespmem:s24+$0xFFFFFFF0];
	v54 =	vshll.u32 v12, $0x4  }
0x135: {  	[tilespmem:v11+s15+$0x0] =	vst.idx.add.s32.msk $0xffff, v2;
	v11 =	vadd.s32 v4, v54  }
0x136: {  	v8 =	vsub.s32 v8, v6;
	v53 =	vld [tilespmem:s23+$0xFFFFFFF0]  }
0x137: {  	v8 =	vshrl.u32 v8, $0xA;
	[tilespmem:v9+s15+$0x0] =	vst.idx.add.s32.msk $0xffff, v2  }
0x138: {  	v8 =	vmin.u32 v8, $0x400;
	v55 =	vld [tilespmem:s24+$0x30]  }
0x139: {  	v8 =	vshll.u32 v8, $0x4;
	v56 =	vsub.s32 v13, v6;
	v57 =	vld [tilespmem:s25+$0x30]  }
0x13a: {  	v8 =	vadd.s32 v5, v8;
	v9 =	vshrl.u32 v56, $0xA;
	v10 =	vsub.s32 v10, v6;
	[tilespmem:v11+s15+$0x0] =	vst.idx.add.s32.msk $0xffff, v2  }
0x13b: {  	v14 =	vsub.s32 v53, v6;
	v9 =	vmin.u32 v9, $0x400;
	v10 =	vshrl.u32 v10, $0xA;
	v59 =	vld [tilespmem:s25+$0xFFFFFFF0]  }
0x13c: {  	v58 =	vshrl.u32 v14, $0xA;
	v9 =	vshll.u32 v9, $0x4;
	v10 =	vmin.u32 v10, $0x400  }
0x13d: {  	v9 =	vadd.s32 v5, v9;
	v10 =	vshll.u32 v10, $0x4;
	v12 =	vsub.s32 v55, v6  }
0x13e: {  	[tilespmem:v7+s15+$0x0] =	vst.idx.add.s32.msk $0xffff, v2;
	v7 =	vadd.s32 v5, v10;
	v13 =	vsub.s32 v57, v6;
	v12 =	vshrl.u32 v12, $0xA  }
0x13f: {  	v13 =	vshrl.u32 v13, $0xA;
	v11 =	vmin.u32 v58, $0x400;
	v12 =	vmin.u32 v12, $0x400  }
0x140: {  	v13 =	vmin.u32 v13, $0x400;
	v11 =	vshll.u32 v11, $0x4;
	v14 =	vsub.s32 v59, v6  }
0x141: {  	v12 =	vshll.u32 v12, $0x4;
	v11 =	vadd.s32 v5, v11;
	v14 =	vshrl.u32 v14, $0xA  }
0x142: {  	v60 =	vshll.u32 v13, $0x4;
	v12 =	vadd.s32 v5, v12;
	v61 =	vmin.u32 v14, $0x400  }
0x143: {  	[tilespmem:v8+s15+$0x0] =	vst.idx.add.s32.msk $0xffff, v2;
	v8 =	vadd.s32 v5, v60;
	v62 =	vshll.u32 v61, $0x4  }
0x144: {  	s21 =	sadd.s32 $0x1, s21;
	[tilespmem:v9+s15+$0x0] =	vst.idx.add.s32.msk $0xffff, v2;
	v63 =	vadd.s32 v5, v62  }
0x145: {  	p0 =	sne.s32 s21, $0x3;
	[tilespmem:v7+s15+$0x0] =	vst.idx.add.s32.msk $0xffff, v2  }
.Ltmp3:
0x146: {  	[tilespmem:v11+s15+$0x0] =	vst.idx.add.s32.msk $0xffff, v2;
	(pc) =	sbr.rel @p0 .LBB2_4-.Ltmp3, $4  }
0x147: {  	s22 =	sadd.s32 s22, s8;
	[tilespmem:v12+s15+$0x0] =	vst.idx.add.s32.msk $0xffff, v2  }
0x148: {  	s22 =	sshrl.u32 s22, $0x3;
	[tilespmem:v8+s15+$0x0] =	vst.idx.add.s32.msk $0xffff, v2  }
0x149: {  	s22 =	sadd.s32 s2, s22;
	[tilespmem:v63+s15+$0x0] =	vst.idx.add.s32.msk $0xffff, v2  }
0x14a: {  	[tilespmem:s13], [sflag:$0x2] =	stream.linear.gather [hbm4b:s22+s3], $0x4000, $0x38;
	[tilespmem:$0x1C300] =	vst v63  }
0x14b: {  	_ =	swait.ge [sflag:s14], $0x4000  }
0x14c: {  	[sflag:s14] =	ssyncset.done $0x0  }
0x14d: {  	s24 =	simm.s32 $0x40;
	[sflag:s14] =	ssyncadd.s32 $0xFFFFC000  }
0x14e: {  	v7 =	vld [tilespmem:s24+$0x0];
	_ =	sdelay $0x4  }
0x14f: {  	v7 =	vsub.s32 v7, v6  }
0x150: {  	v7 =	vshrl.u32 v7, $0xA  }
0x151: {  	v7 =	vmin.u32 v7, $0x400  }
0x152: {  	v8 =	vld [tilespmem:s24+$0xFFFFFFC0];
	v7 =	vshll.u32 v7, $0x4  }
0x153: {  	v7 =	vor.u32 v1, v7;
	_ =	sdelay $0x2  }
0x154: {  	s21 =	simm.s32 $0xC0  }
0x155: {  	v9 =	vld [tilespmem:s21+$0x0];
	v8 =	vsub.s32 v8, v6  }
0x156: {  	[tilespmem:v7+s15+$0x0] =	vst.idx.add.s32.msk $0xffff, v2;
	v7 =	vshrl.u32 v8, $0xA  }
0x157: {  	v8 =	vld [tilespmem:s24+$0x10];
	v7 =	vmin.u32 v7, $0x400  }
0x158: {  	v7 =	vshll.u32 v7, $0x4  }
0x159: {  	v7 =	vor.u32 v1, v7  }
0x15a: {  	v9 =	vsub.s32 v9, v6  }
0x15b: {  	v9 =	vshrl.u32 v9, $0xA  }
0x15c: {  	v9 =	vmin.u32 v9, $0x400;
	v8 =	vsub.s32 v8, v6  }
0x15d: {  	v10 =	vld [tilespmem:s21+$0xFFFFFFC0];
	v9 =	vshll.u32 v9, $0x4;
	v8 =	vshrl.u32 v8, $0xA  }
0x15e: {  	v9 =	vor.u32 v1, v9;
	v8 =	vmin.u32 v8, $0x400;
	[tilespmem:v7+s15+$0x0] =	vst.idx.add.s32.msk $0xffff, v2  }
0x15f: {  	v7 =	vshll.u32 v8, $0x4;
	v8 =	vld [tilespmem:s24+$0xFFFFFFD0]  }
0x160: {  	v7 =	vadd.s32 v3, v7  }
0x161: {  	s22 =	simm.s32 $0x140  }
0x162: {  	v11 =	vld [tilespmem:s22+$0x0];
	v10 =	vsub.s32 v10, v6  }
0x163: {  	[tilespmem:v9+s15+$0x0] =	vst.idx.add.s32.msk $0xffff, v2;
	v9 =	vshrl.u32 v10, $0xA  }
0x164: {  	v10 =	vld [tilespmem:s21+$0x10];
	v9 =	vmin.u32 v9, $0x400;
	v8 =	vsub.s32 v8, v6  }
0x165: {  	[tilespmem:v7+s15+$0x0] =	vst.idx.add.s32.msk $0xffff, v2;
	v7 =	vshrl.u32 v8, $0xA;
	v8 =	vshll.u32 v9, $0x4  }
0x166: {  	v9 =	vld [tilespmem:s24+$0x20];
	v7 =	vmin.u32 v7, $0x400;
	v8 =	vor.u32 v1, v8  }
0x167: {  	v7 =	vshll.u32 v7, $0x4  }
0x168: {  	v11 =	vsub.s32 v11, v6;
	v7 =	vadd.s32 v3, v7  }
0x169: {  	v11 =	vshrl.u32 v11, $0xA  }
0x16a: {  	v12 =	vld [tilespmem:s22+$0xFFFFFFC0];
	v11 =	vmin.u32 v11, $0x400;
	v10 =	vsub.s32 v10, v6  }
0x16b: {  	v11 =	vshll.u32 v11, $0x4;
	v10 =	vshrl.u32 v10, $0xA;
	v9 =	vsub.s32 v9, v6;
	[tilespmem:v8+s15+$0x0] =	vst.idx.add.s32.msk $0xffff, v2  }
0x16c: {  	v10 =	vmin.u32 v10, $0x400;
	v8 =	vor.u32 v1, v11;
	v9 =	vshrl.u32 v9, $0xA;
	v11 =	vld [tilespmem:s21+$0xFFFFFFD0]  }
0x16d: {  	v10 =	vshll.u32 v10, $0x4;
	v9 =	vmin.u32 v9, $0x400;
	[tilespmem:v7+s15+$0x0] =	vst.idx.add.s32.msk $0xffff, v2  }
0x16e: {  	v7 =	vadd.s32 v3, v10;
	v9 =	vshll.u32 v9, $0x4;
	v10 =	vld [tilespmem:s24+$0xFFFFFFE0]  }
0x16f: {  	s23 =	simm.s32 $0x1C0;
	v12 =	vsub.s32 v12, v6;
	v9 =	vadd.s32 v4, v9  }
0x170: {  	v13 =	vld [tilespmem:s23+$0x0];
	v12 =	vshrl.u32 v12, $0xA  }
0x171: {  	[tilespmem:v8+s15+$0x0] =	vst.idx.add.s32.msk $0xffff, v2;
	v8 =	vsub.s32 v11, v6;
	v11 =	vmin.u32 v12, $0x400  }
0x172: {  	v12 =	vld [tilespmem:s22+$0x10];
	v8 =	vshrl.u32 v8, $0xA;
	v11 =	vshll.u32 v11, $0x4  }
0x173: {  	[tilespmem:v7+s15+$0x0] =	vst.idx.add.s32.msk $0xffff, v2;
	v7 =	vsub.s32 v10, v6;
	v8 =	vmin.u32 v8, $0x400;
	v10 =	vor.u32 v1, v11  }
0x174: {  	[tilespmem:v9+s15+$0x0] =	vst.idx.add.s32.msk $0xffff, v2;
	v8 =	vshll.u32 v8, $0x4  }
0x175: {  	v7 =	vshrl.u32 v7, $0xA;
	v9 =	vld [tilespmem:s24+$0x30];
	v8 =	vadd.s32 v3, v8  }
0x176: {  	v11 =	vsub.s32 v13, v6;
	v13 =	vld [tilespmem:s21+$0x20];
	v7 =	vmin.u32 v7, $0x400  }
0x177: {  	v14 =	vld [tilespmem:s23+$0xFFFFFFC0];
	v11 =	vshrl.u32 v11, $0xA;
	v7 =	vshll.u32 v7, $0x4  }
0x178: {  	v11 =	vmin.u32 v11, $0x400;
	v7 =	vadd.s32 v4, v7;
	[tilespmem:v10+s15+$0x0] =	vst.idx.add.s32.msk $0xffff, v2  }
0x179: {  	v11 =	vshll.u32 v11, $0x4;
	v15 =	vsub.s32 v12, v6;
	v10 =	vld [tilespmem:s22+$0xFFFFFFD0]  }
0x17a: {  	v12 =	vor.u32 v1, v11;
	v11 =	vshrl.u32 v15, $0xA;
	v9 =	vsub.s32 v9, v6;
	[tilespmem:v8+s15+$0x0] =	vst.idx.add.s32.msk $0xffff, v2  }
0x17b: {  	v8 =	vmin.u32 v11, $0x400;
	v11 =	vsub.s32 v13, v6;
	v13 =	vshrl.u32 v9, $0xA;
	v9 =	vld [tilespmem:s21+$0xFFFFFFE0]  }
0x17c: {  	v8 =	vshll.u32 v8, $0x4;
	v15 =	vshrl.u32 v11, $0xA;
	v13 =	vmin.u32 v13, $0x400  }
0x17d: {  	[tilespmem:v7+s15+$0x0] =	vst.idx.add.s32.msk $0xffff, v2;
	v11 =	vadd.s32 v3, v8;
	v7 =	vmin.u32 v15, $0x400;
	v15 =	vshll.u32 v13, $0x4  }
0x17e: {  	s25 =	simm.s32 $0x180;
	v14 =	vsub.s32 v14, v6;
	v8 =	vld [tilespmem:s24+$0xFFFFFFF0];
	s24 =	simm.s32 $0x240;
	v13 =	vshll.u32 v7, $0x4;
	v7 =	vadd.s32 v5, v15  }
.LBB2_10:
0x17f: {  	v15 =	vld [tilespmem:s24+$0x0];
	v14 =	vshrl.u32 v14, $0xA;
	v10 =	vsub.s32 v10, v6;
	v13 =	vadd.s32 v4, v13  }
0x180: {  	v14 =	vmin.u32 v14, $0x400;
	[tilespmem:v12+s15+$0x0] =	vst.idx.add.s32.msk $0xffff, v2;
	v10 =	vshrl.u32 v10, $0xA;
	v9 =	vsub.s32 v9, v6  }
0x181: {  	v12 =	vshll.u32 v14, $0x4;
	v14 =	vld [tilespmem:s23+$0x10];
	v10 =	vmin.u32 v10, $0x400;
	v9 =	vshrl.u32 v9, $0xA  }
0x182: {  	v12 =	vor.u32 v1, v12;
	v10 =	vshll.u32 v10, $0x4;
	[tilespmem:v11+s15+$0x0] =	vst.idx.add.s32.msk $0xffff, v2;
	v9 =	vmin.u32 v9, $0x400  }
0x183: {  	v8 =	vsub.s32 v8, v6;
	v11 =	vadd.s32 v3, v10;
	v9 =	vshll.u32 v9, $0x4;
	[tilespmem:v7+s15+$0x0] =	vst.idx.add.s32.msk $0xffff, v2  }
0x184: {  	v8 =	vshrl.u32 v8, $0xA;
	v7 =	vadd.s32 v4, v9;
	[tilespmem:v13+s15+$0x0] =	vst.idx.add.s32.msk $0xffff, v2  }
0x185: {  	v8 =	vmin.u32 v8, $0x400;
	v9 =	vld [tilespmem:s21+$0x30]  }
0x186: {  	v10 =	vsub.s32 v15, v6;
	v8 =	vshll.u32 v8, $0x4;
	v13 =	vld [tilespmem:s22+$0x20]  }
0x187: {  	v10 =	vshrl.u32 v10, $0xA;
	v16 =	vadd.s32 v5, v8;
	v15 =	vld [tilespmem:s24+$0xFFFFFFC0]  }
0x188: {  	s25 =	sadd.s32 $0x80, s25;
	v8 =	vmin.u32 v10, $0x400;
	[tilespmem:v12+s15+$0x0] =	vst.idx.add.s32.msk $0xffff, v2  }
0x189: {  	p0 =	slt.u32 s25, $0x3F80;
	v14 =	vsub.s32 v14, v6;
	v8 =	vshll.u32 v8, $0x4;
	v10 =	vld [tilespmem:s23+$0xFFFFFFD0]  }
.Ltmp4:
0x18a: {  	v12 =	vor.u32 v1, v8;
	v8 =	vshrl.u32 v14, $0xA;
	[tilespmem:v11+s15+$0x0] =	vst.idx.add.s32.msk $0xffff, v2;
	v11 =	vsub.s32 v9, v6;
	(pc) =	sbr.rel @p0 .LBB2_10-.Ltmp4, $4  }
0x18b: {  	v8 =	vmin.u32 v8, $0x400;
	v9 =	vld [tilespmem:s22+$0xFFFFFFE0];
	v13 =	vsub.s32 v13, v6;
	v11 =	vshrl.u32 v11, $0xA  }
0x18c: {  	v8 =	vshll.u32 v8, $0x4;
	v13 =	vshrl.u32 v13, $0xA;
	[tilespmem:v7+s15+$0x0] =	vst.idx.add.s32.msk $0xffff, v2;
	v7 =	vmin.u32 v11, $0x400  }
0x18d: {  	v11 =	vadd.s32 v3, v8;
	v13 =	vmin.u32 v13, $0x400;
	v8 =	vld [tilespmem:s21+$0xFFFFFFF0];
	v7 =	vshll.u32 v7, $0x4;
	s21 =	smov.u32 s22;
	s22 =	smov.u32 s23;
	s23 =	smov.u32 s24  }
0x18e: {  	v14 =	vsub.s32 v15, v6;
	s24 =	sadd.s32 $0x80, s24;
	v13 =	vshll.u32 v13, $0x4;
	v7 =	vadd.s32 v5, v7;
	[tilespmem:v16+s15+$0x0] =	vst.idx.add.s32.msk $0xffff, v2  }
0x18f: {  	v14 =	vshrl.u32 v14, $0xA  }
0x190: {  	v14 =	vmin.u32 v14, $0x400  }
0x191: {  	v14 =	vshll.u32 v14, $0x4  }
0x192: {  	v14 =	vor.u32 v1, v14;
	_ =	sdelay $0x1  }
0x193: {  	[tilespmem:v12+s15+$0x0] =	vst.idx.add.s32.msk $0xffff, v2  }
0x194: {  	v10 =	vsub.s32 v10, v6;
	v12 =	vld [tilespmem:s23+$0x10]  }
0x195: {  	v10 =	vshrl.u32 v10, $0xA  }
0x196: {  	v10 =	vmin.u32 v10, $0x400;
	[tilespmem:v14+s15+$0x0] =	vst.idx.add.s32.msk $0xffff, v2  }
0x197: {  	v10 =	vshll.u32 v10, $0x4;
	v14 =	vld [tilespmem:s23+$0xFFFFFFD0]  }
0x198: {  	v10 =	vadd.s32 v3, v10  }
0x199: {  	v12 =	vsub.s32 v12, v6  }
0x19a: {  	v12 =	vshrl.u32 v12, $0xA  }
0x19b: {  	v12 =	vmin.u32 v12, $0x400  }
0x19c: {  	v12 =	vshll.u32 v12, $0x4;
	v14 =	vsub.s32 v14, v6  }
0x19d: {  	[tilespmem:v10+s15+$0x0] =	vst.idx.add.s32.msk $0xffff, v2;
	v12 =	vadd.s32 v3, v12;
	v14 =	vshrl.u32 v14, $0xA  }
0x19e: {  	v10 =	vld [tilespmem:s22+$0xFFFFFFE0];
	v14 =	vmin.u32 v14, $0x400  }
0x19f: {  	[tilespmem:v11+s15+$0x0] =	vst.idx.add.s32.msk $0xffff, v2;
	v11 =	vshll.u32 v14, $0x4  }
0x1a0: {  	v14 =	vld [tilespmem:s22+$0x20];
	v11 =	vadd.s32 v3, v11;
	_ =	sdelay $0x1  }
0x1a1: {  	v9 =	vsub.s32 v9, v6;
	[tilespmem:v12+s15+$0x0] =	vst.idx.add.s32.msk $0xffff, v2  }
0x1a2: {  	v9 =	vshrl.u32 v9, $0xA;
	v10 =	vsub.s32 v10, v6;
	v12 =	vld [tilespmem:s23+$0x20]  }
0x1a3: {  	v13 =	vadd.s32 v4, v13;
	v9 =	vmin.u32 v9, $0x400;
	v10 =	vshrl.u32 v10, $0xA  }
0x1a4: {  	v9 =	vshll.u32 v9, $0x4;
	v10 =	vmin.u32 v10, $0x400;
	v14 =	vsub.s32 v14, v6;
	[tilespmem:v11+s15+$0x0] =	vst.idx.add.s32.msk $0xffff, v2  }
0x1a5: {  	v9 =	vadd.s32 v4, v9;
	v10 =	vshll.u32 v10, $0x4;
	v11 =	vshrl.u32 v14, $0xA;
	v14 =	vld [tilespmem:s23+$0xFFFFFFE0]  }
0x1a6: {  	v10 =	vadd.s32 v4, v10;
	v11 =	vmin.u32 v11, $0x400  }
0x1a7: {  	v12 =	vsub.s32 v12, v6;
	v11 =	vshll.u32 v11, $0x4  }
0x1a8: {  	[tilespmem:v13+s15+$0x0] =	vst.idx.add.s32.msk $0xffff, v2;
	v12 =	vshrl.u32 v12, $0xA;
	v11 =	vadd.s32 v4, v11  }
0x1a9: {  	v13 =	vld [tilespmem:s21+$0x30];
	v12 =	vmin.u32 v12, $0x400  }
0x1aa: {  	[tilespmem:v9+s15+$0x0] =	vst.idx.add.s32.msk $0xffff, v2;
	v9 =	vshll.u32 v12, $0x4;
	v14 =	vsub.s32 v14, v6  }
0x1ab: {  	[tilespmem:v10+s15+$0x0] =	vst.idx.add.s32.msk $0xffff, v2;
	v9 =	vadd.s32 v4, v9;
	v12 =	vshrl.u32 v14, $0xA  }
0x1ac: {  	v10 =	vld [tilespmem:s22+$0xFFFFFFF0];
	v12 =	vmin.u32 v12, $0x400  }
0x1ad: {  	[tilespmem:v11+s15+$0x0] =	vst.idx.add.s32.msk $0xffff, v2;
	v11 =	vshll.u32 v12, $0x4  }
0x1ae: {  	v14 =	vld [tilespmem:s21+$0xFFFFFFF0];
	v11 =	vadd.s32 v4, v11  }
0x1af: {  	v8 =	vsub.s32 v8, v6  }
0x1b0: {  	v8 =	vshrl.u32 v8, $0xA;
	[tilespmem:v9+s15+$0x0] =	vst.idx.add.s32.msk $0xffff, v2  }
0x1b1: {  	v8 =	vmin.u32 v8, $0x400;
	v9 =	vsub.s32 v13, v6;
	v13 =	vld [tilespmem:s23+$0x30]  }
0x1b2: {  	v8 =	vshll.u32 v8, $0x4;
	v12 =	vld [tilespmem:s22+$0x30]  }
0x1b3: {  	v10 =	vsub.s32 v10, v6;
	v9 =	vshrl.u32 v9, $0xA;
	v14 =	vsub.s32 v14, v6;
	[tilespmem:v11+s15+$0x0] =	vst.idx.add.s32.msk $0xffff, v2  }
0x1b4: {  	v10 =	vshrl.u32 v10, $0xA;
	v9 =	vmin.u32 v9, $0x400;
	v11 =	vshrl.u32 v14, $0xA;
	v14 =	vld [tilespmem:s23+$0xFFFFFFF0]  }
0x1b5: {  	v8 =	vadd.s32 v5, v8;
	v10 =	vmin.u32 v10, $0x400;
	v9 =	vshll.u32 v9, $0x4  }
0x1b6: {  	v10 =	vshll.u32 v10, $0x4;
	v9 =	vadd.s32 v5, v9;
	v13 =	vsub.s32 v13, v6  }
0x1b7: {  	[tilespmem:v7+s15+$0x0] =	vst.idx.add.s32.msk $0xffff, v2;
	v7 =	vadd.s32 v5, v10;
	v12 =	vsub.s32 v12, v6;
	v13 =	vshrl.u32 v13, $0xA  }
0x1b8: {  	v12 =	vshrl.u32 v12, $0xA;
	v13 =	vmin.u32 v13, $0x400;
	v11 =	vmin.u32 v11, $0x400  }
0x1b9: {  	v12 =	vmin.u32 v12, $0x400;
	v10 =	vshll.u32 v13, $0x4;
	v14 =	vsub.s32 v14, v6  }
0x1ba: {  	[tilespmem:v8+s15+$0x0] =	vst.idx.add.s32.msk $0xffff, v2;
	v11 =	vshll.u32 v11, $0x4;
	v8 =	vadd.s32 v5, v10;
	v14 =	vshrl.u32 v14, $0xA  }
0x1bb: {  	v12 =	vshll.u32 v12, $0x4;
	v11 =	vadd.s32 v5, v11;
	v13 =	vmin.u32 v14, $0x400  }
0x1bc: {  	v12 =	vadd.s32 v5, v12;
	v10 =	vshll.u32 v13, $0x4  }
0x1bd: {  	[tilespmem:v9+s15+$0x0] =	vst.idx.add.s32.msk $0xffff, v2;
	v9 =	vadd.s32 v5, v10  }
0x1be: {  	[tilespmem:v7+s15+$0x0] =	vst.idx.add.s32.msk $0xffff, v2  }
0x1bf: {  	[tilespmem:v8+s15+$0x0] =	vst.idx.add.s32.msk $0xffff, v2  }
0x1c0: {  	[tilespmem:v11+s15+$0x0] =	vst.idx.add.s32.msk $0xffff, v2  }
0x1c1: {  	[tilespmem:v12+s15+$0x0] =	vst.idx.add.s32.msk $0xffff, v2  }
0x1c2: {  	[tilespmem:v9+s15+$0x0] =	vst.idx.add.s32.msk $0xffff, v2  }
0x1c3: {  	_ =	swait.ge [sflag:s16], $0x4000  }
0x1c4: {  	[sflag:s16] =	ssyncset.done $0x0  }
0x1c5: {  	s24 =	simm.s32 $0x4040;
	[sflag:s16] =	ssyncadd.s32 $0xFFFFC000  }
0x1c6: {  	v7 =	vld [tilespmem:s24+$0x0];
	_ =	sdelay $0x4  }
0x1c7: {  	v7 =	vsub.s32 v7, v6  }
0x1c8: {  	v7 =	vshrl.u32 v7, $0xA  }
0x1c9: {  	v7 =	vmin.u32 v7, $0x400  }
0x1ca: {  	v8 =	vld [tilespmem:s24+$0xFFFFFFC0];
	v7 =	vshll.u32 v7, $0x4  }
0x1cb: {  	v7 =	vor.u32 v1, v7;
	_ =	sdelay $0x2  }
0x1cc: {  	s21 =	simm.s32 $0x40C0  }
0x1cd: {  	v9 =	vld [tilespmem:s21+$0x0];
	v8 =	vsub.s32 v8, v6  }
0x1ce: {  	[tilespmem:v7+s15+$0x0] =	vst.idx.add.s32.msk $0xffff, v2;
	v7 =	vshrl.u32 v8, $0xA  }
0x1cf: {  	v8 =	vld [tilespmem:s24+$0x10];
	v7 =	vmin.u32 v7, $0x400  }
0x1d0: {  	v7 =	vshll.u32 v7, $0x4  }
0x1d1: {  	v7 =	vor.u32 v1, v7  }
0x1d2: {  	v9 =	vsub.s32 v9, v6  }
0x1d3: {  	v9 =	vshrl.u32 v9, $0xA  }
0x1d4: {  	v9 =	vmin.u32 v9, $0x400;
	v8 =	vsub.s32 v8, v6  }
0x1d5: {  	v10 =	vld [tilespmem:s21+$0xFFFFFFC0];
	v9 =	vshll.u32 v9, $0x4;
	v8 =	vshrl.u32 v8, $0xA  }
0x1d6: {  	v9 =	vor.u32 v1, v9;
	v8 =	vmin.u32 v8, $0x400;
	[tilespmem:v7+s15+$0x0] =	vst.idx.add.s32.msk $0xffff, v2  }
0x1d7: {  	v7 =	vshll.u32 v8, $0x4;
	v8 =	vld [tilespmem:s24+$0xFFFFFFD0]  }
0x1d8: {  	v7 =	vadd.s32 v3, v7  }
0x1d9: {  	s22 =	simm.s32 $0x4140  }
0x1da: {  	v11 =	vld [tilespmem:s22+$0x0];
	v10 =	vsub.s32 v10, v6  }
0x1db: {  	[tilespmem:v9+s15+$0x0] =	vst.idx.add.s32.msk $0xffff, v2;
	v9 =	vshrl.u32 v10, $0xA  }
0x1dc: {  	v10 =	vld [tilespmem:s21+$0x10];
	v9 =	vmin.u32 v9, $0x400;
	v8 =	vsub.s32 v8, v6  }
0x1dd: {  	[tilespmem:v7+s15+$0x0] =	vst.idx.add.s32.msk $0xffff, v2;
	v7 =	vshrl.u32 v8, $0xA;
	v8 =	vshll.u32 v9, $0x4  }
0x1de: {  	v9 =	vld [tilespmem:s24+$0x20];
	v7 =	vmin.u32 v7, $0x400;
	v8 =	vor.u32 v1, v8  }
0x1df: {  	v7 =	vshll.u32 v7, $0x4  }
0x1e0: {  	v11 =	vsub.s32 v11, v6;
	v7 =	vadd.s32 v3, v7  }
0x1e1: {  	v11 =	vshrl.u32 v11, $0xA  }
0x1e2: {  	v12 =	vld [tilespmem:s22+$0xFFFFFFC0];
	v11 =	vmin.u32 v11, $0x400;
	v10 =	vsub.s32 v10, v6  }
0x1e3: {  	v11 =	vshll.u32 v11, $0x4;
	v10 =	vshrl.u32 v10, $0xA;
	v9 =	vsub.s32 v9, v6;
	[tilespmem:v8+s15+$0x0] =	vst.idx.add.s32.msk $0xffff, v2  }
0x1e4: {  	v10 =	vmin.u32 v10, $0x400;
	v8 =	vor.u32 v1, v11;
	v9 =	vshrl.u32 v9, $0xA;
	v11 =	vld [tilespmem:s21+$0xFFFFFFD0]  }
0x1e5: {  	v10 =	vshll.u32 v10, $0x4;
	v9 =	vmin.u32 v9, $0x400;
	[tilespmem:v7+s15+$0x0] =	vst.idx.add.s32.msk $0xffff, v2  }
0x1e6: {  	v7 =	vadd.s32 v3, v10;
	v9 =	vshll.u32 v9, $0x4;
	v10 =	vld [tilespmem:s24+$0xFFFFFFE0]  }
0x1e7: {  	s23 =	simm.s32 $0x41C0;
	v12 =	vsub.s32 v12, v6;
	v9 =	vadd.s32 v4, v9  }
0x1e8: {  	v13 =	vld [tilespmem:s23+$0x0];
	v12 =	vshrl.u32 v12, $0xA  }
0x1e9: {  	[tilespmem:v8+s15+$0x0] =	vst.idx.add.s32.msk $0xffff, v2;
	v8 =	vsub.s32 v11, v6;
	v11 =	vmin.u32 v12, $0x400  }
0x1ea: {  	v12 =	vld [tilespmem:s22+$0x10];
	v8 =	vshrl.u32 v8, $0xA;
	v11 =	vshll.u32 v11, $0x4  }
0x1eb: {  	[tilespmem:v7+s15+$0x0] =	vst.idx.add.s32.msk $0xffff, v2;
	v7 =	vsub.s32 v10, v6;
	v8 =	vmin.u32 v8, $0x400;
	v10 =	vor.u32 v1, v11  }
0x1ec: {  	[tilespmem:v9+s15+$0x0] =	vst.idx.add.s32.msk $0xffff, v2;
	v8 =	vshll.u32 v8, $0x4  }
0x1ed: {  	v7 =	vshrl.u32 v7, $0xA;
	v9 =	vld [tilespmem:s24+$0x30];
	v8 =	vadd.s32 v3, v8  }
0x1ee: {  	v11 =	vsub.s32 v13, v6;
	v13 =	vld [tilespmem:s21+$0x20];
	v7 =	vmin.u32 v7, $0x400  }
0x1ef: {  	v14 =	vld [tilespmem:s23+$0xFFFFFFC0];
	v11 =	vshrl.u32 v11, $0xA;
	v7 =	vshll.u32 v7, $0x4  }
0x1f0: {  	v11 =	vmin.u32 v11, $0x400;
	v7 =	vadd.s32 v4, v7;
	[tilespmem:v10+s15+$0x0] =	vst.idx.add.s32.msk $0xffff, v2  }
0x1f1: {  	v11 =	vshll.u32 v11, $0x4;
	v15 =	vsub.s32 v12, v6;
	v10 =	vld [tilespmem:s22+$0xFFFFFFD0]  }
0x1f2: {  	v12 =	vor.u32 v1, v11;
	v11 =	vshrl.u32 v15, $0xA;
	v9 =	vsub.s32 v9, v6;
	[tilespmem:v8+s15+$0x0] =	vst.idx.add.s32.msk $0xffff, v2  }
0x1f3: {  	v8 =	vmin.u32 v11, $0x400;
	v11 =	vsub.s32 v13, v6;
	v13 =	vshrl.u32 v9, $0xA;
	v9 =	vld [tilespmem:s21+$0xFFFFFFE0]  }
0x1f4: {  	v8 =	vshll.u32 v8, $0x4;
	v15 =	vshrl.u32 v11, $0xA;
	v13 =	vmin.u32 v13, $0x400  }
0x1f5: {  	[tilespmem:v7+s15+$0x0] =	vst.idx.add.s32.msk $0xffff, v2;
	v11 =	vadd.s32 v3, v8;
	v7 =	vmin.u32 v15, $0x400;
	v15 =	vshll.u32 v13, $0x4  }
0x1f6: {  	s25 =	simm.s32 $0x180;
	v14 =	vsub.s32 v14, v6;
	v8 =	vld [tilespmem:s24+$0xFFFFFFF0];
	s24 =	simm.s32 $0x4240;
	v13 =	vshll.u32 v7, $0x4;
	v7 =	vadd.s32 v5, v15  }
.LBB2_12:
0x1f7: {  	v15 =	vld [tilespmem:s24+$0x0];
	v14 =	vshrl.u32 v14, $0xA;
	v10 =	vsub.s32 v10, v6;
	v13 =	vadd.s32 v4, v13  }
0x1f8: {  	v14 =	vmin.u32 v14, $0x400;
	[tilespmem:v12+s15+$0x0] =	vst.idx.add.s32.msk $0xffff, v2;
	v10 =	vshrl.u32 v10, $0xA;
	v9 =	vsub.s32 v9, v6  }
0x1f9: {  	v12 =	vshll.u32 v14, $0x4;
	v14 =	vld [tilespmem:s23+$0x10];
	v10 =	vmin.u32 v10, $0x400;
	v9 =	vshrl.u32 v9, $0xA  }
0x1fa: {  	v12 =	vor.u32 v1, v12;
	v10 =	vshll.u32 v10, $0x4;
	[tilespmem:v11+s15+$0x0] =	vst.idx.add.s32.msk $0xffff, v2;
	v9 =	vmin.u32 v9, $0x400  }
0x1fb: {  	v8 =	vsub.s32 v8, v6;
	v11 =	vadd.s32 v3, v10;
	v9 =	vshll.u32 v9, $0x4;
	[tilespmem:v7+s15+$0x0] =	vst.idx.add.s32.msk $0xffff, v2  }
0x1fc: {  	v8 =	vshrl.u32 v8, $0xA;
	v7 =	vadd.s32 v4, v9;
	[tilespmem:v13+s15+$0x0] =	vst.idx.add.s32.msk $0xffff, v2  }
0x1fd: {  	v8 =	vmin.u32 v8, $0x400;
	v9 =	vld [tilespmem:s21+$0x30]  }
0x1fe: {  	v10 =	vsub.s32 v15, v6;
	v8 =	vshll.u32 v8, $0x4;
	v13 =	vld [tilespmem:s22+$0x20]  }
0x1ff: {  	v10 =	vshrl.u32 v10, $0xA;
	v16 =	vadd.s32 v5, v8;
	v15 =	vld [tilespmem:s24+$0xFFFFFFC0]  }
0x200: {  	s25 =	sadd.s32 $0x80, s25;
	v8 =	vmin.u32 v10, $0x400;
	[tilespmem:v12+s15+$0x0] =	vst.idx.add.s32.msk $0xffff, v2  }
0x201: {  	p0 =	slt.u32 s25, $0x3F80;
	v14 =	vsub.s32 v14, v6;
	v8 =	vshll.u32 v8, $0x4;
	v10 =	vld [tilespmem:s23+$0xFFFFFFD0]  }
.Ltmp5:
0x202: {  	v12 =	vor.u32 v1, v8;
	v8 =	vshrl.u32 v14, $0xA;
	[tilespmem:v11+s15+$0x0] =	vst.idx.add.s32.msk $0xffff, v2;
	v11 =	vsub.s32 v9, v6;
	(pc) =	sbr.rel @p0 .LBB2_12-.Ltmp5, $4  }
0x203: {  	v8 =	vmin.u32 v8, $0x400;
	v9 =	vld [tilespmem:s22+$0xFFFFFFE0];
	v13 =	vsub.s32 v13, v6;
	v11 =	vshrl.u32 v11, $0xA  }
0x204: {  	v8 =	vshll.u32 v8, $0x4;
	v13 =	vshrl.u32 v13, $0xA;
	[tilespmem:v7+s15+$0x0] =	vst.idx.add.s32.msk $0xffff, v2;
	v7 =	vmin.u32 v11, $0x400  }
0x205: {  	v11 =	vadd.s32 v3, v8;
	v13 =	vmin.u32 v13, $0x400;
	v8 =	vld [tilespmem:s21+$0xFFFFFFF0];
	v7 =	vshll.u32 v7, $0x4;
	s21 =	smov.u32 s22;
	s22 =	smov.u32 s23;
	s23 =	smov.u32 s24  }
0x206: {  	v14 =	vsub.s32 v15, v6;
	s24 =	sadd.s32 $0x80, s24;
	v13 =	vshll.u32 v13, $0x4;
	v7 =	vadd.s32 v5, v7;
	[tilespmem:v16+s15+$0x0] =	vst.idx.add.s32.msk $0xffff, v2  }
0x207: {  	v14 =	vshrl.u32 v14, $0xA  }
0x208: {  	v14 =	vmin.u32 v14, $0x400  }
0x209: {  	v14 =	vshll.u32 v14, $0x4  }
0x20a: {  	v14 =	vor.u32 v1, v14;
	_ =	sdelay $0x1  }
0x20b: {  	[tilespmem:v12+s15+$0x0] =	vst.idx.add.s32.msk $0xffff, v2  }
0x20c: {  	v10 =	vsub.s32 v10, v6;
	v12 =	vld [tilespmem:s23+$0x10]  }
0x20d: {  	v10 =	vshrl.u32 v10, $0xA  }
0x20e: {  	v10 =	vmin.u32 v10, $0x400;
	[tilespmem:v14+s15+$0x0] =	vst.idx.add.s32.msk $0xffff, v2  }
0x20f: {  	v10 =	vshll.u32 v10, $0x4;
	v14 =	vld [tilespmem:s23+$0xFFFFFFD0]  }
0x210: {  	v10 =	vadd.s32 v3, v10  }
0x211: {  	v12 =	vsub.s32 v12, v6  }
0x212: {  	v12 =	vshrl.u32 v12, $0xA  }
0x213: {  	v12 =	vmin.u32 v12, $0x400  }
0x214: {  	v12 =	vshll.u32 v12, $0x4;
	v14 =	vsub.s32 v14, v6  }
0x215: {  	[tilespmem:v10+s15+$0x0] =	vst.idx.add.s32.msk $0xffff, v2;
	v12 =	vadd.s32 v3, v12;
	v14 =	vshrl.u32 v14, $0xA  }
0x216: {  	v10 =	vld [tilespmem:s22+$0xFFFFFFE0];
	v14 =	vmin.u32 v14, $0x400  }
0x217: {  	[tilespmem:v11+s15+$0x0] =	vst.idx.add.s32.msk $0xffff, v2;
	v11 =	vshll.u32 v14, $0x4  }
0x218: {  	v14 =	vld [tilespmem:s22+$0x20];
	v11 =	vadd.s32 v3, v11;
	_ =	sdelay $0x1  }
0x219: {  	v9 =	vsub.s32 v9, v6;
	[tilespmem:v12+s15+$0x0] =	vst.idx.add.s32.msk $0xffff, v2  }
0x21a: {  	v9 =	vshrl.u32 v9, $0xA;
	v10 =	vsub.s32 v10, v6;
	v12 =	vld [tilespmem:s23+$0x20]  }
0x21b: {  	v13 =	vadd.s32 v4, v13;
	v9 =	vmin.u32 v9, $0x400;
	v10 =	vshrl.u32 v10, $0xA  }
0x21c: {  	v9 =	vshll.u32 v9, $0x4;
	v10 =	vmin.u32 v10, $0x400;
	v14 =	vsub.s32 v14, v6;
	[tilespmem:v11+s15+$0x0] =	vst.idx.add.s32.msk $0xffff, v2  }
0x21d: {  	v9 =	vadd.s32 v4, v9;
	v10 =	vshll.u32 v10, $0x4;
	v11 =	vshrl.u32 v14, $0xA;
	v14 =	vld [tilespmem:s23+$0xFFFFFFE0]  }
0x21e: {  	v10 =	vadd.s32 v4, v10;
	v11 =	vmin.u32 v11, $0x400  }
0x21f: {  	v12 =	vsub.s32 v12, v6;
	v11 =	vshll.u32 v11, $0x4  }
0x220: {  	[tilespmem:v13+s15+$0x0] =	vst.idx.add.s32.msk $0xffff, v2;
	v12 =	vshrl.u32 v12, $0xA;
	v11 =	vadd.s32 v4, v11  }
0x221: {  	v13 =	vld [tilespmem:s21+$0x30];
	v12 =	vmin.u32 v12, $0x400  }
0x222: {  	[tilespmem:v9+s15+$0x0] =	vst.idx.add.s32.msk $0xffff, v2;
	v9 =	vshll.u32 v12, $0x4;
	v14 =	vsub.s32 v14, v6  }
0x223: {  	[tilespmem:v10+s15+$0x0] =	vst.idx.add.s32.msk $0xffff, v2;
	v9 =	vadd.s32 v4, v9;
	v12 =	vshrl.u32 v14, $0xA  }
0x224: {  	v10 =	vld [tilespmem:s22+$0xFFFFFFF0];
	v12 =	vmin.u32 v12, $0x400  }
0x225: {  	[tilespmem:v11+s15+$0x0] =	vst.idx.add.s32.msk $0xffff, v2;
	v11 =	vshll.u32 v12, $0x4  }
0x226: {  	v14 =	vld [tilespmem:s21+$0xFFFFFFF0];
	v11 =	vadd.s32 v4, v11  }
0x227: {  	v8 =	vsub.s32 v8, v6  }
0x228: {  	v8 =	vshrl.u32 v8, $0xA;
	[tilespmem:v9+s15+$0x0] =	vst.idx.add.s32.msk $0xffff, v2  }
0x229: {  	v8 =	vmin.u32 v8, $0x400;
	v9 =	vsub.s32 v13, v6;
	v13 =	vld [tilespmem:s23+$0x30]  }
0x22a: {  	v8 =	vshll.u32 v8, $0x4;
	v12 =	vld [tilespmem:s22+$0x30]  }
0x22b: {  	v10 =	vsub.s32 v10, v6;
	v9 =	vshrl.u32 v9, $0xA;
	v14 =	vsub.s32 v14, v6;
	[tilespmem:v11+s15+$0x0] =	vst.idx.add.s32.msk $0xffff, v2  }
0x22c: {  	v10 =	vshrl.u32 v10, $0xA;
	v9 =	vmin.u32 v9, $0x400;
	v11 =	vshrl.u32 v14, $0xA;
	v14 =	vld [tilespmem:s23+$0xFFFFFFF0]  }
0x22d: {  	v8 =	vadd.s32 v5, v8;
	v10 =	vmin.u32 v10, $0x400;
	v9 =	vshll.u32 v9, $0x4  }
0x22e: {  	v10 =	vshll.u32 v10, $0x4;
	v9 =	vadd.s32 v5, v9;
	v13 =	vsub.s32 v13, v6  }
0x22f: {  	[tilespmem:v7+s15+$0x0] =	vst.idx.add.s32.msk $0xffff, v2;
	v7 =	vadd.s32 v5, v10;
	v12 =	vsub.s32 v12, v6;
	v13 =	vshrl.u32 v13, $0xA  }
0x230: {  	v12 =	vshrl.u32 v12, $0xA;
	v13 =	vmin.u32 v13, $0x400;
	v11 =	vmin.u32 v11, $0x400  }
0x231: {  	v12 =	vmin.u32 v12, $0x400;
	v10 =	vshll.u32 v13, $0x4;
	v6 =	vsub.s32 v14, v6  }
0x232: {  	[tilespmem:v8+s15+$0x0] =	vst.idx.add.s32.msk $0xffff, v2;
	v11 =	vshll.u32 v11, $0x4;
	v8 =	vadd.s32 v5, v10;
	v6 =	vshrl.u32 v6, $0xA  }
0x233: {  	v12 =	vshll.u32 v12, $0x4;
	v11 =	vadd.s32 v5, v11;
	v6 =	vmin.u32 v6, $0x400  }
0x234: {  	v12 =	vadd.s32 v5, v12;
	v6 =	vshll.u32 v6, $0x4  }
0x235: {  	[tilespmem:v9+s15+$0x0] =	vst.idx.add.s32.msk $0xffff, v2;
	v6 =	vadd.s32 v5, v6  }
0x236: {  	[tilespmem:v7+s15+$0x0] =	vst.idx.add.s32.msk $0xffff, v2  }
0x237: {  	[tilespmem:v8+s15+$0x0] =	vst.idx.add.s32.msk $0xffff, v2  }
0x238: {  	[tilespmem:v11+s15+$0x0] =	vst.idx.add.s32.msk $0xffff, v2  }
0x239: {  	[tilespmem:v12+s15+$0x0] =	vst.idx.add.s32.msk $0xffff, v2  }
0x23a: {  	s21 =	simm.s32 $0x0;
	s22 =	simm.s32 $0x0;
	[tilespmem:v6+s15+$0x0] =	vst.idx.add.s32.msk $0xffff, v2  }
0x23b: {  	s31 =	sand.u32 $0x7FC0, s22;
	v6 =	vld [tilespmem:s21+$0x8080]  }
0x23c: {  	v7 =	vld [tilespmem:s31+$0xC100]  }
0x23d: {  	v8 =	vld [tilespmem:s31+$0x10180]  }
0x23e: {  	v9 =	vld [tilespmem:s31+$0x14200]  }
0x23f: {  	v11 =	vld [tilespmem:s21+$0x8090]  }
0x240: {  	v12 =	vld [tilespmem:s21+$0xC110]  }
0x241: {  	v13 =	vld [tilespmem:s21+$0x80A0]  }
0x242: {  	v14 =	vld [tilespmem:s21+$0xC120]  }
0x243: {  	v15 =	vld [tilespmem:s21+$0x80B0]  }
0x244: {  	v16 =	vld [tilespmem:s21+$0xC130]  }
0x245: {  	v10 =	vld [tilespmem:s21+$0x10190]  }
0x246: {  	v7 =	vadd.s32 v6, v7;
	v6 =	vld [tilespmem:s21+$0x101A0]  }
0x247: {  	v8 =	vadd.s32 v8, v7;
	v7 =	vld [tilespmem:s21+$0x101B0]  }
0x248: {  	v8 =	vadd.s32 v9, v8;
	v9 =	vld [tilespmem:s21+$0x14210]  }
0x249: {  	s23 =	simm.s32 $0x100;
	v12 =	vadd.s32 v11, v12;
	v11 =	vadd.s32 v13, v14;
	v13 =	vadd.s32 v15, v16;
	[tilespmem:s21+$0x18280] =	vst v8;
	v8 =	vld [tilespmem:s21+$0x14220]  }
.LBB2_14:
0x24a: {  	s22 =	sadd.s32 $0x40, s22;
	s24 =	sshra.s32 s23, $0x2;
	v10 =	vadd.s32 v10, v12;
	v12 =	vld [tilespmem:s21+$0x14230]  }
0x24b: {  	v14 =	vld [tilespmem:s24+$0x8080];
	s25 =	sand.u32 $0x7FC0, s22;
	p0 =	slt.u32 s22, $0x4040;
	v6 =	vadd.s32 v6, v11  }
0x24c: {  	v11 =	vld [tilespmem:s25+$0xC100];
	v7 =	vadd.s32 v7, v13  }
0x24d: {  	v13 =	vld [tilespmem:s25+$0x10180];
	v9 =	vadd.s32 v9, v10  }
0x24e: {  	v10 =	vld [tilespmem:s25+$0x14200];
	[tilespmem:s21+$0x18290] =	vst v9;
	v6 =	vadd.s32 v8, v6  }
0x24f: {  	v8 =	vld [tilespmem:s24+$0x8090];
	[tilespmem:s21+$0x182A0] =	vst v6;
	v6 =	vadd.s32 v12, v7  }
0x250: {  	v7 =	vld [tilespmem:s24+$0xC110];
	[tilespmem:s21+$0x182B0] =	vst v6;
	s21 =	smov.u32 s24  }
0x251: {  	v6 =	vadd.s32 v14, v11;
	v9 =	vld [tilespmem:s21+$0x80A0]  }
0x252: {  	v6 =	vadd.s32 v13, v6;
	v11 =	vld [tilespmem:s21+$0xC120]  }
0x253: {  	v6 =	vadd.s32 v10, v6;
	v13 =	vld [tilespmem:s21+$0x80B0]  }
0x254: {  	[tilespmem:s21+$0x18280] =	vst v6;
	v14 =	vld [tilespmem:s21+$0xC130]  }
.Ltmp6:
0x255: {  	v12 =	vadd.s32 v8, v7;
	v10 =	vld [tilespmem:s21+$0x10190];
	(pc) =	sbr.rel @p0 .LBB2_14-.Ltmp6, $4  }
0x256: {  	v6 =	vld [tilespmem:s21+$0x101A0]  }
0x257: {  	v11 =	vadd.s32 v9, v11;
	v7 =	vld [tilespmem:s21+$0x101B0]  }
0x258: {  	v9 =	vld [tilespmem:s21+$0x14210]  }
0x259: {  	s23 =	sadd.s32 $0x100, s23;
	v8 =	vld [tilespmem:s21+$0x14220];
	v13 =	vadd.s32 v13, v14  }
0x25a: {  	v14 =	vld [tilespmem:s21+$0x14230];
	_ =	sdelay $0x1  }
0x25b: {  	v10 =	vadd.s32 v10, v12  }
0x25c: {  	v6 =	vadd.s32 v6, v11;
	v9 =	vadd.s32 v9, v10  }
0x25d: {  	s20 =	sadd.s32 $0x1, s20;
	v7 =	vadd.s32 v7, v13;
	[tilespmem:s21+$0x18290] =	vst v9;
	v6 =	vadd.s32 v8, v6  }
0x25e: {  	p0 =	sne.s32 s20, s10;
	[tilespmem:s21+$0x182A0] =	vst v6;
	v6 =	vadd.s32 v14, v7  }
.Ltmp7:
0x25f: {  	[tilespmem:s21+$0x182B0] =	vst v6;
	(pc) =	sbr.rel @p0 .LBB2_1-.Ltmp7, $4  }
0x260: {  	[hbm4b:s9+s17] =	stream.strided.scatter [tilespmem:s19], [sflag:$0x3], $0x4080, s18, s17, $0x38;
	[tilespmem:$0x1C300] =	vst v63  }
0x261: {  	_ =	swait.ge [sflag:s12], $0x4080  }
0x262: {  	[sflag:s12] =	ssyncset.done $0x0  }
0x263: {  	[sflag:s12] =	ssyncadd.s32 $0xFFFFBF80  }
0x264: {  	_ =	sfence.sel $0x180000  }
0x265: {  	[bflag:$0x0] =	sbarrier.arrive $0xFFFF  }
0x266: {  	p0 =	sne.s32 s0, $0x0;
	_ =	strace $0x9000004A  }
0x267: {  	s0 =	sadd.s32 @!p0 $0x100000, s1;
	[bflag:$0x2] =	sbarrier.arrive $0xFFFF  }
0x268: {  	[sflag:s0] =	ssyncadd.tile.s32 @!p0 $0x1;
	_ =	shalt  }
.Lfunc_end2:
_tile_overlayer_lowered:
.L_overlay_start_2:
0x269: {  	(tag) =	ssettag $0x2  }
0x26a: {  	s0 =	rddreg [dreg:$0x0];
	s2 =	stileid.u32  }
0x26b: {  	s1 =	rddreg [dreg:$0x1];
	p0 =	sne.s32 s2, $0x0  }
0x26c: {  	s3 =	rddreg [dreg:$0x2];
	[bflag:$0x3] =	sbarrier.arrive $0xFFFF;
	s2 =	simm.s32 @!p0 $0x1C03  }
0x26d: {  	[timem:s3], [sflag:s2] =	dma.local @!p0 [hbm:s0], s1  }
0x26e: {  	s0 =	simm.s32 @!p0 $0x3  }
0x26f: {  	_ =	swait.ge @!p0 [sflag:s0], s1  }
0x270: {  	s1 =	ssub.s32 @!p0 $0x0, s1;
	[sflag:s0] =	ssyncset.done @!p0 $0x0  }
0x271: {  	[sflag:s0] =	ssyncadd.s32 @!p0 s1  }
0x272: {  	[bflag:$0x3] =	sbarrier.arrive $0xFFFF  }
0x273: {  	_ =	shalt  }

// kernel: kernel.13.cloned.1.call-start
scs
__scs_entry_jumppad:
0x0: {  	(pc) =	sbr.rel $0x88, $3  }
0x1: {  	(tag) =	ssettag $0x0;
	lr =	simm.s32 $0x1  }
0x2: {  	[smem:$0x3FA0] =	sst lr;
	_ =	strace $0xD0000000  }
0x3: {  	_ = 	snop  }
0x4: {  	_ = 	snop  }
0x5: {  	_ = 	snop  }
0x6: {  	_ = 	snop  }
0x7: {  	_ = 	snop  }
__scs_overlays_trampoline_lowered:
0x8: {  	[smem:$0x3FAF] =	sst s0  }
0x9: {  	[smem:$0x3FB0] =	sst s1  }
0xa: {  	[smem:$0x3FB1] =	sst s2  }
0xb: {  	[smem:$0x3FB2] =	sst s3  }
0xc: {  	[smem:$0x3FB3] =	sst s4  }
0xd: {  	[smem:$0x3FB4] =	sst s5  }
0xe: {  	[smem:$0x3FB5] =	sst s6  }
0xf: {  	[smem:$0x3FB6] =	sst s7  }
0x10: {  	[smem:$0x3FB7] =	sst s8  }
0x11: {  	[smem:$0x3FB8] =	sst s9;
	s0 =	simm.s32 @!p0 $0x0  }
0x12: {  	s1 =	sld [smem:$0x3F9E];
	s0 =	simm.s32 @p0 $0x1  }
0x13: {  	[smem:$0x3FB9] =	sst s0;
	s0 =	simm.s32 @!p1 $0x0  }
0x14: {  	s2 =	sld [smem:$0x3F9D];
	s0 =	simm.s32 @p1 $0x1  }
0x15: {  	[smem:$0x3FBA] =	sst s0;
	s0 =	simm.s32 @!p2 $0x0  }
0x16: {  	s3 =	sld [smem:$0x3FDB];
	s0 =	simm.s32 @p2 $0x1  }
0x17: {  	s4 =	simm.s32 $0x1BF5;
	[smem:$0x3FBC] =	sst s0  }
0x18: {  	s0 =	sld [smem:$0x3F9F];
	_ =	swait.ge [sflag:s4], $0x0  }
0x19: {  	s7 =	sld [smem:$0x3FA0]  }
0x1a: {  	s8 =	sadd.s32 $0xFFFFE003, lr  }
0x1b: {  	s9 =	sadd.s32 $0xFFFFFEF7, lr;
	s5 =	simm.s32 $0xFFFFFFFF;
	p2 =	slt.u32 s8, $0xFFFFF086  }
0x1c: {  	p1 =	slt.u32 s9, $0xF7A;
	s5 =	simm.s32 @!p2 $0x0  }
0x1d: {  	s5 =	simm.s32 @p1 $0x1;
	p0 =	seq.s32 s7, s2  }
0x1e: {  	s7 =	smul.u32 @!p0 $0xF7A, s2;
	p2 =	seq.s32 @!p0 s5, $0x0  }
0x1f: {  	s9 =	smul.u32 $0xF7A, s1;
	s8 =	simm.s32 @!p0 $0x1BF5;
	p2 =	por !p2, p0  }
0x20: {  	[sflag:s8] =	ssyncset.s32 @!p0 $0xFFFFF086;
	s6 =	sadd.s32 @!p0 s3, s7;
	s7 =	simm.s32 @!p0 $0x108  }
0x21: {  	s3 =	sadd.s32 s3, s9;
	s6 =	sadd.s32 @!p0 $0x88, s6;
	s7 =	simm.s32 @p2 $0x1082  }
0x22: {  	[simem:s7], [sflag:s8] =	dma.local @!p0 [hbm:s6], $0xF7A  }
0x23: {  	s9 =	sor.u32 $0xD0000000, s2;
	s6 =	simm.s32 $0x108;
	_ =	swait.ge @!p0 [sflag:s8], $0x0  }
0x24: {  	s3 =	sadd.s32 $0x88, s3;
	s6 =	simm.s32 @!p1 $0x1082;
	[sflag:s4] =	ssyncset.s32 $0xFFFFF086  }
0x25: {  	[simem:s6], [sflag:s4] =	dma.local [hbm:s3], $0xF7A  }
0x26: {  	[smem:$0x3FA0] =	sst s1;
	(tag) =	ssettag s2;
	_ =	strace s9  }
0x27: {  	s1 =	sld [smem:$0x3FB0]  }
0x28: {  	s2 =	sld [smem:$0x3FB1]  }
0x29: {  	s4 =	sld [smem:$0x3FB3]  }
0x2a: {  	p0 =	seq.s32 s5, $0x0;
	s5 =	sld [smem:$0x3FB4]  }
0x2b: {  	s6 =	sld [smem:$0x3FB5]  }
0x2c: {  	s7 =	sld [smem:$0x3FB6]  }
0x2d: {  	s3 =	simm.s32 $0x108;
	s8 =	sld [smem:$0x3FB7]  }
0x2e: {  	s3 =	simm.s32 @!p0 $0x1082;
	s9 =	sld [smem:$0x3FB8]  }
0x2f: {  	lr =	sadd.s32 s0, s3;
	s0 =	sld [smem:$0x3FAF]  }
0x30: {  	s3 =	sld [smem:$0x3FB2]  }
0x31: {  	[smem:$0x3FBB] =	sst s10  }
0x32: {  	s10 =	sld [smem:$0x3FB9];
	_ =	sdelay $0x3  }
0x33: {  	p0 =	seq.s32 s10, $0x1;
	s10 =	sld [smem:$0x3FBB];
	_ =	sdelay $0x3  }
0x34: {  	[smem:$0x3FBB] =	sst s10  }
0x35: {  	s10 =	sld [smem:$0x3FBA];
	_ =	sdelay $0x3  }
0x36: {  	p1 =	seq.s32 s10, $0x1;
	s10 =	sld [smem:$0x3FBB];
	_ =	sdelay $0x3  }
0x37: {  	[smem:$0x3FBB] =	sst s10  }
0x38: {  	s10 =	sld [smem:$0x3FBC]  }
0x39: {  	_ = 	snop;
	(pc) =	sbr.ind lr, $3  }
0x3a: {  	_ = 	snop  }
0x3b: {  	_ = 	snop  }
0x3c: {  	p2 =	seq.s32 s10, $0x1;
	s10 =	sld [smem:$0x3FBB]  }
0x3d: {  	_ =	shalt  }
0x3e: {  	_ =	shalt  }
0x3f: {  	_ =	shalt  }
0x40: {  	_ =	shalt  }
0x41: {  	_ =	shalt  }
0x42: {  	_ =	shalt  }
0x43: {  	_ =	shalt  }
0x44: {  	_ =	shalt  }
0x45: {  	_ =	shalt  }
0x46: {  	_ =	shalt  }
0x47: {  	_ =	shalt  }
0x48: {  	_ =	shalt  }
0x49: {  	_ =	shalt  }
0x4a: {  	_ =	shalt  }
0x4b: {  	_ =	shalt  }
0x4c: {  	_ =	shalt  }
0x4d: {  	_ =	shalt  }
0x4e: {  	_ =	shalt  }
0x4f: {  	_ =	shalt  }
0x50: {  	_ =	shalt  }
0x51: {  	_ =	shalt  }
0x52: {  	_ =	shalt  }
0x53: {  	_ =	shalt  }
0x54: {  	_ =	shalt  }
0x55: {  	_ =	shalt  }
0x56: {  	_ =	shalt  }
0x57: {  	_ =	shalt  }
0x58: {  	_ =	shalt  }
0x59: {  	_ =	shalt  }
0x5a: {  	_ =	shalt  }
0x5b: {  	_ =	shalt  }
0x5c: {  	_ =	shalt  }
0x5d: {  	_ =	shalt  }
0x5e: {  	_ =	shalt  }
0x5f: {  	_ =	shalt  }
0x60: {  	_ =	shalt  }
0x61: {  	_ =	shalt  }
0x62: {  	_ =	shalt  }
0x63: {  	_ =	shalt  }
0x64: {  	_ =	shalt  }
0x65: {  	_ =	shalt  }
0x66: {  	_ =	shalt  }
0x67: {  	_ =	shalt  }
0x68: {  	_ =	shalt  }
0x69: {  	_ =	shalt  }
0x6a: {  	_ =	shalt  }
0x6b: {  	_ =	shalt  }
0x6c: {  	_ =	shalt  }
0x6d: {  	_ =	shalt  }
0x6e: {  	_ =	shalt  }
0x6f: {  	_ =	shalt  }
0x70: {  	_ =	shalt  }
0x71: {  	_ =	shalt  }
0x72: {  	_ =	shalt  }
0x73: {  	_ =	shalt  }
0x74: {  	_ =	shalt  }
0x75: {  	_ =	shalt  }
0x76: {  	_ =	shalt  }
0x77: {  	_ =	shalt  }
0x78: {  	_ =	shalt  }
0x79: {  	_ =	shalt  }
0x7a: {  	_ =	shalt  }
0x7b: {  	_ =	shalt  }
0x7c: {  	_ =	shalt  }
0x7d: {  	_ =	shalt  }
0x7e: {  	_ =	shalt  }
0x7f: {  	_ =	shalt  }
0x80: {  	_ =	shalt  }
0x81: {  	_ =	shalt  }
0x82: {  	_ =	shalt  }
0x83: {  	_ =	shalt  }
0x84: {  	_ =	shalt  }
0x85: {  	_ =	shalt  }
0x86: {  	_ =	shalt  }
0x87: {  	_ =	shalt  }
.Lfunc_end0:
.L_simem_size_0:
called_computation.2_lowered:
.L_overlay_start_0:
0x88: {  	s2 =	sld [smem:$0x3FD9]  }
0x89: {  	s3 =	sld [smem:$0x3FFE];
	_ =	sdelay $0x1  }
0x8a: {  	s1 =	srdreg.scid  }
0x8b: {  	s0 =	sand.u32 $0x1, s1  }
0x8c: {  	s17 =	sshll.u32 s0, $0xA;
	s2 =	sadd.s32 s3, s2  }
0x8d: {  	s2 =	sadd.s32 s2, s17  }
0x8e: {  	[smem:$0x3FC7] =	sst s2  }
0x8f: {  	_ = 	snop  }
0x90: {  	s2 =	sld [smem:$0x3FD0];
	(tm) =	ssettm $0x1  }
0x91: {  	s18 =	sld [smem:$0x3FFB];
	_ =	sdelay $0x3  }
0x92: {  	_ =	strace s18  }
0x93: {  	s3 =	sld [smem:$0x3FFC];
	_ =	sdelay $0x3  }
0x94: {  	_ =	strace s3  }
0x95: {  	s3 =	sld [smem:$0x3FFD];
	_ =	sdelay $0x3  }
0x96: {  	_ =	strace s3  }
0x97: {  	_ =	strace $0x8FFFFFFF  }
0x98: {  	s19 =	sld [smem:$0x3FDB];
	_ =	sdelay $0x1  }
0x99: {  	s4 =	simm.s32 $_scs_section_size  }
0x9a: {  	s5 =	simm.s32 $_size__tile_overlayer_lowered;
	s6 =	simm.s32 $_tile_overlayer_lowered  }
0x9b: {  	s22 =	simm.s32 $0x1BFF;
	s21 =	sshll.u32 s6, $0x1;
	s3 =	sadd.s32 s4, s19  }
0x9c: {  	s7 =	simm.s32 $0x0;
	s20 =	sshll.u32 s5, $0x1;
	s5 =	sadd.s32 s21, s3  }
0x9d: {  	[timem:s7], [sflag:s22] =	dma.local [hbm:s5], s20  }
0x9e: {  	_ =	swait.ge [sflag:s22], s20  }
0x9f: {  	s4 =	ssub.s32 $0x0, s20;
	[sflag:s22] =	ssyncset.done $0x0  }
0xa0: {  	[sflag:s22] =	ssyncadd.s32 s4;
	_ =	sdelay $0x1  }
0xa1: {  	s23 =	simm.s32 $0x1B8B  }
0xa2: {  	_ =	swait.ge [sflag:s23], $0x1  }
0xa3: {  	[sflag:s23] =	ssyncset.done $0x0  }
0xa4: {  	s25 =	simm.s32 $0x1B8E;
	s24 =	sld [smem:$0x3FFE];
	[sflag:s23] =	ssyncadd.s32 $0xFFFFFFFF  }
0xa5: {  	s26 =	simm.s32 $execute0_lowered;
	[smem:$0x3FD2] =	sst s25  }
0xa6: {  	s5 =	sshll.u32 s26, $0x1;
	_ =	strace $0x8000004C;
	[dreg:$0x1] =	wrdreg $0xFFFFFFFF  }
0xa7: {  	s28 =	simm.s32 $_size_execute0_lowered;
	s3 =	sadd.s32 s3, s5;
	[dreg:$0x0] =	wrdreg $0x0  }
0xa8: {  	s5 =	sshll.u32 s28, $0x1;
	[dreg:$0x2] =	wrdreg s3  }
0xa9: {  	[dreg:$0x3] =	wrdreg s5  }
0xaa: {  	[dreg:$0x4] =	wrdreg $0xC0  }
0xab: {  	_ =	task [dreg:s7], $0x5FFFF  }
0xac: {  	[dreg:$0x1] =	wrdreg $0xFFFFFFFF  }
0xad: {  	[dreg:$0x0] =	wrdreg $0x60  }
0xae: {  	[dreg:$0x2] =	wrdreg s2  }
0xaf: {  	[dreg:$0x3] =	wrdreg s24  }
0xb0: {  	[dreg:$0x4] =	wrdreg $0x9  }
0xb1: {  	_ =	task.clear_ibuf [dreg:s7], $0x5FFFF;
	_ =	strace $0x9000004C  }
0xb2: {  	s29 =	simm.s32 $0x9;
	_ =	strace $0x8000004E  }
0xb3: {  	_ =	swait.ge [sflag:s29], $0x1  }
0xb4: {  	[sflag:s29] =	ssyncadd.s32 $0xFFFFFFFF  }
0xb5: {  	_ =	strace $0x9000004E  }
0xb6: {  	_ =	sfence  }
0xb7: {  	s30 =	sld [smem:$0x0];
	_ =	sdelay $0x2  }
0xb8: {  	s31 =	sshll.u32 s1, $0xD;
	s1 =	sshrl.u32 s1, $0x2  }
0xb9: {  	s3 =	sand.u32 $0x4000, s31;
	s1 =	sadd.s32 s1, s30  }
0xba: {  	s0 =	sor.u32 s3, s0;
	s1 =	sshll.u32 s1, $0x11  }
0xbb: {  	s0 =	sor.u32 s1, s0  }
0xbc: {  	s0 =	sadd.s32 $0x8F2B, s0  }
0xbd: {  	[sflag:s0] =	ssyncadd.remote.s32 $0x1  }
0xbe: {  	_ =	sfence.sel $0xFFFF  }
0xbf: {  	[dreg:$0x0] =	wrdreg $0xFFFFFFFF;
	(pc) =	sbr.abs _section_cstart, $3  }
0xc0: {  	[dreg:$0x1] =	wrdreg $0xFFFFFFFF  }
0xc1: {  	_ =	task.clear_ibuf [dreg:s7], $0x2FFFF;
	_ =	strace $0x9FFFFFFF  }
0xc2: {  	(tm) =	ssettm $0x7FFFFFFF  }
0xc3: {  	_ =	shalt  }
tec
execute0_lowered:
.L_overlay_start_1:
0x0: {  	(tag) =	ssettag $0x1  }
0x1: {  	s1 =	srdreg.scid;
	s2 =	rddreg [dreg:$0x0]  }
0x2: {  	s0 =	stileid.u32;
	s7 =	rddreg [dreg:$0x1]  }
0x3: {  	s3 =	simm.s32 $0x0;
	s13 =	simm.s32 $0x3;
	s14 =	simm.s32 $0x4000  }
0x4: {  	s15 =	simm.s32 $0x1;
	s16 =	simm.s32 $0x8080;
	s17 =	simm.s32 $0x2  }
0x5: {  	s18 =	simm.s32 $0x80;
	s19 =	simm.s32 $0x400;
	s20 =	simm.s32 $0x18280  }
0x6: {  	s21 =	simm.s32 $0x1C300;
	s22 =	simm.s32 $0x0;
	s5 =	sand.u32 $0x1, s1  }
0x7: {  	s25 =	sshll.u32 s0, $0x1;
	s4 =	sshrl.u32 s0, $0x2;
	s1 =	rddreg [dreg:$0x2]  }
0x8: {  	[smem:$0x7FF] =	sst s3;
	s6 =	sor.u32 s5, s25;
	s8 =	smul.u32 $0x20400, s4  }
0x9: {  	s4 =	sshll.u32 s4, $0xA;
	_ =	strace $0x8000004D;
	s28 =	ssub.s32 $0x2, s5  }
0xa: {  	s9 =	sshll.u32 s6, $0x7;
	s29 =	sshll.u32 s6, $0xE;
	s30 =	sshrl.u32 s28, $0x1  }
0xb: {  	s31 =	sshll.u32 s6, $0x11;
	s9 =	sand.u32 $0x380, s9;
	s5 =	sadd.s32 s2, s29  }
0xc: {  	s12 =	ssub.s32 s28, s30;
	s8 =	sor.u32 s8, s9;
	s9 =	sor.u32 s4, s9  }
0xd: {  	s4 =	sadd.s32 $0x400, s7;
	s8 =	sshrl.u32 s8, $0x3;
	s26 =	sshrl.u32 s9, $0x3  }
0xe: {  	s6 =	sadd.s32 $0x800, s5;
	s10 =	sadd.s32 s8, s7;
	s11 =	sadd.s32 s26, s7  }
0xf: {  	v0 =	vimm.s32 $0x0;
	v1 =	vlaneseq.u32;
	v2 =	vimm.s32 $0x1;
	s7 =	sor.u32 $0x8000, s31;
	s8 =	sor.u32 $0xC000, s31;
	s9 =	sadd.s32 $0x800, s10  }
0x10: {  	v3 =	vor.u32 $0x4080, v1;
	v4 =	vor.u32 $0x8100, v1;
	v5 =	vor.u32 $0xC180, v1;
	s10 =	sadd.s32 $0x600, s11;
	s11 =	smax.u32 s12, $0x1;
	s12 =	simm.s32 $0x8000  }
.LBB2_1:
0x11: {  	[tilespmem:s12], [sflag:$0x3] =	stream.linear.gather [hbm4b:s4+s3], $0x80, $0x38;
	[tilespmem:$0x1C380] =	vst v63  }
0x12: {  	_ =	swait.ge [sflag:s13], $0x80  }
0x13: {  	[sflag:s13] =	ssyncset.done $0x0  }
0x14: {  	s23 =	simm.s32 $0x8180;
	[sflag:s13] =	ssyncadd.s32 $0xFFFFFF80  }
0x15: {  	[tilespmem:s23+$0xFFFFFF00] =	vst v0  }
0x16: {  	[tilespmem:s23+$0xF0] =	vst v0  }
0x17: {  	[tilespmem:s23+$0xE0] =	vst v0  }
0x18: {  	[tilespmem:s23+$0xD0] =	vst v0  }
0x19: {  	[tilespmem:s23+$0xC0] =	vst v0  }
0x1a: {  	[tilespmem:s23+$0xB0] =	vst v0  }
0x1b: {  	[tilespmem:s23+$0xA0] =	vst v0  }
0x1c: {  	[tilespmem:s23+$0x90] =	vst v0  }
0x1d: {  	[tilespmem:s23+$0x80] =	vst v0  }
0x1e: {  	[tilespmem:s23+$0x70] =	vst v0  }
0x1f: {  	[tilespmem:s23+$0x60] =	vst v0  }
0x20: {  	[tilespmem:s23+$0x50] =	vst v0  }
0x21: {  	[tilespmem:s23+$0x40] =	vst v0  }
0x22: {  	[tilespmem:s23+$0x30] =	vst v0  }
0x23: {  	[tilespmem:s23+$0x20] =	vst v0  }
0x24: {  	[tilespmem:s23+$0x10] =	vst v0  }
0x25: {  	[tilespmem:s23+$0x0] =	vst v0  }
0x26: {  	[tilespmem:s23+$0xFFFFFFF0] =	vst v0  }
0x27: {  	[tilespmem:s23+$0xFFFFFFE0] =	vst v0  }
0x28: {  	[tilespmem:s23+$0xFFFFFFD0] =	vst v0  }
0x29: {  	[tilespmem:s23+$0xFFFFFFC0] =	vst v0  }
0x2a: {  	[tilespmem:s23+$0xFFFFFFB0] =	vst v0  }
0x2b: {  	[tilespmem:s23+$0xFFFFFFA0] =	vst v0  }
0x2c: {  	[tilespmem:s23+$0xFFFFFF90] =	vst v0  }
0x2d: {  	[tilespmem:s23+$0xFFFFFF80] =	vst v0  }
0x2e: {  	[tilespmem:s23+$0xFFFFFF70] =	vst v0  }
0x2f: {  	[tilespmem:s23+$0xFFFFFF60] =	vst v0  }
0x30: {  	[tilespmem:s23+$0xFFFFFF50] =	vst v0  }
0x31: {  	[tilespmem:s23+$0xFFFFFF40] =	vst v0  }
0x32: {  	[tilespmem:s23+$0xFFFFFF30] =	vst v0  }
0x33: {  	s24 =	simm.s32 $0x0;
	[tilespmem:s23+$0xFFFFFF20] =	vst v0  }
.LBB2_2:
0x34: {  	s24 =	sadd.s32 $0x200, s24;
	[tilespmem:s23+$0xFFFFFF10] =	vst v0;
	s23 =	sadd.s32 $0x200, s23  }
0x35: {  	[tilespmem:s23+$0xFFFFFF00] =	vst v0;
	p0 =	slt.u32 s24, $0x10000  }
0x36: {  	[tilespmem:s23+$0xF0] =	vst v0  }
0x37: {  	[tilespmem:s23+$0xE0] =	vst v0  }
0x38: {  	[tilespmem:s23+$0xD0] =	vst v0  }
0x39: {  	[tilespmem:s23+$0xC0] =	vst v0  }
0x3a: {  	[tilespmem:s23+$0xB0] =	vst v0  }
0x3b: {  	[tilespmem:s23+$0xA0] =	vst v0  }
0x3c: {  	[tilespmem:s23+$0x90] =	vst v0  }
0x3d: {  	[tilespmem:s23+$0x80] =	vst v0  }
0x3e: {  	[tilespmem:s23+$0x70] =	vst v0  }
0x3f: {  	[tilespmem:s23+$0x60] =	vst v0  }
0x40: {  	[tilespmem:s23+$0x50] =	vst v0  }
0x41: {  	[tilespmem:s23+$0x40] =	vst v0  }
0x42: {  	[tilespmem:s23+$0x30] =	vst v0  }
0x43: {  	[tilespmem:s23+$0x20] =	vst v0  }
0x44: {  	[tilespmem:s23+$0x10] =	vst v0  }
0x45: {  	[tilespmem:s23+$0x0] =	vst v0  }
0x46: {  	[tilespmem:s23+$0xFFFFFFF0] =	vst v0  }
0x47: {  	[tilespmem:s23+$0xFFFFFFE0] =	vst v0  }
0x48: {  	[tilespmem:s23+$0xFFFFFFD0] =	vst v0  }
0x49: {  	[tilespmem:s23+$0xFFFFFFC0] =	vst v0  }
0x4a: {  	[tilespmem:s23+$0xFFFFFFB0] =	vst v0  }
0x4b: {  	[tilespmem:s23+$0xFFFFFFA0] =	vst v0  }
0x4c: {  	[tilespmem:s23+$0xFFFFFF90] =	vst v0  }
0x4d: {  	[tilespmem:s23+$0xFFFFFF80] =	vst v0  }
0x4e: {  	[tilespmem:s23+$0xFFFFFF70] =	vst v0  }
.Ltmp0:
0x4f: {  	[tilespmem:s23+$0xFFFFFF60] =	vst v0;
	(pc) =	sbr.rel @p0 .LBB2_2-.Ltmp0, $4  }
0x50: {  	[tilespmem:s23+$0xFFFFFF50] =	vst v0  }
0x51: {  	[tilespmem:s23+$0xFFFFFF40] =	vst v0  }
0x52: {  	[tilespmem:s23+$0xFFFFFF30] =	vst v0  }
0x53: {  	[tilespmem:s23+$0xFFFFFF20] =	vst v0  }
0x54: {  	[tilespmem:s23+$0xFFFFFF10] =	vst v0  }
0x55: {  	v6 =	vld [tilespmem:$0x8000]  }
0x56: {  	s23 =	simm.s32 $0x0  }
0x57: {  	[tilespmem:s23], [sflag:$0x1] =	stream.linear.gather [hbm4b:s5+s23], $0x4000, $0x38;
	[tilespmem:$0x1C380] =	vst v63  }
0x58: {  	_ = 	snop  }
0x59: {  	v10 =	vimm.s32 $0xFFFFFFFF;
	[tilespmem:s14], [sflag:$0x2] =	stream.linear.gather [hbm4b:s6+s23], $0x4000, $0x38;
	[tilespmem:$0x1C380] =	vst v63  }
.LBB2_4:
0x5a: {  	_ =	swait.ge [sflag:s15], $0x4000  }
0x5b: {  	[sflag:s15] =	ssyncset.done $0x0  }
0x5c: {  	s26 =	simm.s32 $0x40;
	[sflag:s15] =	ssyncadd.s32 $0xFFFFC000  }
0x5d: {  	v7 =	vld [tilespmem:s26+$0xFFFFFFC0];
	_ =	sdelay $0x3  }
0x5e: {  	v8 =	vld [tilespmem:s26+$0x0]  }
0x5f: {  	v11 =	vsub.s32 v7, v6  }
0x60: {  	v7 =	vmin.u32 v11, $0x400  }
0x61: {  	v7 =	vshll.u32 v7, $0x4  }
0x62: {  	v7 =	vor.u32 v1, v7  }
0x63: {  	v12 =	vsub.s32 v8, v6  }
0x64: {  	v8 =	vmin.u32 v12, $0x400  }
0x65: {  	v8 =	vshll.u32 v8, $0x4  }
0x66: {  	v8 =	vor.u32 v1, v8  }
0x67: {  	[tilespmem:v7+s16+$0x0] =	vst.idx.add.s32.msk $0xffff, v2  }
0x68: {  	v7 =	vld [tilespmem:s26+$0xFFFFFFD0]  }
0x69: {  	s28 =	simm.s32 $0xC0  }
0x6a: {  	v9 =	vld [tilespmem:s28+$0xFFFFFFC0]  }
0x6b: {  	[tilespmem:v8+s16+$0x0] =	vst.idx.add.s32.msk $0xffff, v2  }
0x6c: {  	v8 =	vld [tilespmem:s26+$0x10]  }
0x6d: {  	v14 =	vsub.s32 v7, v6  }
0x6e: {  	v13 =	vld [tilespmem:s28+$0x0];
	v7 =	vmin.u32 v14, $0x400  }
0x6f: {  	v15 =	vsub.s32 v9, v6;
	v7 =	vshll.u32 v7, $0x4  }
0x70: {  	v9 =	vmin.u32 v15, $0x400;
	v7 =	vadd.s32 v3, v7  }
0x71: {  	v9 =	vshll.u32 v9, $0x4;
	v16 =	vsub.s32 v8, v6  }
0x72: {  	v8 =	vor.u32 v1, v9;
	v9 =	vmin.u32 v16, $0x400  }
0x73: {  	s24 =	simm.s32 $0x140;
	v19 =	vsub.s32 v13, v6;
	v9 =	vshll.u32 v9, $0x4  }
0x74: {  	v13 =	vld [tilespmem:s24+$0xFFFFFFC0];
	v17 =	vmin.u32 v19, $0x400;
	v9 =	vadd.s32 v3, v9  }
0x75: {  	v17 =	vshll.u32 v17, $0x4;
	[tilespmem:v7+s16+$0x0] =	vst.idx.add.s32.msk $0xffff, v2  }
0x76: {  	v17 =	vor.u32 v1, v17;
	v18 =	vld [tilespmem:s26+$0xFFFFFFE0]  }
0x77: {  	[tilespmem:v8+s16+$0x0] =	vst.idx.add.s32.msk $0xffff, v2  }
0x78: {  	v8 =	vld [tilespmem:s28+$0xFFFFFFD0]  }
0x79: {  	v7 =	vsub.s32 v13, v6;
	[tilespmem:v9+s16+$0x0] =	vst.idx.add.s32.msk $0xffff, v2  }
0x7a: {  	v9 =	vmin.u32 v7, $0x400;
	v13 =	vld [tilespmem:s26+$0x20]  }
0x7b: {  	[tilespmem:v17+s16+$0x0] =	vst.idx.add.s32.msk $0xffff, v2;
	v9 =	vshll.u32 v9, $0x4;
	v17 =	vsub.s32 v18, v6  }
0x7c: {  	v9 =	vor.u32 v1, v9;
	v18 =	vld [tilespmem:s28+$0x10];
	v20 =	vmin.u32 v17, $0x400  }
0x7d: {  	v21 =	vsub.s32 v8, v6;
	v8 =	vshll.u32 v20, $0x4  }
0x7e: {  	s25 =	simm.s32 $0x1C0;
	v22 =	vld [tilespmem:s24+$0x0];
	v20 =	vmin.u32 v21, $0x400;
	v23 =	vadd.s32 v4, v8  }
0x7f: {  	v24 =	vld [tilespmem:s25+$0xFFFFFFC0];
	v8 =	vshll.u32 v20, $0x4;
	v20 =	vsub.s32 v13, v6  }
0x80: {  	v13 =	vadd.s32 v3, v8;
	v8 =	vmin.u32 v20, $0x400  }
0x81: {  	[tilespmem:v9+s16+$0x0] =	vst.idx.add.s32.msk $0xffff, v2;
	v25 =	vsub.s32 v18, v6;
	v8 =	vshll.u32 v8, $0x4  }
0x82: {  	v18 =	vld [tilespmem:s24+$0xFFFFFFD0];
	v9 =	vmin.u32 v25, $0x400;
	v26 =	vadd.s32 v4, v8  }
0x83: {  	v8 =	vsub.s32 v22, v6;
	v22 =	vshll.u32 v9, $0x4;
	[tilespmem:v23+s16+$0x0] =	vst.idx.add.s32.msk $0xffff, v2  }
0x84: {  	v9 =	vsub.s32 v24, v6;
	v23 =	vmin.u32 v8, $0x400;
	v22 =	vadd.s32 v3, v22;
	v24 =	vld [tilespmem:s26+$0xFFFFFFF0]  }
0x85: {  	v27 =	vmin.u32 v9, $0x400;
	v23 =	vshll.u32 v23, $0x4;
	[tilespmem:v13+s16+$0x0] =	vst.idx.add.s32.msk $0xffff, v2  }
0x86: {  	v11 =	vadd.s32 $0xFFFFFC00, v11;
	v13 =	vshll.u32 v27, $0x4;
	v23 =	vor.u32 v1, v23;
	v27 =	vld [tilespmem:s28+$0xFFFFFFE0]  }
0x87: {  	v10 =	vmin.u32 v10, v11;
	v11 =	vadd.s32 $0xFFFFFC00, v14;
	[tilespmem:v26+s16+$0x0] =	vst.idx.add.s32.msk $0xffff, v2  }
0x88: {  	v12 =	vadd.s32 $0xFFFFFC00, v12;
	v10 =	vmin.u32 v10, v11;
	v11 =	vadd.s32 $0xFFFFFC00, v17;
	v14 =	vld [tilespmem:s26+$0x30]  }
0x89: {  	v15 =	vadd.s32 $0xFFFFFC00, v15;
	v16 =	vadd.s32 $0xFFFFFC00, v16;
	v10 =	vmin.u32 v10, v11;
	[tilespmem:v22+s16+$0x0] =	vst.idx.add.s32.msk $0xffff, v2  }
0x8a: {  	v28 =	vor.u32 v1, v13;
	v13 =	vsub.s32 v18, v6;
	v17 =	vsub.s32 v24, v6;
	v18 =	vld [tilespmem:s28+$0x20]  }
0x8b: {  	v22 =	vmin.u32 v13, $0x400;
	v11 =	vadd.s32 $0xFFFFFC00, v17;
	[tilespmem:v23+s16+$0x0] =	vst.idx.add.s32.msk $0xffff, v2;
	v23 =	vsub.s32 v27, v6  }
0x8c: {  	v22 =	vshll.u32 v22, $0x4;
	v10 =	vmin.u32 v10, v11;
	v11 =	vld [tilespmem:s24+$0x10];
	v24 =	vmin.u32 v23, $0x400  }
0x8d: {  	v10 =	vmin.u32 v10, v12;
	v12 =	vadd.s32 $0xFFFFFC00, v20;
	v20 =	vshll.u32 v24, $0x4  }
0x8e: {  	s26 =	simm.s32 $0x240;
	v14 =	vsub.s32 v14, v6;
	v10 =	vmin.u32 v10, v16;
	v16 =	vld [tilespmem:s25+$0x0];
	v20 =	vadd.s32 v4, v20  }
0x8f: {  	v24 =	vld [tilespmem:s26+$0xFFFFFFC0];
	v10 =	vmin.u32 v10, v12;
	v12 =	vadd.s32 $0xFFFFFC00, v14;
	v27 =	vsub.s32 v18, v6  }
0x90: {  	v18 =	vadd.s32 v3, v22;
	v26 =	vmin.u32 v10, v12;
	v10 =	vmin.u32 v27, $0x400  }
0x91: {  	v31 =	vadd.s32 $0xFFFFFC00, v19;
	[tilespmem:v28+s16+$0x0] =	vst.idx.add.s32.msk $0xffff, v2;
	v11 =	vsub.s32 v11, v6;
	v10 =	vshll.u32 v10, $0x4  }
0x92: {  	v22 =	vld [tilespmem:s25+$0xFFFFFFD0];
	v12 =	vmin.u32 v17, $0x400;
	v17 =	vmin.u32 v11, $0x400;
	v28 =	vadd.s32 v4, v10  }
0x93: {  	v29 =	vshll.u32 v12, $0x4;
	v12 =	vsub.s32 v16, v6;
	v16 =	vshll.u32 v17, $0x4;
	[tilespmem:v20+s16+$0x0] =	vst.idx.add.s32.msk $0xffff, v2  }
0x94: {  	v10 =	vsub.s32 v24, v6;
	v17 =	vmin.u32 v12, $0x400;
	v16 =	vadd.s32 v3, v16;
	v20 =	vld [tilespmem:s28+$0xFFFFFFF0]  }
0x95: {  	v19 =	vadd.s32 $0xFFFFFC00, v21;
	v24 =	vmin.u32 v10, $0x400;
	[tilespmem:v18+s16+$0x0] =	vst.idx.add.s32.msk $0xffff, v2;
	v17 =	vshll.u32 v17, $0x4  }
0x96: {  	v14 =	vmin.u32 v14, $0x400;
	v18 =	vshll.u32 v24, $0x4;
	v30 =	vld [tilespmem:s24+$0xFFFFFFE0];
	v24 =	vor.u32 v1, v17  }
0x97: {  	v14 =	vshll.u32 v14, $0x4;
	v15 =	vmin.u32 v26, v15;
	v29 =	vadd.s32 v5, v29;
	[tilespmem:v28+s16+$0x0] =	vst.idx.add.s32.msk $0xffff, v2  }
0x98: {  	v15 =	vmin.u32 v15, v19;
	v17 =	vadd.s32 v5, v14;
	v14 =	vsub.s32 v22, v6;
	v22 =	vld [tilespmem:s28+$0x30]  }
0x99: {  	v18 =	vor.u32 v1, v18;
	[tilespmem:v16+s16+$0x0] =	vst.idx.add.s32.msk $0xffff, v2;
	v16 =	vadd.s32 $0xFFFFFC00, v23;
	v26 =	vsub.s32 v20, v6  }
0x9a: {  	v21 =	vmin.u32 v14, $0x400;
	v20 =	vld [tilespmem:s24+$0x20];
	v16 =	vmin.u32 v15, v16;
	v19 =	vadd.s32 $0xFFFFFC00, v26  }
0x9b: {  	v23 =	vadd.s32 $0xFFFFFC00, v25;
	v15 =	vsub.s32 v30, v6;
	[tilespmem:v24+s16+$0x0] =	vst.idx.add.s32.msk $0xffff, v2;
	v16 =	vmin.u32 v16, v19  }
0x9c: {  	v25 =	vadd.s32 $0xFFFFFC00, v27;
	v24 =	vmin.u32 v15, $0x400;
	v19 =	vld [tilespmem:s25+$0x10];
	v16 =	vmin.u32 v16, v31  }
0x9d: {  	[tilespmem:v29+s16+$0x0] =	vst.idx.add.s32.msk $0xffff, v2;
	v24 =	vshll.u32 v24, $0x4;
	v23 =	vmin.u32 v16, v23;
	v27 =	vsub.s32 v22, v6  }
0x9e: {  	s29 =	simm.s32 $0x2C0;
	s28 =	simm.s32 $0x200;
	v16 =	vld [tilespmem:s26+$0x0];
	v22 =	vadd.s32 v4, v24;
	v23 =	vmin.u32 v23, v25;
	v25 =	vadd.s32 $0xFFFFFC00, v27  }
.LBB2_5:
0x9f: {  	v24 =	vld [tilespmem:s29+$0xFFFFFFC0];
	v21 =	vshll.u32 v21, $0x4;
	v28 =	vsub.s32 v20, v6;
	v20 =	vmin.u32 v23, v25  }
0xa0: {  	v25 =	vmin.u32 v26, $0x400;
	v21 =	vadd.s32 v3, v21;
	v23 =	vmin.u32 v28, $0x400;
	[tilespmem:v17+s16+$0x0] =	vst.idx.add.s32.msk $0xffff, v2  }
0xa1: {  	[tilespmem:v18+s16+$0x0] =	vst.idx.add.s32.msk $0xffff, v2;
	v19 =	vsub.s32 v19, v6;
	v17 =	vshll.u32 v23, $0x4;
	v18 =	vmin.u32 v27, $0x400  }
0xa2: {  	v23 =	vld [tilespmem:s26+$0xFFFFFFD0];
	v26 =	vmin.u32 v19, $0x400;
	v27 =	vadd.s32 v4, v17;
	v17 =	vshll.u32 v25, $0x4  }
0xa3: {  	v18 =	vshll.u32 v18, $0x4;
	v16 =	vsub.s32 v16, v6;
	v25 =	vshll.u32 v26, $0x4;
	[tilespmem:v22+s16+$0x0] =	vst.idx.add.s32.msk $0xffff, v2  }
0xa4: {  	v22 =	vsub.s32 v24, v6;
	v24 =	vmin.u32 v16, $0x400;
	v25 =	vadd.s32 v3, v25;
	v26 =	vld [tilespmem:s24+$0xFFFFFFF0]  }
0xa5: {  	v30 =	vadd.s32 v5, v17;
	v29 =	vmin.u32 v22, $0x400;
	v24 =	vshll.u32 v24, $0x4;
	[tilespmem:v21+s16+$0x0] =	vst.idx.add.s32.msk $0xffff, v2  }
0xa6: {  	v17 =	vadd.s32 v5, v18;
	v21 =	vshll.u32 v29, $0x4;
	v24 =	vor.u32 v1, v24;
	v29 =	vld [tilespmem:s25+$0xFFFFFFE0]  }
0xa7: {  	v31 =	vadd.s32 $0xFFFFFC00, v8;
	v8 =	vmovc v12;
	v18 =	vor.u32 v1, v21;
	v21 =	vadd.s32 $0xFFFFFC00, v7;
	[tilespmem:v27+s16+$0x0] =	vst.idx.add.s32.msk $0xffff, v2  }
0xa8: {  	s28 =	sadd.s32 $0x80, s28;
	v13 =	vadd.s32 $0xFFFFFC00, v13;
	v12 =	vmovc v16;
	v32 =	vsub.s32 v23, v6;
	v7 =	vmovc v9;
	v20 =	vmin.u32 v20, v21;
	v23 =	vld [tilespmem:s24+$0x30];
	s24 =	smov.u32 s25;
	s25 =	smov.u32 s26  }
0xa9: {  	p0 =	slt.u32 s28, $0x3F80;
	s26 =	smov.u32 s29;
	[tilespmem:v25+s16+$0x0] =	vst.idx.add.s32.msk $0xffff, v2;
	v21 =	vmin.u32 v20, v13;
	v13 =	vadd.s32 $0xFFFFFC00, v15;
	v26 =	vsub.s32 v26, v6  }
.Ltmp1:
0xaa: {  	v9 =	vmovc v10;
	v25 =	vadd.s32 $0xFFFFFC00, v11;
	v11 =	vmovc v19;
	v20 =	vld [tilespmem:s24+$0x20];
	v33 =	vmin.u32 v21, v13;
	v16 =	vadd.s32 $0xFFFFFC00, v26;
	(pc) =	sbr.rel @p0 .LBB2_5-.Ltmp1, $4  }
0xab: {  	v21 =	vmin.u32 v32, $0x400;
	[tilespmem:v24+s16+$0x0] =	vst.idx.add.s32.msk $0xffff, v2;
	v15 =	vsub.s32 v29, v6;
	v27 =	vmin.u32 v33, v16  }
0xac: {  	v28 =	vadd.s32 $0xFFFFFC00, v28;
	v10 =	vmovc v22;
	v19 =	vld [tilespmem:s25+$0x10];
	v16 =	vmin.u32 v15, $0x400;
	v24 =	vmin.u32 v27, v31;
	v13 =	vmovc v14  }
0xad: {  	v29 =	vshll.u32 v16, $0x4;
	v24 =	vmin.u32 v24, v25;
	v27 =	vsub.s32 v23, v6;
	[tilespmem:v30+s16+$0x0] =	vst.idx.add.s32.msk $0xffff, v2  }
0xae: {  	s29 =	sadd.s32 $0x80, s29;
	v14 =	vmovc v32;
	v16 =	vld [tilespmem:s26+$0x0];
	v22 =	vadd.s32 v4, v29;
	v23 =	vmin.u32 v24, v28;
	v25 =	vadd.s32 $0xFFFFFC00, v27  }
0xaf: {  	_ =	sdelay $0x3  }
0xb0: {  	v16 =	vsub.s32 v16, v6  }
0xb1: {  	v24 =	vmin.u32 v16, $0x400  }
0xb2: {  	v24 =	vshll.u32 v24, $0x4  }
0xb3: {  	v24 =	vor.u32 v1, v24;
	_ =	sdelay $0x2  }
0xb4: {  	[tilespmem:v18+s16+$0x0] =	vst.idx.add.s32.msk $0xffff, v2  }
0xb5: {  	v18 =	vld [tilespmem:s26+$0xFFFFFFD0]  }
0xb6: {  	[tilespmem:v24+s16+$0x0] =	vst.idx.add.s32.msk $0xffff, v2  }
0xb7: {  	v24 =	vld [tilespmem:s26+$0x10]  }
0xb8: {  	v28 =	vshll.u32 v21, $0x4;
	v21 =	vsub.s32 v19, v6  }
0xb9: {  	v28 =	vadd.s32 v3, v28;
	v19 =	vmin.u32 v21, $0x400  }
0xba: {  	v29 =	vshll.u32 v19, $0x4;
	v19 =	vsub.s32 v18, v6  }
0xbb: {  	v29 =	vadd.s32 v3, v29;
	v18 =	vmin.u32 v19, $0x400  }
0xbc: {  	v30 =	vshll.u32 v18, $0x4;
	v18 =	vsub.s32 v24, v6  }
0xbd: {  	v24 =	vadd.s32 v3, v30;
	v44 =	vmin.u32 v18, $0x400  }
0xbe: {  	[tilespmem:v28+s16+$0x0] =	vst.idx.add.s32.msk $0xffff, v2;
	v45 =	vshll.u32 v44, $0x4  }
0xbf: {  	v46 =	vld [tilespmem:s25+$0xFFFFFFE0];
	v28 =	vadd.s32 v3, v45  }
0xc0: {  	[tilespmem:v29+s16+$0x0] =	vst.idx.add.s32.msk $0xffff, v2  }
0xc1: {  	v29 =	vld [tilespmem:s25+$0x20]  }
0xc2: {  	v31 =	vsub.s32 v20, v6;
	[tilespmem:v24+s16+$0x0] =	vst.idx.add.s32.msk $0xffff, v2  }
0xc3: {  	v20 =	vmin.u32 v31, $0x400;
	v32 =	vld [tilespmem:s26+$0xFFFFFFE0]  }
0xc4: {  	v20 =	vshll.u32 v20, $0x4;
	v30 =	vsub.s32 v46, v6;
	[tilespmem:v28+s16+$0x0] =	vst.idx.add.s32.msk $0xffff, v2  }
0xc5: {  	v20 =	vadd.s32 v4, v20;
	v24 =	vmin.u32 v30, $0x400;
	v28 =	vld [tilespmem:s26+$0x20]  }
0xc6: {  	v33 =	vshll.u32 v24, $0x4;
	v24 =	vsub.s32 v29, v6  }
0xc7: {  	v47 =	vadd.s32 v4, v33;
	v48 =	vmin.u32 v24, $0x400  }
0xc8: {  	[tilespmem:v22+s16+$0x0] =	vst.idx.add.s32.msk $0xffff, v2;
	v33 =	vshll.u32 v48, $0x4;
	v22 =	vsub.s32 v32, v6  }
0xc9: {  	v49 =	vld [tilespmem:s24+$0xFFFFFFF0];
	v33 =	vadd.s32 v4, v33;
	v34 =	vmin.u32 v22, $0x400  }
0xca: {  	[tilespmem:v20+s16+$0x0] =	vst.idx.add.s32.msk $0xffff, v2;
	v34 =	vshll.u32 v34, $0x4;
	v20 =	vsub.s32 v28, v6  }
0xcb: {  	v50 =	vld [tilespmem:s24+$0x30];
	v34 =	vadd.s32 v4, v34;
	v35 =	vmin.u32 v20, $0x400  }
0xcc: {  	[tilespmem:v47+s16+$0x0] =	vst.idx.add.s32.msk $0xffff, v2;
	v51 =	vshll.u32 v35, $0x4  }
0xcd: {  	v52 =	vld [tilespmem:s25+$0xFFFFFFF0];
	v29 =	vadd.s32 v4, v51  }
0xce: {  	[tilespmem:v33+s16+$0x0] =	vst.idx.add.s32.msk $0xffff, v2  }
0xcf: {  	v33 =	vld [tilespmem:s25+$0x30]  }
0xd0: {  	v26 =	vmin.u32 v26, $0x400;
	v27 =	vmin.u32 v27, $0x400;
	[tilespmem:v34+s16+$0x0] =	vst.idx.add.s32.msk $0xffff, v2  }
0xd1: {  	v26 =	vshll.u32 v26, $0x4;
	v27 =	vshll.u32 v27, $0x4;
	v34 =	vld [tilespmem:s26+$0xFFFFFFF0]  }
0xd2: {  	v26 =	vadd.s32 v5, v26;
	v27 =	vadd.s32 v5, v27;
	[tilespmem:v29+s16+$0x0] =	vst.idx.add.s32.msk $0xffff, v2  }
0xd3: {  	v32 =	vsub.s32 v49, v6;
	v28 =	vsub.s32 v50, v6;
	v35 =	vsub.s32 v52, v6;
	v37 =	vld [tilespmem:s26+$0x30]  }
0xd4: {  	v53 =	vmin.u32 v32, $0x400;
	v36 =	vmin.u32 v28, $0x400;
	v38 =	vmin.u32 v35, $0x400  }
0xd5: {  	v36 =	vshll.u32 v36, $0x4;
	v33 =	vsub.s32 v33, v6;
	v38 =	vshll.u32 v38, $0x4  }
0xd6: {  	v36 =	vadd.s32 v5, v36;
	v39 =	vmin.u32 v33, $0x400;
	v38 =	vadd.s32 v5, v38  }
0xd7: {  	v29 =	vshll.u32 v53, $0x4;
	v39 =	vshll.u32 v39, $0x4;
	v34 =	vsub.s32 v34, v6  }
0xd8: {  	[tilespmem:v17+s16+$0x0] =	vst.idx.add.s32.msk $0xffff, v2;
	v29 =	vadd.s32 v5, v29;
	v54 =	vmin.u32 v34, $0x400;
	v17 =	vsub.s32 v37, v6  }
0xd9: {  	[tilespmem:v26+s16+$0x0] =	vst.idx.add.s32.msk $0xffff, v2;
	v26 =	vadd.s32 v5, v39;
	v37 =	vshll.u32 v54, $0x4;
	v55 =	vmin.u32 v17, $0x400  }
0xda: {  	[tilespmem:v27+s16+$0x0] =	vst.idx.add.s32.msk $0xffff, v2;
	v37 =	vadd.s32 v5, v37;
	v27 =	vshll.u32 v55, $0x4  }
0xdb: {  	[tilespmem:v36+s16+$0x0] =	vst.idx.add.s32.msk $0xffff, v2;
	v27 =	vadd.s32 v5, v27  }
0xdc: {  	[tilespmem:v38+s16+$0x0] =	vst.idx.add.s32.msk $0xffff, v2  }
0xdd: {  	s24 =	sshll.u32 s23, $0xF;
	[tilespmem:v29+s16+$0x0] =	vst.idx.add.s32.msk $0xffff, v2  }
0xde: {  	s31 =	sadd.s32 s24, s7;
	[tilespmem:v26+s16+$0x0] =	vst.idx.add.s32.msk $0xffff, v2  }
0xdf: {  	s25 =	sshrl.u32 s31, $0x3;
	[tilespmem:v37+s16+$0x0] =	vst.idx.add.s32.msk $0xffff, v2  }
0xe0: {  	s25 =	sadd.s32 s2, s25;
	[tilespmem:v27+s16+$0x0] =	vst.idx.add.s32.msk $0xffff, v2  }
0xe1: {  	[tilespmem:s3], [sflag:$0x1] =	stream.linear.gather [hbm4b:s25+s3], $0x4000, $0x38;
	[tilespmem:$0x1C380] =	vst v63  }
0xe2: {  	_ =	swait.ge [sflag:s17], $0x4000  }
0xe3: {  	[sflag:s17] =	ssyncset.done $0x0  }
0xe4: {  	s28 =	simm.s32 $0x4040;
	[sflag:s17] =	ssyncadd.s32 $0xFFFFC000  }
0xe5: {  	v26 =	vld [tilespmem:s28+$0xFFFFFFC0];
	_ =	sdelay $0x3  }
0xe6: {  	v27 =	vld [tilespmem:s28+$0x0]  }
0xe7: {  	v26 =	vsub.s32 v26, v6  }
0xe8: {  	v56 =	vmin.u32 v26, $0x400  }
0xe9: {  	v29 =	vshll.u32 v56, $0x4  }
0xea: {  	v29 =	vor.u32 v1, v29  }
0xeb: {  	v27 =	vsub.s32 v27, v6  }
0xec: {  	v57 =	vmin.u32 v27, $0x400  }
0xed: {  	v23 =	vmin.u32 v23, v25;
	v7 =	vadd.s32 $0xFFFFFC00, v7;
	v25 =	vshll.u32 v57, $0x4  }
0xee: {  	v13 =	vadd.s32 $0xFFFFFC00, v13;
	v7 =	vmin.u32 v23, v7;
	v23 =	vor.u32 v1, v25  }
0xef: {  	v7 =	vmin.u32 v7, v13;
	v13 =	vadd.s32 $0xFFFFFC00, v15;
	[tilespmem:v29+s16+$0x0] =	vst.idx.add.s32.msk $0xffff, v2  }
0xf0: {  	v7 =	vmin.u32 v7, v13;
	v13 =	vadd.s32 $0xFFFFFC00, v32;
	v15 =	vld [tilespmem:s28+$0xFFFFFFD0]  }
0xf1: {  	v8 =	vadd.s32 $0xFFFFFC00, v8;
	s29 =	simm.s32 $0x40C0;
	v7 =	vmin.u32 v7, v13  }
0xf2: {  	v11 =	vadd.s32 $0xFFFFFC00, v11;
	v7 =	vmin.u32 v7, v8;
	v8 =	vld [tilespmem:s29+$0xFFFFFFC0]  }
0xf3: {  	v7 =	vmin.u32 v7, v11;
	v11 =	vadd.s32 $0xFFFFFC00, v31;
	[tilespmem:v23+s16+$0x0] =	vst.idx.add.s32.msk $0xffff, v2  }
0xf4: {  	v7 =	vmin.u32 v7, v11;
	v11 =	vadd.s32 $0xFFFFFC00, v28;
	v13 =	vld [tilespmem:s28+$0x10]  }
0xf5: {  	v9 =	vadd.s32 $0xFFFFFC00, v9;
	v7 =	vmin.u32 v7, v11;
	v11 =	vsub.s32 v15, v6  }
0xf6: {  	v12 =	vadd.s32 $0xFFFFFC00, v12;
	v7 =	vmin.u32 v7, v9;
	v15 =	vld [tilespmem:s29+$0x0];
	v9 =	vmin.u32 v11, $0x400  }
0xf7: {  	v23 =	vadd.s32 $0xFFFFFC00, v14;
	v14 =	vsub.s32 v8, v6;
	v8 =	vshll.u32 v9, $0x4  }
0xf8: {  	v58 =	vadd.s32 $0xFFFFFC00, v35;
	v9 =	vmin.u32 v14, $0x400;
	v8 =	vadd.s32 v3, v8  }
0xf9: {  	v7 =	vmin.u32 v7, v23;
	v13 =	vsub.s32 v13, v6;
	v9 =	vshll.u32 v9, $0x4  }
0xfa: {  	v23 =	vadd.s32 $0xFFFFFC00, v30;
	v25 =	vmin.u32 v13, $0x400;
	v9 =	vor.u32 v1, v9  }
0xfb: {  	s25 =	simm.s32 $0x4140;
	v7 =	vmin.u32 v7, v23;
	v23 =	vsub.s32 v15, v6;
	v15 =	vshll.u32 v25, $0x4  }
0xfc: {  	v7 =	vmin.u32 v7, v58;
	v25 =	vld [tilespmem:s25+$0xFFFFFFC0];
	v59 =	vmin.u32 v23, $0x400;
	v15 =	vadd.s32 v3, v15  }
0xfd: {  	v7 =	vmin.u32 v7, v12;
	v12 =	vadd.s32 $0xFFFFFC00, v21;
	v21 =	vshll.u32 v59, $0x4;
	[tilespmem:v8+s16+$0x0] =	vst.idx.add.s32.msk $0xffff, v2  }
0xfe: {  	v7 =	vmin.u32 v7, v12;
	v8 =	vadd.s32 $0xFFFFFC00, v24;
	v12 =	vor.u32 v1, v21;
	v21 =	vld [tilespmem:s28+$0xFFFFFFE0]  }
0xff: {  	v7 =	vmin.u32 v7, v8;
	v8 =	vadd.s32 $0xFFFFFC00, v33;
	[tilespmem:v9+s16+$0x0] =	vst.idx.add.s32.msk $0xffff, v2  }
0x100: {  	v7 =	vmin.u32 v7, v8;
	v8 =	vadd.s32 $0xFFFFFC00, v10;
	v9 =	vld [tilespmem:s29+$0xFFFFFFD0]  }
0x101: {  	v10 =	vadd.s32 $0xFFFFFC00, v19;
	v7 =	vmin.u32 v7, v8;
	v8 =	vsub.s32 v25, v6;
	[tilespmem:v15+s16+$0x0] =	vst.idx.add.s32.msk $0xffff, v2  }
0x102: {  	v15 =	vadd.s32 $0xFFFFFC00, v16;
	v7 =	vmin.u32 v7, v10;
	v10 =	vmin.u32 v8, $0x400;
	v16 =	vld [tilespmem:s28+$0x20]  }
0x103: {  	v19 =	vadd.s32 $0xFFFFFC00, v22;
	v10 =	vshll.u32 v10, $0x4;
	[tilespmem:v12+s16+$0x0] =	vst.idx.add.s32.msk $0xffff, v2;
	v12 =	vsub.s32 v21, v6  }
0x104: {  	v7 =	vmin.u32 v7, v19;
	v10 =	vor.u32 v1, v10;
	v19 =	vld [tilespmem:s29+$0x10];
	v21 =	vmin.u32 v12, $0x400  }
0x105: {  	v18 =	vadd.s32 $0xFFFFFC00, v18;
	v24 =	vsub.s32 v9, v6;
	v9 =	vshll.u32 v21, $0x4  }
0x106: {  	s26 =	simm.s32 $0x41C0;
	v22 =	vadd.s32 $0xFFFFFC00, v34;
	v25 =	vld [tilespmem:s25+$0x0];
	v21 =	vmin.u32 v24, $0x400;
	v9 =	vadd.s32 v4, v9  }
0x107: {  	v7 =	vmin.u32 v7, v22;
	v22 =	vld [tilespmem:s26+$0xFFFFFFC0];
	v21 =	vshll.u32 v21, $0x4;
	v16 =	vsub.s32 v16, v6  }
0x108: {  	v7 =	vmin.u32 v7, v15;
	v15 =	vadd.s32 v3, v21;
	v21 =	vmin.u32 v16, $0x400  }
0x109: {  	v20 =	vadd.s32 $0xFFFFFC00, v20;
	[tilespmem:v10+s16+$0x0] =	vst.idx.add.s32.msk $0xffff, v2;
	v60 =	vsub.s32 v19, v6;
	v10 =	vshll.u32 v21, $0x4  }
0x10a: {  	v7 =	vmin.u32 v7, v18;
	v18 =	vld [tilespmem:s25+$0xFFFFFFD0];
	v19 =	vmin.u32 v60, $0x400;
	v21 =	vadd.s32 v4, v10  }
0x10b: {  	v20 =	vmin.u32 v7, v20;
	v10 =	vsub.s32 v25, v6;
	v19 =	vshll.u32 v19, $0x4;
	[tilespmem:v9+s16+$0x0] =	vst.idx.add.s32.msk $0xffff, v2  }
0x10c: {  	v7 =	vsub.s32 v22, v6;
	v9 =	vmin.u32 v10, $0x400;
	v19 =	vadd.s32 v3, v19;
	v22 =	vld [tilespmem:s28+$0xFFFFFFF0]  }
0x10d: {  	v17 =	vadd.s32 $0xFFFFFC00, v17;
	v26 =	vadd.s32 $0xFFFFFC00, v26;
	v9 =	vshll.u32 v9, $0x4;
	[tilespmem:v15+s16+$0x0] =	vst.idx.add.s32.msk $0xffff, v2  }
0x10e: {  	v17 =	vmin.u32 v20, v17;
	v25 =	vmin.u32 v7, $0x400;
	v9 =	vor.u32 v1, v9;
	v20 =	vld [tilespmem:s29+$0xFFFFFFE0]  }
0x10f: {  	v27 =	vadd.s32 $0xFFFFFC00, v27;
	v11 =	vadd.s32 $0xFFFFFC00, v11;
	v15 =	vshll.u32 v25, $0x4;
	[tilespmem:v21+s16+$0x0] =	vst.idx.add.s32.msk $0xffff, v2  }
0x110: {  	v13 =	vadd.s32 $0xFFFFFC00, v13;
	v25 =	vor.u32 v1, v15;
	v15 =	vsub.s32 v18, v6;
	v18 =	vld [tilespmem:s28+$0x30]  }
0x111: {  	v63 =	vadd.s32 $0xFFFFFC00, v23;
	v12 =	vadd.s32 $0xFFFFFC00, v12;
	v17 =	vmin.u32 v17, v26;
	[tilespmem:v19+s16+$0x0] =	vst.idx.add.s32.msk $0xffff, v2  }
0x112: {  	v16 =	vadd.s32 $0xFFFFFC00, v16;
	v11 =	vmin.u32 v17, v11;
	v17 =	vsub.s32 v22, v6;
	v19 =	vld [tilespmem:s29+$0x20]  }
0x113: {  	v11 =	vmin.u32 v11, v12;
	v12 =	vadd.s32 $0xFFFFFC00, v17;
	[tilespmem:v9+s16+$0x0] =	vst.idx.add.s32.msk $0xffff, v2;
	v20 =	vsub.s32 v20, v6  }
0x114: {  	v21 =	vmin.u32 v15, $0x400;
	v9 =	vmin.u32 v11, v12;
	v11 =	vld [tilespmem:s25+$0x10];
	v12 =	vmin.u32 v20, $0x400  }
0x115: {  	v21 =	vshll.u32 v21, $0x4;
	v9 =	vmin.u32 v9, v27;
	v12 =	vshll.u32 v12, $0x4  }
0x116: {  	s28 =	simm.s32 $0x4240;
	v9 =	vmin.u32 v9, v13;
	v13 =	vsub.s32 v18, v6;
	v18 =	vld [tilespmem:s26+$0x0];
	v22 =	vadd.s32 v4, v12  }
0x117: {  	v9 =	vmin.u32 v9, v16;
	v12 =	vadd.s32 $0xFFFFFC00, v13;
	v16 =	vld [tilespmem:s28+$0xFFFFFFC0];
	v26 =	vsub.s32 v19, v6  }
0x118: {  	v19 =	vadd.s32 v3, v21;
	v27 =	vmin.u32 v9, v12;
	v9 =	vmin.u32 v26, $0x400  }
0x119: {  	v17 =	vmin.u32 v17, $0x400;
	[tilespmem:v25+s16+$0x0] =	vst.idx.add.s32.msk $0xffff, v2;
	v12 =	vsub.s32 v11, v6;
	v9 =	vshll.u32 v9, $0x4  }
0x11a: {  	v17 =	vshll.u32 v17, $0x4;
	v21 =	vld [tilespmem:s26+$0xFFFFFFD0];
	v25 =	vmin.u32 v12, $0x400;
	v61 =	vadd.s32 v4, v9  }
0x11b: {  	v62 =	vadd.s32 v5, v17;
	v11 =	vsub.s32 v18, v6;
	v18 =	vshll.u32 v25, $0x4;
	[tilespmem:v22+s16+$0x0] =	vst.idx.add.s32.msk $0xffff, v2  }
0x11c: {  	v9 =	vsub.s32 v16, v6;
	v16 =	vmin.u32 v11, $0x400;
	v18 =	vadd.s32 v3, v18;
	v22 =	vld [tilespmem:s29+$0xFFFFFFF0]  }
0x11d: {  	v13 =	vmin.u32 v13, $0x400;
	[tilespmem:v19+s16+$0x0] =	vst.idx.add.s32.msk $0xffff, v2;
	v25 =	vmin.u32 v9, $0x400;
	v16 =	vshll.u32 v16, $0x4  }
0x11e: {  	v13 =	vshll.u32 v13, $0x4;
	v17 =	vshll.u32 v25, $0x4;
	v16 =	vor.u32 v1, v16;
	v25 =	vld [tilespmem:s25+$0xFFFFFFE0]  }
0x11f: {  	v13 =	vadd.s32 v5, v13;
	v19 =	vor.u32 v1, v17;
	v17 =	vadd.s32 $0xFFFFFC00, v14;
	[tilespmem:v61+s16+$0x0] =	vst.idx.add.s32.msk $0xffff, v2  }
0x120: {  	v14 =	vsub.s32 v21, v6;
	v21 =	vadd.s32 $0xFFFFFC00, v24;
	v17 =	vmin.u32 v27, v17;
	v24 =	vld [tilespmem:s29+$0x30]  }
0x121: {  	v20 =	vadd.s32 $0xFFFFFC00, v20;
	[tilespmem:v18+s16+$0x0] =	vst.idx.add.s32.msk $0xffff, v2;
	v17 =	vmin.u32 v17, v21;
	v18 =	vsub.s32 v22, v6  }
0x122: {  	v27 =	vadd.s32 $0xFFFFFC00, v60;
	v21 =	vld [tilespmem:s25+$0x20];
	v20 =	vmin.u32 v17, v20;
	v23 =	vadd.s32 $0xFFFFFC00, v18  }
0x123: {  	v22 =	vmin.u32 v14, $0x400;
	[tilespmem:v16+s16+$0x0] =	vst.idx.add.s32.msk $0xffff, v2;
	v17 =	vsub.s32 v25, v6;
	v16 =	vmin.u32 v20, v23  }
0x124: {  	v25 =	vadd.s32 $0xFFFFFC00, v26;
	v23 =	vld [tilespmem:s26+$0x10];
	v20 =	vmin.u32 v17, $0x400;
	v16 =	vmin.u32 v16, v63  }
0x125: {  	[tilespmem:v62+s16+$0x0] =	vst.idx.add.s32.msk $0xffff, v2;
	v26 =	vshll.u32 v20, $0x4;
	v27 =	vmin.u32 v16, v27;
	v20 =	vsub.s32 v24, v6  }
0x126: {  	s30 =	simm.s32 $0x42C0;
	s29 =	simm.s32 $0x200;
	v16 =	vld [tilespmem:s28+$0x0];
	v24 =	vadd.s32 v4, v26;
	v25 =	vmin.u32 v27, v25;
	v26 =	vadd.s32 $0xFFFFFC00, v20  }
.LBB2_7:
0x127: {  	v27 =	vld [tilespmem:s30+$0xFFFFFFC0];
	v22 =	vshll.u32 v22, $0x4;
	v28 =	vsub.s32 v21, v6;
	v21 =	vmin.u32 v25, v26  }
0x128: {  	v18 =	vmin.u32 v18, $0x400;
	v22 =	vadd.s32 v3, v22;
	v25 =	vmin.u32 v28, $0x400;
	[tilespmem:v13+s16+$0x0] =	vst.idx.add.s32.msk $0xffff, v2  }
0x129: {  	[tilespmem:v19+s16+$0x0] =	vst.idx.add.s32.msk $0xffff, v2;
	v23 =	vsub.s32 v23, v6;
	v13 =	vshll.u32 v25, $0x4;
	v19 =	vmin.u32 v20, $0x400  }
0x12a: {  	v20 =	vld [tilespmem:s28+$0xFFFFFFD0];
	v25 =	vmin.u32 v23, $0x400;
	v26 =	vadd.s32 v4, v13;
	v13 =	vshll.u32 v18, $0x4  }
0x12b: {  	v19 =	vshll.u32 v19, $0x4;
	v16 =	vsub.s32 v16, v6;
	v18 =	vshll.u32 v25, $0x4;
	[tilespmem:v24+s16+$0x0] =	vst.idx.add.s32.msk $0xffff, v2  }
0x12c: {  	v24 =	vsub.s32 v27, v6;
	v25 =	vmin.u32 v16, $0x400;
	v18 =	vadd.s32 v3, v18;
	v27 =	vld [tilespmem:s25+$0xFFFFFFF0]  }
0x12d: {  	v30 =	vadd.s32 v5, v13;
	v29 =	vmin.u32 v24, $0x400;
	v25 =	vshll.u32 v25, $0x4;
	[tilespmem:v22+s16+$0x0] =	vst.idx.add.s32.msk $0xffff, v2  }
0x12e: {  	v13 =	vadd.s32 v5, v19;
	v22 =	vshll.u32 v29, $0x4;
	v25 =	vor.u32 v1, v25;
	v29 =	vld [tilespmem:s26+$0xFFFFFFE0]  }
0x12f: {  	v31 =	vadd.s32 $0xFFFFFC00, v10;
	v10 =	vmovc v11;
	v19 =	vor.u32 v1, v22;
	v22 =	vadd.s32 $0xFFFFFC00, v8;
	[tilespmem:v26+s16+$0x0] =	vst.idx.add.s32.msk $0xffff, v2  }
0x130: {  	s29 =	sadd.s32 $0x80, s29;
	v15 =	vadd.s32 $0xFFFFFC00, v15;
	v11 =	vmovc v16;
	v32 =	vsub.s32 v20, v6;
	v8 =	vmovc v7;
	v20 =	vmin.u32 v21, v22;
	v26 =	vld [tilespmem:s25+$0x30];
	s25 =	smov.u32 s26;
	s26 =	smov.u32 s28  }
0x131: {  	p0 =	slt.u32 s29, $0x3F80;
	s28 =	smov.u32 s30;
	[tilespmem:v18+s16+$0x0] =	vst.idx.add.s32.msk $0xffff, v2;
	v22 =	vmin.u32 v20, v15;
	v15 =	vadd.s32 $0xFFFFFC00, v17;
	v18 =	vsub.s32 v27, v6  }
.Ltmp2:
0x132: {  	v7 =	vmovc v9;
	v20 =	vadd.s32 $0xFFFFFC00, v12;
	v12 =	vmovc v23;
	v21 =	vld [tilespmem:s25+$0x20];
	v33 =	vmin.u32 v22, v15;
	v16 =	vadd.s32 $0xFFFFFC00, v18;
	(pc) =	sbr.rel @p0 .LBB2_7-.Ltmp2, $4  }
0x133: {  	v22 =	vmin.u32 v32, $0x400;
	[tilespmem:v25+s16+$0x0] =	vst.idx.add.s32.msk $0xffff, v2;
	v17 =	vsub.s32 v29, v6;
	v29 =	vmin.u32 v33, v16  }
0x134: {  	v9 =	vmovc v24;
	v27 =	vadd.s32 $0xFFFFFC00, v28;
	v23 =	vld [tilespmem:s26+$0x10];
	v16 =	vmin.u32 v17, $0x400;
	v25 =	vmin.u32 v29, v31;
	v15 =	vmovc v14  }
0x135: {  	v28 =	vshll.u32 v16, $0x4;
	v25 =	vmin.u32 v25, v20;
	v20 =	vsub.s32 v26, v6;
	[tilespmem:v30+s16+$0x0] =	vst.idx.add.s32.msk $0xffff, v2  }
0x136: {  	s30 =	sadd.s32 $0x80, s30;
	v14 =	vmovc v32;
	v16 =	vld [tilespmem:s28+$0x0];
	v24 =	vadd.s32 v4, v28;
	v25 =	vmin.u32 v25, v27;
	v26 =	vadd.s32 $0xFFFFFC00, v20  }
0x137: {  	_ =	sdelay $0x3  }
0x138: {  	v16 =	vsub.s32 v16, v6  }
0x139: {  	v27 =	vmin.u32 v16, $0x400  }
0x13a: {  	v27 =	vshll.u32 v27, $0x4  }
0x13b: {  	v27 =	vor.u32 v1, v27  }
0x13c: {  	[tilespmem:v19+s16+$0x0] =	vst.idx.add.s32.msk $0xffff, v2  }
0x13d: {  	v19 =	vld [tilespmem:s28+$0xFFFFFFD0];
	_ =	sdelay $0x2  }
0x13e: {  	[tilespmem:v27+s16+$0x0] =	vst.idx.add.s32.msk $0xffff, v2  }
0x13f: {  	v28 =	vld [tilespmem:s28+$0x10]  }
0x140: {  	v22 =	vshll.u32 v22, $0x4;
	v19 =	vsub.s32 v19, v6  }
0x141: {  	v22 =	vadd.s32 v3, v22;
	v23 =	vsub.s32 v23, v6;
	v29 =	vmin.u32 v19, $0x400  }
0x142: {  	v32 =	vmin.u32 v23, $0x400;
	v29 =	vshll.u32 v29, $0x4  }
0x143: {  	v33 =	vadd.s32 v3, v29;
	v27 =	vshll.u32 v32, $0x4  }
0x144: {  	[tilespmem:v24+s16+$0x0] =	vst.idx.add.s32.msk $0xffff, v2;
	v27 =	vadd.s32 v3, v27;
	v28 =	vsub.s32 v28, v6  }
0x145: {  	v34 =	vld [tilespmem:s25+$0xFFFFFFF0];
	v35 =	vmin.u32 v28, $0x400  }
0x146: {  	[tilespmem:v22+s16+$0x0] =	vst.idx.add.s32.msk $0xffff, v2;
	v22 =	vshll.u32 v35, $0x4  }
0x147: {  	v21 =	vsub.s32 v21, v6;
	v30 =	vld [tilespmem:s26+$0xFFFFFFE0];
	v22 =	vadd.s32 v3, v22  }
0x148: {  	v36 =	vmin.u32 v21, $0x400;
	[tilespmem:v33+s16+$0x0] =	vst.idx.add.s32.msk $0xffff, v2  }
0x149: {  	v25 =	vmin.u32 v25, v26;
	v37 =	vshll.u32 v36, $0x4;
	[tilespmem:v27+s16+$0x0] =	vst.idx.add.s32.msk $0xffff, v2  }
0x14a: {  	v8 =	vadd.s32 $0xFFFFFC00, v8;
	v15 =	vadd.s32 $0xFFFFFC00, v15;
	v24 =	vadd.s32 v4, v37;
	v38 =	vld [tilespmem:s26+$0x20]  }
0x14b: {  	v10 =	vadd.s32 $0xFFFFFC00, v10;
	v40 =	vadd.s32 $0xFFFFFC00, v17;
	v18 =	vmin.u32 v18, $0x400;
	v39 =	vld [tilespmem:s28+$0xFFFFFFE0]  }
0x14c: {  	v12 =	vadd.s32 $0xFFFFFC00, v12;
	v8 =	vmin.u32 v25, v8;
	v42 =	vsub.s32 v30, v6;
	[tilespmem:v22+s16+$0x0] =	vst.idx.add.s32.msk $0xffff, v2  }
0x14d: {  	v20 =	vmin.u32 v20, $0x400;
	v8 =	vmin.u32 v8, v15;
	v44 =	vmin.u32 v42, $0x400;
	v45 =	vld [tilespmem:s28+$0x20]  }
0x14e: {  	v8 =	vmin.u32 v8, v40;
	v41 =	vsub.s32 v34, v6;
	v46 =	vshll.u32 v44, $0x4  }
0x14f: {  	v43 =	vadd.s32 $0xFFFFFC00, v41;
	[tilespmem:v24+s16+$0x0] =	vst.idx.add.s32.msk $0xffff, v2;
	v15 =	vadd.s32 v4, v46;
	v47 =	vsub.s32 v38, v6  }
0x150: {  	v8 =	vmin.u32 v8, v43;
	v24 =	vld [tilespmem:s25+$0x30];
	v25 =	vsub.s32 v39, v6;
	v26 =	vmin.u32 v47, $0x400  }
0x151: {  	v8 =	vmin.u32 v8, v10;
	v48 =	vmin.u32 v25, $0x400;
	v10 =	vshll.u32 v26, $0x4  }
0x152: {  	v26 =	vshll.u32 v48, $0x4;
	v10 =	vadd.s32 v4, v10;
	v29 =	vsub.s32 v45, v6  }
0x153: {  	v7 =	vadd.s32 $0xFFFFFC00, v7;
	v26 =	vadd.s32 v4, v26;
	v49 =	vmin.u32 v29, $0x400  }
0x154: {  	v11 =	vadd.s32 $0xFFFFFC00, v11;
	v8 =	vmin.u32 v8, v12;
	[tilespmem:v15+s16+$0x0] =	vst.idx.add.s32.msk $0xffff, v2;
	v12 =	vshll.u32 v49, $0x4  }
0x155: {  	v21 =	vadd.s32 $0xFFFFFC00, v21;
	v24 =	vsub.s32 v24, v6;
	v51 =	vld [tilespmem:s26+$0xFFFFFFF0];
	v12 =	vadd.s32 v4, v12  }
0x156: {  	v9 =	vadd.s32 $0xFFFFFC00, v9;
	v8 =	vmin.u32 v8, v21;
	v50 =	vadd.s32 $0xFFFFFC00, v24  }
0x157: {  	v52 =	vshll.u32 v20, $0x4;
	v17 =	vmin.u32 v41, $0x400;
	v8 =	vmin.u32 v8, v50;
	[tilespmem:v10+s16+$0x0] =	vst.idx.add.s32.msk $0xffff, v2  }
0x158: {  	v17 =	vshll.u32 v17, $0x4;
	v7 =	vmin.u32 v8, v7;
	v8 =	vadd.s32 $0xFFFFFC00, v14;
	[tilespmem:v26+s16+$0x0] =	vst.idx.add.s32.msk $0xffff, v2  }
0x159: {  	v56 =	vadd.s32 v5, v17;
	v7 =	vmin.u32 v7, v8;
	v8 =	vadd.s32 $0xFFFFFC00, v42;
	v54 =	vld [tilespmem:s26+$0x30]  }
0x15a: {  	v53 =	vmin.u32 v24, $0x400;
	v7 =	vmin.u32 v7, v8;
	v21 =	vsub.s32 v51, v6;
	[tilespmem:v12+s16+$0x0] =	vst.idx.add.s32.msk $0xffff, v2  }
0x15b: {  	v15 =	vadd.s32 v5, v52;
	v8 =	vadd.s32 $0xFFFFFC00, v21;
	v21 =	vmin.u32 v21, $0x400;
	v57 =	vld [tilespmem:s28+$0x30]  }
0x15c: {  	v7 =	vmin.u32 v7, v8;
	v8 =	vadd.s32 $0xFFFFFC00, v23;
	v10 =	vshll.u32 v18, $0x4;
	v55 =	vld [tilespmem:s28+$0xFFFFFFF0]  }
0x15d: {  	v21 =	vshll.u32 v21, $0x4;
	v7 =	vmin.u32 v7, v11;
	v10 =	vadd.s32 v5, v10  }
0x15e: {  	v58 =	vadd.s32 $0xFFFFFC00, v47;
	v60 =	vadd.s32 v5, v21;
	v7 =	vmin.u32 v7, v8  }
0x15f: {  	v7 =	vmin.u32 v7, v58;
	v18 =	vshll.u32 v53, $0x4;
	v11 =	vsub.s32 v54, v6  }
0x160: {  	v18 =	vadd.s32 v5, v18;
	v59 =	vmin.u32 v11, $0x400;
	v17 =	vsub.s32 v57, v6  }
0x161: {  	v14 =	vsub.s32 v55, v6;
	v22 =	vshll.u32 v59, $0x4;
	v62 =	vmin.u32 v17, $0x400  }
0x162: {  	[tilespmem:v10+s16+$0x0] =	vst.idx.add.s32.msk $0xffff, v2;
	v11 =	vadd.s32 $0xFFFFFC00, v11;
	v10 =	vadd.s32 v5, v22;
	v8 =	vshll.u32 v62, $0x4  }
0x163: {  	[tilespmem:v13+s16+$0x0] =	vst.idx.add.s32.msk $0xffff, v2;
	v61 =	vmin.u32 v14, $0x400;
	v7 =	vmin.u32 v7, v11;
	v8 =	vadd.s32 v5, v8  }
0x164: {  	[tilespmem:v56+s16+$0x0] =	vst.idx.add.s32.msk $0xffff, v2;
	v21 =	vshll.u32 v61, $0x4;
	v7 =	vmin.u32 v7, v9;
	v9 =	vadd.s32 $0xFFFFFC00, v19  }
0x165: {  	s23 =	sadd.s32 $0x1, s23;
	[tilespmem:v15+s16+$0x0] =	vst.idx.add.s32.msk $0xffff, v2;
	v63 =	vadd.s32 v5, v21;
	v7 =	vmin.u32 v7, v9;
	v9 =	vadd.s32 $0xFFFFFC00, v25  }
0x166: {  	p0 =	sne.s32 s23, $0x3;
	[tilespmem:v60+s16+$0x0] =	vst.idx.add.s32.msk $0xffff, v2;
	v7 =	vmin.u32 v7, v9;
	v9 =	vadd.s32 $0xFFFFFC00, v14  }
.Ltmp3:
0x167: {  	v7 =	vmin.u32 v7, v9;
	[tilespmem:v10+s16+$0x0] =	vst.idx.add.s32.msk $0xffff, v2;
	v10 =	vadd.s32 $0xFFFFFC00, v16;
	(pc) =	sbr.rel @p0 .LBB2_4-.Ltmp3, $4  }
0x168: {  	s24 =	sadd.s32 s24, s8;
	v7 =	vmin.u32 v7, v10;
	[tilespmem:v8+s16+$0x0] =	vst.idx.add.s32.msk $0xffff, v2;
	v8 =	vadd.s32 $0xFFFFFC00, v28  }
0x169: {  	s24 =	sshrl.u32 s24, $0x3;
	[tilespmem:v18+s16+$0x0] =	vst.idx.add.s32.msk $0xffff, v2;
	v9 =	vadd.s32 $0xFFFFFC00, v29;
	v7 =	vmin.u32 v7, v8  }
0x16a: {  	s24 =	sadd.s32 s2, s24;
	[tilespmem:v63+s16+$0x0] =	vst.idx.add.s32.msk $0xffff, v2;
	v8 =	vadd.s32 $0xFFFFFC00, v17;
	v7 =	vmin.u32 v7, v9  }
0x16b: {  	[tilespmem:s14], [sflag:$0x2] =	stream.linear.gather [hbm4b:s24+s3], $0x4000, $0x38;
	v10 =	vmin.u32 v7, v8;
	[tilespmem:$0x1C380] =	vst v63  }
0x16c: {  	_ =	swait.ge [sflag:s15], $0x4000  }
0x16d: {  	[sflag:s15] =	ssyncset.done $0x0  }
0x16e: {  	s25 =	simm.s32 $0x40;
	[sflag:s15] =	ssyncadd.s32 $0xFFFFC000  }
0x16f: {  	v7 =	vld [tilespmem:s25+$0xFFFFFFC0];
	_ =	sdelay $0x3  }
0x170: {  	v8 =	vld [tilespmem:s25+$0x0]  }
0x171: {  	v11 =	vsub.s32 v7, v6  }
0x172: {  	v7 =	vmin.u32 v11, $0x400  }
0x173: {  	v7 =	vshll.u32 v7, $0x4  }
0x174: {  	v7 =	vor.u32 v1, v7  }
0x175: {  	v12 =	vsub.s32 v8, v6  }
0x176: {  	v8 =	vmin.u32 v12, $0x400  }
0x177: {  	v8 =	vshll.u32 v8, $0x4  }
0x178: {  	v8 =	vor.u32 v1, v8  }
0x179: {  	[tilespmem:v7+s16+$0x0] =	vst.idx.add.s32.msk $0xffff, v2  }
0x17a: {  	v7 =	vld [tilespmem:s25+$0xFFFFFFD0]  }
0x17b: {  	s26 =	simm.s32 $0xC0  }
0x17c: {  	v9 =	vld [tilespmem:s26+$0xFFFFFFC0]  }
0x17d: {  	[tilespmem:v8+s16+$0x0] =	vst.idx.add.s32.msk $0xffff, v2  }
0x17e: {  	v8 =	vld [tilespmem:s25+$0x10]  }
0x17f: {  	v14 =	vsub.s32 v7, v6  }
0x180: {  	v13 =	vld [tilespmem:s26+$0x0];
	v7 =	vmin.u32 v14, $0x400  }
0x181: {  	v15 =	vsub.s32 v9, v6;
	v7 =	vshll.u32 v7, $0x4  }
0x182: {  	v9 =	vmin.u32 v15, $0x400;
	v7 =	vadd.s32 v3, v7  }
0x183: {  	v9 =	vshll.u32 v9, $0x4;
	v16 =	vsub.s32 v8, v6  }
0x184: {  	v8 =	vor.u32 v1, v9;
	v9 =	vmin.u32 v16, $0x400  }
0x185: {  	s23 =	simm.s32 $0x140;
	v17 =	vsub.s32 v13, v6;
	v9 =	vshll.u32 v9, $0x4  }
0x186: {  	v13 =	vld [tilespmem:s23+$0xFFFFFFC0];
	v18 =	vmin.u32 v17, $0x400;
	v9 =	vadd.s32 v3, v9  }
0x187: {  	v18 =	vshll.u32 v18, $0x4;
	[tilespmem:v7+s16+$0x0] =	vst.idx.add.s32.msk $0xffff, v2  }
0x188: {  	v18 =	vor.u32 v1, v18;
	v19 =	vld [tilespmem:s25+$0xFFFFFFE0]  }
0x189: {  	[tilespmem:v8+s16+$0x0] =	vst.idx.add.s32.msk $0xffff, v2  }
0x18a: {  	v8 =	vld [tilespmem:s26+$0xFFFFFFD0]  }
0x18b: {  	v7 =	vsub.s32 v13, v6;
	[tilespmem:v9+s16+$0x0] =	vst.idx.add.s32.msk $0xffff, v2  }
0x18c: {  	v9 =	vmin.u32 v7, $0x400;
	v13 =	vld [tilespmem:s25+$0x20]  }
0x18d: {  	[tilespmem:v18+s16+$0x0] =	vst.idx.add.s32.msk $0xffff, v2;
	v9 =	vshll.u32 v9, $0x4;
	v18 =	vsub.s32 v19, v6  }
0x18e: {  	v9 =	vor.u32 v1, v9;
	v19 =	vld [tilespmem:s26+$0x10];
	v20 =	vmin.u32 v18, $0x400  }
0x18f: {  	v21 =	vsub.s32 v8, v6;
	v8 =	vshll.u32 v20, $0x4  }
0x190: {  	s24 =	simm.s32 $0x1C0;
	v22 =	vld [tilespmem:s23+$0x0];
	v20 =	vmin.u32 v21, $0x400;
	v23 =	vadd.s32 v4, v8  }
0x191: {  	v24 =	vld [tilespmem:s24+$0xFFFFFFC0];
	v8 =	vshll.u32 v20, $0x4;
	v20 =	vsub.s32 v13, v6  }
0x192: {  	v13 =	vadd.s32 v3, v8;
	v8 =	vmin.u32 v20, $0x400  }
0x193: {  	[tilespmem:v9+s16+$0x0] =	vst.idx.add.s32.msk $0xffff, v2;
	v19 =	vsub.s32 v19, v6;
	v8 =	vshll.u32 v8, $0x4  }
0x194: {  	v25 =	vld [tilespmem:s23+$0xFFFFFFD0];
	v9 =	vmin.u32 v19, $0x400;
	v26 =	vadd.s32 v4, v8  }
0x195: {  	v8 =	vsub.s32 v22, v6;
	v22 =	vshll.u32 v9, $0x4;
	[tilespmem:v23+s16+$0x0] =	vst.idx.add.s32.msk $0xffff, v2  }
0x196: {  	v9 =	vsub.s32 v24, v6;
	v23 =	vmin.u32 v8, $0x400;
	v22 =	vadd.s32 v3, v22;
	v24 =	vld [tilespmem:s25+$0xFFFFFFF0]  }
0x197: {  	v27 =	vmin.u32 v9, $0x400;
	v23 =	vshll.u32 v23, $0x4;
	[tilespmem:v13+s16+$0x0] =	vst.idx.add.s32.msk $0xffff, v2  }
0x198: {  	v11 =	vadd.s32 $0xFFFFFC00, v11;
	v13 =	vshll.u32 v27, $0x4;
	v23 =	vor.u32 v1, v23;
	v27 =	vld [tilespmem:s26+$0xFFFFFFE0]  }
0x199: {  	v10 =	vmin.u32 v10, v11;
	v11 =	vadd.s32 $0xFFFFFC00, v14;
	[tilespmem:v26+s16+$0x0] =	vst.idx.add.s32.msk $0xffff, v2  }
0x19a: {  	v12 =	vadd.s32 $0xFFFFFC00, v12;
	v10 =	vmin.u32 v10, v11;
	v11 =	vadd.s32 $0xFFFFFC00, v18;
	v14 =	vld [tilespmem:s25+$0x30]  }
0x19b: {  	v15 =	vadd.s32 $0xFFFFFC00, v15;
	v16 =	vadd.s32 $0xFFFFFC00, v16;
	v10 =	vmin.u32 v10, v11;
	[tilespmem:v22+s16+$0x0] =	vst.idx.add.s32.msk $0xffff, v2  }
0x19c: {  	v28 =	vor.u32 v1, v13;
	v13 =	vsub.s32 v25, v6;
	v18 =	vsub.s32 v24, v6;
	v22 =	vld [tilespmem:s26+$0x20]  }
0x19d: {  	v24 =	vmin.u32 v13, $0x400;
	v11 =	vadd.s32 $0xFFFFFC00, v18;
	[tilespmem:v23+s16+$0x0] =	vst.idx.add.s32.msk $0xffff, v2;
	v23 =	vsub.s32 v27, v6  }
0x19e: {  	v24 =	vshll.u32 v24, $0x4;
	v10 =	vmin.u32 v10, v11;
	v11 =	vld [tilespmem:s23+$0x10];
	v25 =	vmin.u32 v23, $0x400  }
0x19f: {  	v10 =	vmin.u32 v10, v12;
	v12 =	vadd.s32 $0xFFFFFC00, v20;
	v20 =	vshll.u32 v25, $0x4  }
0x1a0: {  	s25 =	simm.s32 $0x240;
	v14 =	vsub.s32 v14, v6;
	v10 =	vmin.u32 v10, v16;
	v16 =	vld [tilespmem:s24+$0x0];
	v20 =	vadd.s32 v4, v20  }
0x1a1: {  	v25 =	vld [tilespmem:s25+$0xFFFFFFC0];
	v10 =	vmin.u32 v10, v12;
	v12 =	vadd.s32 $0xFFFFFC00, v14;
	v22 =	vsub.s32 v22, v6  }
0x1a2: {  	v24 =	vadd.s32 v3, v24;
	v26 =	vmin.u32 v10, v12;
	v10 =	vmin.u32 v22, $0x400  }
0x1a3: {  	[tilespmem:v28+s16+$0x0] =	vst.idx.add.s32.msk $0xffff, v2;
	v14 =	vmin.u32 v14, $0x400;
	v11 =	vsub.s32 v11, v6;
	v10 =	vshll.u32 v10, $0x4  }
0x1a4: {  	v27 =	vld [tilespmem:s24+$0xFFFFFFD0];
	v12 =	vmin.u32 v18, $0x400;
	v18 =	vmin.u32 v11, $0x400;
	v28 =	vadd.s32 v4, v10  }
0x1a5: {  	v29 =	vshll.u32 v12, $0x4;
	v12 =	vsub.s32 v16, v6;
	v16 =	vshll.u32 v18, $0x4;
	[tilespmem:v20+s16+$0x0] =	vst.idx.add.s32.msk $0xffff, v2  }
0x1a6: {  	v10 =	vsub.s32 v25, v6;
	v18 =	vmin.u32 v12, $0x400;
	v20 =	vadd.s32 v3, v16;
	v25 =	vld [tilespmem:s26+$0xFFFFFFF0]  }
0x1a7: {  	v21 =	vadd.s32 $0xFFFFFC00, v21;
	v14 =	vshll.u32 v14, $0x4;
	[tilespmem:v24+s16+$0x0] =	vst.idx.add.s32.msk $0xffff, v2;
	v18 =	vshll.u32 v18, $0x4  }
0x1a8: {  	v15 =	vmin.u32 v26, v15;
	v24 =	vadd.s32 v5, v29;
	v31 =	vld [tilespmem:s23+$0xFFFFFFE0];
	v30 =	vor.u32 v1, v18  }
0x1a9: {  	v15 =	vmin.u32 v15, v21;
	v21 =	vadd.s32 $0xFFFFFC00, v23;
	v16 =	vmin.u32 v10, $0x400;
	[tilespmem:v28+s16+$0x0] =	vst.idx.add.s32.msk $0xffff, v2  }
0x1aa: {  	v23 =	vmin.u32 v15, v21;
	v29 =	vshll.u32 v16, $0x4;
	v16 =	vadd.s32 v5, v14;
	v26 =	vld [tilespmem:s26+$0x30]  }
0x1ab: {  	v17 =	vadd.s32 $0xFFFFFC00, v17;
	v14 =	vsub.s32 v27, v6;
	[tilespmem:v20+s16+$0x0] =	vst.idx.add.s32.msk $0xffff, v2;
	v25 =	vsub.s32 v25, v6  }
0x1ac: {  	v18 =	vor.u32 v1, v29;
	v21 =	vmin.u32 v14, $0x400;
	v20 =	vld [tilespmem:s23+$0x20];
	v27 =	vadd.s32 $0xFFFFFC00, v25  }
0x1ad: {  	v28 =	vadd.s32 $0xFFFFFC00, v19;
	v15 =	vsub.s32 v31, v6;
	[tilespmem:v30+s16+$0x0] =	vst.idx.add.s32.msk $0xffff, v2;
	v23 =	vmin.u32 v23, v27  }
0x1ae: {  	v27 =	vmin.u32 v15, $0x400;
	v19 =	vld [tilespmem:s24+$0x10];
	v17 =	vmin.u32 v23, v17;
	v23 =	vadd.s32 $0xFFFFFC00, v22  }
0x1af: {  	[tilespmem:v24+s16+$0x0] =	vst.idx.add.s32.msk $0xffff, v2;
	v22 =	vshll.u32 v27, $0x4;
	v28 =	vmin.u32 v17, v28;
	v27 =	vsub.s32 v26, v6  }
0x1b0: {  	s28 =	simm.s32 $0x2C0;
	s26 =	simm.s32 $0x200;
	v17 =	vld [tilespmem:s25+$0x0];
	v22 =	vadd.s32 v4, v22;
	v23 =	vmin.u32 v28, v23;
	v26 =	vadd.s32 $0xFFFFFC00, v27  }
.LBB2_10:
0x1b1: {  	v24 =	vld [tilespmem:s28+$0xFFFFFFC0];
	v21 =	vshll.u32 v21, $0x4;
	v28 =	vsub.s32 v20, v6;
	v20 =	vmin.u32 v23, v26  }
0x1b2: {  	v25 =	vmin.u32 v25, $0x400;
	v21 =	vadd.s32 v3, v21;
	v23 =	vmin.u32 v28, $0x400;
	[tilespmem:v16+s16+$0x0] =	vst.idx.add.s32.msk $0xffff, v2  }
0x1b3: {  	[tilespmem:v18+s16+$0x0] =	vst.idx.add.s32.msk $0xffff, v2;
	v19 =	vsub.s32 v19, v6;
	v16 =	vshll.u32 v23, $0x4;
	v18 =	vmin.u32 v27, $0x400  }
0x1b4: {  	v23 =	vld [tilespmem:s25+$0xFFFFFFD0];
	v26 =	vmin.u32 v19, $0x400;
	v27 =	vadd.s32 v4, v16;
	v16 =	vshll.u32 v25, $0x4  }
0x1b5: {  	v18 =	vshll.u32 v18, $0x4;
	v17 =	vsub.s32 v17, v6;
	v25 =	vshll.u32 v26, $0x4;
	[tilespmem:v22+s16+$0x0] =	vst.idx.add.s32.msk $0xffff, v2  }
0x1b6: {  	v22 =	vsub.s32 v24, v6;
	v24 =	vmin.u32 v17, $0x400;
	v25 =	vadd.s32 v3, v25;
	v26 =	vld [tilespmem:s23+$0xFFFFFFF0]  }
0x1b7: {  	v30 =	vadd.s32 v5, v16;
	v29 =	vmin.u32 v22, $0x400;
	v24 =	vshll.u32 v24, $0x4;
	[tilespmem:v21+s16+$0x0] =	vst.idx.add.s32.msk $0xffff, v2  }
0x1b8: {  	v16 =	vadd.s32 v5, v18;
	v21 =	vshll.u32 v29, $0x4;
	v24 =	vor.u32 v1, v24;
	v29 =	vld [tilespmem:s24+$0xFFFFFFE0]  }
0x1b9: {  	v31 =	vadd.s32 $0xFFFFFC00, v8;
	v8 =	vmovc v12;
	v18 =	vor.u32 v1, v21;
	v21 =	vadd.s32 $0xFFFFFC00, v7;
	[tilespmem:v27+s16+$0x0] =	vst.idx.add.s32.msk $0xffff, v2  }
0x1ba: {  	s26 =	sadd.s32 $0x80, s26;
	v13 =	vadd.s32 $0xFFFFFC00, v13;
	v12 =	vmovc v17;
	v32 =	vsub.s32 v23, v6;
	v7 =	vmovc v9;
	v20 =	vmin.u32 v20, v21;
	v23 =	vld [tilespmem:s23+$0x30];
	s23 =	smov.u32 s24;
	s24 =	smov.u32 s25  }
0x1bb: {  	p0 =	slt.u32 s26, $0x3F80;
	s25 =	smov.u32 s28;
	[tilespmem:v25+s16+$0x0] =	vst.idx.add.s32.msk $0xffff, v2;
	v21 =	vmin.u32 v20, v13;
	v13 =	vadd.s32 $0xFFFFFC00, v15;
	v25 =	vsub.s32 v26, v6  }
.Ltmp4:
0x1bc: {  	v9 =	vmovc v10;
	v26 =	vadd.s32 $0xFFFFFC00, v11;
	v11 =	vmovc v19;
	v20 =	vld [tilespmem:s23+$0x20];
	v33 =	vmin.u32 v21, v13;
	v17 =	vadd.s32 $0xFFFFFC00, v25;
	(pc) =	sbr.rel @p0 .LBB2_10-.Ltmp4, $4  }
0x1bd: {  	v21 =	vmin.u32 v32, $0x400;
	[tilespmem:v24+s16+$0x0] =	vst.idx.add.s32.msk $0xffff, v2;
	v15 =	vsub.s32 v29, v6;
	v27 =	vmin.u32 v33, v17  }
0x1be: {  	v28 =	vadd.s32 $0xFFFFFC00, v28;
	v10 =	vmovc v22;
	v19 =	vld [tilespmem:s24+$0x10];
	v17 =	vmin.u32 v15, $0x400;
	v24 =	vmin.u32 v27, v31;
	v13 =	vmovc v14  }
0x1bf: {  	v29 =	vshll.u32 v17, $0x4;
	v24 =	vmin.u32 v24, v26;
	v27 =	vsub.s32 v23, v6;
	[tilespmem:v30+s16+$0x0] =	vst.idx.add.s32.msk $0xffff, v2  }
0x1c0: {  	s28 =	sadd.s32 $0x80, s28;
	v14 =	vmovc v32;
	v17 =	vld [tilespmem:s25+$0x0];
	v22 =	vadd.s32 v4, v29;
	v23 =	vmin.u32 v24, v28;
	v26 =	vadd.s32 $0xFFFFFC00, v27  }
0x1c1: {  	_ =	sdelay $0x3  }
0x1c2: {  	v17 =	vsub.s32 v17, v6  }
0x1c3: {  	v24 =	vmin.u32 v17, $0x400  }
0x1c4: {  	v24 =	vshll.u32 v24, $0x4  }
0x1c5: {  	v24 =	vor.u32 v1, v24;
	_ =	sdelay $0x2  }
0x1c6: {  	[tilespmem:v18+s16+$0x0] =	vst.idx.add.s32.msk $0xffff, v2  }
0x1c7: {  	v18 =	vld [tilespmem:s25+$0xFFFFFFD0]  }
0x1c8: {  	[tilespmem:v24+s16+$0x0] =	vst.idx.add.s32.msk $0xffff, v2  }
0x1c9: {  	v24 =	vld [tilespmem:s25+$0x10]  }
0x1ca: {  	v28 =	vshll.u32 v21, $0x4;
	v21 =	vsub.s32 v19, v6  }
0x1cb: {  	v28 =	vadd.s32 v3, v28;
	v19 =	vmin.u32 v21, $0x400  }
0x1cc: {  	v29 =	vshll.u32 v19, $0x4;
	v19 =	vsub.s32 v18, v6  }
0x1cd: {  	v29 =	vadd.s32 v3, v29;
	v18 =	vmin.u32 v19, $0x400  }
0x1ce: {  	v30 =	vshll.u32 v18, $0x4;
	v18 =	vsub.s32 v24, v6  }
0x1cf: {  	v24 =	vadd.s32 v3, v30;
	v43 =	vmin.u32 v18, $0x400  }
0x1d0: {  	[tilespmem:v28+s16+$0x0] =	vst.idx.add.s32.msk $0xffff, v2;
	v44 =	vshll.u32 v43, $0x4  }
0x1d1: {  	v45 =	vld [tilespmem:s24+$0xFFFFFFE0];
	v28 =	vadd.s32 v3, v44  }
0x1d2: {  	[tilespmem:v29+s16+$0x0] =	vst.idx.add.s32.msk $0xffff, v2  }
0x1d3: {  	v29 =	vld [tilespmem:s24+$0x20]  }
0x1d4: {  	v31 =	vsub.s32 v20, v6;
	[tilespmem:v24+s16+$0x0] =	vst.idx.add.s32.msk $0xffff, v2  }
0x1d5: {  	v20 =	vmin.u32 v31, $0x400;
	v32 =	vld [tilespmem:s25+$0xFFFFFFE0]  }
0x1d6: {  	v20 =	vshll.u32 v20, $0x4;
	v30 =	vsub.s32 v45, v6;
	[tilespmem:v28+s16+$0x0] =	vst.idx.add.s32.msk $0xffff, v2  }
0x1d7: {  	v20 =	vadd.s32 v4, v20;
	v24 =	vmin.u32 v30, $0x400;
	v28 =	vld [tilespmem:s25+$0x20]  }
0x1d8: {  	v33 =	vshll.u32 v24, $0x4;
	v24 =	vsub.s32 v29, v6  }
0x1d9: {  	v46 =	vadd.s32 v4, v33;
	v47 =	vmin.u32 v24, $0x400  }
0x1da: {  	[tilespmem:v22+s16+$0x0] =	vst.idx.add.s32.msk $0xffff, v2;
	v33 =	vshll.u32 v47, $0x4;
	v22 =	vsub.s32 v32, v6  }
0x1db: {  	v48 =	vld [tilespmem:s23+$0xFFFFFFF0];
	v33 =	vadd.s32 v4, v33;
	v34 =	vmin.u32 v22, $0x400  }
0x1dc: {  	[tilespmem:v20+s16+$0x0] =	vst.idx.add.s32.msk $0xffff, v2;
	v34 =	vshll.u32 v34, $0x4;
	v20 =	vsub.s32 v28, v6  }
0x1dd: {  	v49 =	vld [tilespmem:s23+$0x30];
	v34 =	vadd.s32 v4, v34;
	v35 =	vmin.u32 v20, $0x400  }
0x1de: {  	[tilespmem:v46+s16+$0x0] =	vst.idx.add.s32.msk $0xffff, v2;
	v50 =	vshll.u32 v35, $0x4  }
0x1df: {  	v51 =	vld [tilespmem:s24+$0xFFFFFFF0];
	v29 =	vadd.s32 v4, v50  }
0x1e0: {  	[tilespmem:v33+s16+$0x0] =	vst.idx.add.s32.msk $0xffff, v2  }
0x1e1: {  	v33 =	vld [tilespmem:s24+$0x30]  }
0x1e2: {  	v25 =	vmin.u32 v25, $0x400;
	v27 =	vmin.u32 v27, $0x400;
	[tilespmem:v34+s16+$0x0] =	vst.idx.add.s32.msk $0xffff, v2  }
0x1e3: {  	v25 =	vshll.u32 v25, $0x4;
	v27 =	vshll.u32 v27, $0x4;
	v34 =	vld [tilespmem:s25+$0xFFFFFFF0]  }
0x1e4: {  	v25 =	vadd.s32 v5, v25;
	v27 =	vadd.s32 v5, v27;
	[tilespmem:v29+s16+$0x0] =	vst.idx.add.s32.msk $0xffff, v2  }
0x1e5: {  	v32 =	vsub.s32 v48, v6;
	v28 =	vsub.s32 v49, v6;
	v35 =	vsub.s32 v51, v6;
	v37 =	vld [tilespmem:s25+$0x30]  }
0x1e6: {  	v52 =	vmin.u32 v32, $0x400;
	v36 =	vmin.u32 v28, $0x400;
	v38 =	vmin.u32 v35, $0x400  }
0x1e7: {  	v36 =	vshll.u32 v36, $0x4;
	v33 =	vsub.s32 v33, v6;
	v38 =	vshll.u32 v38, $0x4  }
0x1e8: {  	v36 =	vadd.s32 v5, v36;
	v39 =	vmin.u32 v33, $0x400;
	v38 =	vadd.s32 v5, v38  }
0x1e9: {  	v29 =	vshll.u32 v52, $0x4;
	v39 =	vshll.u32 v39, $0x4;
	v34 =	vsub.s32 v34, v6  }
0x1ea: {  	[tilespmem:v16+s16+$0x0] =	vst.idx.add.s32.msk $0xffff, v2;
	v29 =	vadd.s32 v5, v29;
	v53 =	vmin.u32 v34, $0x400;
	v16 =	vsub.s32 v37, v6  }
0x1eb: {  	[tilespmem:v25+s16+$0x0] =	vst.idx.add.s32.msk $0xffff, v2;
	v25 =	vadd.s32 v5, v39;
	v37 =	vshll.u32 v53, $0x4;
	v54 =	vmin.u32 v16, $0x400  }
0x1ec: {  	[tilespmem:v27+s16+$0x0] =	vst.idx.add.s32.msk $0xffff, v2;
	v37 =	vadd.s32 v5, v37;
	v27 =	vshll.u32 v54, $0x4  }
0x1ed: {  	[tilespmem:v36+s16+$0x0] =	vst.idx.add.s32.msk $0xffff, v2;
	v27 =	vadd.s32 v5, v27  }
0x1ee: {  	[tilespmem:v38+s16+$0x0] =	vst.idx.add.s32.msk $0xffff, v2  }
0x1ef: {  	[tilespmem:v29+s16+$0x0] =	vst.idx.add.s32.msk $0xffff, v2  }
0x1f0: {  	[tilespmem:v25+s16+$0x0] =	vst.idx.add.s32.msk $0xffff, v2  }
0x1f1: {  	[tilespmem:v37+s16+$0x0] =	vst.idx.add.s32.msk $0xffff, v2  }
0x1f2: {  	[tilespmem:v27+s16+$0x0] =	vst.idx.add.s32.msk $0xffff, v2  }
0x1f3: {  	_ =	swait.ge [sflag:s17], $0x4000  }
0x1f4: {  	[sflag:s17] =	ssyncset.done $0x0  }
0x1f5: {  	s31 =	simm.s32 $0x4040;
	[sflag:s17] =	ssyncadd.s32 $0xFFFFC000  }
0x1f6: {  	v25 =	vld [tilespmem:s31+$0xFFFFFFC0];
	_ =	sdelay $0x3  }
0x1f7: {  	v27 =	vld [tilespmem:s31+$0x0]  }
0x1f8: {  	v25 =	vsub.s32 v25, v6  }
0x1f9: {  	v55 =	vmin.u32 v25, $0x400  }
0x1fa: {  	v29 =	vshll.u32 v55, $0x4  }
0x1fb: {  	v29 =	vor.u32 v1, v29  }
0x1fc: {  	v27 =	vsub.s32 v27, v6  }
0x1fd: {  	v56 =	vmin.u32 v27, $0x400  }
0x1fe: {  	v23 =	vmin.u32 v23, v26;
	v7 =	vadd.s32 $0xFFFFFC00, v7;
	v26 =	vshll.u32 v56, $0x4  }
0x1ff: {  	v13 =	vadd.s32 $0xFFFFFC00, v13;
	v7 =	vmin.u32 v23, v7;
	v23 =	vor.u32 v1, v26  }
0x200: {  	v7 =	vmin.u32 v7, v13;
	v13 =	vadd.s32 $0xFFFFFC00, v15;
	[tilespmem:v29+s16+$0x0] =	vst.idx.add.s32.msk $0xffff, v2  }
0x201: {  	v7 =	vmin.u32 v7, v13;
	v13 =	vadd.s32 $0xFFFFFC00, v32;
	v15 =	vld [tilespmem:s31+$0xFFFFFFD0]  }
0x202: {  	v8 =	vadd.s32 $0xFFFFFC00, v8;
	s26 =	simm.s32 $0x40C0;
	v7 =	vmin.u32 v7, v13  }
0x203: {  	v11 =	vadd.s32 $0xFFFFFC00, v11;
	v7 =	vmin.u32 v7, v8;
	v8 =	vld [tilespmem:s26+$0xFFFFFFC0]  }
0x204: {  	v7 =	vmin.u32 v7, v11;
	v11 =	vadd.s32 $0xFFFFFC00, v31;
	[tilespmem:v23+s16+$0x0] =	vst.idx.add.s32.msk $0xffff, v2  }
0x205: {  	v7 =	vmin.u32 v7, v11;
	v11 =	vadd.s32 $0xFFFFFC00, v28;
	v13 =	vld [tilespmem:s31+$0x10]  }
0x206: {  	v9 =	vadd.s32 $0xFFFFFC00, v9;
	v7 =	vmin.u32 v7, v11;
	v11 =	vsub.s32 v15, v6  }
0x207: {  	v12 =	vadd.s32 $0xFFFFFC00, v12;
	v7 =	vmin.u32 v7, v9;
	v15 =	vld [tilespmem:s26+$0x0];
	v9 =	vmin.u32 v11, $0x400  }
0x208: {  	v23 =	vadd.s32 $0xFFFFFC00, v14;
	v14 =	vsub.s32 v8, v6;
	v8 =	vshll.u32 v9, $0x4  }
0x209: {  	v57 =	vadd.s32 $0xFFFFFC00, v35;
	v9 =	vmin.u32 v14, $0x400;
	v8 =	vadd.s32 v3, v8  }
0x20a: {  	v7 =	vmin.u32 v7, v23;
	v13 =	vsub.s32 v13, v6;
	v9 =	vshll.u32 v9, $0x4  }
0x20b: {  	v23 =	vadd.s32 $0xFFFFFC00, v30;
	v26 =	vmin.u32 v13, $0x400;
	v9 =	vor.u32 v1, v9  }
0x20c: {  	s24 =	simm.s32 $0x4140;
	v7 =	vmin.u32 v7, v23;
	v23 =	vsub.s32 v15, v6;
	v15 =	vshll.u32 v26, $0x4  }
0x20d: {  	v7 =	vmin.u32 v7, v57;
	v26 =	vld [tilespmem:s24+$0xFFFFFFC0];
	v58 =	vmin.u32 v23, $0x400;
	v15 =	vadd.s32 v3, v15  }
0x20e: {  	v7 =	vmin.u32 v7, v12;
	v12 =	vadd.s32 $0xFFFFFC00, v21;
	v21 =	vshll.u32 v58, $0x4;
	[tilespmem:v8+s16+$0x0] =	vst.idx.add.s32.msk $0xffff, v2  }
0x20f: {  	v7 =	vmin.u32 v7, v12;
	v8 =	vadd.s32 $0xFFFFFC00, v24;
	v12 =	vor.u32 v1, v21;
	v21 =	vld [tilespmem:s31+$0xFFFFFFE0]  }
0x210: {  	v7 =	vmin.u32 v7, v8;
	v8 =	vadd.s32 $0xFFFFFC00, v33;
	[tilespmem:v9+s16+$0x0] =	vst.idx.add.s32.msk $0xffff, v2  }
0x211: {  	v7 =	vmin.u32 v7, v8;
	v8 =	vadd.s32 $0xFFFFFC00, v10;
	v9 =	vld [tilespmem:s26+$0xFFFFFFD0]  }
0x212: {  	v10 =	vadd.s32 $0xFFFFFC00, v19;
	v7 =	vmin.u32 v7, v8;
	v8 =	vsub.s32 v26, v6;
	[tilespmem:v15+s16+$0x0] =	vst.idx.add.s32.msk $0xffff, v2  }
0x213: {  	v15 =	vadd.s32 $0xFFFFFC00, v17;
	v7 =	vmin.u32 v7, v10;
	v10 =	vmin.u32 v8, $0x400;
	v17 =	vld [tilespmem:s31+$0x20]  }
0x214: {  	v19 =	vadd.s32 $0xFFFFFC00, v22;
	v10 =	vshll.u32 v10, $0x4;
	[tilespmem:v12+s16+$0x0] =	vst.idx.add.s32.msk $0xffff, v2;
	v12 =	vsub.s32 v21, v6  }
0x215: {  	v7 =	vmin.u32 v7, v19;
	v10 =	vor.u32 v1, v10;
	v19 =	vld [tilespmem:s26+$0x10];
	v21 =	vmin.u32 v12, $0x400  }
0x216: {  	v18 =	vadd.s32 $0xFFFFFC00, v18;
	v24 =	vsub.s32 v9, v6;
	v9 =	vshll.u32 v21, $0x4  }
0x217: {  	s23 =	simm.s32 $0x41C0;
	v22 =	vadd.s32 $0xFFFFFC00, v34;
	v26 =	vld [tilespmem:s24+$0x0];
	v21 =	vmin.u32 v24, $0x400;
	v59 =	vadd.s32 v4, v9  }
0x218: {  	v7 =	vmin.u32 v7, v22;
	v22 =	vld [tilespmem:s23+$0xFFFFFFC0];
	v9 =	vshll.u32 v21, $0x4;
	v17 =	vsub.s32 v17, v6  }
0x219: {  	v7 =	vmin.u32 v7, v15;
	v15 =	vadd.s32 v3, v9;
	v9 =	vmin.u32 v17, $0x400  }
0x21a: {  	v20 =	vadd.s32 $0xFFFFFC00, v20;
	[tilespmem:v10+s16+$0x0] =	vst.idx.add.s32.msk $0xffff, v2;
	v60 =	vsub.s32 v19, v6;
	v9 =	vshll.u32 v9, $0x4  }
0x21b: {  	v7 =	vmin.u32 v7, v18;
	v10 =	vld [tilespmem:s24+$0xFFFFFFD0];
	v18 =	vmin.u32 v60, $0x400;
	v19 =	vadd.s32 v4, v9  }
0x21c: {  	v20 =	vmin.u32 v7, v20;
	v9 =	vsub.s32 v26, v6;
	v18 =	vshll.u32 v18, $0x4;
	[tilespmem:v59+s16+$0x0] =	vst.idx.add.s32.msk $0xffff, v2  }
0x21d: {  	v7 =	vsub.s32 v22, v6;
	v21 =	vmin.u32 v9, $0x400;
	v18 =	vadd.s32 v3, v18;
	v22 =	vld [tilespmem:s31+$0xFFFFFFF0]  }
0x21e: {  	v16 =	vadd.s32 $0xFFFFFC00, v16;
	v25 =	vadd.s32 $0xFFFFFC00, v25;
	v21 =	vshll.u32 v21, $0x4;
	[tilespmem:v15+s16+$0x0] =	vst.idx.add.s32.msk $0xffff, v2  }
0x21f: {  	v16 =	vmin.u32 v20, v16;
	v26 =	vmin.u32 v7, $0x400;
	v20 =	vor.u32 v1, v21;
	v21 =	vld [tilespmem:s26+$0xFFFFFFE0]  }
0x220: {  	v27 =	vadd.s32 $0xFFFFFC00, v27;
	v11 =	vadd.s32 $0xFFFFFC00, v11;
	v15 =	vshll.u32 v26, $0x4;
	[tilespmem:v19+s16+$0x0] =	vst.idx.add.s32.msk $0xffff, v2  }
0x221: {  	v26 =	vor.u32 v1, v15;
	v15 =	vsub.s32 v10, v6;
	v10 =	vmin.u32 v16, v25;
	v16 =	vld [tilespmem:s31+$0x30]  }
0x222: {  	v13 =	vadd.s32 $0xFFFFFC00, v13;
	v63 =	vadd.s32 $0xFFFFFC00, v23;
	v17 =	vadd.s32 $0xFFFFFC00, v17;
	[tilespmem:v18+s16+$0x0] =	vst.idx.add.s32.msk $0xffff, v2  }
0x223: {  	v10 =	vmin.u32 v10, v11;
	v11 =	vadd.s32 $0xFFFFFC00, v12;
	v12 =	vsub.s32 v22, v6;
	v18 =	vld [tilespmem:s26+$0x20]  }
0x224: {  	v10 =	vmin.u32 v10, v11;
	[tilespmem:v20+s16+$0x0] =	vst.idx.add.s32.msk $0xffff, v2;
	v11 =	vadd.s32 $0xFFFFFC00, v12;
	v20 =	vsub.s32 v21, v6  }
0x225: {  	v19 =	vmin.u32 v15, $0x400;
	v10 =	vmin.u32 v10, v11;
	v11 =	vld [tilespmem:s24+$0x10];
	v21 =	vmin.u32 v20, $0x400  }
0x226: {  	v19 =	vshll.u32 v19, $0x4;
	v10 =	vmin.u32 v10, v27;
	v21 =	vshll.u32 v21, $0x4  }
0x227: {  	s25 =	simm.s32 $0x4240;
	v22 =	vld [tilespmem:s23+$0x0];
	v16 =	vsub.s32 v16, v6;
	v10 =	vmin.u32 v10, v13;
	v21 =	vadd.s32 v4, v21  }
0x228: {  	v13 =	vadd.s32 $0xFFFFFC00, v16;
	v10 =	vmin.u32 v10, v17;
	v17 =	vld [tilespmem:s25+$0xFFFFFFC0];
	v25 =	vsub.s32 v18, v6  }
0x229: {  	v18 =	vadd.s32 v3, v19;
	v27 =	vmin.u32 v10, v13;
	v10 =	vmin.u32 v25, $0x400  }
0x22a: {  	v12 =	vmin.u32 v12, $0x400;
	[tilespmem:v26+s16+$0x0] =	vst.idx.add.s32.msk $0xffff, v2;
	v13 =	vsub.s32 v11, v6;
	v10 =	vshll.u32 v10, $0x4  }
0x22b: {  	v12 =	vshll.u32 v12, $0x4;
	v19 =	vld [tilespmem:s23+$0xFFFFFFD0];
	v26 =	vmin.u32 v13, $0x400;
	v61 =	vadd.s32 v4, v10  }
0x22c: {  	v20 =	vadd.s32 $0xFFFFFC00, v20;
	v11 =	vsub.s32 v22, v6;
	v22 =	vshll.u32 v26, $0x4;
	[tilespmem:v21+s16+$0x0] =	vst.idx.add.s32.msk $0xffff, v2  }
0x22d: {  	v10 =	vsub.s32 v17, v6;
	v17 =	vmin.u32 v11, $0x400;
	v21 =	vadd.s32 v3, v22;
	v22 =	vld [tilespmem:s26+$0xFFFFFFF0]  }
0x22e: {  	v16 =	vmin.u32 v16, $0x400;
	[tilespmem:v18+s16+$0x0] =	vst.idx.add.s32.msk $0xffff, v2;
	v26 =	vmin.u32 v10, $0x400;
	v17 =	vshll.u32 v17, $0x4  }
0x22f: {  	v16 =	vshll.u32 v16, $0x4;
	v18 =	vshll.u32 v26, $0x4;
	v17 =	vor.u32 v1, v17;
	v26 =	vld [tilespmem:s24+$0xFFFFFFE0]  }
0x230: {  	v62 =	vadd.s32 v5, v12;
	v12 =	vadd.s32 v5, v16;
	v16 =	vadd.s32 $0xFFFFFC00, v14;
	[tilespmem:v61+s16+$0x0] =	vst.idx.add.s32.msk $0xffff, v2  }
0x231: {  	v16 =	vmin.u32 v27, v16;
	v14 =	vsub.s32 v19, v6;
	v19 =	vadd.s32 $0xFFFFFC00, v24;
	v24 =	vld [tilespmem:s26+$0x30]  }
0x232: {  	v25 =	vadd.s32 $0xFFFFFC00, v25;
	v16 =	vmin.u32 v16, v19;
	[tilespmem:v21+s16+$0x0] =	vst.idx.add.s32.msk $0xffff, v2;
	v19 =	vsub.s32 v22, v6  }
0x233: {  	v27 =	vadd.s32 $0xFFFFFC00, v60;
	v20 =	vmin.u32 v16, v20;
	v21 =	vld [tilespmem:s24+$0x20];
	v22 =	vadd.s32 $0xFFFFFC00, v19  }
0x234: {  	v23 =	vmin.u32 v14, $0x400;
	[tilespmem:v17+s16+$0x0] =	vst.idx.add.s32.msk $0xffff, v2;
	v16 =	vsub.s32 v26, v6;
	v17 =	vmin.u32 v20, v22  }
0x235: {  	v18 =	vor.u32 v1, v18;
	v22 =	vld [tilespmem:s23+$0x10];
	v20 =	vmin.u32 v16, $0x400;
	v17 =	vmin.u32 v17, v63  }
0x236: {  	[tilespmem:v62+s16+$0x0] =	vst.idx.add.s32.msk $0xffff, v2;
	v26 =	vshll.u32 v20, $0x4;
	v27 =	vmin.u32 v17, v27;
	v20 =	vsub.s32 v24, v6  }
0x237: {  	s28 =	simm.s32 $0x42C0;
	s26 =	simm.s32 $0x200;
	v17 =	vld [tilespmem:s25+$0x0];
	v24 =	vadd.s32 v4, v26;
	v25 =	vmin.u32 v27, v25;
	v26 =	vadd.s32 $0xFFFFFC00, v20  }
.LBB2_12:
0x238: {  	v27 =	vld [tilespmem:s28+$0xFFFFFFC0];
	v23 =	vshll.u32 v23, $0x4;
	v28 =	vsub.s32 v21, v6;
	v21 =	vmin.u32 v25, v26  }
0x239: {  	v19 =	vmin.u32 v19, $0x400;
	v23 =	vadd.s32 v3, v23;
	v25 =	vmin.u32 v28, $0x400;
	[tilespmem:v12+s16+$0x0] =	vst.idx.add.s32.msk $0xffff, v2  }
0x23a: {  	[tilespmem:v18+s16+$0x0] =	vst.idx.add.s32.msk $0xffff, v2;
	v22 =	vsub.s32 v22, v6;
	v12 =	vshll.u32 v25, $0x4;
	v18 =	vmin.u32 v20, $0x400  }
0x23b: {  	v20 =	vld [tilespmem:s25+$0xFFFFFFD0];
	v25 =	vmin.u32 v22, $0x400;
	v26 =	vadd.s32 v4, v12;
	v12 =	vshll.u32 v19, $0x4  }
0x23c: {  	v18 =	vshll.u32 v18, $0x4;
	v17 =	vsub.s32 v17, v6;
	v19 =	vshll.u32 v25, $0x4;
	[tilespmem:v24+s16+$0x0] =	vst.idx.add.s32.msk $0xffff, v2  }
0x23d: {  	v24 =	vsub.s32 v27, v6;
	v25 =	vmin.u32 v17, $0x400;
	v19 =	vadd.s32 v3, v19;
	v27 =	vld [tilespmem:s24+$0xFFFFFFF0]  }
0x23e: {  	v30 =	vadd.s32 v5, v12;
	v29 =	vmin.u32 v24, $0x400;
	v25 =	vshll.u32 v25, $0x4;
	[tilespmem:v23+s16+$0x0] =	vst.idx.add.s32.msk $0xffff, v2  }
0x23f: {  	v12 =	vadd.s32 v5, v18;
	v23 =	vshll.u32 v29, $0x4;
	v25 =	vor.u32 v1, v25;
	v29 =	vld [tilespmem:s23+$0xFFFFFFE0]  }
0x240: {  	v31 =	vadd.s32 $0xFFFFFC00, v9;
	v9 =	vmovc v11;
	v18 =	vor.u32 v1, v23;
	v23 =	vadd.s32 $0xFFFFFC00, v8;
	[tilespmem:v26+s16+$0x0] =	vst.idx.add.s32.msk $0xffff, v2  }
0x241: {  	s26 =	sadd.s32 $0x80, s26;
	v15 =	vadd.s32 $0xFFFFFC00, v15;
	v11 =	vmovc v17;
	v32 =	vsub.s32 v20, v6;
	v8 =	vmovc v7;
	v20 =	vmin.u32 v21, v23;
	v26 =	vld [tilespmem:s24+$0x30];
	s24 =	smov.u32 s23;
	s23 =	smov.u32 s25  }
0x242: {  	p0 =	slt.u32 s26, $0x3F80;
	s25 =	smov.u32 s28;
	[tilespmem:v19+s16+$0x0] =	vst.idx.add.s32.msk $0xffff, v2;
	v23 =	vmin.u32 v20, v15;
	v15 =	vadd.s32 $0xFFFFFC00, v16;
	v19 =	vsub.s32 v27, v6  }
.Ltmp5:
0x243: {  	v7 =	vmovc v10;
	v20 =	vadd.s32 $0xFFFFFC00, v13;
	v13 =	vmovc v22;
	v21 =	vld [tilespmem:s24+$0x20];
	v33 =	vmin.u32 v23, v15;
	v17 =	vadd.s32 $0xFFFFFC00, v19;
	(pc) =	sbr.rel @p0 .LBB2_12-.Ltmp5, $4  }
0x244: {  	v23 =	vmin.u32 v32, $0x400;
	[tilespmem:v25+s16+$0x0] =	vst.idx.add.s32.msk $0xffff, v2;
	v16 =	vsub.s32 v29, v6;
	v29 =	vmin.u32 v33, v17  }
0x245: {  	v10 =	vmovc v24;
	v27 =	vadd.s32 $0xFFFFFC00, v28;
	v22 =	vld [tilespmem:s23+$0x10];
	v17 =	vmin.u32 v16, $0x400;
	v25 =	vmin.u32 v29, v31;
	v15 =	vmovc v14  }
0x246: {  	v28 =	vshll.u32 v17, $0x4;
	v25 =	vmin.u32 v25, v20;
	v20 =	vsub.s32 v26, v6;
	[tilespmem:v30+s16+$0x0] =	vst.idx.add.s32.msk $0xffff, v2  }
0x247: {  	s28 =	sadd.s32 $0x80, s28;
	v14 =	vmovc v32;
	v17 =	vld [tilespmem:s25+$0x0];
	v24 =	vadd.s32 v4, v28;
	v25 =	vmin.u32 v25, v27;
	v26 =	vadd.s32 $0xFFFFFC00, v20  }
0x248: {  	_ =	sdelay $0x3  }
0x249: {  	v17 =	vsub.s32 v17, v6  }
0x24a: {  	v27 =	vmin.u32 v17, $0x400  }
0x24b: {  	v27 =	vshll.u32 v27, $0x4  }
0x24c: {  	v27 =	vor.u32 v1, v27;
	_ =	sdelay $0x2  }
0x24d: {  	[tilespmem:v18+s16+$0x0] =	vst.idx.add.s32.msk $0xffff, v2  }
0x24e: {  	v38 =	vshll.u32 v23, $0x4;
	v39 =	vld [tilespmem:s25+$0xFFFFFFD0]  }
0x24f: {  	v21 =	vsub.s32 v21, v6;
	v18 =	vadd.s32 v3, v38;
	[tilespmem:v27+s16+$0x0] =	vst.idx.add.s32.msk $0xffff, v2  }
0x250: {  	v28 =	vmin.u32 v21, $0x400;
	v22 =	vsub.s32 v22, v6;
	v41 =	vld [tilespmem:s25+$0x10]  }
0x251: {  	v40 =	vshll.u32 v28, $0x4;
	v29 =	vmin.u32 v22, $0x400  }
0x252: {  	v29 =	vshll.u32 v29, $0x4;
	v27 =	vadd.s32 v4, v40  }
0x253: {  	[tilespmem:v24+s16+$0x0] =	vst.idx.add.s32.msk $0xffff, v2;
	v42 =	vadd.s32 v3, v29;
	v23 =	vsub.s32 v39, v6  }
0x254: {  	[tilespmem:v18+s16+$0x0] =	vst.idx.add.s32.msk $0xffff, v2;
	v43 =	vmin.u32 v23, $0x400  }
0x255: {  	v44 =	vld [tilespmem:s23+$0xFFFFFFE0];
	v18 =	vshll.u32 v43, $0x4;
	v28 =	vsub.s32 v41, v6  }
0x256: {  	v30 =	vld [tilespmem:s24+$0xFFFFFFF0];
	v18 =	vadd.s32 v3, v18;
	v45 =	vmin.u32 v28, $0x400  }
0x257: {  	[tilespmem:v27+s16+$0x0] =	vst.idx.add.s32.msk $0xffff, v2;
	v27 =	vshll.u32 v45, $0x4  }
0x258: {  	v25 =	vmin.u32 v25, v26;
	v8 =	vadd.s32 $0xFFFFFC00, v8;
	[tilespmem:v42+s16+$0x0] =	vst.idx.add.s32.msk $0xffff, v2;
	v46 =	vadd.s32 v3, v27  }
0x259: {  	v19 =	vmin.u32 v19, $0x400;
	v15 =	vadd.s32 $0xFFFFFC00, v15;
	v20 =	vmin.u32 v20, $0x400;
	v47 =	vld [tilespmem:s23+$0x20]  }
0x25a: {  	v16 =	vadd.s32 $0xFFFFFC00, v16;
	v9 =	vadd.s32 $0xFFFFFC00, v9;
	v48 =	vsub.s32 v44, v6  }
0x25b: {  	v13 =	vadd.s32 $0xFFFFFC00, v13;
	v8 =	vmin.u32 v25, v8;
	v49 =	vmin.u32 v48, $0x400;
	[tilespmem:v18+s16+$0x0] =	vst.idx.add.s32.msk $0xffff, v2  }
0x25c: {  	v8 =	vmin.u32 v8, v15;
	v50 =	vsub.s32 v30, v6;
	v51 =	vshll.u32 v49, $0x4;
	v52 =	vld [tilespmem:s25+$0xFFFFFFE0]  }
0x25d: {  	v8 =	vmin.u32 v8, v16;
	v53 =	vadd.s32 $0xFFFFFC00, v50;
	v16 =	vadd.s32 v4, v51;
	[tilespmem:v46+s16+$0x0] =	vst.idx.add.s32.msk $0xffff, v2  }
0x25e: {  	v7 =	vadd.s32 $0xFFFFFC00, v7;
	v8 =	vmin.u32 v8, v53;
	v54 =	vsub.s32 v47, v6;
	v55 =	vld [tilespmem:s25+$0x20]  }
0x25f: {  	v11 =	vadd.s32 $0xFFFFFC00, v11;
	v8 =	vmin.u32 v8, v9;
	v9 =	vmin.u32 v54, $0x400;
	v15 =	vld [tilespmem:s24+$0x30]  }
0x260: {  	v10 =	vadd.s32 $0xFFFFFC00, v10;
	v19 =	vshll.u32 v19, $0x4;
	v9 =	vshll.u32 v9, $0x4  }
0x261: {  	v8 =	vmin.u32 v8, v13;
	v9 =	vadd.s32 v4, v9;
	v13 =	vsub.s32 v52, v6  }
0x262: {  	v20 =	vshll.u32 v20, $0x4;
	v21 =	vadd.s32 $0xFFFFFC00, v21;
	[tilespmem:v16+s16+$0x0] =	vst.idx.add.s32.msk $0xffff, v2;
	v56 =	vmin.u32 v13, $0x400  }
0x263: {  	v19 =	vadd.s32 v5, v19;
	v58 =	vld [tilespmem:s23+$0xFFFFFFF0];
	v16 =	vshll.u32 v56, $0x4;
	v25 =	vsub.s32 v55, v6  }
0x264: {  	v15 =	vsub.s32 v15, v6;
	v16 =	vadd.s32 v4, v16;
	v59 =	vmin.u32 v25, $0x400  }
0x265: {  	v8 =	vmin.u32 v8, v21;
	v57 =	vadd.s32 $0xFFFFFC00, v15;
	v18 =	vshll.u32 v59, $0x4  }
0x266: {  	[tilespmem:v9+s16+$0x0] =	vst.idx.add.s32.msk $0xffff, v2;
	v9 =	vmin.u32 v15, $0x400;
	v8 =	vmin.u32 v8, v57;
	v15 =	vadd.s32 v4, v18  }
0x267: {  	v20 =	vadd.s32 v5, v20;
	v7 =	vmin.u32 v8, v7;
	v8 =	vadd.s32 $0xFFFFFC00, v14;
	v14 =	vld [tilespmem:s23+$0x30]  }
0x268: {  	v21 =	vsub.s32 v58, v6;
	v7 =	vmin.u32 v7, v8;
	v8 =	vadd.s32 $0xFFFFFC00, v48  }
0x269: {  	v27 =	vmin.u32 v50, $0x400;
	v7 =	vmin.u32 v7, v8;
	v8 =	vadd.s32 $0xFFFFFC00, v21;
	[tilespmem:v16+s16+$0x0] =	vst.idx.add.s32.msk $0xffff, v2  }
0x26a: {  	v62 =	vadd.s32 $0xFFFFFC00, v22;
	v60 =	vshll.u32 v27, $0x4;
	v7 =	vmin.u32 v7, v8;
	v8 =	vld [tilespmem:s25+$0xFFFFFFF0]  }
0x26b: {  	v61 =	vadd.s32 v5, v60;
	v9 =	vshll.u32 v9, $0x4;
	v7 =	vmin.u32 v7, v11;
	[tilespmem:v15+s16+$0x0] =	vst.idx.add.s32.msk $0xffff, v2  }
0x26c: {  	v11 =	vadd.s32 $0xFFFFFC00, v54;
	v7 =	vmin.u32 v7, v62;
	v14 =	vsub.s32 v14, v6;
	v15 =	vld [tilespmem:s25+$0x30]  }
0x26d: {  	v63 =	vmin.u32 v21, $0x400;
	v7 =	vmin.u32 v7, v11;
	v11 =	vadd.s32 $0xFFFFFC00, v14  }
0x26e: {  	v7 =	vmin.u32 v7, v11;
	v11 =	vmin.u32 v14, $0x400;
	v14 =	vshll.u32 v63, $0x4  }
0x26f: {  	v9 =	vadd.s32 v5, v9;
	v11 =	vshll.u32 v11, $0x4;
	v14 =	vadd.s32 v5, v14  }
0x270: {  	v7 =	vmin.u32 v7, v10;
	v8 =	vsub.s32 v8, v6;
	v10 =	vadd.s32 $0xFFFFFC00, v23  }
0x271: {  	[tilespmem:v12+s16+$0x0] =	vst.idx.add.s32.msk $0xffff, v2;
	v11 =	vadd.s32 v5, v11;
	v12 =	vmin.u32 v8, $0x400;
	v6 =	vsub.s32 v15, v6  }
0x272: {  	[tilespmem:v19+s16+$0x0] =	vst.idx.add.s32.msk $0xffff, v2;
	v7 =	vmin.u32 v7, v10;
	v12 =	vshll.u32 v12, $0x4;
	v10 =	vmin.u32 v6, $0x400  }
0x273: {  	[tilespmem:v20+s16+$0x0] =	vst.idx.add.s32.msk $0xffff, v2;
	v13 =	vadd.s32 $0xFFFFFC00, v13;
	v12 =	vadd.s32 v5, v12;
	v10 =	vshll.u32 v10, $0x4  }
0x274: {  	[tilespmem:v61+s16+$0x0] =	vst.idx.add.s32.msk $0xffff, v2;
	v8 =	vadd.s32 $0xFFFFFC00, v8;
	v7 =	vmin.u32 v7, v13;
	v10 =	vadd.s32 v5, v10  }
0x275: {  	[tilespmem:v9+s16+$0x0] =	vst.idx.add.s32.msk $0xffff, v2;
	v9 =	vadd.s32 $0xFFFFFC00, v17;
	v7 =	vmin.u32 v7, v8  }
0x276: {  	v8 =	vadd.s32 $0xFFFFFC00, v28;
	v7 =	vmin.u32 v7, v9;
	[tilespmem:v14+s16+$0x0] =	vst.idx.add.s32.msk $0xffff, v2  }
0x277: {  	v9 =	vadd.s32 $0xFFFFFC00, v25;
	v7 =	vmin.u32 v7, v8;
	[tilespmem:v11+s16+$0x0] =	vst.idx.add.s32.msk $0xffff, v2  }
0x278: {  	v7 =	vmin.u32 v7, v9;
	[tilespmem:v12+s16+$0x0] =	vst.idx.add.s32.msk $0xffff, v2;
	v6 =	vadd.s32 $0xFFFFFC00, v6  }
0x279: {  	v6 =	vmin.u32 v7, v6;
	[tilespmem:v10+s16+$0x0] =	vst.idx.add.s32.msk $0xffff, v2  }
0x27a: {  	s24 =	simm.s32 $0x0;
	s23 =	simm.s32 $0x0;
	[tilespmem:$0x1C300] =	vst v6  }
0x27b: {  	s31 =	sand.u32 $0x7FC0, s24;
	v6 =	vld [tilespmem:s23+$0x8080]  }
0x27c: {  	v7 =	vld [tilespmem:s31+$0xC100]  }
0x27d: {  	v8 =	vld [tilespmem:s31+$0x10180]  }
0x27e: {  	v9 =	vld [tilespmem:s31+$0x14200]  }
0x27f: {  	v11 =	vld [tilespmem:s23+$0x8090]  }
0x280: {  	v12 =	vld [tilespmem:s23+$0xC110]  }
0x281: {  	v13 =	vld [tilespmem:s23+$0x80A0]  }
0x282: {  	v14 =	vld [tilespmem:s23+$0xC120]  }
0x283: {  	v15 =	vld [tilespmem:s23+$0x80B0]  }
0x284: {  	v16 =	vld [tilespmem:s23+$0xC130]  }
0x285: {  	v10 =	vld [tilespmem:s23+$0x10190]  }
0x286: {  	v7 =	vadd.s32 v6, v7;
	v6 =	vld [tilespmem:s23+$0x101A0]  }
0x287: {  	v8 =	vadd.s32 v8, v7;
	v7 =	vld [tilespmem:s23+$0x101B0]  }
0x288: {  	v8 =	vadd.s32 v9, v8;
	v9 =	vld [tilespmem:s23+$0x14210]  }
0x289: {  	s25 =	simm.s32 $0x100;
	v12 =	vadd.s32 v11, v12;
	v11 =	vadd.s32 v13, v14;
	v13 =	vadd.s32 v15, v16;
	[tilespmem:s23+$0x18280] =	vst v8;
	v8 =	vld [tilespmem:s23+$0x14220]  }
.LBB2_14:
0x28a: {  	s24 =	sadd.s32 $0x40, s24;
	s26 =	sshra.s32 s25, $0x2;
	v10 =	vadd.s32 v10, v12;
	v12 =	vld [tilespmem:s23+$0x14230]  }
0x28b: {  	v14 =	vld [tilespmem:s26+$0x8080];
	s28 =	sand.u32 $0x7FC0, s24;
	p0 =	slt.u32 s24, $0x4040;
	v6 =	vadd.s32 v6, v11  }
0x28c: {  	v11 =	vld [tilespmem:s28+$0xC100];
	v7 =	vadd.s32 v7, v13  }
0x28d: {  	v13 =	vld [tilespmem:s28+$0x10180];
	v9 =	vadd.s32 v9, v10  }
0x28e: {  	v10 =	vld [tilespmem:s28+$0x14200];
	[tilespmem:s23+$0x18290] =	vst v9;
	v6 =	vadd.s32 v8, v6  }
0x28f: {  	v8 =	vld [tilespmem:s26+$0x8090];
	[tilespmem:s23+$0x182A0] =	vst v6;
	v6 =	vadd.s32 v12, v7  }
0x290: {  	v7 =	vld [tilespmem:s26+$0xC110];
	[tilespmem:s23+$0x182B0] =	vst v6;
	s23 =	smov.u32 s26  }
0x291: {  	v6 =	vadd.s32 v14, v11;
	v9 =	vld [tilespmem:s23+$0x80A0]  }
0x292: {  	v6 =	vadd.s32 v13, v6;
	v11 =	vld [tilespmem:s23+$0xC120]  }
0x293: {  	v6 =	vadd.s32 v10, v6;
	v13 =	vld [tilespmem:s23+$0x80B0]  }
0x294: {  	[tilespmem:s23+$0x18280] =	vst v6;
	v14 =	vld [tilespmem:s23+$0xC130]  }
.Ltmp6:
0x295: {  	v12 =	vadd.s32 v8, v7;
	v10 =	vld [tilespmem:s23+$0x10190];
	(pc) =	sbr.rel @p0 .LBB2_14-.Ltmp6, $4  }
0x296: {  	v6 =	vld [tilespmem:s23+$0x101A0]  }
0x297: {  	v11 =	vadd.s32 v9, v11;
	v7 =	vld [tilespmem:s23+$0x101B0]  }
0x298: {  	v9 =	vld [tilespmem:s23+$0x14210]  }
0x299: {  	s25 =	sadd.s32 $0x100, s25;
	v8 =	vld [tilespmem:s23+$0x14220];
	v13 =	vadd.s32 v13, v14  }
0x29a: {  	v14 =	vld [tilespmem:s23+$0x14230];
	_ =	sdelay $0x1  }
0x29b: {  	v10 =	vadd.s32 v10, v12  }
0x29c: {  	v6 =	vadd.s32 v6, v11;
	v9 =	vadd.s32 v9, v10  }
0x29d: {  	v7 =	vadd.s32 v7, v13;
	[tilespmem:s23+$0x18290] =	vst v9;
	v6 =	vadd.s32 v8, v6  }
0x29e: {  	[tilespmem:s23+$0x182A0] =	vst v6;
	v6 =	vadd.s32 v14, v7  }
0x29f: {  	[tilespmem:s23+$0x182B0] =	vst v6  }
0x2a0: {  	[hbm4b:s9+s18] =	stream.strided.scatter [tilespmem:s20], [sflag:$0x3], $0x4080, s19, s18, $0x38;
	[tilespmem:$0x1C380] =	vst v63  }
0x2a1: {  	s22 =	sadd.s32 $0x1, s22;
	_ =	swait.ge [sflag:s13], $0x4080  }
0x2a2: {  	p0 =	sne.s32 s22, s11;
	[sflag:s13] =	ssyncset.done $0x0  }
.Ltmp7:
0x2a3: {  	[sflag:s13] =	ssyncadd.s32 $0xFFFFBF80;
	(pc) =	sbr.rel @p0 .LBB2_1-.Ltmp7, $4  }
0x2a4: {  	[hbm4b:s10+s3] =	stream.linear.scatter [tilespmem:s21], [sflag:$0x3], $0x80, $0x38;
	[tilespmem:$0x1C380] =	vst v63  }
0x2a5: {  	_ =	swait.ge [sflag:s13], $0x80  }
0x2a6: {  	[sflag:s13] =	ssyncset.done $0x0  }
0x2a7: {  	[sflag:s13] =	ssyncadd.s32 $0xFFFFFF80  }
0x2a8: {  	_ =	sfence.sel $0x180000  }
0x2a9: {  	[bflag:$0x0] =	sbarrier.arrive $0xFFFF  }
0x2aa: {  	p0 =	sne.s32 s0, $0x0;
	_ =	strace $0x9000004D  }
0x2ab: {  	s0 =	sadd.s32 @!p0 $0x100000, s1;
	[bflag:$0x2] =	sbarrier.arrive $0xFFFF  }
0x2ac: {  	[sflag:s0] =	ssyncadd.tile.s32 @!p0 $0x1;
	_ =	shalt  }
.Lfunc_end2:
_tile_overlayer_lowered:
.L_overlay_start_2:
0x2ad: {  	(tag) =	ssettag $0x2  }
0x2ae: {  	s0 =	rddreg [dreg:$0x0];
	s2 =	stileid.u32  }
0x2af: {  	s1 =	rddreg [dreg:$0x1];
	p0 =	sne.s32 s2, $0x0  }
0x2b0: {  	s3 =	rddreg [dreg:$0x2];
	[bflag:$0x3] =	sbarrier.arrive $0xFFFF;
	s2 =	simm.s32 @!p0 $0x1C03  }
0x2b1: {  	[timem:s3], [sflag:s2] =	dma.local @!p0 [hbm:s0], s1  }
0x2b2: {  	s0 =	simm.s32 @!p0 $0x3  }
0x2b3: {  	_ =	swait.ge @!p0 [sflag:s0], s1  }
0x2b4: {  	s1 =	ssub.s32 @!p0 $0x0, s1;
	[sflag:s0] =	ssyncset.done @!p0 $0x0  }
0x2b5: {  	[sflag:s0] =	ssyncadd.s32 @!p0 s1  }
0x2b6: {  	[bflag:$0x3] =	sbarrier.arrive $0xFFFF  }
0x2b7: {  	_ =	shalt  }

// kernel: kernel.7.cloned.1.call-start
scs
__scs_entry_jumppad:
0x0: {  	(pc) =	sbr.rel $0x88, $3  }
0x1: {  	(tag) =	ssettag $0x0;
	lr =	simm.s32 $0x1  }
0x2: {  	[smem:$0x3FA0] =	sst lr;
	_ =	strace $0xD0000000  }
0x3: {  	_ = 	snop  }
0x4: {  	_ = 	snop  }
0x5: {  	_ = 	snop  }
0x6: {  	_ = 	snop  }
0x7: {  	_ = 	snop  }
__scs_overlays_trampoline_lowered:
0x8: {  	[smem:$0x3FAF] =	sst s0  }
0x9: {  	[smem:$0x3FB0] =	sst s1  }
0xa: {  	[smem:$0x3FB1] =	sst s2  }
0xb: {  	[smem:$0x3FB2] =	sst s3  }
0xc: {  	[smem:$0x3FB3] =	sst s4  }
0xd: {  	[smem:$0x3FB4] =	sst s5  }
0xe: {  	[smem:$0x3FB5] =	sst s6  }
0xf: {  	[smem:$0x3FB6] =	sst s7  }
0x10: {  	[smem:$0x3FB7] =	sst s8  }
0x11: {  	[smem:$0x3FB8] =	sst s9;
	s0 =	simm.s32 @!p0 $0x0  }
0x12: {  	s1 =	sld [smem:$0x3F9E];
	s0 =	simm.s32 @p0 $0x1  }
0x13: {  	[smem:$0x3FB9] =	sst s0;
	s0 =	simm.s32 @!p1 $0x0  }
0x14: {  	s2 =	sld [smem:$0x3F9D];
	s0 =	simm.s32 @p1 $0x1  }
0x15: {  	[smem:$0x3FBA] =	sst s0;
	s0 =	simm.s32 @!p2 $0x0  }
0x16: {  	s3 =	sld [smem:$0x3FDB];
	s0 =	simm.s32 @p2 $0x1  }
0x17: {  	s4 =	simm.s32 $0x1BF5;
	[smem:$0x3FBC] =	sst s0  }
0x18: {  	s0 =	sld [smem:$0x3F9F];
	_ =	swait.ge [sflag:s4], $0x0  }
0x19: {  	s7 =	sld [smem:$0x3FA0]  }
0x1a: {  	s8 =	sadd.s32 $0xFFFFE003, lr  }
0x1b: {  	s9 =	sadd.s32 $0xFFFFFEF7, lr;
	s5 =	simm.s32 $0xFFFFFFFF;
	p2 =	slt.u32 s8, $0xFFFFF086  }
0x1c: {  	p1 =	slt.u32 s9, $0xF7A;
	s5 =	simm.s32 @!p2 $0x0  }
0x1d: {  	s5 =	simm.s32 @p1 $0x1;
	p0 =	seq.s32 s7, s2  }
0x1e: {  	s7 =	smul.u32 @!p0 $0xF7A, s2;
	p2 =	seq.s32 @!p0 s5, $0x0  }
0x1f: {  	s9 =	smul.u32 $0xF7A, s1;
	s8 =	simm.s32 @!p0 $0x1BF5;
	p2 =	por !p2, p0  }
0x20: {  	[sflag:s8] =	ssyncset.s32 @!p0 $0xFFFFF086;
	s6 =	sadd.s32 @!p0 s3, s7;
	s7 =	simm.s32 @!p0 $0x108  }
0x21: {  	s3 =	sadd.s32 s3, s9;
	s6 =	sadd.s32 @!p0 $0x88, s6;
	s7 =	simm.s32 @p2 $0x1082  }
0x22: {  	[simem:s7], [sflag:s8] =	dma.local @!p0 [hbm:s6], $0xF7A  }
0x23: {  	s9 =	sor.u32 $0xD0000000, s2;
	s6 =	simm.s32 $0x108;
	_ =	swait.ge @!p0 [sflag:s8], $0x0  }
0x24: {  	s3 =	sadd.s32 $0x88, s3;
	s6 =	simm.s32 @!p1 $0x1082;
	[sflag:s4] =	ssyncset.s32 $0xFFFFF086  }
0x25: {  	[simem:s6], [sflag:s4] =	dma.local [hbm:s3], $0xF7A  }
0x26: {  	[smem:$0x3FA0] =	sst s1;
	(tag) =	ssettag s2;
	_ =	strace s9  }
0x27: {  	s1 =	sld [smem:$0x3FB0]  }
0x28: {  	s2 =	sld [smem:$0x3FB1]  }
0x29: {  	s4 =	sld [smem:$0x3FB3]  }
0x2a: {  	p0 =	seq.s32 s5, $0x0;
	s5 =	sld [smem:$0x3FB4]  }
0x2b: {  	s6 =	sld [smem:$0x3FB5]  }
0x2c: {  	s7 =	sld [smem:$0x3FB6]  }
0x2d: {  	s3 =	simm.s32 $0x108;
	s8 =	sld [smem:$0x3FB7]  }
0x2e: {  	s3 =	simm.s32 @!p0 $0x1082;
	s9 =	sld [smem:$0x3FB8]  }
0x2f: {  	lr =	sadd.s32 s0, s3;
	s0 =	sld [smem:$0x3FAF]  }
0x30: {  	s3 =	sld [smem:$0x3FB2]  }
0x31: {  	[smem:$0x3FBB] =	sst s10  }
0x32: {  	s10 =	sld [smem:$0x3FB9];
	_ =	sdelay $0x3  }
0x33: {  	p0 =	seq.s32 s10, $0x1;
	s10 =	sld [smem:$0x3FBB];
	_ =	sdelay $0x3  }
0x34: {  	[smem:$0x3FBB] =	sst s10  }
0x35: {  	s10 =	sld [smem:$0x3FBA];
	_ =	sdelay $0x3  }
0x36: {  	p1 =	seq.s32 s10, $0x1;
	s10 =	sld [smem:$0x3FBB];
	_ =	sdelay $0x3  }
0x37: {  	[smem:$0x3FBB] =	sst s10  }
0x38: {  	s10 =	sld [smem:$0x3FBC]  }
0x39: {  	_ = 	snop;
	(pc) =	sbr.ind lr, $3  }
0x3a: {  	_ = 	snop  }
0x3b: {  	_ = 	snop  }
0x3c: {  	p2 =	seq.s32 s10, $0x1;
	s10 =	sld [smem:$0x3FBB]  }
0x3d: {  	_ =	shalt  }
0x3e: {  	_ =	shalt  }
0x3f: {  	_ =	shalt  }
0x40: {  	_ =	shalt  }
0x41: {  	_ =	shalt  }
0x42: {  	_ =	shalt  }
0x43: {  	_ =	shalt  }
0x44: {  	_ =	shalt  }
0x45: {  	_ =	shalt  }
0x46: {  	_ =	shalt  }
0x47: {  	_ =	shalt  }
0x48: {  	_ =	shalt  }
0x49: {  	_ =	shalt  }
0x4a: {  	_ =	shalt  }
0x4b: {  	_ =	shalt  }
0x4c: {  	_ =	shalt  }
0x4d: {  	_ =	shalt  }
0x4e: {  	_ =	shalt  }
0x4f: {  	_ =	shalt  }
0x50: {  	_ =	shalt  }
0x51: {  	_ =	shalt  }
0x52: {  	_ =	shalt  }
0x53: {  	_ =	shalt  }
0x54: {  	_ =	shalt  }
0x55: {  	_ =	shalt  }
0x56: {  	_ =	shalt  }
0x57: {  	_ =	shalt  }
0x58: {  	_ =	shalt  }
0x59: {  	_ =	shalt  }
0x5a: {  	_ =	shalt  }
0x5b: {  	_ =	shalt  }
0x5c: {  	_ =	shalt  }
0x5d: {  	_ =	shalt  }
0x5e: {  	_ =	shalt  }
0x5f: {  	_ =	shalt  }
0x60: {  	_ =	shalt  }
0x61: {  	_ =	shalt  }
0x62: {  	_ =	shalt  }
0x63: {  	_ =	shalt  }
0x64: {  	_ =	shalt  }
0x65: {  	_ =	shalt  }
0x66: {  	_ =	shalt  }
0x67: {  	_ =	shalt  }
0x68: {  	_ =	shalt  }
0x69: {  	_ =	shalt  }
0x6a: {  	_ =	shalt  }
0x6b: {  	_ =	shalt  }
0x6c: {  	_ =	shalt  }
0x6d: {  	_ =	shalt  }
0x6e: {  	_ =	shalt  }
0x6f: {  	_ =	shalt  }
0x70: {  	_ =	shalt  }
0x71: {  	_ =	shalt  }
0x72: {  	_ =	shalt  }
0x73: {  	_ =	shalt  }
0x74: {  	_ =	shalt  }
0x75: {  	_ =	shalt  }
0x76: {  	_ =	shalt  }
0x77: {  	_ =	shalt  }
0x78: {  	_ =	shalt  }
0x79: {  	_ =	shalt  }
0x7a: {  	_ =	shalt  }
0x7b: {  	_ =	shalt  }
0x7c: {  	_ =	shalt  }
0x7d: {  	_ =	shalt  }
0x7e: {  	_ =	shalt  }
0x7f: {  	_ =	shalt  }
0x80: {  	_ =	shalt  }
0x81: {  	_ =	shalt  }
0x82: {  	_ =	shalt  }
0x83: {  	_ =	shalt  }
0x84: {  	_ =	shalt  }
0x85: {  	_ =	shalt  }
0x86: {  	_ =	shalt  }
0x87: {  	_ =	shalt  }
.Lfunc_end0:
.L_simem_size_0:
called_computation_lowered:
.L_overlay_start_0:
0x88: {  	s2 =	sld [smem:$0x3FD9]  }
0x89: {  	s3 =	sld [smem:$0x3FFE];
	_ =	sdelay $0x1  }
0x8a: {  	s1 =	srdreg.scid  }
0x8b: {  	s0 =	sand.u32 $0x1, s1  }
0x8c: {  	s17 =	sshll.u32 s0, $0xA;
	s2 =	sadd.s32 s3, s2  }
0x8d: {  	s2 =	sadd.s32 s2, s17  }
0x8e: {  	[smem:$0x3FC7] =	sst s2  }
0x8f: {  	_ = 	snop  }
0x90: {  	s2 =	sld [smem:$0x3FD0];
	(tm) =	ssettm $0x1  }
0x91: {  	s18 =	sld [smem:$0x3FFB];
	_ =	sdelay $0x3  }
0x92: {  	_ =	strace s18  }
0x93: {  	s3 =	sld [smem:$0x3FFC];
	_ =	sdelay $0x3  }
0x94: {  	_ =	strace s3  }
0x95: {  	s3 =	sld [smem:$0x3FFD];
	_ =	sdelay $0x3  }
0x96: {  	_ =	strace s3  }
0x97: {  	_ =	strace $0x8FFFFFFF  }
0x98: {  	s19 =	sld [smem:$0x3FDB];
	_ =	sdelay $0x1  }
0x99: {  	s4 =	simm.s32 $_scs_section_size  }
0x9a: {  	s5 =	simm.s32 $_size__tile_overlayer_lowered;
	s6 =	simm.s32 $_tile_overlayer_lowered  }
0x9b: {  	s22 =	simm.s32 $0x1BFF;
	s21 =	sshll.u32 s6, $0x1;
	s3 =	sadd.s32 s4, s19  }
0x9c: {  	s7 =	simm.s32 $0x0;
	s20 =	sshll.u32 s5, $0x1;
	s5 =	sadd.s32 s21, s3  }
0x9d: {  	[timem:s7], [sflag:s22] =	dma.local [hbm:s5], s20  }
0x9e: {  	_ =	swait.ge [sflag:s22], s20  }
0x9f: {  	s4 =	ssub.s32 $0x0, s20;
	[sflag:s22] =	ssyncset.done $0x0  }
0xa0: {  	[sflag:s22] =	ssyncadd.s32 s4;
	_ =	sdelay $0x1  }
0xa1: {  	s23 =	simm.s32 $0x1B8B  }
0xa2: {  	_ =	swait.ge [sflag:s23], $0x1  }
0xa3: {  	[sflag:s23] =	ssyncset.done $0x0  }
0xa4: {  	s25 =	simm.s32 $0x1B8E;
	s24 =	sld [smem:$0x3FFE];
	[sflag:s23] =	ssyncadd.s32 $0xFFFFFFFF  }
0xa5: {  	s26 =	simm.s32 $execute0_lowered;
	[smem:$0x3FD2] =	sst s25  }
0xa6: {  	s5 =	sshll.u32 s26, $0x1;
	_ =	strace $0x80000046;
	[dreg:$0x1] =	wrdreg $0xFFFFFFFF  }
0xa7: {  	s28 =	simm.s32 $_size_execute0_lowered;
	s3 =	sadd.s32 s3, s5;
	[dreg:$0x0] =	wrdreg $0x0  }
0xa8: {  	s5 =	sshll.u32 s28, $0x1;
	[dreg:$0x2] =	wrdreg s3  }
0xa9: {  	[dreg:$0x3] =	wrdreg s5  }
0xaa: {  	[dreg:$0x4] =	wrdreg $0xC0  }
0xab: {  	_ =	task [dreg:s7], $0x5FFFF  }
0xac: {  	[dreg:$0x1] =	wrdreg $0xFFFFFFFF  }
0xad: {  	[dreg:$0x0] =	wrdreg $0x60  }
0xae: {  	[dreg:$0x2] =	wrdreg s2  }
0xaf: {  	[dreg:$0x3] =	wrdreg s24  }
0xb0: {  	[dreg:$0x4] =	wrdreg $0x9  }
0xb1: {  	_ =	task.clear_ibuf [dreg:s7], $0x5FFFF;
	_ =	strace $0x90000046  }
0xb2: {  	s29 =	simm.s32 $0x9;
	_ =	strace $0x80000048  }
0xb3: {  	_ =	swait.ge [sflag:s29], $0x1  }
0xb4: {  	[sflag:s29] =	ssyncadd.s32 $0xFFFFFFFF  }
0xb5: {  	_ =	strace $0x90000048  }
0xb6: {  	_ =	sfence  }
0xb7: {  	s30 =	sld [smem:$0x0];
	_ =	sdelay $0x2  }
0xb8: {  	s31 =	sshll.u32 s1, $0xD;
	s1 =	sshrl.u32 s1, $0x2  }
0xb9: {  	s3 =	sand.u32 $0x4000, s31;
	s1 =	sadd.s32 s1, s30  }
0xba: {  	s0 =	sor.u32 s3, s0;
	s1 =	sshll.u32 s1, $0x11  }
0xbb: {  	s0 =	sor.u32 s1, s0  }
0xbc: {  	s0 =	sadd.s32 $0x8F2B, s0  }
0xbd: {  	[sflag:s0] =	ssyncadd.remote.s32 $0x1  }
0xbe: {  	_ =	sfence.sel $0xFFFF  }
0xbf: {  	[dreg:$0x0] =	wrdreg $0xFFFFFFFF;
	(pc) =	sbr.abs _section_cstart, $3  }
0xc0: {  	[dreg:$0x1] =	wrdreg $0xFFFFFFFF  }
0xc1: {  	_ =	task.clear_ibuf [dreg:s7], $0x2FFFF;
	_ =	strace $0x9FFFFFFF  }
0xc2: {  	(tm) =	ssettm $0x7FFFFFFF  }
0xc3: {  	_ =	shalt  }
tec
execute0_lowered:
.L_overlay_start_1:
0x0: {  	(tag) =	ssettag $0x1  }
0x1: {  	s2 =	rddreg [dreg:$0x0]  }
0x2: {  	s8 =	rddreg [dreg:$0x1]  }
0x3: {  	s0 =	rddreg [dreg:$0x2]  }
0x4: {  	s4 =	srdreg.scid;
	s1 =	stileid.u32  }
0x5: {  	s3 =	simm.s32 $0x0;
	s12 =	simm.s32 $0x8000;
	s13 =	simm.s32 $0x2  }
0x6: {  	s14 =	simm.s32 $0x80;
	s15 =	simm.s32 $0x400;
	s16 =	simm.s32 $0x18000  }
0x7: {  	s17 =	simm.s32 $0x3;
	s18 =	simm.s32 $0x0;
	s4 =	sand.u32 $0x1, s4  }
0x8: {  	s5 =	sshll.u32 s1, $0x1;
	[smem:$0x7FF] =	sst s3;
	s6 =	ssub.s32 $0x2, s4  }
0x9: {  	s4 =	sor.u32 s4, s5;
	_ =	strace $0x80000047;
	s28 =	sshrl.u32 s6, $0x1  }
0xa: {  	s7 =	sshll.u32 s4, $0xE;
	s9 =	sshll.u32 s4, $0x7;
	s30 =	sshll.u32 s4, $0x11  }
0xb: {  	s10 =	ssub.s32 s6, s28;
	s29 =	sor.u32 s9, s7;
	s4 =	sadd.s32 s2, s7  }
0xc: {  	s6 =	sor.u32 $0x8000, s30;
	s7 =	sor.u32 $0xC000, s30;
	s31 =	sand.u32 $0x60380, s29  }
0xd: {  	v0 =	vimm.s32 $0x0;
	v1 =	vlaneseq.u32;
	v2 =	vimm.s32 $0x1;
	s5 =	sadd.s32 $0x800, s4;
	s9 =	smax.u32 s10, $0x1;
	s11 =	sshrl.u32 s31, $0x3  }
0xe: {  	v3 =	vor.u32 $0x4000, v1;
	v4 =	vor.u32 $0x8000, v1;
	v5 =	vor.u32 $0xC000, v1;
	s10 =	simm.s32 $0x4000;
	s8 =	sadd.s32 s8, s11;
	s11 =	simm.s32 $0x1  }
.LBB2_1:
0xf: {  	s19 =	simm.s32 $0x8100  }
0x10: {  	[tilespmem:s19+$0xFFFFFF00] =	vst v0  }
0x11: {  	[tilespmem:s19+$0xF0] =	vst v0  }
0x12: {  	[tilespmem:s19+$0xE0] =	vst v0  }
0x13: {  	[tilespmem:s19+$0xD0] =	vst v0  }
0x14: {  	[tilespmem:s19+$0xC0] =	vst v0  }
0x15: {  	[tilespmem:s19+$0xB0] =	vst v0  }
0x16: {  	[tilespmem:s19+$0xA0] =	vst v0  }
0x17: {  	[tilespmem:s19+$0x90] =	vst v0  }
0x18: {  	[tilespmem:s19+$0x80] =	vst v0  }
0x19: {  	[tilespmem:s19+$0x70] =	vst v0  }
0x1a: {  	[tilespmem:s19+$0x60] =	vst v0  }
0x1b: {  	[tilespmem:s19+$0x50] =	vst v0  }
0x1c: {  	[tilespmem:s19+$0x40] =	vst v0  }
0x1d: {  	[tilespmem:s19+$0x30] =	vst v0  }
0x1e: {  	[tilespmem:s19+$0x20] =	vst v0  }
0x1f: {  	[tilespmem:s19+$0x10] =	vst v0  }
0x20: {  	[tilespmem:s19+$0x0] =	vst v0  }
0x21: {  	[tilespmem:s19+$0xFFFFFFF0] =	vst v0  }
0x22: {  	[tilespmem:s19+$0xFFFFFFE0] =	vst v0  }
0x23: {  	[tilespmem:s19+$0xFFFFFFD0] =	vst v0  }
0x24: {  	[tilespmem:s19+$0xFFFFFFC0] =	vst v0  }
0x25: {  	[tilespmem:s19+$0xFFFFFFB0] =	vst v0  }
0x26: {  	[tilespmem:s19+$0xFFFFFFA0] =	vst v0  }
0x27: {  	[tilespmem:s19+$0xFFFFFF90] =	vst v0  }
0x28: {  	[tilespmem:s19+$0xFFFFFF80] =	vst v0  }
0x29: {  	[tilespmem:s19+$0xFFFFFF70] =	vst v0  }
0x2a: {  	[tilespmem:s19+$0xFFFFFF60] =	vst v0  }
0x2b: {  	[tilespmem:s19+$0xFFFFFF50] =	vst v0  }
0x2c: {  	[tilespmem:s19+$0xFFFFFF40] =	vst v0  }
0x2d: {  	[tilespmem:s19+$0xFFFFFF30] =	vst v0  }
0x2e: {  	s20 =	simm.s32 $0x0;
	[tilespmem:s19+$0xFFFFFF20] =	vst v0  }
.LBB2_2:
0x2f: {  	s20 =	sadd.s32 $0x200, s20;
	[tilespmem:s19+$0xFFFFFF10] =	vst v0;
	s19 =	sadd.s32 $0x200, s19  }
0x30: {  	[tilespmem:s19+$0xFFFFFF00] =	vst v0;
	p0 =	slt.u32 s20, $0xFE00  }
0x31: {  	[tilespmem:s19+$0xF0] =	vst v0  }
0x32: {  	[tilespmem:s19+$0xE0] =	vst v0  }
0x33: {  	[tilespmem:s19+$0xD0] =	vst v0  }
0x34: {  	[tilespmem:s19+$0xC0] =	vst v0  }
0x35: {  	[tilespmem:s19+$0xB0] =	vst v0  }
0x36: {  	[tilespmem:s19+$0xA0] =	vst v0  }
0x37: {  	[tilespmem:s19+$0x90] =	vst v0  }
0x38: {  	[tilespmem:s19+$0x80] =	vst v0  }
0x39: {  	[tilespmem:s19+$0x70] =	vst v0  }
0x3a: {  	[tilespmem:s19+$0x60] =	vst v0  }
0x3b: {  	[tilespmem:s19+$0x50] =	vst v0  }
0x3c: {  	[tilespmem:s19+$0x40] =	vst v0  }
0x3d: {  	[tilespmem:s19+$0x30] =	vst v0  }
0x3e: {  	[tilespmem:s19+$0x20] =	vst v0  }
0x3f: {  	[tilespmem:s19+$0x10] =	vst v0  }
0x40: {  	[tilespmem:s19+$0x0] =	vst v0  }
0x41: {  	[tilespmem:s19+$0xFFFFFFF0] =	vst v0  }
0x42: {  	[tilespmem:s19+$0xFFFFFFE0] =	vst v0  }
0x43: {  	[tilespmem:s19+$0xFFFFFFD0] =	vst v0  }
0x44: {  	[tilespmem:s19+$0xFFFFFFC0] =	vst v0  }
0x45: {  	[tilespmem:s19+$0xFFFFFFB0] =	vst v0  }
0x46: {  	[tilespmem:s19+$0xFFFFFFA0] =	vst v0  }
0x47: {  	[tilespmem:s19+$0xFFFFFF90] =	vst v0  }
0x48: {  	[tilespmem:s19+$0xFFFFFF80] =	vst v0  }
0x49: {  	[tilespmem:s19+$0xFFFFFF70] =	vst v0  }
.Ltmp0:
0x4a: {  	[tilespmem:s19+$0xFFFFFF60] =	vst v0;
	(pc) =	sbr.rel @p0 .LBB2_2-.Ltmp0, $4  }
0x4b: {  	[tilespmem:s19+$0xFFFFFF50] =	vst v0  }
0x4c: {  	[tilespmem:s19+$0xFFFFFF40] =	vst v0  }
0x4d: {  	[tilespmem:s19+$0xFFFFFF30] =	vst v0  }
0x4e: {  	[tilespmem:s19+$0xFFFFFF20] =	vst v0  }
0x4f: {  	[tilespmem:s19+$0xFFFFFF10] =	vst v0;
	s19 =	simm.s32 $0x0  }
0x50: {  	[tilespmem:s19], [sflag:$0x1] =	stream.linear.gather [hbm4b:s4+s19], $0x4000, $0x38;
	[tilespmem:$0x1C000] =	vst v63  }
0x51: {  	_ = 	snop  }
0x52: {  	[tilespmem:s10], [sflag:$0x2] =	stream.linear.gather [hbm4b:s5+s19], $0x4000, $0x38;
	[tilespmem:$0x1C000] =	vst v63  }
.LBB2_4:
0x53: {  	_ =	swait.ge [sflag:s11], $0x4000  }
0x54: {  	[sflag:s11] =	ssyncset.done $0x0  }
0x55: {  	s23 =	simm.s32 $0x40;
	[sflag:s11] =	ssyncadd.s32 $0xFFFFC000  }
0x56: {  	v6 =	vld [tilespmem:s23+$0x0];
	_ =	sdelay $0x3  }
0x57: {  	v7 =	vld [tilespmem:s23+$0xFFFFFFC0]  }
0x58: {  	v6 =	vshrl.u32 v6, $0x10  }
0x59: {  	v6 =	vand.u32 $0xFFF0, v6  }
0x5a: {  	v6 =	vor.u32 v1, v6;
	_ =	sdelay $0x1  }
0x5b: {  	v7 =	vshrl.u32 v7, $0x10  }
0x5c: {  	s20 =	simm.s32 $0xC0;
	v7 =	vand.u32 $0xFFF0, v7  }
0x5d: {  	v8 =	vld [tilespmem:s20+$0x0];
	v7 =	vor.u32 v1, v7  }
0x5e: {  	[tilespmem:v6+s12+$0x0] =	vst.idx.add.s32.msk $0xffff, v2  }
0x5f: {  	v6 =	vld [tilespmem:s23+$0x10];
	_ =	sdelay $0x2  }
0x60: {  	v8 =	vshrl.u32 v8, $0x10;
	[tilespmem:v7+s12+$0x0] =	vst.idx.add.s32.msk $0xffff, v2  }
0x61: {  	v7 =	vand.u32 $0xFFF0, v8;
	v8 =	vld [tilespmem:s20+$0xFFFFFFC0]  }
0x62: {  	v7 =	vor.u32 v1, v7;
	v6 =	vshrl.u32 v6, $0x10  }
0x63: {  	v6 =	vand.u32 $0xFFF0, v6  }
0x64: {  	v6 =	vadd.s32 v3, v6;
	_ =	sdelay $0x1  }
0x65: {  	v9 =	vld [tilespmem:s23+$0xFFFFFFD0];
	v8 =	vshrl.u32 v8, $0x10  }
0x66: {  	[tilespmem:v7+s12+$0x0] =	vst.idx.add.s32.msk $0xffff, v2;
	v7 =	vand.u32 $0xFFF0, v8  }
0x67: {  	v8 =	vld [tilespmem:s20+$0x10];
	v7 =	vor.u32 v1, v7  }
0x68: {  	[tilespmem:v6+s12+$0x0] =	vst.idx.add.s32.msk $0xffff, v2  }
0x69: {  	v6 =	vld [tilespmem:s23+$0x20];
	_ =	sdelay $0x1  }
0x6a: {  	v9 =	vshrl.u32 v9, $0x10  }
0x6b: {  	v9 =	vand.u32 $0xFFF0, v9;
	v8 =	vshrl.u32 v8, $0x10;
	[tilespmem:v7+s12+$0x0] =	vst.idx.add.s32.msk $0xffff, v2  }
0x6c: {  	s21 =	simm.s32 $0x140;
	v9 =	vadd.s32 v3, v9;
	v7 =	vand.u32 $0xFFF0, v8;
	v8 =	vld [tilespmem:s20+$0xFFFFFFD0]  }
0x6d: {  	v10 =	vld [tilespmem:s21+$0x0];
	v7 =	vadd.s32 v3, v7;
	v6 =	vshrl.u32 v6, $0x10  }
0x6e: {  	v6 =	vand.u32 $0xFFF0, v6  }
0x6f: {  	v11 =	vld [tilespmem:s21+$0xFFFFFFC0];
	v6 =	vadd.s32 v4, v6;
	_ =	sdelay $0x1  }
0x70: {  	[tilespmem:v9+s12+$0x0] =	vst.idx.add.s32.msk $0xffff, v2;
	v8 =	vshrl.u32 v8, $0x10  }
0x71: {  	v10 =	vshrl.u32 v10, $0x10;
	[tilespmem:v7+s12+$0x0] =	vst.idx.add.s32.msk $0xffff, v2;
	v7 =	vand.u32 $0xFFF0, v8  }
0x72: {  	v9 =	vand.u32 $0xFFF0, v10;
	v8 =	vld [tilespmem:s20+$0x20];
	v7 =	vadd.s32 v3, v7  }
0x73: {  	v10 =	vshrl.u32 v11, $0x10;
	[tilespmem:v6+s12+$0x0] =	vst.idx.add.s32.msk $0xffff, v2;
	v6 =	vor.u32 v1, v9  }
0x74: {  	v9 =	vand.u32 $0xFFF0, v10;
	v10 =	vld [tilespmem:s23+$0x30]  }
0x75: {  	v11 =	vld [tilespmem:s23+$0xFFFFFFE0];
	v9 =	vor.u32 v1, v9;
	_ =	sdelay $0x1  }
0x76: {  	[tilespmem:v7+s12+$0x0] =	vst.idx.add.s32.msk $0xffff, v2  }
0x77: {  	v8 =	vshrl.u32 v8, $0x10;
	[tilespmem:v6+s12+$0x0] =	vst.idx.add.s32.msk $0xffff, v2  }
0x78: {  	v7 =	vand.u32 $0xFFF0, v8;
	v6 =	vshrl.u32 v10, $0x10;
	v10 =	vld [tilespmem:s21+$0x10]  }
0x79: {  	v11 =	vshrl.u32 v11, $0x10;
	v7 =	vadd.s32 v4, v7;
	[tilespmem:v9+s12+$0x0] =	vst.idx.add.s32.msk $0xffff, v2;
	v6 =	vand.u32 $0xFFF0, v6  }
0x7a: {  	s22 =	simm.s32 $0x1C0;
	v9 =	vand.u32 $0xFFF0, v11;
	v11 =	vld [tilespmem:s21+$0xFFFFFFD0];
	v6 =	vadd.s32 v5, v6  }
0x7b: {  	v12 =	vld [tilespmem:s22+$0x0];
	v9 =	vadd.s32 v4, v9  }
0x7c: {  	v8 =	vld [tilespmem:s22+$0xFFFFFFC0]  }
0x7d: {  	v13 =	vld [tilespmem:s20+$0xFFFFFFE0];
	v10 =	vshrl.u32 v10, $0x10  }
0x7e: {  	[tilespmem:v7+s12+$0x0] =	vst.idx.add.s32.msk $0xffff, v2;
	v10 =	vand.u32 $0xFFF0, v10  }
0x7f: {  	[tilespmem:v6+s12+$0x0] =	vst.idx.add.s32.msk $0xffff, v2;
	v6 =	vshrl.u32 v11, $0x10;
	v10 =	vadd.s32 v3, v10  }
0x80: {  	[tilespmem:v9+s12+$0x0] =	vst.idx.add.s32.msk $0xffff, v2;
	v9 =	vshrl.u32 v12, $0x10;
	v6 =	vand.u32 $0xFFF0, v6  }
0x81: {  	v11 =	vld [tilespmem:s23+$0xFFFFFFF0];
	v9 =	vand.u32 $0xFFF0, v9;
	v6 =	vadd.s32 v3, v6  }
0x82: {  	v8 =	vshrl.u32 v8, $0x10;
	v7 =	vor.u32 v1, v9;
	v9 =	vld [tilespmem:s20+$0x30]  }
0x83: {  	v8 =	vand.u32 $0xFFF0, v8  }
0x84: {  	v63 =	vor.u32 v1, v8;
	[tilespmem:v10+s12+$0x0] =	vst.idx.add.s32.msk $0xffff, v2  }
0x85: {  	v14 =	vld [tilespmem:s21+$0x20]  }
0x86: {  	[tilespmem:v6+s12+$0x0] =	vst.idx.add.s32.msk $0xffff, v2;
	v6 =	vshrl.u32 v13, $0x10  }
0x87: {  	[tilespmem:v7+s12+$0x0] =	vst.idx.add.s32.msk $0xffff, v2;
	v7 =	vshrl.u32 v11, $0x10;
	v10 =	vshrl.u32 v9, $0x10;
	v6 =	vand.u32 $0xFFF0, v6  }
0x88: {  	v9 =	vld [tilespmem:s22+$0x10];
	v8 =	vadd.s32 v4, v6;
	v6 =	vand.u32 $0xFFF0, v7;
	v7 =	vand.u32 $0xFFF0, v10  }
0x89: {  	[tilespmem:v63+s12+$0x0] =	vst.idx.add.s32.msk $0xffff, v2;
	v7 =	vadd.s32 v5, v7  }
0x8a: {  	s24 =	simm.s32 $0x240;
	s23 =	simm.s32 $0x180;
	v10 =	vld [tilespmem:s22+$0xFFFFFFD0];
	v6 =	vadd.s32 v5, v6;
	v11 =	vshrl.u32 v14, $0x10  }
.LBB2_5:
0x8b: {  	v12 =	vld [tilespmem:s24+$0x0];
	s23 =	sadd.s32 $0x80, s23;
	v11 =	vand.u32 $0xFFF0, v11  }
0x8c: {  	v13 =	vld [tilespmem:s24+$0xFFFFFFC0];
	p0 =	slt.u32 s23, $0x3F80;
	v11 =	vadd.s32 v4, v11  }
0x8d: {  	v9 =	vshrl.u32 v9, $0x10;
	v14 =	vld [tilespmem:s21+$0xFFFFFFE0]  }
0x8e: {  	v9 =	vand.u32 $0xFFF0, v9;
	[tilespmem:v7+s12+$0x0] =	vst.idx.add.s32.msk $0xffff, v2  }
0x8f: {  	v7 =	vshrl.u32 v10, $0x10;
	v9 =	vadd.s32 v3, v9;
	[tilespmem:v8+s12+$0x0] =	vst.idx.add.s32.msk $0xffff, v2  }
0x90: {  	v8 =	vshrl.u32 v12, $0x10;
	v7 =	vand.u32 $0xFFF0, v7;
	v10 =	vld [tilespmem:s20+$0xFFFFFFF0];
	s20 =	smov.u32 s21;
	s21 =	smov.u32 s22;
	s22 =	smov.u32 s24  }
0x91: {  	v12 =	vshrl.u32 v13, $0x10;
	v8 =	vand.u32 $0xFFF0, v8;
	v7 =	vadd.s32 v3, v7;
	[tilespmem:v11+s12+$0x0] =	vst.idx.add.s32.msk $0xffff, v2  }
0x92: {  	v11 =	vand.u32 $0xFFF0, v12;
	v12 =	vor.u32 v1, v8;
	v8 =	vshrl.u32 v14, $0x10;
	v13 =	vld [tilespmem:s20+$0x30]  }
0x93: {  	v11 =	vor.u32 v1, v11;
	v8 =	vand.u32 $0xFFF0, v8;
	[tilespmem:v6+s12+$0x0] =	vst.idx.add.s32.msk $0xffff, v2  }
0x94: {  	[tilespmem:v9+s12+$0x0] =	vst.idx.add.s32.msk $0xffff, v2;
	v8 =	vadd.s32 v4, v8  }
0x95: {  	v14 =	vld [tilespmem:s21+$0x20];
	v6 =	vshrl.u32 v10, $0x10  }
.Ltmp1:
0x96: {  	[tilespmem:v7+s12+$0x0] =	vst.idx.add.s32.msk $0xffff, v2;
	v6 =	vand.u32 $0xFFF0, v6;
	(pc) =	sbr.rel @p0 .LBB2_5-.Ltmp1, $4  }
0x97: {  	[tilespmem:v12+s12+$0x0] =	vst.idx.add.s32.msk $0xffff, v2;
	v7 =	vshrl.u32 v13, $0x10;
	v6 =	vadd.s32 v5, v6  }
0x98: {  	v9 =	vld [tilespmem:s24+$0x10];
	v7 =	vand.u32 $0xFFF0, v7  }
0x99: {  	[tilespmem:v11+s12+$0x0] =	vst.idx.add.s32.msk $0xffff, v2;
	v7 =	vadd.s32 v5, v7  }
0x9a: {  	s24 =	sadd.s32 $0x80, s24;
	v10 =	vld [tilespmem:s22+$0xFFFFFFD0];
	v11 =	vshrl.u32 v14, $0x10  }
0x9b: {  	_ =	sdelay $0x1  }
0x9c: {  	v9 =	vshrl.u32 v9, $0x10  }
0x9d: {  	v9 =	vand.u32 $0xFFF0, v9  }
0x9e: {  	v10 =	vshrl.u32 v10, $0x10;
	v9 =	vadd.s32 v3, v9  }
0x9f: {  	v12 =	vld [tilespmem:s21+$0xFFFFFFE0];
	v10 =	vand.u32 $0xFFF0, v10  }
0xa0: {  	v10 =	vadd.s32 v3, v10;
	_ =	sdelay $0x2  }
0xa1: {  	[tilespmem:v9+s12+$0x0] =	vst.idx.add.s32.msk $0xffff, v2  }
0xa2: {  	v12 =	vshrl.u32 v12, $0x10;
	v9 =	vld [tilespmem:s22+$0x20]  }
0xa3: {  	v12 =	vand.u32 $0xFFF0, v12;
	[tilespmem:v10+s12+$0x0] =	vst.idx.add.s32.msk $0xffff, v2  }
0xa4: {  	v12 =	vadd.s32 v4, v12;
	v10 =	vand.u32 $0xFFF0, v11;
	v11 =	vld [tilespmem:s22+$0xFFFFFFE0]  }
0xa5: {  	v10 =	vadd.s32 v4, v10;
	_ =	sdelay $0x1  }
0xa6: {  	v9 =	vshrl.u32 v9, $0x10  }
0xa7: {  	[tilespmem:v8+s12+$0x0] =	vst.idx.add.s32.msk $0xffff, v2;
	v8 =	vand.u32 $0xFFF0, v9  }
0xa8: {  	[tilespmem:v12+s12+$0x0] =	vst.idx.add.s32.msk $0xffff, v2;
	v8 =	vadd.s32 v4, v8;
	v11 =	vshrl.u32 v11, $0x10  }
0xa9: {  	[tilespmem:v10+s12+$0x0] =	vst.idx.add.s32.msk $0xffff, v2;
	v10 =	vand.u32 $0xFFF0, v11  }
0xaa: {  	v12 =	vld [tilespmem:s21+$0xFFFFFFF0];
	v10 =	vadd.s32 v4, v10  }
0xab: {  	v9 =	vld [tilespmem:s20+$0xFFFFFFF0]  }
0xac: {  	v11 =	vld [tilespmem:s21+$0x30]  }
0xad: {  	[tilespmem:v8+s12+$0x0] =	vst.idx.add.s32.msk $0xffff, v2  }
0xae: {  	v8 =	vld [tilespmem:s22+$0x30]  }
0xaf: {  	[tilespmem:v10+s12+$0x0] =	vst.idx.add.s32.msk $0xffff, v2  }
0xb0: {  	v10 =	vld [tilespmem:s22+$0xFFFFFFF0]  }
0xb1: {  	v12 =	vshrl.u32 v12, $0x10  }
0xb2: {  	v12 =	vand.u32 $0xFFF0, v12;
	v9 =	vshrl.u32 v9, $0x10  }
0xb3: {  	[tilespmem:v7+s12+$0x0] =	vst.idx.add.s32.msk $0xffff, v2;
	v7 =	vadd.s32 v5, v12;
	v9 =	vand.u32 $0xFFF0, v9;
	v11 =	vshrl.u32 v11, $0x10  }
0xb4: {  	v9 =	vadd.s32 v5, v9;
	v11 =	vand.u32 $0xFFF0, v11;
	v8 =	vshrl.u32 v8, $0x10  }
0xb5: {  	v11 =	vadd.s32 v5, v11;
	v8 =	vand.u32 $0xFFF0, v8;
	v10 =	vshrl.u32 v10, $0x10  }
0xb6: {  	v8 =	vadd.s32 v5, v8;
	v10 =	vand.u32 $0xFFF0, v10  }
0xb7: {  	[tilespmem:v6+s12+$0x0] =	vst.idx.add.s32.msk $0xffff, v2;
	v6 =	vadd.s32 v5, v10  }
0xb8: {  	[tilespmem:v7+s12+$0x0] =	vst.idx.add.s32.msk $0xffff, v2  }
0xb9: {  	s20 =	sshll.u32 s19, $0xF;
	[tilespmem:v9+s12+$0x0] =	vst.idx.add.s32.msk $0xffff, v2  }
0xba: {  	s31 =	sadd.s32 s20, s6;
	[tilespmem:v11+s12+$0x0] =	vst.idx.add.s32.msk $0xffff, v2  }
0xbb: {  	s21 =	sshrl.u32 s31, $0x3;
	[tilespmem:v8+s12+$0x0] =	vst.idx.add.s32.msk $0xffff, v2  }
0xbc: {  	s21 =	sadd.s32 s2, s21;
	[tilespmem:v6+s12+$0x0] =	vst.idx.add.s32.msk $0xffff, v2  }
0xbd: {  	[tilespmem:s3], [sflag:$0x1] =	stream.linear.gather [hbm4b:s21+s3], $0x4000, $0x38;
	[tilespmem:$0x1C000] =	vst v63  }
0xbe: {  	_ =	swait.ge [sflag:s13], $0x4000  }
0xbf: {  	[sflag:s13] =	ssyncset.done $0x0  }
0xc0: {  	s24 =	simm.s32 $0x4040;
	[sflag:s13] =	ssyncadd.s32 $0xFFFFC000  }
0xc1: {  	v6 =	vld [tilespmem:s24+$0x0];
	_ =	sdelay $0x3  }
0xc2: {  	v7 =	vld [tilespmem:s24+$0xFFFFFFC0]  }
0xc3: {  	v6 =	vshrl.u32 v6, $0x10  }
0xc4: {  	v6 =	vand.u32 $0xFFF0, v6  }
0xc5: {  	v6 =	vor.u32 v1, v6;
	_ =	sdelay $0x1  }
0xc6: {  	v7 =	vshrl.u32 v7, $0x10  }
0xc7: {  	s21 =	simm.s32 $0x40C0;
	v7 =	vand.u32 $0xFFF0, v7  }
0xc8: {  	v8 =	vld [tilespmem:s21+$0x0];
	v7 =	vor.u32 v1, v7  }
0xc9: {  	[tilespmem:v6+s12+$0x0] =	vst.idx.add.s32.msk $0xffff, v2  }
0xca: {  	v6 =	vld [tilespmem:s24+$0x10];
	_ =	sdelay $0x2  }
0xcb: {  	v8 =	vshrl.u32 v8, $0x10;
	[tilespmem:v7+s12+$0x0] =	vst.idx.add.s32.msk $0xffff, v2  }
0xcc: {  	v7 =	vand.u32 $0xFFF0, v8;
	v8 =	vld [tilespmem:s21+$0xFFFFFFC0]  }
0xcd: {  	v7 =	vor.u32 v1, v7;
	v6 =	vshrl.u32 v6, $0x10  }
0xce: {  	v6 =	vand.u32 $0xFFF0, v6  }
0xcf: {  	v6 =	vadd.s32 v3, v6;
	_ =	sdelay $0x1  }
0xd0: {  	v9 =	vld [tilespmem:s24+$0xFFFFFFD0];
	v8 =	vshrl.u32 v8, $0x10  }
0xd1: {  	[tilespmem:v7+s12+$0x0] =	vst.idx.add.s32.msk $0xffff, v2;
	v7 =	vand.u32 $0xFFF0, v8  }
0xd2: {  	v8 =	vld [tilespmem:s21+$0x10];
	v7 =	vor.u32 v1, v7  }
0xd3: {  	[tilespmem:v6+s12+$0x0] =	vst.idx.add.s32.msk $0xffff, v2  }
0xd4: {  	v6 =	vld [tilespmem:s24+$0x20];
	_ =	sdelay $0x1  }
0xd5: {  	v9 =	vshrl.u32 v9, $0x10  }
0xd6: {  	v9 =	vand.u32 $0xFFF0, v9;
	v8 =	vshrl.u32 v8, $0x10;
	[tilespmem:v7+s12+$0x0] =	vst.idx.add.s32.msk $0xffff, v2  }
0xd7: {  	s22 =	simm.s32 $0x4140;
	v9 =	vadd.s32 v3, v9;
	v7 =	vand.u32 $0xFFF0, v8;
	v8 =	vld [tilespmem:s21+$0xFFFFFFD0]  }
0xd8: {  	v10 =	vld [tilespmem:s22+$0x0];
	v7 =	vadd.s32 v3, v7;
	v6 =	vshrl.u32 v6, $0x10  }
0xd9: {  	v6 =	vand.u32 $0xFFF0, v6  }
0xda: {  	v11 =	vld [tilespmem:s22+$0xFFFFFFC0];
	v6 =	vadd.s32 v4, v6;
	_ =	sdelay $0x1  }
0xdb: {  	[tilespmem:v9+s12+$0x0] =	vst.idx.add.s32.msk $0xffff, v2;
	v8 =	vshrl.u32 v8, $0x10  }
0xdc: {  	v10 =	vshrl.u32 v10, $0x10;
	[tilespmem:v7+s12+$0x0] =	vst.idx.add.s32.msk $0xffff, v2;
	v7 =	vand.u32 $0xFFF0, v8  }
0xdd: {  	v9 =	vand.u32 $0xFFF0, v10;
	v8 =	vld [tilespmem:s21+$0x20];
	v7 =	vadd.s32 v3, v7  }
0xde: {  	v10 =	vshrl.u32 v11, $0x10;
	[tilespmem:v6+s12+$0x0] =	vst.idx.add.s32.msk $0xffff, v2;
	v6 =	vor.u32 v1, v9  }
0xdf: {  	v9 =	vand.u32 $0xFFF0, v10;
	v10 =	vld [tilespmem:s24+$0x30]  }
0xe0: {  	v11 =	vld [tilespmem:s24+$0xFFFFFFE0];
	v9 =	vor.u32 v1, v9;
	_ =	sdelay $0x1  }
0xe1: {  	[tilespmem:v7+s12+$0x0] =	vst.idx.add.s32.msk $0xffff, v2  }
0xe2: {  	v8 =	vshrl.u32 v8, $0x10;
	[tilespmem:v6+s12+$0x0] =	vst.idx.add.s32.msk $0xffff, v2  }
0xe3: {  	v7 =	vand.u32 $0xFFF0, v8;
	v6 =	vshrl.u32 v10, $0x10;
	v10 =	vld [tilespmem:s22+$0x10]  }
0xe4: {  	v11 =	vshrl.u32 v11, $0x10;
	v7 =	vadd.s32 v4, v7;
	[tilespmem:v9+s12+$0x0] =	vst.idx.add.s32.msk $0xffff, v2;
	v6 =	vand.u32 $0xFFF0, v6  }
0xe5: {  	s23 =	simm.s32 $0x41C0;
	v9 =	vand.u32 $0xFFF0, v11;
	v11 =	vld [tilespmem:s22+$0xFFFFFFD0];
	v6 =	vadd.s32 v5, v6  }
0xe6: {  	v62 =	vld [tilespmem:s23+$0x0];
	v9 =	vadd.s32 v4, v9  }
0xe7: {  	v8 =	vld [tilespmem:s23+$0xFFFFFFC0]  }
0xe8: {  	v13 =	vld [tilespmem:s21+$0xFFFFFFE0];
	v10 =	vshrl.u32 v10, $0x10  }
0xe9: {  	[tilespmem:v7+s12+$0x0] =	vst.idx.add.s32.msk $0xffff, v2;
	v10 =	vand.u32 $0xFFF0, v10  }
0xea: {  	[tilespmem:v6+s12+$0x0] =	vst.idx.add.s32.msk $0xffff, v2;
	v6 =	vshrl.u32 v11, $0x10;
	v10 =	vadd.s32 v3, v10  }
0xeb: {  	[tilespmem:v9+s12+$0x0] =	vst.idx.add.s32.msk $0xffff, v2;
	v9 =	vshrl.u32 v62, $0x10;
	v6 =	vand.u32 $0xFFF0, v6  }
0xec: {  	v11 =	vld [tilespmem:s24+$0xFFFFFFF0];
	v9 =	vand.u32 $0xFFF0, v9;
	v6 =	vadd.s32 v3, v6  }
0xed: {  	v8 =	vshrl.u32 v8, $0x10;
	v7 =	vor.u32 v1, v9;
	v9 =	vld [tilespmem:s21+$0x30]  }
0xee: {  	v8 =	vand.u32 $0xFFF0, v8  }
0xef: {  	v63 =	vor.u32 v1, v8;
	[tilespmem:v10+s12+$0x0] =	vst.idx.add.s32.msk $0xffff, v2  }
0xf0: {  	v14 =	vld [tilespmem:s22+$0x20]  }
0xf1: {  	[tilespmem:v6+s12+$0x0] =	vst.idx.add.s32.msk $0xffff, v2;
	v6 =	vshrl.u32 v13, $0x10  }
0xf2: {  	[tilespmem:v7+s12+$0x0] =	vst.idx.add.s32.msk $0xffff, v2;
	v7 =	vshrl.u32 v11, $0x10;
	v10 =	vshrl.u32 v9, $0x10;
	v6 =	vand.u32 $0xFFF0, v6  }
0xf3: {  	v9 =	vld [tilespmem:s23+$0x10];
	v8 =	vadd.s32 v4, v6;
	v6 =	vand.u32 $0xFFF0, v7;
	v7 =	vand.u32 $0xFFF0, v10  }
0xf4: {  	[tilespmem:v63+s12+$0x0] =	vst.idx.add.s32.msk $0xffff, v2;
	v7 =	vadd.s32 v5, v7  }
0xf5: {  	s25 =	simm.s32 $0x4240;
	s24 =	simm.s32 $0x180;
	v10 =	vld [tilespmem:s23+$0xFFFFFFD0];
	v6 =	vadd.s32 v5, v6;
	v11 =	vshrl.u32 v14, $0x10  }
.LBB2_7:
0xf6: {  	v12 =	vld [tilespmem:s25+$0x0];
	s24 =	sadd.s32 $0x80, s24;
	v11 =	vand.u32 $0xFFF0, v11  }
0xf7: {  	v13 =	vld [tilespmem:s25+$0xFFFFFFC0];
	p0 =	slt.u32 s24, $0x3F80;
	v11 =	vadd.s32 v4, v11  }
0xf8: {  	v9 =	vshrl.u32 v9, $0x10;
	v14 =	vld [tilespmem:s22+$0xFFFFFFE0]  }
0xf9: {  	v9 =	vand.u32 $0xFFF0, v9;
	[tilespmem:v7+s12+$0x0] =	vst.idx.add.s32.msk $0xffff, v2  }
0xfa: {  	v7 =	vshrl.u32 v10, $0x10;
	v9 =	vadd.s32 v3, v9;
	[tilespmem:v8+s12+$0x0] =	vst.idx.add.s32.msk $0xffff, v2  }
0xfb: {  	v8 =	vshrl.u32 v12, $0x10;
	v7 =	vand.u32 $0xFFF0, v7;
	v10 =	vld [tilespmem:s21+$0xFFFFFFF0];
	s21 =	smov.u32 s22;
	s22 =	smov.u32 s23;
	s23 =	smov.u32 s25  }
0xfc: {  	v12 =	vshrl.u32 v13, $0x10;
	v8 =	vand.u32 $0xFFF0, v8;
	v7 =	vadd.s32 v3, v7;
	[tilespmem:v11+s12+$0x0] =	vst.idx.add.s32.msk $0xffff, v2  }
0xfd: {  	v11 =	vand.u32 $0xFFF0, v12;
	v12 =	vor.u32 v1, v8;
	v8 =	vshrl.u32 v14, $0x10;
	v13 =	vld [tilespmem:s21+$0x30]  }
0xfe: {  	v11 =	vor.u32 v1, v11;
	v8 =	vand.u32 $0xFFF0, v8;
	[tilespmem:v6+s12+$0x0] =	vst.idx.add.s32.msk $0xffff, v2  }
0xff: {  	[tilespmem:v9+s12+$0x0] =	vst.idx.add.s32.msk $0xffff, v2;
	v8 =	vadd.s32 v4, v8  }
0x100: {  	v14 =	vld [tilespmem:s22+$0x20];
	v6 =	vshrl.u32 v10, $0x10  }
.Ltmp2:
0x101: {  	[tilespmem:v7+s12+$0x0] =	vst.idx.add.s32.msk $0xffff, v2;
	v6 =	vand.u32 $0xFFF0, v6;
	(pc) =	sbr.rel @p0 .LBB2_7-.Ltmp2, $4  }
0x102: {  	[tilespmem:v12+s12+$0x0] =	vst.idx.add.s32.msk $0xffff, v2;
	v7 =	vshrl.u32 v13, $0x10;
	v6 =	vadd.s32 v5, v6  }
0x103: {  	v9 =	vld [tilespmem:s25+$0x10];
	v7 =	vand.u32 $0xFFF0, v7  }
0x104: {  	[tilespmem:v11+s12+$0x0] =	vst.idx.add.s32.msk $0xffff, v2;
	v7 =	vadd.s32 v5, v7  }
0x105: {  	s25 =	sadd.s32 $0x80, s25;
	v10 =	vld [tilespmem:s23+$0xFFFFFFD0];
	v11 =	vshrl.u32 v14, $0x10  }
0x106: {  	_ =	sdelay $0x1  }
0x107: {  	v9 =	vshrl.u32 v9, $0x10  }
0x108: {  	v9 =	vand.u32 $0xFFF0, v9  }
0x109: {  	v10 =	vshrl.u32 v10, $0x10;
	v9 =	vadd.s32 v3, v9  }
0x10a: {  	v10 =	vand.u32 $0xFFF0, v10  }
0x10b: {  	v12 =	vld [tilespmem:s22+$0xFFFFFFE0];
	v10 =	vadd.s32 v3, v10;
	_ =	sdelay $0x2  }
0x10c: {  	[tilespmem:v9+s12+$0x0] =	vst.idx.add.s32.msk $0xffff, v2  }
0x10d: {  	v9 =	vld [tilespmem:s23+$0x20]  }
0x10e: {  	v12 =	vshrl.u32 v12, $0x10;
	[tilespmem:v10+s12+$0x0] =	vst.idx.add.s32.msk $0xffff, v2  }
0x10f: {  	v12 =	vand.u32 $0xFFF0, v12;
	v59 =	vld [tilespmem:s23+$0xFFFFFFE0]  }
0x110: {  	v58 =	vand.u32 $0xFFF0, v11;
	v12 =	vadd.s32 v4, v12  }
0x111: {  	v10 =	vadd.s32 v4, v58  }
0x112: {  	v9 =	vshrl.u32 v9, $0x10  }
0x113: {  	[tilespmem:v8+s12+$0x0] =	vst.idx.add.s32.msk $0xffff, v2;
	v60 =	vand.u32 $0xFFF0, v9  }
0x114: {  	v61 =	vld [tilespmem:s21+$0xFFFFFFF0];
	v8 =	vadd.s32 v4, v60;
	v11 =	vshrl.u32 v59, $0x10  }
0x115: {  	[tilespmem:v12+s12+$0x0] =	vst.idx.add.s32.msk $0xffff, v2;
	v62 =	vand.u32 $0xFFF0, v11  }
0x116: {  	[tilespmem:v10+s12+$0x0] =	vst.idx.add.s32.msk $0xffff, v2;
	v10 =	vadd.s32 v4, v62  }
0x117: {  	v12 =	vld [tilespmem:s22+$0xFFFFFFF0]  }
0x118: {  	v63 =	vld [tilespmem:s22+$0x30]  }
0x119: {  	[tilespmem:v8+s12+$0x0] =	vst.idx.add.s32.msk $0xffff, v2  }
0x11a: {  	v8 =	vld [tilespmem:s23+$0x30]  }
0x11b: {  	[tilespmem:v10+s12+$0x0] =	vst.idx.add.s32.msk $0xffff, v2  }
0x11c: {  	v10 =	vld [tilespmem:s23+$0xFFFFFFF0]  }
0x11d: {  	v9 =	vshrl.u32 v61, $0x10  }
0x11e: {  	v9 =	vand.u32 $0xFFF0, v9;
	v12 =	vshrl.u32 v12, $0x10  }
0x11f: {  	v9 =	vadd.s32 v5, v9;
	v12 =	vand.u32 $0xFFF0, v12;
	v11 =	vshrl.u32 v63, $0x10  }
0x120: {  	[tilespmem:v7+s12+$0x0] =	vst.idx.add.s32.msk $0xffff, v2;
	v7 =	vadd.s32 v5, v12;
	v11 =	vand.u32 $0xFFF0, v11;
	v8 =	vshrl.u32 v8, $0x10  }
0x121: {  	v11 =	vadd.s32 v5, v11;
	v8 =	vand.u32 $0xFFF0, v8;
	v10 =	vshrl.u32 v10, $0x10  }
0x122: {  	v8 =	vadd.s32 v5, v8;
	v10 =	vand.u32 $0xFFF0, v10  }
0x123: {  	[tilespmem:v6+s12+$0x0] =	vst.idx.add.s32.msk $0xffff, v2;
	s19 =	sadd.s32 $0x1, s19;
	v6 =	vadd.s32 v5, v10  }
0x124: {  	p0 =	sne.s32 s19, $0x3;
	[tilespmem:v9+s12+$0x0] =	vst.idx.add.s32.msk $0xffff, v2  }
.Ltmp3:
0x125: {  	[tilespmem:v7+s12+$0x0] =	vst.idx.add.s32.msk $0xffff, v2;
	(pc) =	sbr.rel @p0 .LBB2_4-.Ltmp3, $4  }
0x126: {  	s20 =	sadd.s32 s20, s7;
	[tilespmem:v11+s12+$0x0] =	vst.idx.add.s32.msk $0xffff, v2  }
0x127: {  	s20 =	sshrl.u32 s20, $0x3;
	[tilespmem:v8+s12+$0x0] =	vst.idx.add.s32.msk $0xffff, v2  }
0x128: {  	s20 =	sadd.s32 s2, s20;
	[tilespmem:v6+s12+$0x0] =	vst.idx.add.s32.msk $0xffff, v2  }
0x129: {  	[tilespmem:s10], [sflag:$0x2] =	stream.linear.gather [hbm4b:s20+s3], $0x4000, $0x38;
	[tilespmem:$0x1C000] =	vst v63  }
0x12a: {  	_ =	swait.ge [sflag:s11], $0x4000  }
0x12b: {  	[sflag:s11] =	ssyncset.done $0x0  }
0x12c: {  	s22 =	simm.s32 $0x40;
	[sflag:s11] =	ssyncadd.s32 $0xFFFFC000  }
0x12d: {  	v6 =	vld [tilespmem:s22+$0x0];
	_ =	sdelay $0x3  }
0x12e: {  	v7 =	vld [tilespmem:s22+$0xFFFFFFC0]  }
0x12f: {  	v6 =	vshrl.u32 v6, $0x10  }
0x130: {  	v6 =	vand.u32 $0xFFF0, v6  }
0x131: {  	v6 =	vor.u32 v1, v6;
	_ =	sdelay $0x1  }
0x132: {  	v7 =	vshrl.u32 v7, $0x10  }
0x133: {  	s19 =	simm.s32 $0xC0;
	v7 =	vand.u32 $0xFFF0, v7  }
0x134: {  	v8 =	vld [tilespmem:s19+$0x0];
	v7 =	vor.u32 v1, v7  }
0x135: {  	[tilespmem:v6+s12+$0x0] =	vst.idx.add.s32.msk $0xffff, v2  }
0x136: {  	v6 =	vld [tilespmem:s22+$0x10];
	_ =	sdelay $0x2  }
0x137: {  	v8 =	vshrl.u32 v8, $0x10;
	[tilespmem:v7+s12+$0x0] =	vst.idx.add.s32.msk $0xffff, v2  }
0x138: {  	v7 =	vand.u32 $0xFFF0, v8;
	v8 =	vld [tilespmem:s19+$0xFFFFFFC0]  }
0x139: {  	v7 =	vor.u32 v1, v7;
	v6 =	vshrl.u32 v6, $0x10  }
0x13a: {  	v6 =	vand.u32 $0xFFF0, v6  }
0x13b: {  	v6 =	vadd.s32 v3, v6;
	_ =	sdelay $0x1  }
0x13c: {  	v9 =	vld [tilespmem:s22+$0xFFFFFFD0];
	v8 =	vshrl.u32 v8, $0x10  }
0x13d: {  	[tilespmem:v7+s12+$0x0] =	vst.idx.add.s32.msk $0xffff, v2;
	v7 =	vand.u32 $0xFFF0, v8  }
0x13e: {  	v8 =	vld [tilespmem:s19+$0x10];
	v7 =	vor.u32 v1, v7  }
0x13f: {  	[tilespmem:v6+s12+$0x0] =	vst.idx.add.s32.msk $0xffff, v2  }
0x140: {  	v6 =	vld [tilespmem:s22+$0x20];
	_ =	sdelay $0x1  }
0x141: {  	v9 =	vshrl.u32 v9, $0x10  }
0x142: {  	v9 =	vand.u32 $0xFFF0, v9;
	v8 =	vshrl.u32 v8, $0x10;
	[tilespmem:v7+s12+$0x0] =	vst.idx.add.s32.msk $0xffff, v2  }
0x143: {  	s20 =	simm.s32 $0x140;
	v9 =	vadd.s32 v3, v9;
	v7 =	vand.u32 $0xFFF0, v8;
	v8 =	vld [tilespmem:s19+$0xFFFFFFD0]  }
0x144: {  	v10 =	vld [tilespmem:s20+$0x0];
	v7 =	vadd.s32 v3, v7;
	v6 =	vshrl.u32 v6, $0x10  }
0x145: {  	v6 =	vand.u32 $0xFFF0, v6  }
0x146: {  	v11 =	vld [tilespmem:s20+$0xFFFFFFC0];
	v6 =	vadd.s32 v4, v6;
	_ =	sdelay $0x1  }
0x147: {  	[tilespmem:v9+s12+$0x0] =	vst.idx.add.s32.msk $0xffff, v2;
	v8 =	vshrl.u32 v8, $0x10  }
0x148: {  	v10 =	vshrl.u32 v10, $0x10;
	[tilespmem:v7+s12+$0x0] =	vst.idx.add.s32.msk $0xffff, v2;
	v7 =	vand.u32 $0xFFF0, v8  }
0x149: {  	v9 =	vand.u32 $0xFFF0, v10;
	v8 =	vld [tilespmem:s19+$0x20];
	v7 =	vadd.s32 v3, v7  }
0x14a: {  	v10 =	vshrl.u32 v11, $0x10;
	[tilespmem:v6+s12+$0x0] =	vst.idx.add.s32.msk $0xffff, v2;
	v6 =	vor.u32 v1, v9  }
0x14b: {  	v9 =	vand.u32 $0xFFF0, v10;
	v10 =	vld [tilespmem:s22+$0x30]  }
0x14c: {  	v11 =	vld [tilespmem:s22+$0xFFFFFFE0];
	v9 =	vor.u32 v1, v9;
	_ =	sdelay $0x1  }
0x14d: {  	[tilespmem:v7+s12+$0x0] =	vst.idx.add.s32.msk $0xffff, v2  }
0x14e: {  	v8 =	vshrl.u32 v8, $0x10;
	[tilespmem:v6+s12+$0x0] =	vst.idx.add.s32.msk $0xffff, v2  }
0x14f: {  	v7 =	vand.u32 $0xFFF0, v8;
	v6 =	vshrl.u32 v10, $0x10;
	v10 =	vld [tilespmem:s20+$0x10]  }
0x150: {  	v11 =	vshrl.u32 v11, $0x10;
	v7 =	vadd.s32 v4, v7;
	[tilespmem:v9+s12+$0x0] =	vst.idx.add.s32.msk $0xffff, v2;
	v6 =	vand.u32 $0xFFF0, v6  }
0x151: {  	s21 =	simm.s32 $0x1C0;
	v9 =	vand.u32 $0xFFF0, v11;
	v11 =	vld [tilespmem:s20+$0xFFFFFFD0];
	v6 =	vadd.s32 v5, v6  }
0x152: {  	v12 =	vld [tilespmem:s21+$0x0];
	v9 =	vadd.s32 v4, v9  }
0x153: {  	v8 =	vld [tilespmem:s21+$0xFFFFFFC0]  }
0x154: {  	v13 =	vld [tilespmem:s19+$0xFFFFFFE0];
	v10 =	vshrl.u32 v10, $0x10  }
0x155: {  	[tilespmem:v7+s12+$0x0] =	vst.idx.add.s32.msk $0xffff, v2;
	v10 =	vand.u32 $0xFFF0, v10  }
0x156: {  	[tilespmem:v6+s12+$0x0] =	vst.idx.add.s32.msk $0xffff, v2;
	v6 =	vshrl.u32 v11, $0x10;
	v10 =	vadd.s32 v3, v10  }
0x157: {  	[tilespmem:v9+s12+$0x0] =	vst.idx.add.s32.msk $0xffff, v2;
	v9 =	vshrl.u32 v12, $0x10;
	v6 =	vand.u32 $0xFFF0, v6  }
0x158: {  	v11 =	vld [tilespmem:s22+$0xFFFFFFF0];
	v9 =	vand.u32 $0xFFF0, v9;
	v6 =	vadd.s32 v3, v6  }
0x159: {  	v8 =	vshrl.u32 v8, $0x10;
	v7 =	vor.u32 v1, v9;
	v9 =	vld [tilespmem:s19+$0x30]  }
0x15a: {  	v8 =	vand.u32 $0xFFF0, v8  }
0x15b: {  	v63 =	vor.u32 v1, v8;
	[tilespmem:v10+s12+$0x0] =	vst.idx.add.s32.msk $0xffff, v2  }
0x15c: {  	v14 =	vld [tilespmem:s20+$0x20]  }
0x15d: {  	[tilespmem:v6+s12+$0x0] =	vst.idx.add.s32.msk $0xffff, v2;
	v6 =	vshrl.u32 v13, $0x10  }
0x15e: {  	[tilespmem:v7+s12+$0x0] =	vst.idx.add.s32.msk $0xffff, v2;
	v7 =	vshrl.u32 v11, $0x10;
	v10 =	vshrl.u32 v9, $0x10;
	v6 =	vand.u32 $0xFFF0, v6  }
0x15f: {  	v9 =	vld [tilespmem:s21+$0x10];
	v8 =	vadd.s32 v4, v6;
	v6 =	vand.u32 $0xFFF0, v7;
	v7 =	vand.u32 $0xFFF0, v10  }
0x160: {  	[tilespmem:v63+s12+$0x0] =	vst.idx.add.s32.msk $0xffff, v2;
	v7 =	vadd.s32 v5, v7  }
0x161: {  	s23 =	simm.s32 $0x240;
	s22 =	simm.s32 $0x180;
	v10 =	vld [tilespmem:s21+$0xFFFFFFD0];
	v6 =	vadd.s32 v5, v6;
	v11 =	vshrl.u32 v14, $0x10  }
.LBB2_10:
0x162: {  	v12 =	vld [tilespmem:s23+$0x0];
	s22 =	sadd.s32 $0x80, s22;
	v11 =	vand.u32 $0xFFF0, v11  }
0x163: {  	v13 =	vld [tilespmem:s23+$0xFFFFFFC0];
	p0 =	slt.u32 s22, $0x3F80;
	v11 =	vadd.s32 v4, v11  }
0x164: {  	v9 =	vshrl.u32 v9, $0x10;
	v14 =	vld [tilespmem:s20+$0xFFFFFFE0]  }
0x165: {  	v9 =	vand.u32 $0xFFF0, v9;
	[tilespmem:v7+s12+$0x0] =	vst.idx.add.s32.msk $0xffff, v2  }
0x166: {  	v7 =	vshrl.u32 v10, $0x10;
	v9 =	vadd.s32 v3, v9;
	[tilespmem:v8+s12+$0x0] =	vst.idx.add.s32.msk $0xffff, v2  }
0x167: {  	v8 =	vshrl.u32 v12, $0x10;
	v7 =	vand.u32 $0xFFF0, v7;
	v10 =	vld [tilespmem:s19+$0xFFFFFFF0];
	s19 =	smov.u32 s20;
	s20 =	smov.u32 s21;
	s21 =	smov.u32 s23  }
0x168: {  	v12 =	vshrl.u32 v13, $0x10;
	v8 =	vand.u32 $0xFFF0, v8;
	v7 =	vadd.s32 v3, v7;
	[tilespmem:v11+s12+$0x0] =	vst.idx.add.s32.msk $0xffff, v2  }
0x169: {  	v11 =	vand.u32 $0xFFF0, v12;
	v12 =	vor.u32 v1, v8;
	v8 =	vshrl.u32 v14, $0x10;
	v13 =	vld [tilespmem:s19+$0x30]  }
0x16a: {  	v11 =	vor.u32 v1, v11;
	v8 =	vand.u32 $0xFFF0, v8;
	[tilespmem:v6+s12+$0x0] =	vst.idx.add.s32.msk $0xffff, v2  }
0x16b: {  	[tilespmem:v9+s12+$0x0] =	vst.idx.add.s32.msk $0xffff, v2;
	v8 =	vadd.s32 v4, v8  }
0x16c: {  	v14 =	vld [tilespmem:s20+$0x20];
	v6 =	vshrl.u32 v10, $0x10  }
.Ltmp4:
0x16d: {  	[tilespmem:v7+s12+$0x0] =	vst.idx.add.s32.msk $0xffff, v2;
	v6 =	vand.u32 $0xFFF0, v6;
	(pc) =	sbr.rel @p0 .LBB2_10-.Ltmp4, $4  }
0x16e: {  	[tilespmem:v12+s12+$0x0] =	vst.idx.add.s32.msk $0xffff, v2;
	v7 =	vshrl.u32 v13, $0x10;
	v6 =	vadd.s32 v5, v6  }
0x16f: {  	v9 =	vld [tilespmem:s23+$0x10];
	v7 =	vand.u32 $0xFFF0, v7  }
0x170: {  	[tilespmem:v11+s12+$0x0] =	vst.idx.add.s32.msk $0xffff, v2;
	v7 =	vadd.s32 v5, v7  }
0x171: {  	s23 =	sadd.s32 $0x80, s23;
	v10 =	vld [tilespmem:s21+$0xFFFFFFD0];
	v11 =	vshrl.u32 v14, $0x10  }
0x172: {  	_ =	sdelay $0x1  }
0x173: {  	v9 =	vshrl.u32 v9, $0x10  }
0x174: {  	v9 =	vand.u32 $0xFFF0, v9  }
0x175: {  	v10 =	vshrl.u32 v10, $0x10;
	v9 =	vadd.s32 v3, v9  }
0x176: {  	v12 =	vld [tilespmem:s20+$0xFFFFFFE0];
	v10 =	vand.u32 $0xFFF0, v10  }
0x177: {  	v10 =	vadd.s32 v3, v10;
	_ =	sdelay $0x2  }
0x178: {  	[tilespmem:v9+s12+$0x0] =	vst.idx.add.s32.msk $0xffff, v2  }
0x179: {  	v12 =	vshrl.u32 v12, $0x10;
	v9 =	vld [tilespmem:s21+$0x20]  }
0x17a: {  	v12 =	vand.u32 $0xFFF0, v12;
	[tilespmem:v10+s12+$0x0] =	vst.idx.add.s32.msk $0xffff, v2  }
0x17b: {  	v12 =	vadd.s32 v4, v12;
	v10 =	vand.u32 $0xFFF0, v11;
	v11 =	vld [tilespmem:s21+$0xFFFFFFE0]  }
0x17c: {  	v10 =	vadd.s32 v4, v10;
	_ =	sdelay $0x1  }
0x17d: {  	v9 =	vshrl.u32 v9, $0x10  }
0x17e: {  	[tilespmem:v8+s12+$0x0] =	vst.idx.add.s32.msk $0xffff, v2;
	v8 =	vand.u32 $0xFFF0, v9  }
0x17f: {  	[tilespmem:v12+s12+$0x0] =	vst.idx.add.s32.msk $0xffff, v2;
	v8 =	vadd.s32 v4, v8;
	v11 =	vshrl.u32 v11, $0x10  }
0x180: {  	[tilespmem:v10+s12+$0x0] =	vst.idx.add.s32.msk $0xffff, v2;
	v10 =	vand.u32 $0xFFF0, v11  }
0x181: {  	v12 =	vld [tilespmem:s20+$0xFFFFFFF0];
	v10 =	vadd.s32 v4, v10  }
0x182: {  	v9 =	vld [tilespmem:s19+$0xFFFFFFF0]  }
0x183: {  	v11 =	vld [tilespmem:s20+$0x30]  }
0x184: {  	[tilespmem:v8+s12+$0x0] =	vst.idx.add.s32.msk $0xffff, v2  }
0x185: {  	v8 =	vld [tilespmem:s21+$0x30]  }
0x186: {  	[tilespmem:v10+s12+$0x0] =	vst.idx.add.s32.msk $0xffff, v2  }
0x187: {  	v10 =	vld [tilespmem:s21+$0xFFFFFFF0]  }
0x188: {  	v12 =	vshrl.u32 v12, $0x10  }
0x189: {  	v12 =	vand.u32 $0xFFF0, v12;
	v9 =	vshrl.u32 v9, $0x10  }
0x18a: {  	[tilespmem:v7+s12+$0x0] =	vst.idx.add.s32.msk $0xffff, v2;
	v7 =	vadd.s32 v5, v12;
	v9 =	vand.u32 $0xFFF0, v9;
	v11 =	vshrl.u32 v11, $0x10  }
0x18b: {  	v9 =	vadd.s32 v5, v9;
	v11 =	vand.u32 $0xFFF0, v11;
	v8 =	vshrl.u32 v8, $0x10  }
0x18c: {  	v11 =	vadd.s32 v5, v11;
	v8 =	vand.u32 $0xFFF0, v8;
	v10 =	vshrl.u32 v10, $0x10  }
0x18d: {  	v8 =	vadd.s32 v5, v8;
	v10 =	vand.u32 $0xFFF0, v10  }
0x18e: {  	[tilespmem:v6+s12+$0x0] =	vst.idx.add.s32.msk $0xffff, v2;
	v6 =	vadd.s32 v5, v10  }
0x18f: {  	[tilespmem:v7+s12+$0x0] =	vst.idx.add.s32.msk $0xffff, v2  }
0x190: {  	[tilespmem:v9+s12+$0x0] =	vst.idx.add.s32.msk $0xffff, v2  }
0x191: {  	[tilespmem:v11+s12+$0x0] =	vst.idx.add.s32.msk $0xffff, v2  }
0x192: {  	[tilespmem:v8+s12+$0x0] =	vst.idx.add.s32.msk $0xffff, v2  }
0x193: {  	[tilespmem:v6+s12+$0x0] =	vst.idx.add.s32.msk $0xffff, v2  }
0x194: {  	_ =	swait.ge [sflag:s13], $0x4000  }
0x195: {  	[sflag:s13] =	ssyncset.done $0x0  }
0x196: {  	s22 =	simm.s32 $0x4040;
	[sflag:s13] =	ssyncadd.s32 $0xFFFFC000  }
0x197: {  	v6 =	vld [tilespmem:s22+$0x0];
	_ =	sdelay $0x3  }
0x198: {  	v7 =	vld [tilespmem:s22+$0xFFFFFFC0]  }
0x199: {  	v6 =	vshrl.u32 v6, $0x10  }
0x19a: {  	v6 =	vand.u32 $0xFFF0, v6  }
0x19b: {  	v6 =	vor.u32 v1, v6;
	_ =	sdelay $0x1  }
0x19c: {  	v7 =	vshrl.u32 v7, $0x10  }
0x19d: {  	s19 =	simm.s32 $0x40C0;
	v7 =	vand.u32 $0xFFF0, v7  }
0x19e: {  	v8 =	vld [tilespmem:s19+$0x0];
	v7 =	vor.u32 v1, v7  }
0x19f: {  	[tilespmem:v6+s12+$0x0] =	vst.idx.add.s32.msk $0xffff, v2  }
0x1a0: {  	v6 =	vld [tilespmem:s22+$0x10];
	_ =	sdelay $0x2  }
0x1a1: {  	v8 =	vshrl.u32 v8, $0x10;
	[tilespmem:v7+s12+$0x0] =	vst.idx.add.s32.msk $0xffff, v2  }
0x1a2: {  	v7 =	vand.u32 $0xFFF0, v8;
	v8 =	vld [tilespmem:s19+$0xFFFFFFC0]  }
0x1a3: {  	v7 =	vor.u32 v1, v7;
	v6 =	vshrl.u32 v6, $0x10  }
0x1a4: {  	v6 =	vand.u32 $0xFFF0, v6  }
0x1a5: {  	v6 =	vadd.s32 v3, v6;
	_ =	sdelay $0x1  }
0x1a6: {  	v9 =	vld [tilespmem:s22+$0xFFFFFFD0];
	v8 =	vshrl.u32 v8, $0x10  }
0x1a7: {  	[tilespmem:v7+s12+$0x0] =	vst.idx.add.s32.msk $0xffff, v2;
	v7 =	vand.u32 $0xFFF0, v8  }
0x1a8: {  	v8 =	vld [tilespmem:s19+$0x10];
	v7 =	vor.u32 v1, v7  }
0x1a9: {  	[tilespmem:v6+s12+$0x0] =	vst.idx.add.s32.msk $0xffff, v2  }
0x1aa: {  	v6 =	vld [tilespmem:s22+$0x20];
	_ =	sdelay $0x1  }
0x1ab: {  	v9 =	vshrl.u32 v9, $0x10  }
0x1ac: {  	v9 =	vand.u32 $0xFFF0, v9;
	v8 =	vshrl.u32 v8, $0x10;
	[tilespmem:v7+s12+$0x0] =	vst.idx.add.s32.msk $0xffff, v2  }
0x1ad: {  	s20 =	simm.s32 $0x4140;
	v9 =	vadd.s32 v3, v9;
	v7 =	vand.u32 $0xFFF0, v8;
	v8 =	vld [tilespmem:s19+$0xFFFFFFD0]  }
0x1ae: {  	v10 =	vld [tilespmem:s20+$0x0];
	v7 =	vadd.s32 v3, v7;
	v6 =	vshrl.u32 v6, $0x10  }
0x1af: {  	v6 =	vand.u32 $0xFFF0, v6  }
0x1b0: {  	v11 =	vld [tilespmem:s20+$0xFFFFFFC0];
	v6 =	vadd.s32 v4, v6;
	_ =	sdelay $0x1  }
0x1b1: {  	[tilespmem:v9+s12+$0x0] =	vst.idx.add.s32.msk $0xffff, v2;
	v8 =	vshrl.u32 v8, $0x10  }
0x1b2: {  	v10 =	vshrl.u32 v10, $0x10;
	[tilespmem:v7+s12+$0x0] =	vst.idx.add.s32.msk $0xffff, v2;
	v7 =	vand.u32 $0xFFF0, v8  }
0x1b3: {  	v9 =	vand.u32 $0xFFF0, v10;
	v8 =	vld [tilespmem:s19+$0x20];
	v7 =	vadd.s32 v3, v7  }
0x1b4: {  	v10 =	vshrl.u32 v11, $0x10;
	[tilespmem:v6+s12+$0x0] =	vst.idx.add.s32.msk $0xffff, v2;
	v6 =	vor.u32 v1, v9  }
0x1b5: {  	v9 =	vand.u32 $0xFFF0, v10;
	v10 =	vld [tilespmem:s22+$0x30]  }
0x1b6: {  	v11 =	vld [tilespmem:s22+$0xFFFFFFE0];
	v9 =	vor.u32 v1, v9;
	_ =	sdelay $0x1  }
0x1b7: {  	[tilespmem:v7+s12+$0x0] =	vst.idx.add.s32.msk $0xffff, v2  }
0x1b8: {  	v8 =	vshrl.u32 v8, $0x10;
	[tilespmem:v6+s12+$0x0] =	vst.idx.add.s32.msk $0xffff, v2  }
0x1b9: {  	v7 =	vand.u32 $0xFFF0, v8;
	v6 =	vshrl.u32 v10, $0x10;
	v10 =	vld [tilespmem:s20+$0x10]  }
0x1ba: {  	v11 =	vshrl.u32 v11, $0x10;
	v7 =	vadd.s32 v4, v7;
	[tilespmem:v9+s12+$0x0] =	vst.idx.add.s32.msk $0xffff, v2;
	v6 =	vand.u32 $0xFFF0, v6  }
0x1bb: {  	s21 =	simm.s32 $0x41C0;
	v9 =	vand.u32 $0xFFF0, v11;
	v11 =	vld [tilespmem:s20+$0xFFFFFFD0];
	v6 =	vadd.s32 v5, v6  }
0x1bc: {  	v62 =	vld [tilespmem:s21+$0x0];
	v9 =	vadd.s32 v4, v9  }
0x1bd: {  	v8 =	vld [tilespmem:s21+$0xFFFFFFC0]  }
0x1be: {  	v13 =	vld [tilespmem:s19+$0xFFFFFFE0];
	v10 =	vshrl.u32 v10, $0x10  }
0x1bf: {  	[tilespmem:v7+s12+$0x0] =	vst.idx.add.s32.msk $0xffff, v2;
	v10 =	vand.u32 $0xFFF0, v10  }
0x1c0: {  	[tilespmem:v6+s12+$0x0] =	vst.idx.add.s32.msk $0xffff, v2;
	v6 =	vshrl.u32 v11, $0x10;
	v10 =	vadd.s32 v3, v10  }
0x1c1: {  	[tilespmem:v9+s12+$0x0] =	vst.idx.add.s32.msk $0xffff, v2;
	v9 =	vshrl.u32 v62, $0x10;
	v6 =	vand.u32 $0xFFF0, v6  }
0x1c2: {  	v11 =	vld [tilespmem:s22+$0xFFFFFFF0];
	v9 =	vand.u32 $0xFFF0, v9;
	v6 =	vadd.s32 v3, v6  }
0x1c3: {  	v8 =	vshrl.u32 v8, $0x10;
	v7 =	vor.u32 v1, v9;
	v9 =	vld [tilespmem:s19+$0x30]  }
0x1c4: {  	v8 =	vand.u32 $0xFFF0, v8  }
0x1c5: {  	v63 =	vor.u32 v1, v8;
	[tilespmem:v10+s12+$0x0] =	vst.idx.add.s32.msk $0xffff, v2  }
0x1c6: {  	v14 =	vld [tilespmem:s20+$0x20]  }
0x1c7: {  	[tilespmem:v6+s12+$0x0] =	vst.idx.add.s32.msk $0xffff, v2;
	v6 =	vshrl.u32 v13, $0x10  }
0x1c8: {  	[tilespmem:v7+s12+$0x0] =	vst.idx.add.s32.msk $0xffff, v2;
	v7 =	vshrl.u32 v11, $0x10;
	v10 =	vshrl.u32 v9, $0x10;
	v6 =	vand.u32 $0xFFF0, v6  }
0x1c9: {  	v9 =	vld [tilespmem:s21+$0x10];
	v8 =	vadd.s32 v4, v6;
	v6 =	vand.u32 $0xFFF0, v7;
	v7 =	vand.u32 $0xFFF0, v10  }
0x1ca: {  	[tilespmem:v63+s12+$0x0] =	vst.idx.add.s32.msk $0xffff, v2;
	v7 =	vadd.s32 v5, v7  }
0x1cb: {  	s23 =	simm.s32 $0x4240;
	s22 =	simm.s32 $0x180;
	v10 =	vld [tilespmem:s21+$0xFFFFFFD0];
	v6 =	vadd.s32 v5, v6;
	v11 =	vshrl.u32 v14, $0x10  }
.LBB2_12:
0x1cc: {  	v12 =	vld [tilespmem:s23+$0x0];
	s22 =	sadd.s32 $0x80, s22;
	v11 =	vand.u32 $0xFFF0, v11  }
0x1cd: {  	v13 =	vld [tilespmem:s23+$0xFFFFFFC0];
	p0 =	slt.u32 s22, $0x3F80;
	v11 =	vadd.s32 v4, v11  }
0x1ce: {  	v9 =	vshrl.u32 v9, $0x10;
	v14 =	vld [tilespmem:s20+$0xFFFFFFE0]  }
0x1cf: {  	v9 =	vand.u32 $0xFFF0, v9;
	[tilespmem:v7+s12+$0x0] =	vst.idx.add.s32.msk $0xffff, v2  }
0x1d0: {  	v7 =	vshrl.u32 v10, $0x10;
	v9 =	vadd.s32 v3, v9;
	[tilespmem:v8+s12+$0x0] =	vst.idx.add.s32.msk $0xffff, v2  }
0x1d1: {  	v8 =	vshrl.u32 v12, $0x10;
	v7 =	vand.u32 $0xFFF0, v7;
	v10 =	vld [tilespmem:s19+$0xFFFFFFF0];
	s19 =	smov.u32 s20;
	s20 =	smov.u32 s21;
	s21 =	smov.u32 s23  }
0x1d2: {  	v12 =	vshrl.u32 v13, $0x10;
	v8 =	vand.u32 $0xFFF0, v8;
	v7 =	vadd.s32 v3, v7;
	[tilespmem:v11+s12+$0x0] =	vst.idx.add.s32.msk $0xffff, v2  }
0x1d3: {  	v11 =	vand.u32 $0xFFF0, v12;
	v12 =	vor.u32 v1, v8;
	v8 =	vshrl.u32 v14, $0x10;
	v13 =	vld [tilespmem:s19+$0x30]  }
0x1d4: {  	v11 =	vor.u32 v1, v11;
	v8 =	vand.u32 $0xFFF0, v8;
	[tilespmem:v6+s12+$0x0] =	vst.idx.add.s32.msk $0xffff, v2  }
0x1d5: {  	[tilespmem:v9+s12+$0x0] =	vst.idx.add.s32.msk $0xffff, v2;
	v8 =	vadd.s32 v4, v8  }
0x1d6: {  	v14 =	vld [tilespmem:s20+$0x20];
	v6 =	vshrl.u32 v10, $0x10  }
.Ltmp5:
0x1d7: {  	[tilespmem:v7+s12+$0x0] =	vst.idx.add.s32.msk $0xffff, v2;
	v6 =	vand.u32 $0xFFF0, v6;
	(pc) =	sbr.rel @p0 .LBB2_12-.Ltmp5, $4  }
0x1d8: {  	[tilespmem:v12+s12+$0x0] =	vst.idx.add.s32.msk $0xffff, v2;
	v7 =	vshrl.u32 v13, $0x10;
	v6 =	vadd.s32 v5, v6  }
0x1d9: {  	v9 =	vld [tilespmem:s23+$0x10];
	v7 =	vand.u32 $0xFFF0, v7  }
0x1da: {  	[tilespmem:v11+s12+$0x0] =	vst.idx.add.s32.msk $0xffff, v2;
	v7 =	vadd.s32 v5, v7  }
0x1db: {  	s23 =	sadd.s32 $0x80, s23;
	v10 =	vld [tilespmem:s21+$0xFFFFFFD0];
	v11 =	vshrl.u32 v14, $0x10  }
0x1dc: {  	_ =	sdelay $0x1  }
0x1dd: {  	v9 =	vshrl.u32 v9, $0x10  }
0x1de: {  	v9 =	vand.u32 $0xFFF0, v9  }
0x1df: {  	v10 =	vshrl.u32 v10, $0x10;
	v9 =	vadd.s32 v3, v9  }
0x1e0: {  	v12 =	vld [tilespmem:s20+$0xFFFFFFE0];
	v10 =	vand.u32 $0xFFF0, v10  }
0x1e1: {  	v10 =	vadd.s32 v3, v10;
	_ =	sdelay $0x2  }
0x1e2: {  	[tilespmem:v9+s12+$0x0] =	vst.idx.add.s32.msk $0xffff, v2  }
0x1e3: {  	v12 =	vshrl.u32 v12, $0x10;
	v9 =	vld [tilespmem:s21+$0x20]  }
0x1e4: {  	v12 =	vand.u32 $0xFFF0, v12;
	[tilespmem:v10+s12+$0x0] =	vst.idx.add.s32.msk $0xffff, v2  }
0x1e5: {  	v12 =	vadd.s32 v4, v12;
	v10 =	vand.u32 $0xFFF0, v11;
	v11 =	vld [tilespmem:s21+$0xFFFFFFE0]  }
0x1e6: {  	v10 =	vadd.s32 v4, v10;
	_ =	sdelay $0x1  }
0x1e7: {  	v9 =	vshrl.u32 v9, $0x10  }
0x1e8: {  	[tilespmem:v8+s12+$0x0] =	vst.idx.add.s32.msk $0xffff, v2;
	v8 =	vand.u32 $0xFFF0, v9  }
0x1e9: {  	[tilespmem:v12+s12+$0x0] =	vst.idx.add.s32.msk $0xffff, v2;
	v8 =	vadd.s32 v4, v8;
	v11 =	vshrl.u32 v11, $0x10  }
0x1ea: {  	[tilespmem:v10+s12+$0x0] =	vst.idx.add.s32.msk $0xffff, v2;
	v10 =	vand.u32 $0xFFF0, v11  }
0x1eb: {  	v12 =	vld [tilespmem:s20+$0xFFFFFFF0];
	v10 =	vadd.s32 v4, v10  }
0x1ec: {  	v9 =	vld [tilespmem:s19+$0xFFFFFFF0]  }
0x1ed: {  	v11 =	vld [tilespmem:s20+$0x30]  }
0x1ee: {  	[tilespmem:v8+s12+$0x0] =	vst.idx.add.s32.msk $0xffff, v2  }
0x1ef: {  	v8 =	vld [tilespmem:s21+$0x30]  }
0x1f0: {  	[tilespmem:v10+s12+$0x0] =	vst.idx.add.s32.msk $0xffff, v2  }
0x1f1: {  	v10 =	vld [tilespmem:s21+$0xFFFFFFF0]  }
0x1f2: {  	v12 =	vshrl.u32 v12, $0x10  }
0x1f3: {  	v12 =	vand.u32 $0xFFF0, v12;
	v9 =	vshrl.u32 v9, $0x10  }
0x1f4: {  	[tilespmem:v7+s12+$0x0] =	vst.idx.add.s32.msk $0xffff, v2;
	v7 =	vadd.s32 v5, v12;
	v9 =	vand.u32 $0xFFF0, v9;
	v11 =	vshrl.u32 v11, $0x10  }
0x1f5: {  	v9 =	vadd.s32 v5, v9;
	v11 =	vand.u32 $0xFFF0, v11;
	v8 =	vshrl.u32 v8, $0x10  }
0x1f6: {  	v11 =	vadd.s32 v5, v11;
	v8 =	vand.u32 $0xFFF0, v8;
	v10 =	vshrl.u32 v10, $0x10  }
0x1f7: {  	v8 =	vadd.s32 v5, v8;
	v10 =	vand.u32 $0xFFF0, v10  }
0x1f8: {  	[tilespmem:v6+s12+$0x0] =	vst.idx.add.s32.msk $0xffff, v2;
	v6 =	vadd.s32 v5, v10  }
0x1f9: {  	[tilespmem:v7+s12+$0x0] =	vst.idx.add.s32.msk $0xffff, v2  }
0x1fa: {  	[tilespmem:v9+s12+$0x0] =	vst.idx.add.s32.msk $0xffff, v2  }
0x1fb: {  	[tilespmem:v11+s12+$0x0] =	vst.idx.add.s32.msk $0xffff, v2  }
0x1fc: {  	[tilespmem:v8+s12+$0x0] =	vst.idx.add.s32.msk $0xffff, v2  }
0x1fd: {  	s19 =	simm.s32 $0x0;
	s20 =	simm.s32 $0x0;
	[tilespmem:v6+s12+$0x0] =	vst.idx.add.s32.msk $0xffff, v2  }
0x1fe: {  	s31 =	sand.u32 $0x3FC0, s20;
	v6 =	vld [tilespmem:s19+$0x8000]  }
0x1ff: {  	v7 =	vld [tilespmem:s31+$0xC000]  }
0x200: {  	v8 =	vld [tilespmem:s31+$0x10000]  }
0x201: {  	v10 =	vld [tilespmem:s31+$0x14000]  }
0x202: {  	v11 =	vld [tilespmem:s19+$0x8010]  }
0x203: {  	v12 =	vld [tilespmem:s19+$0xC010]  }
0x204: {  	v13 =	vld [tilespmem:s19+$0x8020]  }
0x205: {  	v14 =	vld [tilespmem:s19+$0xC020]  }
0x206: {  	v15 =	vld [tilespmem:s19+$0x8030]  }
0x207: {  	p0 =	por $0x1, $0x1;
	v16 =	vld [tilespmem:s19+$0xC030]  }
.Ltmp6:
0x208: {  	v9 =	vld [tilespmem:s19+$0x10010];
	(pc) =	sbr.rel @!p0 .LBB2_15-.Ltmp6, $4  }
0x209: {  	v7 =	vadd.s32 v6, v7;
	v6 =	vld [tilespmem:s19+$0x10020]  }
0x20a: {  	v8 =	vadd.s32 v8, v7;
	v7 =	vld [tilespmem:s19+$0x10030]  }
0x20b: {  	v8 =	vadd.s32 v10, v8;
	v10 =	vld [tilespmem:s19+$0x14010]  }
0x20c: {  	s21 =	simm.s32 $0x100;
	v12 =	vadd.s32 v11, v12;
	v11 =	vadd.s32 v13, v14;
	v13 =	vadd.s32 v15, v16;
	[tilespmem:s19+$0x18000] =	vst v8;
	v8 =	vld [tilespmem:s19+$0x14020]  }
.LBB2_14:
0x20d: {  	s20 =	sadd.s32 $0x40, s20;
	s22 =	sshra.s32 s21, $0x2;
	v9 =	vadd.s32 v9, v12;
	v12 =	vld [tilespmem:s19+$0x14030]  }
0x20e: {  	v14 =	vld [tilespmem:s22+$0x8000];
	s23 =	sand.u32 $0x3FC0, s20;
	p0 =	slt.u32 s20, $0x3FC0;
	v6 =	vadd.s32 v6, v11  }
0x20f: {  	v11 =	vld [tilespmem:s23+$0xC000];
	v7 =	vadd.s32 v7, v13  }
0x210: {  	v13 =	vld [tilespmem:s23+$0x10000];
	v9 =	vadd.s32 v10, v9  }
0x211: {  	v10 =	vld [tilespmem:s23+$0x14000];
	[tilespmem:s19+$0x18010] =	vst v9;
	v6 =	vadd.s32 v8, v6  }
0x212: {  	v8 =	vld [tilespmem:s22+$0x8010];
	[tilespmem:s19+$0x18020] =	vst v6;
	v6 =	vadd.s32 v12, v7  }
0x213: {  	v7 =	vld [tilespmem:s22+$0xC010];
	[tilespmem:s19+$0x18030] =	vst v6;
	s19 =	smov.u32 s22  }
0x214: {  	v6 =	vadd.s32 v14, v11;
	v11 =	vld [tilespmem:s19+$0x8020]  }
0x215: {  	v6 =	vadd.s32 v13, v6;
	v13 =	vld [tilespmem:s19+$0xC020]  }
0x216: {  	v6 =	vadd.s32 v10, v6;
	v14 =	vld [tilespmem:s19+$0x8030]  }
0x217: {  	[tilespmem:s19+$0x18000] =	vst v6;
	v15 =	vld [tilespmem:s19+$0xC030]  }
.Ltmp7:
0x218: {  	v12 =	vadd.s32 v8, v7;
	v9 =	vld [tilespmem:s19+$0x10010];
	(pc) =	sbr.rel @p0 .LBB2_14-.Ltmp7, $4  }
0x219: {  	v6 =	vld [tilespmem:s19+$0x10020]  }
0x21a: {  	v11 =	vadd.s32 v11, v13;
	v7 =	vld [tilespmem:s19+$0x10030]  }
0x21b: {  	v10 =	vld [tilespmem:s19+$0x14010]  }
0x21c: {  	s21 =	sadd.s32 $0x100, s21;
	v8 =	vld [tilespmem:s19+$0x14020];
	v13 =	vadd.s32 v14, v15  }
.LBB2_15:
0x21d: {  	v14 =	vld [tilespmem:s19+$0x14030];
	_ =	sdelay $0x1  }
0x21e: {  	v9 =	vadd.s32 v9, v12  }
0x21f: {  	v6 =	vadd.s32 v6, v11;
	v9 =	vadd.s32 v10, v9  }
0x220: {  	s18 =	sadd.s32 $0x1, s18;
	v7 =	vadd.s32 v7, v13;
	[tilespmem:s19+$0x18010] =	vst v9;
	v6 =	vadd.s32 v8, v6  }
0x221: {  	p0 =	sne.s32 s18, s9;
	[tilespmem:s19+$0x18020] =	vst v6;
	v6 =	vadd.s32 v14, v7  }
.Ltmp8:
0x222: {  	[tilespmem:s19+$0x18030] =	vst v6;
	(pc) =	sbr.rel @p0 .LBB2_1-.Ltmp8, $4  }
0x223: {  	[hbm4b:s8+s14] =	stream.strided.scatter [tilespmem:s16], [sflag:$0x3], $0x4000, s15, s14, $0x38;
	[tilespmem:$0x1C000] =	vst v63  }
0x224: {  	_ =	swait.ge [sflag:s17], $0x4000  }
0x225: {  	[sflag:s17] =	ssyncset.done $0x0  }
0x226: {  	[sflag:s17] =	ssyncadd.s32 $0xFFFFC000  }
0x227: {  	_ =	sfence.sel $0x180000  }
0x228: {  	[bflag:$0x0] =	sbarrier.arrive $0xFFFF  }
0x229: {  	p0 =	sne.s32 s1, $0x0;
	_ =	strace $0x90000047  }
0x22a: {  	s0 =	sadd.s32 @!p0 $0x100000, s0;
	[bflag:$0x2] =	sbarrier.arrive $0xFFFF  }
0x22b: {  	[sflag:s0] =	ssyncadd.tile.s32 @!p0 $0x1;
	_ =	shalt  }
.Lfunc_end2:
_tile_overlayer_lowered:
.L_overlay_start_2:
0x22c: {  	(tag) =	ssettag $0x2  }
0x22d: {  	s0 =	rddreg [dreg:$0x0];
	s2 =	stileid.u32  }
0x22e: {  	s1 =	rddreg [dreg:$0x1];
	p0 =	sne.s32 s2, $0x0  }
0x22f: {  	s3 =	rddreg [dreg:$0x2];
	[bflag:$0x3] =	sbarrier.arrive $0xFFFF;
	s2 =	simm.s32 @!p0 $0x1C03  }
0x230: {  	[timem:s3], [sflag:s2] =	dma.local @!p0 [hbm:s0], s1  }
0x231: {  	s0 =	simm.s32 @!p0 $0x3  }
0x232: {  	_ =	swait.ge @!p0 [sflag:s0], s1  }
0x233: {  	s1 =	ssub.s32 @!p0 $0x0, s1;
	[sflag:s0] =	ssyncset.done @!p0 $0x0  }
0x234: {  	[sflag:s0] =	ssyncadd.s32 @!p0 s1  }
0x235: {  	[bflag:$0x3] =	sbarrier.arrive $0xFFFF  }
0x236: {  	_ =	shalt  }

</sc_bundles>
